<compile_context>
chip_gen: v7x
topology: tpu7x:2x2x1
jax: 0.10.2.dev20260603
libtpu: 0.0.44.dev20260713+nightly
codegen_flags: <defaults>
</compile_context>

<pallas_src>
import functools

import jax
import jax.numpy as jnp
import numpy as np
from jax import lax
from jax.experimental import pallas as pl
from jax.experimental.pallas import tpu as pltpu
from jax.experimental.pallas import tpu_sc as plsc

_CELL = 0.2
_MIN_R = np.array([-40.0, -40.0, -1.0], dtype=np.float32)
_TMAX = np.array([399, 399, 21], dtype=np.int32)

_N = 20000
_BQ = 256
_BK = 2048
_NG = _BK // 128
_NQ = 20480
_NK = 20480
_NQB = _NQ // _BQ
_NKB = _NK // _BK

_PAD_KN = 8.0e6
_D_OFF = 1 << 20
_INIT_P = 0x7FFFFFFF

_PER_TILE = _NQ // 32
_LANES = 16


def _nn_a_body(qa_ref, ka_ref, jout_ref, rp, rk):
    k = pl.program_id(1)

    @pl.when(k == 0)
    def _init():
        rp[...] = jnp.full((_BQ, 128), _INIT_P, jnp.int32)
        rk[...] = jnp.zeros((_BQ, 128), jnp.int32)

    d = jnp.dot(qa_ref[...], ka_ref[...],
                preferred_element_type=jnp.float32)
    m1 = (d[:, 0:128].astype(jnp.int32) * 128
          + jnp.int32(_D_OFF * 128))
    for g in range(1, _NG):
        m1 = jnp.minimum(
            m1, d[:, g * 128:(g + 1) * 128].astype(jnp.int32) * 128
            + jnp.int32(_D_OFF * 128 + g))
    dm1 = m1 >> 7
    g1 = m1 & 127
    better = dm1 < rp[...]
    rp[...] = jnp.minimum(dm1, rp[...])
    rk[...] = jnp.where(better, jnp.int32(k * _NG) + g1, rk[...])

    @pl.when(k == _NKB - 1)
    def _finalize():
        rdv = rp[...]
        lane = lax.broadcasted_iota(jnp.int32, (_BQ, 128), 1)
        rj = rk[...] * 128 + lane
        dmin = jnp.min(rdv, axis=1, keepdims=True)
        att = rdv == dmin
        jout_ref[...] = jnp.min(
            jnp.where(att, rj, jnp.int32(_INIT_P)),
            axis=1, keepdims=True).astype(jnp.float32)


def _nn_b_body(qa_ref, ka_ref, nqn_ref, mout_ref, rg, rk):
    k = pl.program_id(1)

    @pl.when(k == 0)
    def _init():
        rg[...] = jnp.full((_BQ, 128), -1, jnp.int32)
        rk[...] = jnp.zeros((_BQ, 128), jnp.int32)

    d = jnp.dot(qa_ref[...], ka_ref[...],
                preferred_element_type=jnp.float32)
    nqn = nqn_ref[...]
    m1 = jnp.where(d[:, 0:128] == nqn, jnp.int32(0), jnp.int32(-1))
    for g in range(1, _NG):
        m1 = jnp.maximum(
            m1, jnp.where(d[:, g * 128:(g + 1) * 128] == nqn,
                          jnp.int32(g), jnp.int32(-1)))
    upd = m1 >= 0
    rg[...] = jnp.where(upd, m1, rg[...])
    rk[...] = jnp.where(upd, jnp.int32(k), rk[...])

    @pl.when(k == _NKB - 1)
    def _finalize():
        lane = lax.broadcasted_iota(jnp.int32, (_BQ, 128), 1)
        rgv = rg[...]
        rj = rk[...] * _BK + rgv * 128 + lane
        rj = jnp.where(rgv >= 0, rj, jnp.int32(-1))
        mout_ref[...] = jnp.max(rj, axis=1, keepdims=True).astype(jnp.float32)


_nn_a = pl.pallas_call(
    _nn_a_body,
    grid=(_NQB, _NKB),
    in_specs=[
        pl.BlockSpec((_BQ, 8), lambda i, k: (i, 0)),
        pl.BlockSpec((8, _BK), lambda i, k: (0, k)),
    ],
    out_specs=pl.BlockSpec((_BQ, 1), lambda i, k: (i, 0)),
    out_shape=jax.ShapeDtypeStruct((_NQ, 1), jnp.float32),
    scratch_shapes=[pltpu.VMEM((_BQ, 128), jnp.int32),
                    pltpu.VMEM((_BQ, 128), jnp.int32)],
    compiler_params=pltpu.CompilerParams(
        dimension_semantics=("arbitrary", "arbitrary")),
)

_nn_b = pl.pallas_call(
    _nn_b_body,
    grid=(_NQB, _NKB),
    in_specs=[
        pl.BlockSpec((_BQ, 8), lambda i, k: (i, 0)),
        pl.BlockSpec((8, _BK), lambda i, k: (0, k)),
        pl.BlockSpec((_BQ, 1), lambda i, k: (i, 0)),
    ],
    out_specs=pl.BlockSpec((_BQ, 1), lambda i, k: (i, 0)),
    out_shape=jax.ShapeDtypeStruct((_NQ, 1), jnp.float32),
    scratch_shapes=[pltpu.VMEM((_BQ, 128), jnp.int32),
                    pltpu.VMEM((_BQ, 128), jnp.int32)],
    compiler_params=pltpu.CompilerParams(
        dimension_semantics=("arbitrary", "arbitrary")),
)


def _sc_gather_body(jall, mall, p1x, p1y, p1z, flx, fly, flz,
                    p2x, p2y, p2z, d2_out, nn_out,
                    jst_v, p1x_v, p1y_v, p1z_v, flx_v, fly_v, flz_v,
                    idx_v, rep_v, px_v, py_v, pz_v,
                    d2_v, nn_v, sem):
    wid = lax.axis_index("s") * 2 + lax.axis_index("c")
    base = wid * _PER_TILE
    nsteps = _PER_TILE // _LANES
    pltpu.sync_copy(jall.at[pl.ds(base, _PER_TILE)], jst_v)
    pltpu.sync_copy(p1x.at[pl.ds(base, _PER_TILE)], p1x_v)
    pltpu.sync_copy(p1y.at[pl.ds(base, _PER_TILE)], p1y_v)
    pltpu.sync_copy(p1z.at[pl.ds(base, _PER_TILE)], p1z_v)
    pltpu.sync_copy(flx.at[pl.ds(base, _PER_TILE)], flx_v)
    pltpu.sync_copy(fly.at[pl.ds(base, _PER_TILE)], fly_v)
    pltpu.sync_copy(flz.at[pl.ds(base, _PER_TILE)], flz_v)
    for t in range(nsteps):
        sl = pl.ds(t * _LANES, _LANES)
        idx_v[sl] = jst_v[sl].astype(jnp.int32)
    pltpu.async_copy(mall.at[idx_v], rep_v, sem).wait()
    for t in range(nsteps):
        sl = pl.ds(t * _LANES, _LANES)
        nn_v[sl] = rep_v[sl].astype(jnp.int32)
    cx = pltpu.async_copy(p2x.at[nn_v], px_v, sem)
    cy = pltpu.async_copy(p2y.at[nn_v], py_v, sem)
    cz = pltpu.async_copy(p2z.at[nn_v], pz_v, sem)
    cx.wait()
    cy.wait()
    cz.wait()
    for t in range(nsteps):
        sl = pl.ds(t * _LANES, _LANES)
        dx = px_v[sl] - (p1x_v[sl] + flx_v[sl])
        dy = py_v[sl] - (p1y_v[sl] + fly_v[sl])
        dz = pz_v[sl] - (p1z_v[sl] + flz_v[sl])
        d2_v[sl] = dx * dx + dy * dy + dz * dz
    pltpu.sync_copy(d2_v, d2_out.at[pl.ds(base, _PER_TILE)])
    pltpu.sync_copy(nn_v, nn_out.at[pl.ds(base, _PER_TILE)])


@functools.cache
def _make_sc_gather():
  return pl.kernel(
    _sc_gather_body,
    mesh=plsc.VectorSubcoreMesh(core_axis_name="c", subcore_axis_name="s"),
    out_type=[
        jax.ShapeDtypeStruct((_NQ,), jnp.float32),
        jax.ShapeDtypeStruct((_NQ,), jnp.int32),
    ],
    scratch_types=[
        pltpu.VMEM((_PER_TILE,), jnp.float32),
        pltpu.VMEM((_PER_TILE,), jnp.float32),
        pltpu.VMEM((_PER_TILE,), jnp.float32),
        pltpu.VMEM((_PER_TILE,), jnp.float32),
        pltpu.VMEM((_PER_TILE,), jnp.float32),
        pltpu.VMEM((_PER_TILE,), jnp.float32),
        pltpu.VMEM((_PER_TILE,), jnp.float32),
        pltpu.VMEM((_PER_TILE,), jnp.int32),
        pltpu.VMEM((_PER_TILE,), jnp.float32),
        pltpu.VMEM((_PER_TILE,), jnp.float32),
        pltpu.VMEM((_PER_TILE,), jnp.float32),
        pltpu.VMEM((_PER_TILE,), jnp.float32),
        pltpu.VMEM((_PER_TILE,), jnp.float32),
        pltpu.VMEM((_PER_TILE,), jnp.int32),
        pltpu.SemaphoreType.DMA,
    ],
  )


def _pad_cols(rows):
    out = jnp.zeros((8, _NK), jnp.float32)
    for r, v in enumerate(rows):
        out = out.at[r, :_N].set(v)
    return out


def kernel(pc1, pred_flow, pc2):
    minr = jnp.asarray(_MIN_R)
    tmax = jnp.asarray(_TMAX)
    p2 = pc2[0]
    p1 = pc1[0]
    fl = pred_flow[0]
    kci = jnp.clip(jnp.floor((p2 - minr) / _CELL).astype(jnp.int32), 0, tmax)
    deformed = p1 + fl
    qci = jnp.clip(jnp.floor((deformed - minr) / _CELL).astype(jnp.int32),
                   0, tmax)
    kc = kci.astype(jnp.float32)
    qc = qci.astype(jnp.float32)

    qr = qc.astype(jnp.bfloat16).astype(jnp.float32)
    kr = kc.astype(jnp.bfloat16).astype(jnp.float32)
    kni = jnp.sum(kci * kci, axis=1)
    knH = ((kni >> 11) << 11).astype(jnp.float32)
    knM = (((kni >> 3) & 0xFF) << 3).astype(jnp.float32)
    knL = (kni & 0x7).astype(jnp.float32)
    qaug_a = jnp.zeros((_NQ, 8), jnp.float32)
    qaug_a = qaug_a.at[:_N, 0:3].set(-2.0 * qr)
    qaug_a = qaug_a.at[:_N, 3:6].set(1.0)
    kaug_a = _pad_cols([kr[:, 0], kr[:, 1], kr[:, 2], knH, knM, knL])
    kaug_a = kaug_a.at[3, _N:].set(_PAD_KN)

    kh = (kci >> 4).astype(jnp.float32)
    kl = (kci & 0xF).astype(jnp.float32)
    kn6i = jnp.sum((kci >> 4) ** 2 + (kci & 0xF) ** 2, axis=1)
    kn6H = ((kn6i >> 4) << 4).astype(jnp.float32)
    kn6L = (kn6i & 0xF).astype(jnp.float32)
    qaug_b = jnp.zeros((_NQ, 8), jnp.float32)
    qaug_b = qaug_b.at[:_N, 0].set(-2.0 * kh[:, 0])
    qaug_b = qaug_b.at[:_N, 1].set(-2.0 * kl[:, 0])
    qaug_b = qaug_b.at[:_N, 2].set(-2.0 * kh[:, 1])
    qaug_b = qaug_b.at[:_N, 3].set(-2.0 * kl[:, 1])
    qaug_b = qaug_b.at[:_N, 4].set(-2.0 * kh[:, 2])
    qaug_b = qaug_b.at[:_N, 5].set(-2.0 * kl[:, 2])
    qaug_b = qaug_b.at[:_N, 6:8].set(1.0)
    kaug_b = _pad_cols([kh[:, 0], kl[:, 0], kh[:, 1], kl[:, 1],
                        kh[:, 2], kl[:, 2], kn6H, kn6L])
    kaug_b = kaug_b.at[6, _N:].set(_PAD_KN)
    nqn6 = jnp.zeros((_NQ, 1), jnp.float32)
    nqn6 = nqn6.at[:_N, 0].set(-kn6i.astype(jnp.float32))

    jstar = _nn_a(qaug_a.astype(jnp.bfloat16),
                  kaug_a.astype(jnp.bfloat16)).reshape(_NQ)
    rep = _nn_b(qaug_b.astype(jnp.bfloat16),
                kaug_b.astype(jnp.bfloat16), nqn6).reshape(_NQ)

    d2, nn = _make_sc_gather()(
        jstar, rep,
        p1[:, 0], p1[:, 1], p1[:, 2],
        fl[:, 0], fl[:, 1], fl[:, 2],
        p2[:, 0], p2[:, 1], p2[:, 2])

    dist = jnp.sqrt(d2[:_N]).reshape(1, _N)
    return dist, nn[:_N]

# --- scband reference (transcript-rebuilt; emitter-appended) ---
"""Pipeline reference for scband-fast-nn-6201932775869 (READ-ONLY COPY).

The authoritative reference and input builder live on the scoring server;
editing this copy changes nothing except your own understanding.
"""

import jax, jax.numpy as jnp
import numpy as np

N = 20000
CELL = 0.2
MIN_R = jnp.array([-40.0, -40.0, -1.0], dtype=jnp.float32)
TSIZE = np.floor((np.array([40.0, 40.0, 3.5]) - np.array([-40.0, -40.0, -1.0])) / CELL).astype(np.int64)  # [400, 400, 22]


def setup_inputs(seed: int = 0) -> dict:
    key = jax.random.key(seed)
    k1, k2, k3 = jax.random.split(key, 3)
    lo = jnp.array([-39.5, -39.5, -0.9], dtype=jnp.float32)
    hi = jnp.array([39.5, 39.5, 3.3], dtype=jnp.float32)
    pc1 = jax.random.uniform(k1, (1, N, 3), dtype=jnp.float32) * (hi - lo) + lo
    pc2 = jax.random.uniform(k2, (1, N, 3), dtype=jnp.float32) * (hi - lo) + lo
    pred_flow = jax.random.normal(k3, (1, N, 3), dtype=jnp.float32) * 0.1
    return {"pc1": pc1, "pred_flow": pred_flow, "pc2": pc2}


def _forward(pc1, pred_flow, pc2):
    X, Y, Z = int(TSIZE[0]), int(TSIZE[1]), int(TSIZE[2])
    tmax = jnp.array([X - 1, Y - 1, Z - 1], dtype=jnp.int32)
    # --- init-time precompute: voxelize pc2, store last point index per occupied cell ---
    pc2_coors = jnp.floor((pc2[0] - MIN_R) / CELL).astype(jnp.int32)
    pc2_coors = jnp.clip(pc2_coors, 0, tmax)
    lin2 = pc2_coors[:, 0] * (Y * Z) + pc2_coors[:, 1] * Z + pc2_coors[:, 2]
    grid_flat = jnp.zeros(X * Y * Z, dtype=jnp.int32).at[lin2].set(jnp.arange(N, dtype=jnp.int32))
    # --- forward: deform, voxelize (detached coords), nearest occupied cell (EDT feature transform semantics) ---
    deformed = pc1 + pred_flow
    dcoors = jnp.floor((jax.lax.stop_gradient(deformed[0]) - MIN_R) / CELL).astype(jnp.int32)
    dcoors = jnp.clip(dcoors, 0, tmax)
    keyf = pc2_coors.astype(jnp.float32)
    knorm = jnp.sum(keyf * keyf, axis=1)

    def nn_chunk(qc):
        qf = qc.astype(jnp.float32)
        qnorm = jnp.sum(qf * qf, axis=1)
        d = qnorm[:, None] + knorm[None, :] - 2.0 * qf @ keyf.T
        return jnp.argmin(d, axis=1)

    CH = 2000
    qs = dcoors.reshape(N // CH, CH, 3)
    j = jax.lax.map(nn_chunk, qs).reshape(N)
    nn_cell = pc2_coors[j]
    lin_nn = nn_cell[:, 0] * (Y * Z) + nn_cell[:, 1] * Z + nn_cell[:, 2]
    NN_indices = grid_flat[lin_nn]
    dist = jnp.linalg.norm(pc2[:, NN_indices] - deformed, axis=2)
    return dist, NN_indices


def reference(pc1, pred_flow, pc2):
    return _forward(pc1, pred_flow, pc2)

if __name__ == "__main__":
    import jax
    _d = setup_inputs()
    print(jax.jit(kernel)(*tuple(_d.values())))

</pallas_src>

<mosaic_0001>
#map = affine_map<(d0, d1) -> (0)>
module attributes {stable_mosaic.version = 14 : i64} {
  func.func @_sc_gather_body(%arg0: i32, %arg1: i32, %arg2: memref<20480xf32, #tpu.memory_space<hbm>>, %arg3: memref<20480xf32, #tpu.memory_space<hbm>>, %arg4: memref<20000xf32, #tpu.memory_space<hbm>>, %arg5: memref<20000xf32, #tpu.memory_space<hbm>>, %arg6: memref<20000xf32, #tpu.memory_space<hbm>>, %arg7: memref<20000xf32, #tpu.memory_space<hbm>>, %arg8: memref<20000xf32, #tpu.memory_space<hbm>>, %arg9: memref<20000xf32, #tpu.memory_space<hbm>>, %arg10: memref<20000xf32, #tpu.memory_space<hbm>>, %arg11: memref<20000xf32, #tpu.memory_space<hbm>>, %arg12: memref<20000xf32, #tpu.memory_space<hbm>>, %arg13: memref<20480xf32, #tpu.memory_space<hbm>>, %arg14: memref<20480xi32, #tpu.memory_space<hbm>>, %arg15: memref<640xf32, #tpu.memory_space<vmem>>, %arg16: memref<640xf32, #tpu.memory_space<vmem>>, %arg17: memref<640xf32, #tpu.memory_space<vmem>>, %arg18: memref<640xf32, #tpu.memory_space<vmem>>, %arg19: memref<640xf32, #tpu.memory_space<vmem>>, %arg20: memref<640xf32, #tpu.memory_space<vmem>>, %arg21: memref<640xf32, #tpu.memory_space<vmem>>, %arg22: memref<640xi32, #tpu.memory_space<vmem>>, %arg23: memref<640xf32, #tpu.memory_space<vmem>>, %arg24: memref<640xf32, #tpu.memory_space<vmem>>, %arg25: memref<640xf32, #tpu.memory_space<vmem>>, %arg26: memref<640xf32, #tpu.memory_space<vmem>>, %arg27: memref<640xf32, #tpu.memory_space<vmem>>, %arg28: memref<640xi32, #tpu.memory_space<vmem>>, %arg29: memref<!tpu.dma_semaphore, #tpu.memory_space<semaphore_mem>>) attributes {dimension_semantics = [#tpu.dimension_semantics<core_parallel>, #tpu.dimension_semantics<subcore_parallel>], iteration_bounds = array<i64: 2, 16>, scalar_prefetch = 0 : i64, scratch_operands = 15 : i64, tpu.core_type = #tpu.core_type<sc_vector_subcore>, window_params = [{transform_indices = #map}, {transform_indices = #map}, {transform_indices = #map}, {transform_indices = #map}, {transform_indices = #map}, {transform_indices = #map}, {transform_indices = #map}, {transform_indices = #map}, {transform_indices = #map}, {transform_indices = #map}, {transform_indices = #map}, {transform_indices = #map}, {transform_indices = #map}]} {
    %mul3A = arith.constant 2 : i32
    %mul3A_0 = arith.muli %arg1, %mul3A : i32
    %add3A = arith.addi %mul3A_0, %arg0 : i32
    %mul3A_1 = arith.constant 640 : i32
    %mul3A_2 = arith.muli %add3A, %mul3A_1 : i32
    "tpu.region"() ({
      %run_scoped3A = tpu.sem_alloc : memref<!tpu.dma_semaphore, #tpu.memory_space<semaphore_mem>>
      %dma_start3A_2333 = tpu.memref_slice %arg2[%mul3A_2] : memref<20480xf32, #tpu.memory_space<hbm>> -> memref<640xf32, #tpu.memory_space<hbm>>
      %dma_start3A_2334 = tpu.memref_slice %arg2[%mul3A_2] : memref<20480xf32, #tpu.memory_space<hbm>> -> memref<640xf32, #tpu.memory_space<hbm>>
      tpu.enqueue_dma source(%dma_start3A_2334 : memref<640xf32, #tpu.memory_space<hbm>>) target(%arg15 : memref<640xf32, #tpu.memory_space<vmem>>) target_semaphore(%run_scoped3A : memref<!tpu.dma_semaphore, #tpu.memory_space<semaphore_mem>>)
      %dma_wait3A_2335 = tpu.memref_slice %arg2[%mul3A_2] : memref<20480xf32, #tpu.memory_space<hbm>> -> memref<640xf32, #tpu.memory_space<hbm>>
      %dma_wait3A_2336 = tpu.memref_slice %arg2[%mul3A_2] : memref<20480xf32, #tpu.memory_space<hbm>> -> memref<640xf32, #tpu.memory_space<hbm>>
      tpu.wait_dma2 semaphore(%run_scoped3A : memref<!tpu.dma_semaphore, #tpu.memory_space<semaphore_mem>>) src(%dma_wait3A_2336 : memref<640xf32, #tpu.memory_space<hbm>>) dst(%arg15 : memref<640xf32, #tpu.memory_space<vmem>>)
      tpu.yield
    }) : () -> ()
    "tpu.region"() ({
      %run_scoped3A = tpu.sem_alloc : memref<!tpu.dma_semaphore, #tpu.memory_space<semaphore_mem>>
      %dma_start3A_2333 = tpu.memref_slice %arg4[%mul3A_2] : memref<20000xf32, #tpu.memory_space<hbm>> -> memref<640xf32, #tpu.memory_space<hbm>>
      %dma_start3A_2334 = tpu.memref_slice %arg4[%mul3A_2] : memref<20000xf32, #tpu.memory_space<hbm>> -> memref<640xf32, #tpu.memory_space<hbm>>
      tpu.enqueue_dma source(%dma_start3A_2334 : memref<640xf32, #tpu.memory_space<hbm>>) target(%arg16 : memref<640xf32, #tpu.memory_space<vmem>>) target_semaphore(%run_scoped3A : memref<!tpu.dma_semaphore, #tpu.memory_space<semaphore_mem>>)
      %dma_wait3A_2335 = tpu.memref_slice %arg4[%mul3A_2] : memref<20000xf32, #tpu.memory_space<hbm>> -> memref<640xf32, #tpu.memory_space<hbm>>
      %dma_wait3A_2336 = tpu.memref_slice %arg4[%mul3A_2] : memref<20000xf32, #tpu.memory_space<hbm>> -> memref<640xf32, #tpu.memory_space<hbm>>
      tpu.wait_dma2 semaphore(%run_scoped3A : memref<!tpu.dma_semaphore, #tpu.memory_space<semaphore_mem>>) src(%dma_wait3A_2336 : memref<640xf32, #tpu.memory_space<hbm>>) dst(%arg16 : memref<640xf32, #tpu.memory_space<vmem>>)
      tpu.yield
    }) : () -> ()
    "tpu.region"() ({
      %run_scoped3A = tpu.sem_alloc : memref<!tpu.dma_semaphore, #tpu.memory_space<semaphore_mem>>
      %dma_start3A_2333 = tpu.memref_slice %arg5[%mul3A_2] : memref<20000xf32, #tpu.memory_space<hbm>> -> memref<640xf32, #tpu.memory_space<hbm>>
      %dma_start3A_2334 = tpu.memref_slice %arg5[%mul3A_2] : memref<20000xf32, #tpu.memory_space<hbm>> -> memref<640xf32, #tpu.memory_space<hbm>>
      tpu.enqueue_dma source(%dma_start3A_2334 : memref<640xf32, #tpu.memory_space<hbm>>) target(%arg17 : memref<640xf32, #tpu.memory_space<vmem>>) target_semaphore(%run_scoped3A : memref<!tpu.dma_semaphore, #tpu.memory_space<semaphore_mem>>)
      %dma_wait3A_2335 = tpu.memref_slice %arg5[%mul3A_2] : memref<20000xf32, #tpu.memory_space<hbm>> -> memref<640xf32, #tpu.memory_space<hbm>>
      %dma_wait3A_2336 = tpu.memref_slice %arg5[%mul3A_2] : memref<20000xf32, #tpu.memory_space<hbm>> -> memref<640xf32, #tpu.memory_space<hbm>>
      tpu.wait_dma2 semaphore(%run_scoped3A : memref<!tpu.dma_semaphore, #tpu.memory_space<semaphore_mem>>) src(%dma_wait3A_2336 : memref<640xf32, #tpu.memory_space<hbm>>) dst(%arg17 : memref<640xf32, #tpu.memory_space<vmem>>)
      tpu.yield
    }) : () -> ()
    "tpu.region"() ({
      %run_scoped3A = tpu.sem_alloc : memref<!tpu.dma_semaphore, #tpu.memory_space<semaphore_mem>>
      %dma_start3A_2333 = tpu.memref_slice %arg6[%mul3A_2] : memref<20000xf32, #tpu.memory_space<hbm>> -> memref<640xf32, #tpu.memory_space<hbm>>
      %dma_start3A_2334 = tpu.memref_slice %arg6[%mul3A_2] : memref<20000xf32, #tpu.memory_space<hbm>> -> memref<640xf32, #tpu.memory_space<hbm>>
      tpu.enqueue_dma source(%dma_start3A_2334 : memref<640xf32, #tpu.memory_space<hbm>>) target(%arg18 : memref<640xf32, #tpu.memory_space<vmem>>) target_semaphore(%run_scoped3A : memref<!tpu.dma_semaphore, #tpu.memory_space<semaphore_mem>>)
      %dma_wait3A_2335 = tpu.memref_slice %arg6[%mul3A_2] : memref<20000xf32, #tpu.memory_space<hbm>> -> memref<640xf32, #tpu.memory_space<hbm>>
      %dma_wait3A_2336 = tpu.memref_slice %arg6[%mul3A_2] : memref<20000xf32, #tpu.memory_space<hbm>> -> memref<640xf32, #tpu.memory_space<hbm>>
      tpu.wait_dma2 semaphore(%run_scoped3A : memref<!tpu.dma_semaphore, #tpu.memory_space<semaphore_mem>>) src(%dma_wait3A_2336 : memref<640xf32, #tpu.memory_space<hbm>>) dst(%arg18 : memref<640xf32, #tpu.memory_space<vmem>>)
      tpu.yield
    }) : () -> ()
    "tpu.region"() ({
      %run_scoped3A = tpu.sem_alloc : memref<!tpu.dma_semaphore, #tpu.memory_space<semaphore_mem>>
      %dma_start3A_2333 = tpu.memref_slice %arg7[%mul3A_2] : memref<20000xf32, #tpu.memory_space<hbm>> -> memref<640xf32, #tpu.memory_space<hbm>>
      %dma_start3A_2334 = tpu.memref_slice %arg7[%mul3A_2] : memref<20000xf32, #tpu.memory_space<hbm>> -> memref<640xf32, #tpu.memory_space<hbm>>
      tpu.enqueue_dma source(%dma_start3A_2334 : memref<640xf32, #tpu.memory_space<hbm>>) target(%arg19 : memref<640xf32, #tpu.memory_space<vmem>>) target_semaphore(%run_scoped3A : memref<!tpu.dma_semaphore, #tpu.memory_space<semaphore_mem>>)
      %dma_wait3A_2335 = tpu.memref_slice %arg7[%mul3A_2] : memref<20000xf32, #tpu.memory_space<hbm>> -> memref<640xf32, #tpu.memory_space<hbm>>
      %dma_wait3A_2336 = tpu.memref_slice %arg7[%mul3A_2] : memref<20000xf32, #tpu.memory_space<hbm>> -> memref<640xf32, #tpu.memory_space<hbm>>
      tpu.wait_dma2 semaphore(%run_scoped3A : memref<!tpu.dma_semaphore, #tpu.memory_space<semaphore_mem>>) src(%dma_wait3A_2336 : memref<640xf32, #tpu.memory_space<hbm>>) dst(%arg19 : memref<640xf32, #tpu.memory_space<vmem>>)
      tpu.yield
    }) : () -> ()
    "tpu.region"() ({
      %run_scoped3A = tpu.sem_alloc : memref<!tpu.dma_semaphore, #tpu.memory_space<semaphore_mem>>
      %dma_start3A_2333 = tpu.memref_slice %arg8[%mul3A_2] : memref<20000xf32, #tpu.memory_space<hbm>> -> memref<640xf32, #tpu.memory_space<hbm>>
      %dma_start3A_2334 = tpu.memref_slice %arg8[%mul3A_2] : memref<20000xf32, #tpu.memory_space<hbm>> -> memref<640xf32, #tpu.memory_space<hbm>>
      tpu.enqueue_dma source(%dma_start3A_2334 : memref<640xf32, #tpu.memory_space<hbm>>) target(%arg20 : memref<640xf32, #tpu.memory_space<vmem>>) target_semaphore(%run_scoped3A : memref<!tpu.dma_semaphore, #tpu.memory_space<semaphore_mem>>)
      %dma_wait3A_2335 = tpu.memref_slice %arg8[%mul3A_2] : memref<20000xf32, #tpu.memory_space<hbm>> -> memref<640xf32, #tpu.memory_space<hbm>>
      %dma_wait3A_2336 = tpu.memref_slice %arg8[%mul3A_2] : memref<20000xf32, #tpu.memory_space<hbm>> -> memref<640xf32, #tpu.memory_space<hbm>>
      tpu.wait_dma2 semaphore(%run_scoped3A : memref<!tpu.dma_semaphore, #tpu.memory_space<semaphore_mem>>) src(%dma_wait3A_2336 : memref<640xf32, #tpu.memory_space<hbm>>) dst(%arg20 : memref<640xf32, #tpu.memory_space<vmem>>)
      tpu.yield
    }) : () -> ()
    "tpu.region"() ({
      %run_scoped3A = tpu.sem_alloc : memref<!tpu.dma_semaphore, #tpu.memory_space<semaphore_mem>>
      %dma_start3A_2333 = tpu.memref_slice %arg9[%mul3A_2] : memref<20000xf32, #tpu.memory_space<hbm>> -> memref<640xf32, #tpu.memory_space<hbm>>
      %dma_start3A_2334 = tpu.memref_slice %arg9[%mul3A_2] : memref<20000xf32, #tpu.memory_space<hbm>> -> memref<640xf32, #tpu.memory_space<hbm>>
      tpu.enqueue_dma source(%dma_start3A_2334 : memref<640xf32, #tpu.memory_space<hbm>>) target(%arg21 : memref<640xf32, #tpu.memory_space<vmem>>) target_semaphore(%run_scoped3A : memref<!tpu.dma_semaphore, #tpu.memory_space<semaphore_mem>>)
      %dma_wait3A_2335 = tpu.memref_slice %arg9[%mul3A_2] : memref<20000xf32, #tpu.memory_space<hbm>> -> memref<640xf32, #tpu.memory_space<hbm>>
      %dma_wait3A_2336 = tpu.memref_slice %arg9[%mul3A_2] : memref<20000xf32, #tpu.memory_space<hbm>> -> memref<640xf32, #tpu.memory_space<hbm>>
      tpu.wait_dma2 semaphore(%run_scoped3A : memref<!tpu.dma_semaphore, #tpu.memory_space<semaphore_mem>>) src(%dma_wait3A_2336 : memref<640xf32, #tpu.memory_space<hbm>>) dst(%arg21 : memref<640xf32, #tpu.memory_space<vmem>>)
      tpu.yield
    }) : () -> ()
    %get3A = arith.constant 0 : index
    %get3A_3 = tpu.vector_load %arg15[%get3A] {strides = array<i32>} : memref<640xf32, #tpu.memory_space<vmem>>, vector<16xf32>,
    %get3A_4 = vector.shape_cast %get3A_3 : vector<16xf32> to vector<16xf32>
    %convert_element_type3A = arith.fptosi %get3A_4 : vector<16xf32> to vector<16xi32>
    %swap3A = arith.constant 0 : index
    %swap3A_5 = tpu.vector_load %arg22[%swap3A] {strides = array<i32>} : memref<640xi32, #tpu.memory_space<vmem>>, vector<16xi32>,
    %swap3A_6 = vector.shape_cast %swap3A_5 : vector<16xi32> to vector<16xi32>
    %swap3A_7 = vector.shape_cast %convert_element_type3A : vector<16xi32> to vector<16xi32>
    tpu.vector_store %arg22[%swap3A], %swap3A_7 {strides = array<i32>} : memref<640xi32, #tpu.memory_space<vmem>>, vector<16xi32>,
    %get3A_8 = arith.constant 16 : index
    %get3A_9 = tpu.vector_load %arg15[%get3A_8] {strides = array<i32>} : memref<640xf32, #tpu.memory_space<vmem>>, vector<16xf32>,
    %get3A_10 = vector.shape_cast %get3A_9 : vector<16xf32> to vector<16xf32>
    %convert_element_type3A_11 = arith.fptosi %get3A_10 : vector<16xf32> to vector<16xi32>
    %swap3A_12 = arith.constant 16 : index
    %swap3A_13 = tpu.vector_load %arg22[%swap3A_12] {strides = array<i32>} : memref<640xi32, #tpu.memory_space<vmem>>, vector<16xi32>,
    %swap3A_14 = vector.shape_cast %swap3A_13 : vector<16xi32> to vector<16xi32>
    %swap3A_15 = vector.shape_cast %convert_element_type3A_11 : vector<16xi32> to vector<16xi32>
    tpu.vector_store %arg22[%swap3A_12], %swap3A_15 {strides = array<i32>} : memref<640xi32, #tpu.memory_space<vmem>>, vector<16xi32>,
    %get3A_16 = arith.constant 32 : index
    %get3A_17 = tpu.vector_load %arg15[%get3A_16] {strides = array<i32>} : memref<640xf32, #tpu.memory_space<vmem>>, vector<16xf32>,
    %get3A_18 = vector.shape_cast %get3A_17 : vector<16xf32> to vector<16xf32>
    %convert_element_type3A_19 = arith.fptosi %get3A_18 : vector<16xf32> to vector<16xi32>
    %swap3A_20 = arith.constant 32 : index
    %swap3A_21 = tpu.vector_load %arg22[%swap3A_20] {strides = array<i32>} : memref<640xi32, #tpu.memory_space<vmem>>, vector<16xi32>,
    %swap3A_22 = vector.shape_cast %swap3A_21 : vector<16xi32> to vector<16xi32>
    %swap3A_23 = vector.shape_cast %convert_element_type3A_19 : vector<16xi32> to vector<16xi32>
    tpu.vector_store %arg22[%swap3A_20], %swap3A_23 {strides = array<i32>} : memref<640xi32, #tpu.memory_space<vmem>>, vector<16xi32>,
    %get3A_24 = arith.constant 48 : index
    %get3A_25 = tpu.vector_load %arg15[%get3A_24] {strides = array<i32>} : memref<640xf32, #tpu.memory_space<vmem>>, vector<16xf32>,
    %get3A_26 = vector.shape_cast %get3A_25 : vector<16xf32> to vector<16xf32>
    %convert_element_type3A_27 = arith.fptosi %get3A_26 : vector<16xf32> to vector<16xi32>
    %swap3A_28 = arith.constant 48 : index
    %swap3A_29 = tpu.vector_load %arg22[%swap3A_28] {strides = array<i32>} : memref<640xi32, #tpu.memory_space<vmem>>, vector<16xi32>,
    %swap3A_30 = vector.shape_cast %swap3A_29 : vector<16xi32> to vector<16xi32>
    %swap3A_31 = vector.shape_cast %convert_element_type3A_27 : vector<16xi32> to vector<16xi32>
    tpu.vector_store %arg22[%swap3A_28], %swap3A_31 {strides = array<i32>} : memref<640xi32, #tpu.memory_space<vmem>>, vector<16xi32>,
    %get3A_32 = arith.constant 64 : index
    %get3A_33 = tpu.vector_load %arg15[%get3A_32] {strides = array<i32>} : memref<640xf32, #tpu.memory_space<vmem>>, vector<16xf32>,
    %get3A_34 = vector.shape_cast %get3A_33 : vector<16xf32> to vector<16xf32>
    %convert_element_type3A_35 = arith.fptosi %get3A_34 : vector<16xf32> to vector<16xi32>
    %swap3A_36 = arith.constant 64 : index
    %swap3A_37 = tpu.vector_load %arg22[%swap3A_36] {strides = array<i32>} : memref<640xi32, #tpu.memory_space<vmem>>, vector<16xi32>,
    %swap3A_38 = vector.shape_cast %swap3A_37 : vector<16xi32> to vector<16xi32>
    %swap3A_39 = vector.shape_cast %convert_element_type3A_35 : vector<16xi32> to vector<16xi32>
    tpu.vector_store %arg22[%swap3A_36], %swap3A_39 {strides = array<i32>} : memref<640xi32, #tpu.memory_space<vmem>>, vector<16xi32>,
    %get3A_40 = arith.constant 80 : index
    %get3A_41 = tpu.vector_load %arg15[%get3A_40] {strides = array<i32>} : memref<640xf32, #tpu.memory_space<vmem>>, vector<16xf32>,
    %get3A_42 = vector.shape_cast %get3A_41 : vector<16xf32> to vector<16xf32>
    %convert_element_type3A_43 = arith.fptosi %get3A_42 : vector<16xf32> to vector<16xi32>
    %swap3A_44 = arith.constant 80 : index
    %swap3A_45 = tpu.vector_load %arg22[%swap3A_44] {strides = array<i32>} : memref<640xi32, #tpu.memory_space<vmem>>, vector<16xi32>,
    %swap3A_46 = vector.shape_cast %swap3A_45 : vector<16xi32> to vector<16xi32>
    %swap3A_47 = vector.shape_cast %convert_element_type3A_43 : vector<16xi32> to vector<16xi32>
    tpu.vector_store %arg22[%swap3A_44], %swap3A_47 {strides = array<i32>} : memref<640xi32, #tpu.memory_space<vmem>>, vector<16xi32>,
    %get3A_48 = arith.constant 96 : index
    %get3A_49 = tpu.vector_load %arg15[%get3A_48] {strides = array<i32>} : memref<640xf32, #tpu.memory_space<vmem>>, vector<16xf32>,
    %get3A_50 = vector.shape_cast %get3A_49 : vector<16xf32> to vector<16xf32>
    %convert_element_type3A_51 = arith.fptosi %get3A_50 : vector<16xf32> to vector<16xi32>
    %swap3A_52 = arith.constant 96 : index
    %swap3A_53 = tpu.vector_load %arg22[%swap3A_52] {strides = array<i32>} : memref<640xi32, #tpu.memory_space<vmem>>, vector<16xi32>,
    %swap3A_54 = vector.shape_cast %swap3A_53 : vector<16xi32> to vector<16xi32>
    %swap3A_55 = vector.shape_cast %convert_element_type3A_51 : vector<16xi32> to vector<16xi32>
    tpu.vector_store %arg22[%swap3A_52], %swap3A_55 {strides = array<i32>} : memref<640xi32, #tpu.memory_space<vmem>>, vector<16xi32>,
    %get3A_56 = arith.constant 112 : index
    %get3A_57 = tpu.vector_load %arg15[%get3A_56] {strides = array<i32>} : memref<640xf32, #tpu.memory_space<vmem>>, vector<16xf32>,
    %get3A_58 = vector.shape_cast %get3A_57 : vector<16xf32> to vector<16xf32>
    %convert_element_type3A_59 = arith.fptosi %get3A_58 : vector<16xf32> to vector<16xi32>
    %swap3A_60 = arith.constant 112 : index
    %swap3A_61 = tpu.vector_load %arg22[%swap3A_60] {strides = array<i32>} : memref<640xi32, #tpu.memory_space<vmem>>, vector<16xi32>,
    %swap3A_62 = vector.shape_cast %swap3A_61 : vector<16xi32> to vector<16xi32>
    %swap3A_63 = vector.shape_cast %convert_element_type3A_59 : vector<16xi32> to vector<16xi32>
    tpu.vector_store %arg22[%swap3A_60], %swap3A_63 {strides = array<i32>} : memref<640xi32, #tpu.memory_space<vmem>>, vector<16xi32>,
    %get3A_64 = arith.constant 128 : index
    %get3A_65 = tpu.vector_load %arg15[%get3A_64] {strides = array<i32>} : memref<640xf32, #tpu.memory_space<vmem>>, vector<16xf32>,
    %get3A_66 = vector.shape_cast %get3A_65 : vector<16xf32> to vector<16xf32>
    %convert_element_type3A_67 = arith.fptosi %get3A_66 : vector<16xf32> to vector<16xi32>
    %swap3A_68 = arith.constant 128 : index
    %swap3A_69 = tpu.vector_load %arg22[%swap3A_68] {strides = array<i32>} : memref<640xi32, #tpu.memory_space<vmem>>, vector<16xi32>,
    %swap3A_70 = vector.shape_cast %swap3A_69 : vector<16xi32> to vector<16xi32>
    %swap3A_71 = vector.shape_cast %convert_element_type3A_67 : vector<16xi32> to vector<16xi32>
    tpu.vector_store %arg22[%swap3A_68], %swap3A_71 {strides = array<i32>} : memref<640xi32, #tpu.memory_space<vmem>>, vector<16xi32>,
    %get3A_72 = arith.constant 144 : index
    %get3A_73 = tpu.vector_load %arg15[%get3A_72] {strides = array<i32>} : memref<640xf32, #tpu.memory_space<vmem>>, vector<16xf32>,
    %get3A_74 = vector.shape_cast %get3A_73 : vector<16xf32> to vector<16xf32>
    %convert_element_type3A_75 = arith.fptosi %get3A_74 : vector<16xf32> to vector<16xi32>
    %swap3A_76 = arith.constant 144 : index
    %swap3A_77 = tpu.vector_load %arg22[%swap3A_76] {strides = array<i32>} : memref<640xi32, #tpu.memory_space<vmem>>, vector<16xi32>,
    %swap3A_78 = vector.shape_cast %swap3A_77 : vector<16xi32> to vector<16xi32>
    %swap3A_79 = vector.shape_cast %convert_element_type3A_75 : vector<16xi32> to vector<16xi32>
    tpu.vector_store %arg22[%swap3A_76], %swap3A_79 {strides = array<i32>} : memref<640xi32, #tpu.memory_space<vmem>>, vector<16xi32>,
    %get3A_80 = arith.constant 160 : index
    %get3A_81 = tpu.vector_load %arg15[%get3A_80] {strides = array<i32>} : memref<640xf32, #tpu.memory_space<vmem>>, vector<16xf32>,
    %get3A_82 = vector.shape_cast %get3A_81 : vector<16xf32> to vector<16xf32>
    %convert_element_type3A_83 = arith.fptosi %get3A_82 : vector<16xf32> to vector<16xi32>
    %swap3A_84 = arith.constant 160 : index
    %swap3A_85 = tpu.vector_load %arg22[%swap3A_84] {strides = array<i32>} : memref<640xi32, #tpu.memory_space<vmem>>, vector<16xi32>,
    %swap3A_86 = vector.shape_cast %swap3A_85 : vector<16xi32> to vector<16xi32>
    %swap3A_87 = vector.shape_cast %convert_element_type3A_83 : vector<16xi32> to vector<16xi32>
    tpu.vector_store %arg22[%swap3A_84], %swap3A_87 {strides = array<i32>} : memref<640xi32, #tpu.memory_space<vmem>>, vector<16xi32>,
    %get3A_88 = arith.constant 176 : index
    %get3A_89 = tpu.vector_load %arg15[%get3A_88] {strides = array<i32>} : memref<640xf32, #tpu.memory_space<vmem>>, vector<16xf32>,
    %get3A_90 = vector.shape_cast %get3A_89 : vector<16xf32> to vector<16xf32>
    %convert_element_type3A_91 = arith.fptosi %get3A_90 : vector<16xf32> to vector<16xi32>
    %swap3A_92 = arith.constant 176 : index
    %swap3A_93 = tpu.vector_load %arg22[%swap3A_92] {strides = array<i32>} : memref<640xi32, #tpu.memory_space<vmem>>, vector<16xi32>,
    %swap3A_94 = vector.shape_cast %swap3A_93 : vector<16xi32> to vector<16xi32>
    %swap3A_95 = vector.shape_cast %convert_element_type3A_91 : vector<16xi32> to vector<16xi32>
    tpu.vector_store %arg22[%swap3A_92], %swap3A_95 {strides = array<i32>} : memref<640xi32, #tpu.memory_space<vmem>>, vector<16xi32>,
    %get3A_96 = arith.constant 192 : index
    %get3A_97 = tpu.vector_load %arg15[%get3A_96] {strides = array<i32>} : memref<640xf32, #tpu.memory_space<vmem>>, vector<16xf32>,
    %get3A_98 = vector.shape_cast %get3A_97 : vector<16xf32> to vector<16xf32>
    %convert_element_type3A_99 = arith.fptosi %get3A_98 : vector<16xf32> to vector<16xi32>
    %swap3A_100 = arith.constant 192 : index
    %swap3A_101 = tpu.vector_load %arg22[%swap3A_100] {strides = array<i32>} : memref<640xi32, #tpu.memory_space<vmem>>, vector<16xi32>,
    %swap3A_102 = vector.shape_cast %swap3A_101 : vector<16xi32> to vector<16xi32>
    %swap3A_103 = vector.shape_cast %convert_element_type3A_99 : vector<16xi32> to vector<16xi32>
    tpu.vector_store %arg22[%swap3A_100], %swap3A_103 {strides = array<i32>} : memref<640xi32, #tpu.memory_space<vmem>>, vector<16xi32>,
    %get3A_104 = arith.constant 208 : index
    %get3A_105 = tpu.vector_load %arg15[%get3A_104] {strides = array<i32>} : memref<640xf32, #tpu.memory_space<vmem>>, vector<16xf32>,
    %get3A_106 = vector.shape_cast %get3A_105 : vector<16xf32> to vector<16xf32>
    %convert_element_type3A_107 = arith.fptosi %get3A_106 : vector<16xf32> to vector<16xi32>
    %swap3A_108 = arith.constant 208 : index
    %swap3A_109 = tpu.vector_load %arg22[%swap3A_108] {strides = array<i32>} : memref<640xi32, #tpu.memory_space<vmem>>, vector<16xi32>,
    %swap3A_110 = vector.shape_cast %swap3A_109 : vector<16xi32> to vector<16xi32>
    %swap3A_111 = vector.shape_cast %convert_element_type3A_107 : vector<16xi32> to vector<16xi32>
    tpu.vector_store %arg22[%swap3A_108], %swap3A_111 {strides = array<i32>} : memref<640xi32, #tpu.memory_space<vmem>>, vector<16xi32>,
    %get3A_112 = arith.constant 224 : index
    %get3A_113 = tpu.vector_load %arg15[%get3A_112] {strides = array<i32>} : memref<640xf32, #tpu.memory_space<vmem>>, vector<16xf32>,
    %get3A_114 = vector.shape_cast %get3A_113 : vector<16xf32> to vector<16xf32>
    %convert_element_type3A_115 = arith.fptosi %get3A_114 : vector<16xf32> to vector<16xi32>
    %swap3A_116 = arith.constant 224 : index
    %swap3A_117 = tpu.vector_load %arg22[%swap3A_116] {strides = array<i32>} : memref<640xi32, #tpu.memory_space<vmem>>, vector<16xi32>,
    %swap3A_118 = vector.shape_cast %swap3A_117 : vector<16xi32> to vector<16xi32>
    %swap3A_119 = vector.shape_cast %convert_element_type3A_115 : vector<16xi32> to vector<16xi32>
    tpu.vector_store %arg22[%swap3A_116], %swap3A_119 {strides = array<i32>} : memref<640xi32, #tpu.memory_space<vmem>>, vector<16xi32>,
    %get3A_120 = arith.constant 240 : index
    %get3A_121 = tpu.vector_load %arg15[%get3A_120] {strides = array<i32>} : memref<640xf32, #tpu.memory_space<vmem>>, vector<16xf32>,
    %get3A_122 = vector.shape_cast %get3A_121 : vector<16xf32> to vector<16xf32>
    %convert_element_type3A_123 = arith.fptosi %get3A_122 : vector<16xf32> to vector<16xi32>
    %swap3A_124 = arith.constant 240 : index
    %swap3A_125 = tpu.vector_load %arg22[%swap3A_124] {strides = array<i32>} : memref<640xi32, #tpu.memory_space<vmem>>, vector<16xi32>,
    %swap3A_126 = vector.shape_cast %swap3A_125 : vector<16xi32> to vector<16xi32>
    %swap3A_127 = vector.shape_cast %convert_element_type3A_123 : vector<16xi32> to vector<16xi32>
    tpu.vector_store %arg22[%swap3A_124], %swap3A_127 {strides = array<i32>} : memref<640xi32, #tpu.memory_space<vmem>>, vector<16xi32>,
    %get3A_128 = arith.constant 256 : index
    %get3A_129 = tpu.vector_load %arg15[%get3A_128] {strides = array<i32>} : memref<640xf32, #tpu.memory_space<vmem>>, vector<16xf32>,
    %get3A_130 = vector.shape_cast %get3A_129 : vector<16xf32> to vector<16xf32>
    %convert_element_type3A_131 = arith.fptosi %get3A_130 : vector<16xf32> to vector<16xi32>
    %swap3A_132 = arith.constant 256 : index
    %swap3A_133 = tpu.vector_load %arg22[%swap3A_132] {strides = array<i32>} : memref<640xi32, #tpu.memory_space<vmem>>, vector<16xi32>,
    %swap3A_134 = vector.shape_cast %swap3A_133 : vector<16xi32> to vector<16xi32>
    %swap3A_135 = vector.shape_cast %convert_element_type3A_131 : vector<16xi32> to vector<16xi32>
    tpu.vector_store %arg22[%swap3A_132], %swap3A_135 {strides = array<i32>} : memref<640xi32, #tpu.memory_space<vmem>>, vector<16xi32>,
    %get3A_136 = arith.constant 272 : index
    %get3A_137 = tpu.vector_load %arg15[%get3A_136] {strides = array<i32>} : memref<640xf32, #tpu.memory_space<vmem>>, vector<16xf32>,
    %get3A_138 = vector.shape_cast %get3A_137 : vector<16xf32> to vector<16xf32>
    %convert_element_type3A_139 = arith.fptosi %get3A_138 : vector<16xf32> to vector<16xi32>
    %swap3A_140 = arith.constant 272 : index
    %swap3A_141 = tpu.vector_load %arg22[%swap3A_140] {strides = array<i32>} : memref<640xi32, #tpu.memory_space<vmem>>, vector<16xi32>,
    %swap3A_142 = vector.shape_cast %swap3A_141 : vector<16xi32> to vector<16xi32>
    %swap3A_143 = vector.shape_cast %convert_element_type3A_139 : vector<16xi32> to vector<16xi32>
    tpu.vector_store %arg22[%swap3A_140], %swap3A_143 {strides = array<i32>} : memref<640xi32, #tpu.memory_space<vmem>>, vector<16xi32>,
    %get3A_144 = arith.constant 288 : index
    %get3A_145 = tpu.vector_load %arg15[%get3A_144] {strides = array<i32>} : memref<640xf32, #tpu.memory_space<vmem>>, vector<16xf32>,
    %get3A_146 = vector.shape_cast %get3A_145 : vector<16xf32> to vector<16xf32>
    %convert_element_type3A_147 = arith.fptosi %get3A_146 : vector<16xf32> to vector<16xi32>
    %swap3A_148 = arith.constant 288 : index
    %swap3A_149 = tpu.vector_load %arg22[%swap3A_148] {strides = array<i32>} : memref<640xi32, #tpu.memory_space<vmem>>, vector<16xi32>,
    %swap3A_150 = vector.shape_cast %swap3A_149 : vector<16xi32> to vector<16xi32>
    %swap3A_151 = vector.shape_cast %convert_element_type3A_147 : vector<16xi32> to vector<16xi32>
    tpu.vector_store %arg22[%swap3A_148], %swap3A_151 {strides = array<i32>} : memref<640xi32, #tpu.memory_space<vmem>>, vector<16xi32>,
    %get3A_152 = arith.constant 304 : index
    %get3A_153 = tpu.vector_load %arg15[%get3A_152] {strides = array<i32>} : memref<640xf32, #tpu.memory_space<vmem>>, vector<16xf32>,
    %get3A_154 = vector.shape_cast %get3A_153 : vector<16xf32> to vector<16xf32>
    %convert_element_type3A_155 = arith.fptosi %get3A_154 : vector<16xf32> to vector<16xi32>
    %swap3A_156 = arith.constant 304 : index
    %swap3A_157 = tpu.vector_load %arg22[%swap3A_156] {strides = array<i32>} : memref<640xi32, #tpu.memory_space<vmem>>, vector<16xi32>,
    %swap3A_158 = vector.shape_cast %swap3A_157 : vector<16xi32> to vector<16xi32>
    %swap3A_159 = vector.shape_cast %convert_element_type3A_155 : vector<16xi32> to vector<16xi32>
    tpu.vector_store %arg22[%swap3A_156], %swap3A_159 {strides = array<i32>} : memref<640xi32, #tpu.memory_space<vmem>>, vector<16xi32>,
    %get3A_160 = arith.constant 320 : index
    %get3A_161 = tpu.vector_load %arg15[%get3A_160] {strides = array<i32>} : memref<640xf32, #tpu.memory_space<vmem>>, vector<16xf32>,
    %get3A_162 = vector.shape_cast %get3A_161 : vector<16xf32> to vector<16xf32>
    %convert_element_type3A_163 = arith.fptosi %get3A_162 : vector<16xf32> to vector<16xi32>
    %swap3A_164 = arith.constant 320 : index
    %swap3A_165 = tpu.vector_load %arg22[%swap3A_164] {strides = array<i32>} : memref<640xi32, #tpu.memory_space<vmem>>, vector<16xi32>,
    %swap3A_166 = vector.shape_cast %swap3A_165 : vector<16xi32> to vector<16xi32>
    %swap3A_167 = vector.shape_cast %convert_element_type3A_163 : vector<16xi32> to vector<16xi32>
    tpu.vector_store %arg22[%swap3A_164], %swap3A_167 {strides = array<i32>} : memref<640xi32, #tpu.memory_space<vmem>>, vector<16xi32>,
    %get3A_168 = arith.constant 336 : index
    %get3A_169 = tpu.vector_load %arg15[%get3A_168] {strides = array<i32>} : memref<640xf32, #tpu.memory_space<vmem>>, vector<16xf32>,
    %get3A_170 = vector.shape_cast %get3A_169 : vector<16xf32> to vector<16xf32>
    %convert_element_type3A_171 = arith.fptosi %get3A_170 : vector<16xf32> to vector<16xi32>
    %swap3A_172 = arith.constant 336 : index
    %swap3A_173 = tpu.vector_load %arg22[%swap3A_172] {strides = array<i32>} : memref<640xi32, #tpu.memory_space<vmem>>, vector<16xi32>,
    %swap3A_174 = vector.shape_cast %swap3A_173 : vector<16xi32> to vector<16xi32>
    %swap3A_175 = vector.shape_cast %convert_element_type3A_171 : vector<16xi32> to vector<16xi32>
    tpu.vector_store %arg22[%swap3A_172], %swap3A_175 {strides = array<i32>} : memref<640xi32, #tpu.memory_space<vmem>>, vector<16xi32>,
    %get3A_176 = arith.constant 352 : index
    %get3A_177 = tpu.vector_load %arg15[%get3A_176] {strides = array<i32>} : memref<640xf32, #tpu.memory_space<vmem>>, vector<16xf32>,
    %get3A_178 = vector.shape_cast %get3A_177 : vector<16xf32> to vector<16xf32>
    %convert_element_type3A_179 = arith.fptosi %get3A_178 : vector<16xf32> to vector<16xi32>
    %swap3A_180 = arith.constant 352 : index
    %swap3A_181 = tpu.vector_load %arg22[%swap3A_180] {strides = array<i32>} : memref<640xi32, #tpu.memory_space<vmem>>, vector<16xi32>,
    %swap3A_182 = vector.shape_cast %swap3A_181 : vector<16xi32> to vector<16xi32>
    %swap3A_183 = vector.shape_cast %convert_element_type3A_179 : vector<16xi32> to vector<16xi32>
    tpu.vector_store %arg22[%swap3A_180], %swap3A_183 {strides = array<i32>} : memref<640xi32, #tpu.memory_space<vmem>>, vector<16xi32>,
    %get3A_184 = arith.constant 368 : index
    %get3A_185 = tpu.vector_load %arg15[%get3A_184] {strides = array<i32>} : memref<640xf32, #tpu.memory_space<vmem>>, vector<16xf32>,
    %get3A_186 = vector.shape_cast %get3A_185 : vector<16xf32> to vector<16xf32>
    %convert_element_type3A_187 = arith.fptosi %get3A_186 : vector<16xf32> to vector<16xi32>
    %swap3A_188 = arith.constant 368 : index
    %swap3A_189 = tpu.vector_load %arg22[%swap3A_188] {strides = array<i32>} : memref<640xi32, #tpu.memory_space<vmem>>, vector<16xi32>,
    %swap3A_190 = vector.shape_cast %swap3A_189 : vector<16xi32> to vector<16xi32>
    %swap3A_191 = vector.shape_cast %convert_element_type3A_187 : vector<16xi32> to vector<16xi32>
    tpu.vector_store %arg22[%swap3A_188], %swap3A_191 {strides = array<i32>} : memref<640xi32, #tpu.memory_space<vmem>>, vector<16xi32>,
    %get3A_192 = arith.constant 384 : index
    %get3A_193 = tpu.vector_load %arg15[%get3A_192] {strides = array<i32>} : memref<640xf32, #tpu.memory_space<vmem>>, vector<16xf32>,
    %get3A_194 = vector.shape_cast %get3A_193 : vector<16xf32> to vector<16xf32>
    %convert_element_type3A_195 = arith.fptosi %get3A_194 : vector<16xf32> to vector<16xi32>
    %swap3A_196 = arith.constant 384 : index
    %swap3A_197 = tpu.vector_load %arg22[%swap3A_196] {strides = array<i32>} : memref<640xi32, #tpu.memory_space<vmem>>, vector<16xi32>,
    %swap3A_198 = vector.shape_cast %swap3A_197 : vector<16xi32> to vector<16xi32>
    %swap3A_199 = vector.shape_cast %convert_element_type3A_195 : vector<16xi32> to vector<16xi32>
    tpu.vector_store %arg22[%swap3A_196], %swap3A_199 {strides = array<i32>} : memref<640xi32, #tpu.memory_space<vmem>>, vector<16xi32>,
    %get3A_200 = arith.constant 400 : index
    %get3A_201 = tpu.vector_load %arg15[%get3A_200] {strides = array<i32>} : memref<640xf32, #tpu.memory_space<vmem>>, vector<16xf32>,
    %get3A_202 = vector.shape_cast %get3A_201 : vector<16xf32> to vector<16xf32>
    %convert_element_type3A_203 = arith.fptosi %get3A_202 : vector<16xf32> to vector<16xi32>
    %swap3A_204 = arith.constant 400 : index
    %swap3A_205 = tpu.vector_load %arg22[%swap3A_204] {strides = array<i32>} : memref<640xi32, #tpu.memory_space<vmem>>, vector<16xi32>,
    %swap3A_206 = vector.shape_cast %swap3A_205 : vector<16xi32> to vector<16xi32>
    %swap3A_207 = vector.shape_cast %convert_element_type3A_203 : vector<16xi32> to vector<16xi32>
    tpu.vector_store %arg22[%swap3A_204], %swap3A_207 {strides = array<i32>} : memref<640xi32, #tpu.memory_space<vmem>>, vector<16xi32>,
    %get3A_208 = arith.constant 416 : index
    %get3A_209 = tpu.vector_load %arg15[%get3A_208] {strides = array<i32>} : memref<640xf32, #tpu.memory_space<vmem>>, vector<16xf32>,
    %get3A_210 = vector.shape_cast %get3A_209 : vector<16xf32> to vector<16xf32>
    %convert_element_type3A_211 = arith.fptosi %get3A_210 : vector<16xf32> to vector<16xi32>
    %swap3A_212 = arith.constant 416 : index
    %swap3A_213 = tpu.vector_load %arg22[%swap3A_212] {strides = array<i32>} : memref<640xi32, #tpu.memory_space<vmem>>, vector<16xi32>,
    %swap3A_214 = vector.shape_cast %swap3A_213 : vector<16xi32> to vector<16xi32>
    %swap3A_215 = vector.shape_cast %convert_element_type3A_211 : vector<16xi32> to vector<16xi32>
    tpu.vector_store %arg22[%swap3A_212], %swap3A_215 {strides = array<i32>} : memref<640xi32, #tpu.memory_space<vmem>>, vector<16xi32>,
    %get3A_216 = arith.constant 432 : index
    %get3A_217 = tpu.vector_load %arg15[%get3A_216] {strides = array<i32>} : memref<640xf32, #tpu.memory_space<vmem>>, vector<16xf32>,
    %get3A_218 = vector.shape_cast %get3A_217 : vector<16xf32> to vector<16xf32>
    %convert_element_type3A_219 = arith.fptosi %get3A_218 : vector<16xf32> to vector<16xi32>
    %swap3A_220 = arith.constant 432 : index
    %swap3A_221 = tpu.vector_load %arg22[%swap3A_220] {strides = array<i32>} : memref<640xi32, #tpu.memory_space<vmem>>, vector<16xi32>,
    %swap3A_222 = vector.shape_cast %swap3A_221 : vector<16xi32> to vector<16xi32>
    %swap3A_223 = vector.shape_cast %convert_element_type3A_219 : vector<16xi32> to vector<16xi32>
    tpu.vector_store %arg22[%swap3A_220], %swap3A_223 {strides = array<i32>} : memref<640xi32, #tpu.memory_space<vmem>>, vector<16xi32>,
    %get3A_224 = arith.constant 448 : index
    %get3A_225 = tpu.vector_load %arg15[%get3A_224] {strides = array<i32>} : memref<640xf32, #tpu.memory_space<vmem>>, vector<16xf32>,
    %get3A_226 = vector.shape_cast %get3A_225 : vector<16xf32> to vector<16xf32>
    %convert_element_type3A_227 = arith.fptosi %get3A_226 : vector<16xf32> to vector<16xi32>
    %swap3A_228 = arith.constant 448 : index
    %swap3A_229 = tpu.vector_load %arg22[%swap3A_228] {strides = array<i32>} : memref<640xi32, #tpu.memory_space<vmem>>, vector<16xi32>,
    %swap3A_230 = vector.shape_cast %swap3A_229 : vector<16xi32> to vector<16xi32>
    %swap3A_231 = vector.shape_cast %convert_element_type3A_227 : vector<16xi32> to vector<16xi32>
    tpu.vector_store %arg22[%swap3A_228], %swap3A_231 {strides = array<i32>} : memref<640xi32, #tpu.memory_space<vmem>>, vector<16xi32>,
    %get3A_232 = arith.constant 464 : index
    %get3A_233 = tpu.vector_load %arg15[%get3A_232] {strides = array<i32>} : memref<640xf32, #tpu.memory_space<vmem>>, vector<16xf32>,
    %get3A_234 = vector.shape_cast %get3A_233 : vector<16xf32> to vector<16xf32>
    %convert_element_type3A_235 = arith.fptosi %get3A_234 : vector<16xf32> to vector<16xi32>
    %swap3A_236 = arith.constant 464 : index
    %swap3A_237 = tpu.vector_load %arg22[%swap3A_236] {strides = array<i32>} : memref<640xi32, #tpu.memory_space<vmem>>, vector<16xi32>,
    %swap3A_238 = vector.shape_cast %swap3A_237 : vector<16xi32> to vector<16xi32>
    %swap3A_239 = vector.shape_cast %convert_element_type3A_235 : vector<16xi32> to vector<16xi32>
    tpu.vector_store %arg22[%swap3A_236], %swap3A_239 {strides = array<i32>} : memref<640xi32, #tpu.memory_space<vmem>>, vector<16xi32>,
    %get3A_240 = arith.constant 480 : index
    %get3A_241 = tpu.vector_load %arg15[%get3A_240] {strides = array<i32>} : memref<640xf32, #tpu.memory_space<vmem>>, vector<16xf32>,
    %get3A_242 = vector.shape_cast %get3A_241 : vector<16xf32> to vector<16xf32>
    %convert_element_type3A_243 = arith.fptosi %get3A_242 : vector<16xf32> to vector<16xi32>
    %swap3A_244 = arith.constant 480 : index
    %swap3A_245 = tpu.vector_load %arg22[%swap3A_244] {strides = array<i32>} : memref<640xi32, #tpu.memory_space<vmem>>, vector<16xi32>,
    %swap3A_246 = vector.shape_cast %swap3A_245 : vector<16xi32> to vector<16xi32>
    %swap3A_247 = vector.shape_cast %convert_element_type3A_243 : vector<16xi32> to vector<16xi32>
    tpu.vector_store %arg22[%swap3A_244], %swap3A_247 {strides = array<i32>} : memref<640xi32, #tpu.memory_space<vmem>>, vector<16xi32>,
    %get3A_248 = arith.constant 496 : index
    %get3A_249 = tpu.vector_load %arg15[%get3A_248] {strides = array<i32>} : memref<640xf32, #tpu.memory_space<vmem>>, vector<16xf32>,
    %get3A_250 = vector.shape_cast %get3A_249 : vector<16xf32> to vector<16xf32>
    %convert_element_type3A_251 = arith.fptosi %get3A_250 : vector<16xf32> to vector<16xi32>
    %swap3A_252 = arith.constant 496 : index
    %swap3A_253 = tpu.vector_load %arg22[%swap3A_252] {strides = array<i32>} : memref<640xi32, #tpu.memory_space<vmem>>, vector<16xi32>,
    %swap3A_254 = vector.shape_cast %swap3A_253 : vector<16xi32> to vector<16xi32>
    %swap3A_255 = vector.shape_cast %convert_element_type3A_251 : vector<16xi32> to vector<16xi32>
    tpu.vector_store %arg22[%swap3A_252], %swap3A_255 {strides = array<i32>} : memref<640xi32, #tpu.memory_space<vmem>>, vector<16xi32>,
    %get3A_256 = arith.constant 512 : index
    %get3A_257 = tpu.vector_load %arg15[%get3A_256] {strides = array<i32>} : memref<640xf32, #tpu.memory_space<vmem>>, vector<16xf32>,
    %get3A_258 = vector.shape_cast %get3A_257 : vector<16xf32> to vector<16xf32>
    %convert_element_type3A_259 = arith.fptosi %get3A_258 : vector<16xf32> to vector<16xi32>
    %swap3A_260 = arith.constant 512 : index
    %swap3A_261 = tpu.vector_load %arg22[%swap3A_260] {strides = array<i32>} : memref<640xi32, #tpu.memory_space<vmem>>, vector<16xi32>,
    %swap3A_262 = vector.shape_cast %swap3A_261 : vector<16xi32> to vector<16xi32>
    %swap3A_263 = vector.shape_cast %convert_element_type3A_259 : vector<16xi32> to vector<16xi32>
    tpu.vector_store %arg22[%swap3A_260], %swap3A_263 {strides = array<i32>} : memref<640xi32, #tpu.memory_space<vmem>>, vector<16xi32>,
    %get3A_264 = arith.constant 528 : index
    %get3A_265 = tpu.vector_load %arg15[%get3A_264] {strides = array<i32>} : memref<640xf32, #tpu.memory_space<vmem>>, vector<16xf32>,
    %get3A_266 = vector.shape_cast %get3A_265 : vector<16xf32> to vector<16xf32>
    %convert_element_type3A_267 = arith.fptosi %get3A_266 : vector<16xf32> to vector<16xi32>
    %swap3A_268 = arith.constant 528 : index
    %swap3A_269 = tpu.vector_load %arg22[%swap3A_268] {strides = array<i32>} : memref<640xi32, #tpu.memory_space<vmem>>, vector<16xi32>,
    %swap3A_270 = vector.shape_cast %swap3A_269 : vector<16xi32> to vector<16xi32>
    %swap3A_271 = vector.shape_cast %convert_element_type3A_267 : vector<16xi32> to vector<16xi32>
    tpu.vector_store %arg22[%swap3A_268], %swap3A_271 {strides = array<i32>} : memref<640xi32, #tpu.memory_space<vmem>>, vector<16xi32>,
    %get3A_272 = arith.constant 544 : index
    %get3A_273 = tpu.vector_load %arg15[%get3A_272] {strides = array<i32>} : memref<640xf32, #tpu.memory_space<vmem>>, vector<16xf32>,
    %get3A_274 = vector.shape_cast %get3A_273 : vector<16xf32> to vector<16xf32>
    %convert_element_type3A_275 = arith.fptosi %get3A_274 : vector<16xf32> to vector<16xi32>
    %swap3A_276 = arith.constant 544 : index
    %swap3A_277 = tpu.vector_load %arg22[%swap3A_276] {strides = array<i32>} : memref<640xi32, #tpu.memory_space<vmem>>, vector<16xi32>,
    %swap3A_278 = vector.shape_cast %swap3A_277 : vector<16xi32> to vector<16xi32>
    %swap3A_279 = vector.shape_cast %convert_element_type3A_275 : vector<16xi32> to vector<16xi32>
    tpu.vector_store %arg22[%swap3A_276], %swap3A_279 {strides = array<i32>} : memref<640xi32, #tpu.memory_space<vmem>>, vector<16xi32>,
    %get3A_280 = arith.constant 560 : index
    %get3A_281 = tpu.vector_load %arg15[%get3A_280] {strides = array<i32>} : memref<640xf32, #tpu.memory_space<vmem>>, vector<16xf32>,
    %get3A_282 = vector.shape_cast %get3A_281 : vector<16xf32> to vector<16xf32>
    %convert_element_type3A_283 = arith.fptosi %get3A_282 : vector<16xf32> to vector<16xi32>
    %swap3A_284 = arith.constant 560 : index
    %swap3A_285 = tpu.vector_load %arg22[%swap3A_284] {strides = array<i32>} : memref<640xi32, #tpu.memory_space<vmem>>, vector<16xi32>,
    %swap3A_286 = vector.shape_cast %swap3A_285 : vector<16xi32> to vector<16xi32>
    %swap3A_287 = vector.shape_cast %convert_element_type3A_283 : vector<16xi32> to vector<16xi32>
    tpu.vector_store %arg22[%swap3A_284], %swap3A_287 {strides = array<i32>} : memref<640xi32, #tpu.memory_space<vmem>>, vector<16xi32>,
    %get3A_288 = arith.constant 576 : index
    %get3A_289 = tpu.vector_load %arg15[%get3A_288] {strides = array<i32>} : memref<640xf32, #tpu.memory_space<vmem>>, vector<16xf32>,
    %get3A_290 = vector.shape_cast %get3A_289 : vector<16xf32> to vector<16xf32>
    %convert_element_type3A_291 = arith.fptosi %get3A_290 : vector<16xf32> to vector<16xi32>
    %swap3A_292 = arith.constant 576 : index
    %swap3A_293 = tpu.vector_load %arg22[%swap3A_292] {strides = array<i32>} : memref<640xi32, #tpu.memory_space<vmem>>, vector<16xi32>,
    %swap3A_294 = vector.shape_cast %swap3A_293 : vector<16xi32> to vector<16xi32>
    %swap3A_295 = vector.shape_cast %convert_element_type3A_291 : vector<16xi32> to vector<16xi32>
    tpu.vector_store %arg22[%swap3A_292], %swap3A_295 {strides = array<i32>} : memref<640xi32, #tpu.memory_space<vmem>>, vector<16xi32>,
    %get3A_296 = arith.constant 592 : index
    %get3A_297 = tpu.vector_load %arg15[%get3A_296] {strides = array<i32>} : memref<640xf32, #tpu.memory_space<vmem>>, vector<16xf32>,
    %get3A_298 = vector.shape_cast %get3A_297 : vector<16xf32> to vector<16xf32>
    %convert_element_type3A_299 = arith.fptosi %get3A_298 : vector<16xf32> to vector<16xi32>
    %swap3A_300 = arith.constant 592 : index
    %swap3A_301 = tpu.vector_load %arg22[%swap3A_300] {strides = array<i32>} : memref<640xi32, #tpu.memory_space<vmem>>, vector<16xi32>,
    %swap3A_302 = vector.shape_cast %swap3A_301 : vector<16xi32> to vector<16xi32>
    %swap3A_303 = vector.shape_cast %convert_element_type3A_299 : vector<16xi32> to vector<16xi32>
    tpu.vector_store %arg22[%swap3A_300], %swap3A_303 {strides = array<i32>} : memref<640xi32, #tpu.memory_space<vmem>>, vector<16xi32>,
    %get3A_304 = arith.constant 608 : index
    %get3A_305 = tpu.vector_load %arg15[%get3A_304] {strides = array<i32>} : memref<640xf32, #tpu.memory_space<vmem>>, vector<16xf32>,
    %get3A_306 = vector.shape_cast %get3A_305 : vector<16xf32> to vector<16xf32>
    %convert_element_type3A_307 = arith.fptosi %get3A_306 : vector<16xf32> to vector<16xi32>
    %swap3A_308 = arith.constant 608 : index
    %swap3A_309 = tpu.vector_load %arg22[%swap3A_308] {strides = array<i32>} : memref<640xi32, #tpu.memory_space<vmem>>, vector<16xi32>,
    %swap3A_310 = vector.shape_cast %swap3A_309 : vector<16xi32> to vector<16xi32>
    %swap3A_311 = vector.shape_cast %convert_element_type3A_307 : vector<16xi32> to vector<16xi32>
    tpu.vector_store %arg22[%swap3A_308], %swap3A_311 {strides = array<i32>} : memref<640xi32, #tpu.memory_space<vmem>>, vector<16xi32>,
    %get3A_312 = arith.constant 624 : index
    %get3A_313 = tpu.vector_load %arg15[%get3A_312] {strides = array<i32>} : memref<640xf32, #tpu.memory_space<vmem>>, vector<16xf32>,
    %get3A_314 = vector.shape_cast %get3A_313 : vector<16xf32> to vector<16xf32>
    %convert_element_type3A_315 = arith.fptosi %get3A_314 : vector<16xf32> to vector<16xi32>
    %swap3A_316 = arith.constant 624 : index
    %swap3A_317 = tpu.vector_load %arg22[%swap3A_316] {strides = array<i32>} : memref<640xi32, #tpu.memory_space<vmem>>, vector<16xi32>,
    %swap3A_318 = vector.shape_cast %swap3A_317 : vector<16xi32> to vector<16xi32>
    %swap3A_319 = vector.shape_cast %convert_element_type3A_315 : vector<16xi32> to vector<16xi32>
    tpu.vector_store %arg22[%swap3A_316], %swap3A_319 {strides = array<i32>} : memref<640xi32, #tpu.memory_space<vmem>>, vector<16xi32>,
    %dma_start3A = arith.constant 0 : i32
    %dma_start3A_320 = tpu.memref_slice %arg3[%dma_start3A] : memref<20480xf32, #tpu.memory_space<hbm>> -> memref<20480xf32, #tpu.memory_space<hbm>>
    tpu.enqueue_indirect_dma source(%dma_start3A_320 : memref<20480xf32, #tpu.memory_space<hbm>>) target(%arg23 : memref<640xf32, #tpu.memory_space<vmem>>) offsets(%arg22 : memref<640xi32, #tpu.memory_space<vmem>>) semaphore(%arg29 : memref<!tpu.dma_semaphore, #tpu.memory_space<semaphore_mem>>)
    %dma_wait3A = arith.constant 0 : i32
    %dma_wait3A_321 = tpu.memref_slice %arg3[%dma_wait3A] : memref<20480xf32, #tpu.memory_space<hbm>> -> memref<20480xf32, #tpu.memory_space<hbm>>
    tpu.wait_indirect_dma semaphore(%arg29 : memref<!tpu.dma_semaphore, #tpu.memory_space<semaphore_mem>>) src(%dma_wait3A_321 : memref<20480xf32, #tpu.memory_space<hbm>>) dst(%arg23 : memref<640xf32, #tpu.memory_space<vmem>>)
    %get3A_322 = arith.constant 0 : index
    %get3A_323 = tpu.vector_load %arg23[%get3A_322] {strides = array<i32>} : memref<640xf32, #tpu.memory_space<vmem>>, vector<16xf32>,
    %get3A_324 = vector.shape_cast %get3A_323 : vector<16xf32> to vector<16xf32>
    %convert_element_type3A_325 = arith.fptosi %get3A_324 : vector<16xf32> to vector<16xi32>
    %swap3A_326 = arith.constant 0 : index
    %swap3A_327 = tpu.vector_load %arg28[%swap3A_326] {strides = array<i32>} : memref<640xi32, #tpu.memory_space<vmem>>, vector<16xi32>,
    %swap3A_328 = vector.shape_cast %swap3A_327 : vector<16xi32> to vector<16xi32>
    %swap3A_329 = vector.shape_cast %convert_element_type3A_325 : vector<16xi32> to vector<16xi32>
    tpu.vector_store %arg28[%swap3A_326], %swap3A_329 {strides = array<i32>} : memref<640xi32, #tpu.memory_space<vmem>>, vector<16xi32>,
    %get3A_330 = arith.constant 16 : index
    %get3A_331 = tpu.vector_load %arg23[%get3A_330] {strides = array<i32>} : memref<640xf32, #tpu.memory_space<vmem>>, vector<16xf32>,
    %get3A_332 = vector.shape_cast %get3A_331 : vector<16xf32> to vector<16xf32>
    %convert_element_type3A_333 = arith.fptosi %get3A_332 : vector<16xf32> to vector<16xi32>
    %swap3A_334 = arith.constant 16 : index
    %swap3A_335 = tpu.vector_load %arg28[%swap3A_334] {strides = array<i32>} : memref<640xi32, #tpu.memory_space<vmem>>, vector<16xi32>,
    %swap3A_336 = vector.shape_cast %swap3A_335 : vector<16xi32> to vector<16xi32>
    %swap3A_337 = vector.shape_cast %convert_element_type3A_333 : vector<16xi32> to vector<16xi32>
    tpu.vector_store %arg28[%swap3A_334], %swap3A_337 {strides = array<i32>} : memref<640xi32, #tpu.memory_space<vmem>>, vector<16xi32>,
    %get3A_338 = arith.constant 32 : index
    %get3A_339 = tpu.vector_load %arg23[%get3A_338] {strides = array<i32>} : memref<640xf32, #tpu.memory_space<vmem>>, vector<16xf32>,
    %get3A_340 = vector.shape_cast %get3A_339 : vector<16xf32> to vector<16xf32>
    %convert_element_type3A_341 = arith.fptosi %get3A_340 : vector<16xf32> to vector<16xi32>
    %swap3A_342 = arith.constant 32 : index
    %swap3A_343 = tpu.vector_load %arg28[%swap3A_342] {strides = array<i32>} : memref<640xi32, #tpu.memory_space<vmem>>, vector<16xi32>,
    %swap3A_344 = vector.shape_cast %swap3A_343 : vector<16xi32> to vector<16xi32>
    %swap3A_345 = vector.shape_cast %convert_element_type3A_341 : vector<16xi32> to vector<16xi32>
    tpu.vector_store %arg28[%swap3A_342], %swap3A_345 {strides = array<i32>} : memref<640xi32, #tpu.memory_space<vmem>>, vector<16xi32>,
    %get3A_346 = arith.constant 48 : index
    %get3A_347 = tpu.vector_load %arg23[%get3A_346] {strides = array<i32>} : memref<640xf32, #tpu.memory_space<vmem>>, vector<16xf32>,
    %get3A_348 = vector.shape_cast %get3A_347 : vector<16xf32> to vector<16xf32>
    %convert_element_type3A_349 = arith.fptosi %get3A_348 : vector<16xf32> to vector<16xi32>
    %swap3A_350 = arith.constant 48 : index
    %swap3A_351 = tpu.vector_load %arg28[%swap3A_350] {strides = array<i32>} : memref<640xi32, #tpu.memory_space<vmem>>, vector<16xi32>,
    %swap3A_352 = vector.shape_cast %swap3A_351 : vector<16xi32> to vector<16xi32>
    %swap3A_353 = vector.shape_cast %convert_element_type3A_349 : vector<16xi32> to vector<16xi32>
    tpu.vector_store %arg28[%swap3A_350], %swap3A_353 {strides = array<i32>} : memref<640xi32, #tpu.memory_space<vmem>>, vector<16xi32>,
    %get3A_354 = arith.constant 64 : index
    %get3A_355 = tpu.vector_load %arg23[%get3A_354] {strides = array<i32>} : memref<640xf32, #tpu.memory_space<vmem>>, vector<16xf32>,
    %get3A_356 = vector.shape_cast %get3A_355 : vector<16xf32> to vector<16xf32>
    %convert_element_type3A_357 = arith.fptosi %get3A_356 : vector<16xf32> to vector<16xi32>
    %swap3A_358 = arith.constant 64 : index
    %swap3A_359 = tpu.vector_load %arg28[%swap3A_358] {strides = array<i32>} : memref<640xi32, #tpu.memory_space<vmem>>, vector<16xi32>,
    %swap3A_360 = vector.shape_cast %swap3A_359 : vector<16xi32> to vector<16xi32>
    %swap3A_361 = vector.shape_cast %convert_element_type3A_357 : vector<16xi32> to vector<16xi32>
    tpu.vector_store %arg28[%swap3A_358], %swap3A_361 {strides = array<i32>} : memref<640xi32, #tpu.memory_space<vmem>>, vector<16xi32>,
    %get3A_362 = arith.constant 80 : index
    %get3A_363 = tpu.vector_load %arg23[%get3A_362] {strides = array<i32>} : memref<640xf32, #tpu.memory_space<vmem>>, vector<16xf32>,
    %get3A_364 = vector.shape_cast %get3A_363 : vector<16xf32> to vector<16xf32>
    %convert_element_type3A_365 = arith.fptosi %get3A_364 : vector<16xf32> to vector<16xi32>
    %swap3A_366 = arith.constant 80 : index
    %swap3A_367 = tpu.vector_load %arg28[%swap3A_366] {strides = array<i32>} : memref<640xi32, #tpu.memory_space<vmem>>, vector<16xi32>,
    %swap3A_368 = vector.shape_cast %swap3A_367 : vector<16xi32> to vector<16xi32>
    %swap3A_369 = vector.shape_cast %convert_element_type3A_365 : vector<16xi32> to vector<16xi32>
    tpu.vector_store %arg28[%swap3A_366], %swap3A_369 {strides = array<i32>} : memref<640xi32, #tpu.memory_space<vmem>>, vector<16xi32>,
    %get3A_370 = arith.constant 96 : index
    %get3A_371 = tpu.vector_load %arg23[%get3A_370] {strides = array<i32>} : memref<640xf32, #tpu.memory_space<vmem>>, vector<16xf32>,
    %get3A_372 = vector.shape_cast %get3A_371 : vector<16xf32> to vector<16xf32>
    %convert_element_type3A_373 = arith.fptosi %get3A_372 : vector<16xf32> to vector<16xi32>
    %swap3A_374 = arith.constant 96 : index
    %swap3A_375 = tpu.vector_load %arg28[%swap3A_374] {strides = array<i32>} : memref<640xi32, #tpu.memory_space<vmem>>, vector<16xi32>,
    %swap3A_376 = vector.shape_cast %swap3A_375 : vector<16xi32> to vector<16xi32>
    %swap3A_377 = vector.shape_cast %convert_element_type3A_373 : vector<16xi32> to vector<16xi32>
    tpu.vector_store %arg28[%swap3A_374], %swap3A_377 {strides = array<i32>} : memref<640xi32, #tpu.memory_space<vmem>>, vector<16xi32>,
    %get3A_378 = arith.constant 112 : index
    %get3A_379 = tpu.vector_load %arg23[%get3A_378] {strides = array<i32>} : memref<640xf32, #tpu.memory_space<vmem>>, vector<16xf32>,
    %get3A_380 = vector.shape_cast %get3A_379 : vector<16xf32> to vector<16xf32>
    %convert_element_type3A_381 = arith.fptosi %get3A_380 : vector<16xf32> to vector<16xi32>
    %swap3A_382 = arith.constant 112 : index
    %swap3A_383 = tpu.vector_load %arg28[%swap3A_382] {strides = array<i32>} : memref<640xi32, #tpu.memory_space<vmem>>, vector<16xi32>,
    %swap3A_384 = vector.shape_cast %swap3A_383 : vector<16xi32> to vector<16xi32>
    %swap3A_385 = vector.shape_cast %convert_element_type3A_381 : vector<16xi32> to vector<16xi32>
    tpu.vector_store %arg28[%swap3A_382], %swap3A_385 {strides = array<i32>} : memref<640xi32, #tpu.memory_space<vmem>>, vector<16xi32>,
    %get3A_386 = arith.constant 128 : index
    %get3A_387 = tpu.vector_load %arg23[%get3A_386] {strides = array<i32>} : memref<640xf32, #tpu.memory_space<vmem>>, vector<16xf32>,
    %get3A_388 = vector.shape_cast %get3A_387 : vector<16xf32> to vector<16xf32>
    %convert_element_type3A_389 = arith.fptosi %get3A_388 : vector<16xf32> to vector<16xi32>
    %swap3A_390 = arith.constant 128 : index
    %swap3A_391 = tpu.vector_load %arg28[%swap3A_390] {strides = array<i32>} : memref<640xi32, #tpu.memory_space<vmem>>, vector<16xi32>,
    %swap3A_392 = vector.shape_cast %swap3A_391 : vector<16xi32> to vector<16xi32>
    %swap3A_393 = vector.shape_cast %convert_element_type3A_389 : vector<16xi32> to vector<16xi32>
    tpu.vector_store %arg28[%swap3A_390], %swap3A_393 {strides = array<i32>} : memref<640xi32, #tpu.memory_space<vmem>>, vector<16xi32>,
    %get3A_394 = arith.constant 144 : index
    %get3A_395 = tpu.vector_load %arg23[%get3A_394] {strides = array<i32>} : memref<640xf32, #tpu.memory_space<vmem>>, vector<16xf32>,
    %get3A_396 = vector.shape_cast %get3A_395 : vector<16xf32> to vector<16xf32>
    %convert_element_type3A_397 = arith.fptosi %get3A_396 : vector<16xf32> to vector<16xi32>
    %swap3A_398 = arith.constant 144 : index
    %swap3A_399 = tpu.vector_load %arg28[%swap3A_398] {strides = array<i32>} : memref<640xi32, #tpu.memory_space<vmem>>, vector<16xi32>,
    %swap3A_400 = vector.shape_cast %swap3A_399 : vector<16xi32> to vector<16xi32>
    %swap3A_401 = vector.shape_cast %convert_element_type3A_397 : vector<16xi32> to vector<16xi32>
    tpu.vector_store %arg28[%swap3A_398], %swap3A_401 {strides = array<i32>} : memref<640xi32, #tpu.memory_space<vmem>>, vector<16xi32>,
    %get3A_402 = arith.constant 160 : index
    %get3A_403 = tpu.vector_load %arg23[%get3A_402] {strides = array<i32>} : memref<640xf32, #tpu.memory_space<vmem>>, vector<16xf32>,
    %get3A_404 = vector.shape_cast %get3A_403 : vector<16xf32> to vector<16xf32>
    %convert_element_type3A_405 = arith.fptosi %get3A_404 : vector<16xf32> to vector<16xi32>
    %swap3A_406 = arith.constant 160 : index
    %swap3A_407 = tpu.vector_load %arg28[%swap3A_406] {strides = array<i32>} : memref<640xi32, #tpu.memory_space<vmem>>, vector<16xi32>,
    %swap3A_408 = vector.shape_cast %swap3A_407 : vector<16xi32> to vector<16xi32>
    %swap3A_409 = vector.shape_cast %convert_element_type3A_405 : vector<16xi32> to vector<16xi32>
    tpu.vector_store %arg28[%swap3A_406], %swap3A_409 {strides = array<i32>} : memref<640xi32, #tpu.memory_space<vmem>>, vector<16xi32>,
    %get3A_410 = arith.constant 176 : index
    %get3A_411 = tpu.vector_load %arg23[%get3A_410] {strides = array<i32>} : memref<640xf32, #tpu.memory_space<vmem>>, vector<16xf32>,
    %get3A_412 = vector.shape_cast %get3A_411 : vector<16xf32> to vector<16xf32>
    %convert_element_type3A_413 = arith.fptosi %get3A_412 : vector<16xf32> to vector<16xi32>
    %swap3A_414 = arith.constant 176 : index
    %swap3A_415 = tpu.vector_load %arg28[%swap3A_414] {strides = array<i32>} : memref<640xi32, #tpu.memory_space<vmem>>, vector<16xi32>,
    %swap3A_416 = vector.shape_cast %swap3A_415 : vector<16xi32> to vector<16xi32>
    %swap3A_417 = vector.shape_cast %convert_element_type3A_413 : vector<16xi32> to vector<16xi32>
    tpu.vector_store %arg28[%swap3A_414], %swap3A_417 {strides = array<i32>} : memref<640xi32, #tpu.memory_space<vmem>>, vector<16xi32>,
    %get3A_418 = arith.constant 192 : index
    %get3A_419 = tpu.vector_load %arg23[%get3A_418] {strides = array<i32>} : memref<640xf32, #tpu.memory_space<vmem>>, vector<16xf32>,
    %get3A_420 = vector.shape_cast %get3A_419 : vector<16xf32> to vector<16xf32>
    %convert_element_type3A_421 = arith.fptosi %get3A_420 : vector<16xf32> to vector<16xi32>
    %swap3A_422 = arith.constant 192 : index
    %swap3A_423 = tpu.vector_load %arg28[%swap3A_422] {strides = array<i32>} : memref<640xi32, #tpu.memory_space<vmem>>, vector<16xi32>,
    %swap3A_424 = vector.shape_cast %swap3A_423 : vector<16xi32> to vector<16xi32>
    %swap3A_425 = vector.shape_cast %convert_element_type3A_421 : vector<16xi32> to vector<16xi32>
    tpu.vector_store %arg28[%swap3A_422], %swap3A_425 {strides = array<i32>} : memref<640xi32, #tpu.memory_space<vmem>>, vector<16xi32>,
    %get3A_426 = arith.constant 208 : index
    %get3A_427 = tpu.vector_load %arg23[%get3A_426] {strides = array<i32>} : memref<640xf32, #tpu.memory_space<vmem>>, vector<16xf32>,
    %get3A_428 = vector.shape_cast %get3A_427 : vector<16xf32> to vector<16xf32>
    %convert_element_type3A_429 = arith.fptosi %get3A_428 : vector<16xf32> to vector<16xi32>
    %swap3A_430 = arith.constant 208 : index
    %swap3A_431 = tpu.vector_load %arg28[%swap3A_430] {strides = array<i32>} : memref<640xi32, #tpu.memory_space<vmem>>, vector<16xi32>,
    %swap3A_432 = vector.shape_cast %swap3A_431 : vector<16xi32> to vector<16xi32>
    %swap3A_433 = vector.shape_cast %convert_element_type3A_429 : vector<16xi32> to vector<16xi32>
    tpu.vector_store %arg28[%swap3A_430], %swap3A_433 {strides = array<i32>} : memref<640xi32, #tpu.memory_space<vmem>>, vector<16xi32>,
    %get3A_434 = arith.constant 224 : index
    %get3A_435 = tpu.vector_load %arg23[%get3A_434] {strides = array<i32>} : memref<640xf32, #tpu.memory_space<vmem>>, vector<16xf32>,
    %get3A_436 = vector.shape_cast %get3A_435 : vector<16xf32> to vector<16xf32>
    %convert_element_type3A_437 = arith.fptosi %get3A_436 : vector<16xf32> to vector<16xi32>
    %swap3A_438 = arith.constant 224 : index
    %swap3A_439 = tpu.vector_load %arg28[%swap3A_438] {strides = array<i32>} : memref<640xi32, #tpu.memory_space<vmem>>, vector<16xi32>,
    %swap3A_440 = vector.shape_cast %swap3A_439 : vector<16xi32> to vector<16xi32>
    %swap3A_441 = vector.shape_cast %convert_element_type3A_437 : vector<16xi32> to vector<16xi32>
    tpu.vector_store %arg28[%swap3A_438], %swap3A_441 {strides = array<i32>} : memref<640xi32, #tpu.memory_space<vmem>>, vector<16xi32>,
    %get3A_442 = arith.constant 240 : index
    %get3A_443 = tpu.vector_load %arg23[%get3A_442] {strides = array<i32>} : memref<640xf32, #tpu.memory_space<vmem>>, vector<16xf32>,
    %get3A_444 = vector.shape_cast %get3A_443 : vector<16xf32> to vector<16xf32>
    %convert_element_type3A_445 = arith.fptosi %get3A_444 : vector<16xf32> to vector<16xi32>
    %swap3A_446 = arith.constant 240 : index
    %swap3A_447 = tpu.vector_load %arg28[%swap3A_446] {strides = array<i32>} : memref<640xi32, #tpu.memory_space<vmem>>, vector<16xi32>,
    %swap3A_448 = vector.shape_cast %swap3A_447 : vector<16xi32> to vector<16xi32>
    %swap3A_449 = vector.shape_cast %convert_element_type3A_445 : vector<16xi32> to vector<16xi32>
    tpu.vector_store %arg28[%swap3A_446], %swap3A_449 {strides = array<i32>} : memref<640xi32, #tpu.memory_space<vmem>>, vector<16xi32>,
    %get3A_450 = arith.constant 256 : index
    %get3A_451 = tpu.vector_load %arg23[%get3A_450] {strides = array<i32>} : memref<640xf32, #tpu.memory_space<vmem>>, vector<16xf32>,
    %get3A_452 = vector.shape_cast %get3A_451 : vector<16xf32> to vector<16xf32>
    %convert_element_type3A_453 = arith.fptosi %get3A_452 : vector<16xf32> to vector<16xi32>
    %swap3A_454 = arith.constant 256 : index
    %swap3A_455 = tpu.vector_load %arg28[%swap3A_454] {strides = array<i32>} : memref<640xi32, #tpu.memory_space<vmem>>, vector<16xi32>,
    %swap3A_456 = vector.shape_cast %swap3A_455 : vector<16xi32> to vector<16xi32>
    %swap3A_457 = vector.shape_cast %convert_element_type3A_453 : vector<16xi32> to vector<16xi32>
    tpu.vector_store %arg28[%swap3A_454], %swap3A_457 {strides = array<i32>} : memref<640xi32, #tpu.memory_space<vmem>>, vector<16xi32>,
    %get3A_458 = arith.constant 272 : index
    %get3A_459 = tpu.vector_load %arg23[%get3A_458] {strides = array<i32>} : memref<640xf32, #tpu.memory_space<vmem>>, vector<16xf32>,
    %get3A_460 = vector.shape_cast %get3A_459 : vector<16xf32> to vector<16xf32>
    %convert_element_type3A_461 = arith.fptosi %get3A_460 : vector<16xf32> to vector<16xi32>
    %swap3A_462 = arith.constant 272 : index
    %swap3A_463 = tpu.vector_load %arg28[%swap3A_462] {strides = array<i32>} : memref<640xi32, #tpu.memory_space<vmem>>, vector<16xi32>,
    %swap3A_464 = vector.shape_cast %swap3A_463 : vector<16xi32> to vector<16xi32>
    %swap3A_465 = vector.shape_cast %convert_element_type3A_461 : vector<16xi32> to vector<16xi32>
    tpu.vector_store %arg28[%swap3A_462], %swap3A_465 {strides = array<i32>} : memref<640xi32, #tpu.memory_space<vmem>>, vector<16xi32>,
    %get3A_466 = arith.constant 288 : index
    %get3A_467 = tpu.vector_load %arg23[%get3A_466] {strides = array<i32>} : memref<640xf32, #tpu.memory_space<vmem>>, vector<16xf32>,
    %get3A_468 = vector.shape_cast %get3A_467 : vector<16xf32> to vector<16xf32>
    %convert_element_type3A_469 = arith.fptosi %get3A_468 : vector<16xf32> to vector<16xi32>
    %swap3A_470 = arith.constant 288 : index
    %swap3A_471 = tpu.vector_load %arg28[%swap3A_470] {strides = array<i32>} : memref<640xi32, #tpu.memory_space<vmem>>, vector<16xi32>,
    %swap3A_472 = vector.shape_cast %swap3A_471 : vector<16xi32> to vector<16xi32>
    %swap3A_473 = vector.shape_cast %convert_element_type3A_469 : vector<16xi32> to vector<16xi32>
    tpu.vector_store %arg28[%swap3A_470], %swap3A_473 {strides = array<i32>} : memref<640xi32, #tpu.memory_space<vmem>>, vector<16xi32>,
    %get3A_474 = arith.constant 304 : index
    %get3A_475 = tpu.vector_load %arg23[%get3A_474] {strides = array<i32>} : memref<640xf32, #tpu.memory_space<vmem>>, vector<16xf32>,
    %get3A_476 = vector.shape_cast %get3A_475 : vector<16xf32> to vector<16xf32>
    %convert_element_type3A_477 = arith.fptosi %get3A_476 : vector<16xf32> to vector<16xi32>
    %swap3A_478 = arith.constant 304 : index
    %swap3A_479 = tpu.vector_load %arg28[%swap3A_478] {strides = array<i32>} : memref<640xi32, #tpu.memory_space<vmem>>, vector<16xi32>,
    %swap3A_480 = vector.shape_cast %swap3A_479 : vector<16xi32> to vector<16xi32>
    %swap3A_481 = vector.shape_cast %convert_element_type3A_477 : vector<16xi32> to vector<16xi32>
    tpu.vector_store %arg28[%swap3A_478], %swap3A_481 {strides = array<i32>} : memref<640xi32, #tpu.memory_space<vmem>>, vector<16xi32>,
    %get3A_482 = arith.constant 320 : index
    %get3A_483 = tpu.vector_load %arg23[%get3A_482] {strides = array<i32>} : memref<640xf32, #tpu.memory_space<vmem>>, vector<16xf32>,
    %get3A_484 = vector.shape_cast %get3A_483 : vector<16xf32> to vector<16xf32>
    %convert_element_type3A_485 = arith.fptosi %get3A_484 : vector<16xf32> to vector<16xi32>
    %swap3A_486 = arith.constant 320 : index
    %swap3A_487 = tpu.vector_load %arg28[%swap3A_486] {strides = array<i32>} : memref<640xi32, #tpu.memory_space<vmem>>, vector<16xi32>,
    %swap3A_488 = vector.shape_cast %swap3A_487 : vector<16xi32> to vector<16xi32>
    %swap3A_489 = vector.shape_cast %convert_element_type3A_485 : vector<16xi32> to vector<16xi32>
    tpu.vector_store %arg28[%swap3A_486], %swap3A_489 {strides = array<i32>} : memref<640xi32, #tpu.memory_space<vmem>>, vector<16xi32>,
    %get3A_490 = arith.constant 336 : index
    %get3A_491 = tpu.vector_load %arg23[%get3A_490] {strides = array<i32>} : memref<640xf32, #tpu.memory_space<vmem>>, vector<16xf32>,
    %get3A_492 = vector.shape_cast %get3A_491 : vector<16xf32> to vector<16xf32>
    %convert_element_type3A_493 = arith.fptosi %get3A_492 : vector<16xf32> to vector<16xi32>
    %swap3A_494 = arith.constant 336 : index
    %swap3A_495 = tpu.vector_load %arg28[%swap3A_494] {strides = array<i32>} : memref<640xi32, #tpu.memory_space<vmem>>, vector<16xi32>,
    %swap3A_496 = vector.shape_cast %swap3A_495 : vector<16xi32> to vector<16xi32>
    %swap3A_497 = vector.shape_cast %convert_element_type3A_493 : vector<16xi32> to vector<16xi32>
    tpu.vector_store %arg28[%swap3A_494], %swap3A_497 {strides = array<i32>} : memref<640xi32, #tpu.memory_space<vmem>>, vector<16xi32>,
    %get3A_498 = arith.constant 352 : index
    %get3A_499 = tpu.vector_load %arg23[%get3A_498] {strides = array<i32>} : memref<640xf32, #tpu.memory_space<vmem>>, vector<16xf32>,
    %get3A_500 = vector.shape_cast %get3A_499 : vector<16xf32> to vector<16xf32>
    %convert_element_type3A_501 = arith.fptosi %get3A_500 : vector<16xf32> to vector<16xi32>
    %swap3A_502 = arith.constant 352 : index
    %swap3A_503 = tpu.vector_load %arg28[%swap3A_502] {strides = array<i32>} : memref<640xi32, #tpu.memory_space<vmem>>, vector<16xi32>,
    %swap3A_504 = vector.shape_cast %swap3A_503 : vector<16xi32> to vector<16xi32>
    %swap3A_505 = vector.shape_cast %convert_element_type3A_501 : vector<16xi32> to vector<16xi32>
    tpu.vector_store %arg28[%swap3A_502], %swap3A_505 {strides = array<i32>} : memref<640xi32, #tpu.memory_space<vmem>>, vector<16xi32>,
    %get3A_506 = arith.constant 368 : index
    %get3A_507 = tpu.vector_load %arg23[%get3A_506] {strides = array<i32>} : memref<640xf32, #tpu.memory_space<vmem>>, vector<16xf32>,
    %get3A_508 = vector.shape_cast %get3A_507 : vector<16xf32> to vector<16xf32>
    %convert_element_type3A_509 = arith.fptosi %get3A_508 : vector<16xf32> to vector<16xi32>
    %swap3A_510 = arith.constant 368 : index
    %swap3A_511 = tpu.vector_load %arg28[%swap3A_510] {strides = array<i32>} : memref<640xi32, #tpu.memory_space<vmem>>, vector<16xi32>,
    %swap3A_512 = vector.shape_cast %swap3A_511 : vector<16xi32> to vector<16xi32>
    %swap3A_513 = vector.shape_cast %convert_element_type3A_509 : vector<16xi32> to vector<16xi32>
    tpu.vector_store %arg28[%swap3A_510], %swap3A_513 {strides = array<i32>} : memref<640xi32, #tpu.memory_space<vmem>>, vector<16xi32>,
    %get3A_514 = arith.constant 384 : index
    %get3A_515 = tpu.vector_load %arg23[%get3A_514] {strides = array<i32>} : memref<640xf32, #tpu.memory_space<vmem>>, vector<16xf32>,
    %get3A_516 = vector.shape_cast %get3A_515 : vector<16xf32> to vector<16xf32>
    %convert_element_type3A_517 = arith.fptosi %get3A_516 : vector<16xf32> to vector<16xi32>
    %swap3A_518 = arith.constant 384 : index
    %swap3A_519 = tpu.vector_load %arg28[%swap3A_518] {strides = array<i32>} : memref<640xi32, #tpu.memory_space<vmem>>, vector<16xi32>,
    %swap3A_520 = vector.shape_cast %swap3A_519 : vector<16xi32> to vector<16xi32>
    %swap3A_521 = vector.shape_cast %convert_element_type3A_517 : vector<16xi32> to vector<16xi32>
    tpu.vector_store %arg28[%swap3A_518], %swap3A_521 {strides = array<i32>} : memref<640xi32, #tpu.memory_space<vmem>>, vector<16xi32>,
    %get3A_522 = arith.constant 400 : index
    %get3A_523 = tpu.vector_load %arg23[%get3A_522] {strides = array<i32>} : memref<640xf32, #tpu.memory_space<vmem>>, vector<16xf32>,
    %get3A_524 = vector.shape_cast %get3A_523 : vector<16xf32> to vector<16xf32>
    %convert_element_type3A_525 = arith.fptosi %get3A_524 : vector<16xf32> to vector<16xi32>
    %swap3A_526 = arith.constant 400 : index
    %swap3A_527 = tpu.vector_load %arg28[%swap3A_526] {strides = array<i32>} : memref<640xi32, #tpu.memory_space<vmem>>, vector<16xi32>,
    %swap3A_528 = vector.shape_cast %swap3A_527 : vector<16xi32> to vector<16xi32>
    %swap3A_529 = vector.shape_cast %convert_element_type3A_525 : vector<16xi32> to vector<16xi32>
    tpu.vector_store %arg28[%swap3A_526], %swap3A_529 {strides = array<i32>} : memref<640xi32, #tpu.memory_space<vmem>>, vector<16xi32>,
    %get3A_530 = arith.constant 416 : index
    %get3A_531 = tpu.vector_load %arg23[%get3A_530] {strides = array<i32>} : memref<640xf32, #tpu.memory_space<vmem>>, vector<16xf32>,
    %get3A_532 = vector.shape_cast %get3A_531 : vector<16xf32> to vector<16xf32>
    %convert_element_type3A_533 = arith.fptosi %get3A_532 : vector<16xf32> to vector<16xi32>
    %swap3A_534 = arith.constant 416 : index
    %swap3A_535 = tpu.vector_load %arg28[%swap3A_534] {strides = array<i32>} : memref<640xi32, #tpu.memory_space<vmem>>, vector<16xi32>,
    %swap3A_536 = vector.shape_cast %swap3A_535 : vector<16xi32> to vector<16xi32>
    %swap3A_537 = vector.shape_cast %convert_element_type3A_533 : vector<16xi32> to vector<16xi32>
    tpu.vector_store %arg28[%swap3A_534], %swap3A_537 {strides = array<i32>} : memref<640xi32, #tpu.memory_space<vmem>>, vector<16xi32>,
    %get3A_538 = arith.constant 432 : index
    %get3A_539 = tpu.vector_load %arg23[%get3A_538] {strides = array<i32>} : memref<640xf32, #tpu.memory_space<vmem>>, vector<16xf32>,
    %get3A_540 = vector.shape_cast %get3A_539 : vector<16xf32> to vector<16xf32>
    %convert_element_type3A_541 = arith.fptosi %get3A_540 : vector<16xf32> to vector<16xi32>
    %swap3A_542 = arith.constant 432 : index
    %swap3A_543 = tpu.vector_load %arg28[%swap3A_542] {strides = array<i32>} : memref<640xi32, #tpu.memory_space<vmem>>, vector<16xi32>,
    %swap3A_544 = vector.shape_cast %swap3A_543 : vector<16xi32> to vector<16xi32>
    %swap3A_545 = vector.shape_cast %convert_element_type3A_541 : vector<16xi32> to vector<16xi32>
    tpu.vector_store %arg28[%swap3A_542], %swap3A_545 {strides = array<i32>} : memref<640xi32, #tpu.memory_space<vmem>>, vector<16xi32>,
    %get3A_546 = arith.constant 448 : index
    %get3A_547 = tpu.vector_load %arg23[%get3A_546] {strides = array<i32>} : memref<640xf32, #tpu.memory_space<vmem>>, vector<16xf32>,
    %get3A_548 = vector.shape_cast %get3A_547 : vector<16xf32> to vector<16xf32>
    %convert_element_type3A_549 = arith.fptosi %get3A_548 : vector<16xf32> to vector<16xi32>
    %swap3A_550 = arith.constant 448 : index
    %swap3A_551 = tpu.vector_load %arg28[%swap3A_550] {strides = array<i32>} : memref<640xi32, #tpu.memory_space<vmem>>, vector<16xi32>,
    %swap3A_552 = vector.shape_cast %swap3A_551 : vector<16xi32> to vector<16xi32>
    %swap3A_553 = vector.shape_cast %convert_element_type3A_549 : vector<16xi32> to vector<16xi32>
    tpu.vector_store %arg28[%swap3A_550], %swap3A_553 {strides = array<i32>} : memref<640xi32, #tpu.memory_space<vmem>>, vector<16xi32>,
    %get3A_554 = arith.constant 464 : index
    %get3A_555 = tpu.vector_load %arg23[%get3A_554] {strides = array<i32>} : memref<640xf32, #tpu.memory_space<vmem>>, vector<16xf32>,
    %get3A_556 = vector.shape_cast %get3A_555 : vector<16xf32> to vector<16xf32>
    %convert_element_type3A_557 = arith.fptosi %get3A_556 : vector<16xf32> to vector<16xi32>
    %swap3A_558 = arith.constant 464 : index
    %swap3A_559 = tpu.vector_load %arg28[%swap3A_558] {strides = array<i32>} : memref<640xi32, #tpu.memory_space<vmem>>, vector<16xi32>,
    %swap3A_560 = vector.shape_cast %swap3A_559 : vector<16xi32> to vector<16xi32>
    %swap3A_561 = vector.shape_cast %convert_element_type3A_557 : vector<16xi32> to vector<16xi32>
    tpu.vector_store %arg28[%swap3A_558], %swap3A_561 {strides = array<i32>} : memref<640xi32, #tpu.memory_space<vmem>>, vector<16xi32>,
    %get3A_562 = arith.constant 480 : index
    %get3A_563 = tpu.vector_load %arg23[%get3A_562] {strides = array<i32>} : memref<640xf32, #tpu.memory_space<vmem>>, vector<16xf32>,
    %get3A_564 = vector.shape_cast %get3A_563 : vector<16xf32> to vector<16xf32>
    %convert_element_type3A_565 = arith.fptosi %get3A_564 : vector<16xf32> to vector<16xi32>
    %swap3A_566 = arith.constant 480 : index
    %swap3A_567 = tpu.vector_load %arg28[%swap3A_566] {strides = array<i32>} : memref<640xi32, #tpu.memory_space<vmem>>, vector<16xi32>,
    %swap3A_568 = vector.shape_cast %swap3A_567 : vector<16xi32> to vector<16xi32>
    %swap3A_569 = vector.shape_cast %convert_element_type3A_565 : vector<16xi32> to vector<16xi32>
    tpu.vector_store %arg28[%swap3A_566], %swap3A_569 {strides = array<i32>} : memref<640xi32, #tpu.memory_space<vmem>>, vector<16xi32>,
    %get3A_570 = arith.constant 496 : index
    %get3A_571 = tpu.vector_load %arg23[%get3A_570] {strides = array<i32>} : memref<640xf32, #tpu.memory_space<vmem>>, vector<16xf32>,
    %get3A_572 = vector.shape_cast %get3A_571 : vector<16xf32> to vector<16xf32>
    %convert_element_type3A_573 = arith.fptosi %get3A_572 : vector<16xf32> to vector<16xi32>
    %swap3A_574 = arith.constant 496 : index
    %swap3A_575 = tpu.vector_load %arg28[%swap3A_574] {strides = array<i32>} : memref<640xi32, #tpu.memory_space<vmem>>, vector<16xi32>,
    %swap3A_576 = vector.shape_cast %swap3A_575 : vector<16xi32> to vector<16xi32>
    %swap3A_577 = vector.shape_cast %convert_element_type3A_573 : vector<16xi32> to vector<16xi32>
    tpu.vector_store %arg28[%swap3A_574], %swap3A_577 {strides = array<i32>} : memref<640xi32, #tpu.memory_space<vmem>>, vector<16xi32>,
    %get3A_578 = arith.constant 512 : index
    %get3A_579 = tpu.vector_load %arg23[%get3A_578] {strides = array<i32>} : memref<640xf32, #tpu.memory_space<vmem>>, vector<16xf32>,
    %get3A_580 = vector.shape_cast %get3A_579 : vector<16xf32> to vector<16xf32>
    %convert_element_type3A_581 = arith.fptosi %get3A_580 : vector<16xf32> to vector<16xi32>
    %swap3A_582 = arith.constant 512 : index
    %swap3A_583 = tpu.vector_load %arg28[%swap3A_582] {strides = array<i32>} : memref<640xi32, #tpu.memory_space<vmem>>, vector<16xi32>,
    %swap3A_584 = vector.shape_cast %swap3A_583 : vector<16xi32> to vector<16xi32>
    %swap3A_585 = vector.shape_cast %convert_element_type3A_581 : vector<16xi32> to vector<16xi32>
    tpu.vector_store %arg28[%swap3A_582], %swap3A_585 {strides = array<i32>} : memref<640xi32, #tpu.memory_space<vmem>>, vector<16xi32>,
    %get3A_586 = arith.constant 528 : index
    %get3A_587 = tpu.vector_load %arg23[%get3A_586] {strides = array<i32>} : memref<640xf32, #tpu.memory_space<vmem>>, vector<16xf32>,
    %get3A_588 = vector.shape_cast %get3A_587 : vector<16xf32> to vector<16xf32>
    %convert_element_type3A_589 = arith.fptosi %get3A_588 : vector<16xf32> to vector<16xi32>
    %swap3A_590 = arith.constant 528 : index
    %swap3A_591 = tpu.vector_load %arg28[%swap3A_590] {strides = array<i32>} : memref<640xi32, #tpu.memory_space<vmem>>, vector<16xi32>,
    %swap3A_592 = vector.shape_cast %swap3A_591 : vector<16xi32> to vector<16xi32>
    %swap3A_593 = vector.shape_cast %convert_element_type3A_589 : vector<16xi32> to vector<16xi32>
    tpu.vector_store %arg28[%swap3A_590], %swap3A_593 {strides = array<i32>} : memref<640xi32, #tpu.memory_space<vmem>>, vector<16xi32>,
    %get3A_594 = arith.constant 544 : index
    %get3A_595 = tpu.vector_load %arg23[%get3A_594] {strides = array<i32>} : memref<640xf32, #tpu.memory_space<vmem>>, vector<16xf32>,
    %get3A_596 = vector.shape_cast %get3A_595 : vector<16xf32> to vector<16xf32>
    %convert_element_type3A_597 = arith.fptosi %get3A_596 : vector<16xf32> to vector<16xi32>
    %swap3A_598 = arith.constant 544 : index
    %swap3A_599 = tpu.vector_load %arg28[%swap3A_598] {strides = array<i32>} : memref<640xi32, #tpu.memory_space<vmem>>, vector<16xi32>,
    %swap3A_600 = vector.shape_cast %swap3A_599 : vector<16xi32> to vector<16xi32>
    %swap3A_601 = vector.shape_cast %convert_element_type3A_597 : vector<16xi32> to vector<16xi32>
    tpu.vector_store %arg28[%swap3A_598], %swap3A_601 {strides = array<i32>} : memref<640xi32, #tpu.memory_space<vmem>>, vector<16xi32>,
    %get3A_602 = arith.constant 560 : index
    %get3A_603 = tpu.vector_load %arg23[%get3A_602] {strides = array<i32>} : memref<640xf32, #tpu.memory_space<vmem>>, vector<16xf32>,
    %get3A_604 = vector.shape_cast %get3A_603 : vector<16xf32> to vector<16xf32>
    %convert_element_type3A_605 = arith.fptosi %get3A_604 : vector<16xf32> to vector<16xi32>
    %swap3A_606 = arith.constant 560 : index
    %swap3A_607 = tpu.vector_load %arg28[%swap3A_606] {strides = array<i32>} : memref<640xi32, #tpu.memory_space<vmem>>, vector<16xi32>,
    %swap3A_608 = vector.shape_cast %swap3A_607 : vector<16xi32> to vector<16xi32>
    %swap3A_609 = vector.shape_cast %convert_element_type3A_605 : vector<16xi32> to vector<16xi32>
    tpu.vector_store %arg28[%swap3A_606], %swap3A_609 {strides = array<i32>} : memref<640xi32, #tpu.memory_space<vmem>>, vector<16xi32>,
    %get3A_610 = arith.constant 576 : index
    %get3A_611 = tpu.vector_load %arg23[%get3A_610] {strides = array<i32>} : memref<640xf32, #tpu.memory_space<vmem>>, vector<16xf32>,
    %get3A_612 = vector.shape_cast %get3A_611 : vector<16xf32> to vector<16xf32>
    %convert_element_type3A_613 = arith.fptosi %get3A_612 : vector<16xf32> to vector<16xi32>
    %swap3A_614 = arith.constant 576 : index
    %swap3A_615 = tpu.vector_load %arg28[%swap3A_614] {strides = array<i32>} : memref<640xi32, #tpu.memory_space<vmem>>, vector<16xi32>,
    %swap3A_616 = vector.shape_cast %swap3A_615 : vector<16xi32> to vector<16xi32>
    %swap3A_617 = vector.shape_cast %convert_element_type3A_613 : vector<16xi32> to vector<16xi32>
    tpu.vector_store %arg28[%swap3A_614], %swap3A_617 {strides = array<i32>} : memref<640xi32, #tpu.memory_space<vmem>>, vector<16xi32>,
    %get3A_618 = arith.constant 592 : index
    %get3A_619 = tpu.vector_load %arg23[%get3A_618] {strides = array<i32>} : memref<640xf32, #tpu.memory_space<vmem>>, vector<16xf32>,
    %get3A_620 = vector.shape_cast %get3A_619 : vector<16xf32> to vector<16xf32>
    %convert_element_type3A_621 = arith.fptosi %get3A_620 : vector<16xf32> to vector<16xi32>
    %swap3A_622 = arith.constant 592 : index
    %swap3A_623 = tpu.vector_load %arg28[%swap3A_622] {strides = array<i32>} : memref<640xi32, #tpu.memory_space<vmem>>, vector<16xi32>,
    %swap3A_624 = vector.shape_cast %swap3A_623 : vector<16xi32> to vector<16xi32>
    %swap3A_625 = vector.shape_cast %convert_element_type3A_621 : vector<16xi32> to vector<16xi32>
    tpu.vector_store %arg28[%swap3A_622], %swap3A_625 {strides = array<i32>} : memref<640xi32, #tpu.memory_space<vmem>>, vector<16xi32>,
    %get3A_626 = arith.constant 608 : index
    %get3A_627 = tpu.vector_load %arg23[%get3A_626] {strides = array<i32>} : memref<640xf32, #tpu.memory_space<vmem>>, vector<16xf32>,
    %get3A_628 = vector.shape_cast %get3A_627 : vector<16xf32> to vector<16xf32>
    %convert_element_type3A_629 = arith.fptosi %get3A_628 : vector<16xf32> to vector<16xi32>
    %swap3A_630 = arith.constant 608 : index
    %swap3A_631 = tpu.vector_load %arg28[%swap3A_630] {strides = array<i32>} : memref<640xi32, #tpu.memory_space<vmem>>, vector<16xi32>,
    %swap3A_632 = vector.shape_cast %swap3A_631 : vector<16xi32> to vector<16xi32>
    %swap3A_633 = vector.shape_cast %convert_element_type3A_629 : vector<16xi32> to vector<16xi32>
    tpu.vector_store %arg28[%swap3A_630], %swap3A_633 {strides = array<i32>} : memref<640xi32, #tpu.memory_space<vmem>>, vector<16xi32>,
    %get3A_634 = arith.constant 624 : index
    %get3A_635 = tpu.vector_load %arg23[%get3A_634] {strides = array<i32>} : memref<640xf32, #tpu.memory_space<vmem>>, vector<16xf32>,
    %get3A_636 = vector.shape_cast %get3A_635 : vector<16xf32> to vector<16xf32>
    %convert_element_type3A_637 = arith.fptosi %get3A_636 : vector<16xf32> to vector<16xi32>
    %swap3A_638 = arith.constant 624 : index
    %swap3A_639 = tpu.vector_load %arg28[%swap3A_638] {strides = array<i32>} : memref<640xi32, #tpu.memory_space<vmem>>, vector<16xi32>,
    %swap3A_640 = vector.shape_cast %swap3A_639 : vector<16xi32> to vector<16xi32>
    %swap3A_641 = vector.shape_cast %convert_element_type3A_637 : vector<16xi32> to vector<16xi32>
    tpu.vector_store %arg28[%swap3A_638], %swap3A_641 {strides = array<i32>} : memref<640xi32, #tpu.memory_space<vmem>>, vector<16xi32>,
    %dma_start3A_642 = arith.constant 0 : i32
    %dma_start3A_643 = tpu.memref_slice %arg10[%dma_start3A_642] : memref<20000xf32, #tpu.memory_space<hbm>> -> memref<20000xf32, #tpu.memory_space<hbm>>
    tpu.enqueue_indirect_dma source(%dma_start3A_643 : memref<20000xf32, #tpu.memory_space<hbm>>) target(%arg24 : memref<640xf32, #tpu.memory_space<vmem>>) offsets(%arg28 : memref<640xi32, #tpu.memory_space<vmem>>) semaphore(%arg29 : memref<!tpu.dma_semaphore, #tpu.memory_space<semaphore_mem>>)
    %dma_start3A_644 = arith.constant 0 : i32
    %dma_start3A_645 = tpu.memref_slice %arg11[%dma_start3A_644] : memref<20000xf32, #tpu.memory_space<hbm>> -> memref<20000xf32, #tpu.memory_space<hbm>>
    tpu.enqueue_indirect_dma source(%dma_start3A_645 : memref<20000xf32, #tpu.memory_space<hbm>>) target(%arg25 : memref<640xf32, #tpu.memory_space<vmem>>) offsets(%arg28 : memref<640xi32, #tpu.memory_space<vmem>>) semaphore(%arg29 : memref<!tpu.dma_semaphore, #tpu.memory_space<semaphore_mem>>)
    %dma_start3A_646 = arith.constant 0 : i32
    %dma_start3A_647 = tpu.memref_slice %arg12[%dma_start3A_646] : memref<20000xf32, #tpu.memory_space<hbm>> -> memref<20000xf32, #tpu.memory_space<hbm>>
    tpu.enqueue_indirect_dma source(%dma_start3A_647 : memref<20000xf32, #tpu.memory_space<hbm>>) target(%arg26 : memref<640xf32, #tpu.memory_space<vmem>>) offsets(%arg28 : memref<640xi32, #tpu.memory_space<vmem>>) semaphore(%arg29 : memref<!tpu.dma_semaphore, #tpu.memory_space<semaphore_mem>>)
    %dma_wait3A_648 = arith.constant 0 : i32
    %dma_wait3A_649 = tpu.memref_slice %arg10[%dma_wait3A_648] : memref<20000xf32, #tpu.memory_space<hbm>> -> memref<20000xf32, #tpu.memory_space<hbm>>
    tpu.wait_indirect_dma semaphore(%arg29 : memref<!tpu.dma_semaphore, #tpu.memory_space<semaphore_mem>>) src(%dma_wait3A_649 : memref<20000xf32, #tpu.memory_space<hbm>>) dst(%arg24 : memref<640xf32, #tpu.memory_space<vmem>>)
    %dma_wait3A_650 = arith.constant 0 : i32
    %dma_wait3A_651 = tpu.memref_slice %arg11[%dma_wait3A_650] : memref<20000xf32, #tpu.memory_space<hbm>> -> memref<20000xf32, #tpu.memory_space<hbm>>
    tpu.wait_indirect_dma semaphore(%arg29 : memref<!tpu.dma_semaphore, #tpu.memory_space<semaphore_mem>>) src(%dma_wait3A_651 : memref<20000xf32, #tpu.memory_space<hbm>>) dst(%arg25 : memref<640xf32, #tpu.memory_space<vmem>>)
    %dma_wait3A_652 = arith.constant 0 : i32
    %dma_wait3A_653 = tpu.memref_slice %arg12[%dma_wait3A_652] : memref<20000xf32, #tpu.memory_space<hbm>> -> memref<20000xf32, #tpu.memory_space<hbm>>
    tpu.wait_indirect_dma semaphore(%arg29 : memref<!tpu.dma_semaphore, #tpu.memory_space<semaphore_mem>>) src(%dma_wait3A_653 : memref<20000xf32, #tpu.memory_space<hbm>>) dst(%arg26 : memref<640xf32, #tpu.memory_space<vmem>>)
    %get3A_654 = arith.constant 0 : index
    %get3A_655 = tpu.vector_load %arg24[%get3A_654] {strides = array<i32>} : memref<640xf32, #tpu.memory_space<vmem>>, vector<16xf32>,
    %get3A_656 = vector.shape_cast %get3A_655 : vector<16xf32> to vector<16xf32>
    %get3A_657 = arith.constant 0 : index
    %get3A_658 = tpu.vector_load %arg16[%get3A_657] {strides = array<i32>} : memref<640xf32, #tpu.memory_space<vmem>>, vector<16xf32>,
    %get3A_659 = vector.shape_cast %get3A_658 : vector<16xf32> to vector<16xf32>
    %get3A_660 = arith.constant 0 : index
    %get3A_661 = tpu.vector_load %arg19[%get3A_660] {strides = array<i32>} : memref<640xf32, #tpu.memory_space<vmem>>, vector<16xf32>,
    %get3A_662 = vector.shape_cast %get3A_661 : vector<16xf32> to vector<16xf32>
    %add3A_663 = arith.addf %get3A_659, %get3A_662 : vector<16xf32>
    %sub3A = arith.subf %get3A_656, %add3A_663 : vector<16xf32>
    %get3A_664 = arith.constant 0 : index
    %get3A_665 = tpu.vector_load %arg25[%get3A_664] {strides = array<i32>} : memref<640xf32, #tpu.memory_space<vmem>>, vector<16xf32>,
    %get3A_666 = vector.shape_cast %get3A_665 : vector<16xf32> to vector<16xf32>
    %get3A_667 = arith.constant 0 : index
    %get3A_668 = tpu.vector_load %arg17[%get3A_667] {strides = array<i32>} : memref<640xf32, #tpu.memory_space<vmem>>, vector<16xf32>,
    %get3A_669 = vector.shape_cast %get3A_668 : vector<16xf32> to vector<16xf32>
    %get3A_670 = arith.constant 0 : index
    %get3A_671 = tpu.vector_load %arg20[%get3A_670] {strides = array<i32>} : memref<640xf32, #tpu.memory_space<vmem>>, vector<16xf32>,
    %get3A_672 = vector.shape_cast %get3A_671 : vector<16xf32> to vector<16xf32>
    %add3A_673 = arith.addf %get3A_669, %get3A_672 : vector<16xf32>
    %sub3A_674 = arith.subf %get3A_666, %add3A_673 : vector<16xf32>
    %get3A_675 = arith.constant 0 : index
    %get3A_676 = tpu.vector_load %arg26[%get3A_675] {strides = array<i32>} : memref<640xf32, #tpu.memory_space<vmem>>, vector<16xf32>,
    %get3A_677 = vector.shape_cast %get3A_676 : vector<16xf32> to vector<16xf32>
    %get3A_678 = arith.constant 0 : index
    %get3A_679 = tpu.vector_load %arg18[%get3A_678] {strides = array<i32>} : memref<640xf32, #tpu.memory_space<vmem>>, vector<16xf32>,
    %get3A_680 = vector.shape_cast %get3A_679 : vector<16xf32> to vector<16xf32>
    %get3A_681 = arith.constant 0 : index
    %get3A_682 = tpu.vector_load %arg21[%get3A_681] {strides = array<i32>} : memref<640xf32, #tpu.memory_space<vmem>>, vector<16xf32>,
    %get3A_683 = vector.shape_cast %get3A_682 : vector<16xf32> to vector<16xf32>
    %add3A_684 = arith.addf %get3A_680, %get3A_683 : vector<16xf32>
    %sub3A_685 = arith.subf %get3A_677, %add3A_684 : vector<16xf32>
    %mul3A_686 = arith.mulf %sub3A, %sub3A : vector<16xf32>
    %mul3A_687 = arith.mulf %sub3A_674, %sub3A_674 : vector<16xf32>
    %add3A_688 = arith.addf %mul3A_686, %mul3A_687 : vector<16xf32>
    %mul3A_689 = arith.mulf %sub3A_685, %sub3A_685 : vector<16xf32>
    %add3A_690 = arith.addf %add3A_688, %mul3A_689 : vector<16xf32>
    %swap3A_691 = arith.constant 0 : index
    %swap3A_692 = tpu.vector_load %arg27[%swap3A_691] {strides = array<i32>} : memref<640xf32, #tpu.memory_space<vmem>>, vector<16xf32>,
    %swap3A_693 = vector.shape_cast %swap3A_692 : vector<16xf32> to vector<16xf32>
    %swap3A_694 = vector.shape_cast %add3A_690 : vector<16xf32> to vector<16xf32>
    tpu.vector_store %arg27[%swap3A_691], %swap3A_694 {strides = array<i32>} : memref<640xf32, #tpu.memory_space<vmem>>, vector<16xf32>,
    %get3A_695 = arith.constant 16 : index
    %get3A_696 = tpu.vector_load %arg24[%get3A_695] {strides = array<i32>} : memref<640xf32, #tpu.memory_space<vmem>>, vector<16xf32>,
    %get3A_697 = vector.shape_cast %get3A_696 : vector<16xf32> to vector<16xf32>
    %get3A_698 = arith.constant 16 : index
    %get3A_699 = tpu.vector_load %arg16[%get3A_698] {strides = array<i32>} : memref<640xf32, #tpu.memory_space<vmem>>, vector<16xf32>,
    %get3A_700 = vector.shape_cast %get3A_699 : vector<16xf32> to vector<16xf32>
    %get3A_701 = arith.constant 16 : index
    %get3A_702 = tpu.vector_load %arg19[%get3A_701] {strides = array<i32>} : memref<640xf32, #tpu.memory_space<vmem>>, vector<16xf32>,
    %get3A_703 = vector.shape_cast %get3A_702 : vector<16xf32> to vector<16xf32>
    %add3A_704 = arith.addf %get3A_700, %get3A_703 : vector<16xf32>
    %sub3A_705 = arith.subf %get3A_697, %add3A_704 : vector<16xf32>
    %get3A_706 = arith.constant 16 : index
    %get3A_707 = tpu.vector_load %arg25[%get3A_706] {strides = array<i32>} : memref<640xf32, #tpu.memory_space<vmem>>, vector<16xf32>,
    %get3A_708 = vector.shape_cast %get3A_707 : vector<16xf32> to vector<16xf32>
    %get3A_709 = arith.constant 16 : index
    %get3A_710 = tpu.vector_load %arg17[%get3A_709] {strides = array<i32>} : memref<640xf32, #tpu.memory_space<vmem>>, vector<16xf32>,
    %get3A_711 = vector.shape_cast %get3A_710 : vector<16xf32> to vector<16xf32>
    %get3A_712 = arith.constant 16 : index
    %get3A_713 = tpu.vector_load %arg20[%get3A_712] {strides = array<i32>} : memref<640xf32, #tpu.memory_space<vmem>>, vector<16xf32>,
    %get3A_714 = vector.shape_cast %get3A_713 : vector<16xf32> to vector<16xf32>
    %add3A_715 = arith.addf %get3A_711, %get3A_714 : vector<16xf32>
    %sub3A_716 = arith.subf %get3A_708, %add3A_715 : vector<16xf32>
    %get3A_717 = arith.constant 16 : index
    %get3A_718 = tpu.vector_load %arg26[%get3A_717] {strides = array<i32>} : memref<640xf32, #tpu.memory_space<vmem>>, vector<16xf32>,
    %get3A_719 = vector.shape_cast %get3A_718 : vector<16xf32> to vector<16xf32>
    %get3A_720 = arith.constant 16 : index
    %get3A_721 = tpu.vector_load %arg18[%get3A_720] {strides = array<i32>} : memref<640xf32, #tpu.memory_space<vmem>>, vector<16xf32>,
    %get3A_722 = vector.shape_cast %get3A_721 : vector<16xf32> to vector<16xf32>
    %get3A_723 = arith.constant 16 : index
    %get3A_724 = tpu.vector_load %arg21[%get3A_723] {strides = array<i32>} : memref<640xf32, #tpu.memory_space<vmem>>, vector<16xf32>,
    %get3A_725 = vector.shape_cast %get3A_724 : vector<16xf32> to vector<16xf32>
    %add3A_726 = arith.addf %get3A_722, %get3A_725 : vector<16xf32>
    %sub3A_727 = arith.subf %get3A_719, %add3A_726 : vector<16xf32>
    %mul3A_728 = arith.mulf %sub3A_705, %sub3A_705 : vector<16xf32>
    %mul3A_729 = arith.mulf %sub3A_716, %sub3A_716 : vector<16xf32>
    %add3A_730 = arith.addf %mul3A_728, %mul3A_729 : vector<16xf32>
    %mul3A_731 = arith.mulf %sub3A_727, %sub3A_727 : vector<16xf32>
    %add3A_732 = arith.addf %add3A_730, %mul3A_731 : vector<16xf32>
    %swap3A_733 = arith.constant 16 : index
    %swap3A_734 = tpu.vector_load %arg27[%swap3A_733] {strides = array<i32>} : memref<640xf32, #tpu.memory_space<vmem>>, vector<16xf32>,
    %swap3A_735 = vector.shape_cast %swap3A_734 : vector<16xf32> to vector<16xf32>
    %swap3A_736 = vector.shape_cast %add3A_732 : vector<16xf32> to vector<16xf32>
    tpu.vector_store %arg27[%swap3A_733], %swap3A_736 {strides = array<i32>} : memref<640xf32, #tpu.memory_space<vmem>>, vector<16xf32>,
    %get3A_737 = arith.constant 32 : index
    %get3A_738 = tpu.vector_load %arg24[%get3A_737] {strides = array<i32>} : memref<640xf32, #tpu.memory_space<vmem>>, vector<16xf32>,
    %get3A_739 = vector.shape_cast %get3A_738 : vector<16xf32> to vector<16xf32>
    %get3A_740 = arith.constant 32 : index
    %get3A_741 = tpu.vector_load %arg16[%get3A_740] {strides = array<i32>} : memref<640xf32, #tpu.memory_space<vmem>>, vector<16xf32>,
    %get3A_742 = vector.shape_cast %get3A_741 : vector<16xf32> to vector<16xf32>
    %get3A_743 = arith.constant 32 : index
    %get3A_744 = tpu.vector_load %arg19[%get3A_743] {strides = array<i32>} : memref<640xf32, #tpu.memory_space<vmem>>, vector<16xf32>,
    %get3A_745 = vector.shape_cast %get3A_744 : vector<16xf32> to vector<16xf32>
    %add3A_746 = arith.addf %get3A_742, %get3A_745 : vector<16xf32>
    %sub3A_747 = arith.subf %get3A_739, %add3A_746 : vector<16xf32>
    %get3A_748 = arith.constant 32 : index
    %get3A_749 = tpu.vector_load %arg25[%get3A_748] {strides = array<i32>} : memref<640xf32, #tpu.memory_space<vmem>>, vector<16xf32>,
    %get3A_750 = vector.shape_cast %get3A_749 : vector<16xf32> to vector<16xf32>
    %get3A_751 = arith.constant 32 : index
    %get3A_752 = tpu.vector_load %arg17[%get3A_751] {strides = array<i32>} : memref<640xf32, #tpu.memory_space<vmem>>, vector<16xf32>,
    %get3A_753 = vector.shape_cast %get3A_752 : vector<16xf32> to vector<16xf32>
    %get3A_754 = arith.constant 32 : index
    %get3A_755 = tpu.vector_load %arg20[%get3A_754] {strides = array<i32>} : memref<640xf32, #tpu.memory_space<vmem>>, vector<16xf32>,
    %get3A_756 = vector.shape_cast %get3A_755 : vector<16xf32> to vector<16xf32>
    %add3A_757 = arith.addf %get3A_753, %get3A_756 : vector<16xf32>
    %sub3A_758 = arith.subf %get3A_750, %add3A_757 : vector<16xf32>
    %get3A_759 = arith.constant 32 : index
    %get3A_760 = tpu.vector_load %arg26[%get3A_759] {strides = array<i32>} : memref<640xf32, #tpu.memory_space<vmem>>, vector<16xf32>,
    %get3A_761 = vector.shape_cast %get3A_760 : vector<16xf32> to vector<16xf32>
    %get3A_762 = arith.constant 32 : index
    %get3A_763 = tpu.vector_load %arg18[%get3A_762] {strides = array<i32>} : memref<640xf32, #tpu.memory_space<vmem>>, vector<16xf32>,
    %get3A_764 = vector.shape_cast %get3A_763 : vector<16xf32> to vector<16xf32>
    %get3A_765 = arith.constant 32 : index
    %get3A_766 = tpu.vector_load %arg21[%get3A_765] {strides = array<i32>} : memref<640xf32, #tpu.memory_space<vmem>>, vector<16xf32>,
    %get3A_767 = vector.shape_cast %get3A_766 : vector<16xf32> to vector<16xf32>
    %add3A_768 = arith.addf %get3A_764, %get3A_767 : vector<16xf32>
    %sub3A_769 = arith.subf %get3A_761, %add3A_768 : vector<16xf32>
    %mul3A_770 = arith.mulf %sub3A_747, %sub3A_747 : vector<16xf32>
    %mul3A_771 = arith.mulf %sub3A_758, %sub3A_758 : vector<16xf32>
    %add3A_772 = arith.addf %mul3A_770, %mul3A_771 : vector<16xf32>
    %mul3A_773 = arith.mulf %sub3A_769, %sub3A_769 : vector<16xf32>
    %add3A_774 = arith.addf %add3A_772, %mul3A_773 : vector<16xf32>
    %swap3A_775 = arith.constant 32 : index
    %swap3A_776 = tpu.vector_load %arg27[%swap3A_775] {strides = array<i32>} : memref<640xf32, #tpu.memory_space<vmem>>, vector<16xf32>,
    %swap3A_777 = vector.shape_cast %swap3A_776 : vector<16xf32> to vector<16xf32>
    %swap3A_778 = vector.shape_cast %add3A_774 : vector<16xf32> to vector<16xf32>
    tpu.vector_store %arg27[%swap3A_775], %swap3A_778 {strides = array<i32>} : memref<640xf32, #tpu.memory_space<vmem>>, vector<16xf32>,
    %get3A_779 = arith.constant 48 : index
    %get3A_780 = tpu.vector_load %arg24[%get3A_779] {strides = array<i32>} : memref<640xf32, #tpu.memory_space<vmem>>, vector<16xf32>,
    %get3A_781 = vector.shape_cast %get3A_780 : vector<16xf32> to vector<16xf32>
    %get3A_782 = arith.constant 48 : index
    %get3A_783 = tpu.vector_load %arg16[%get3A_782] {strides = array<i32>} : memref<640xf32, #tpu.memory_space<vmem>>, vector<16xf32>,
    %get3A_784 = vector.shape_cast %get3A_783 : vector<16xf32> to vector<16xf32>
    %get3A_785 = arith.constant 48 : index
    %get3A_786 = tpu.vector_load %arg19[%get3A_785] {strides = array<i32>} : memref<640xf32, #tpu.memory_space<vmem>>, vector<16xf32>,
    %get3A_787 = vector.shape_cast %get3A_786 : vector<16xf32> to vector<16xf32>
    %add3A_788 = arith.addf %get3A_784, %get3A_787 : vector<16xf32>
    %sub3A_789 = arith.subf %get3A_781, %add3A_788 : vector<16xf32>
    %get3A_790 = arith.constant 48 : index
    %get3A_791 = tpu.vector_load %arg25[%get3A_790] {strides = array<i32>} : memref<640xf32, #tpu.memory_space<vmem>>, vector<16xf32>,
    %get3A_792 = vector.shape_cast %get3A_791 : vector<16xf32> to vector<16xf32>
    %get3A_793 = arith.constant 48 : index
    %get3A_794 = tpu.vector_load %arg17[%get3A_793] {strides = array<i32>} : memref<640xf32, #tpu.memory_space<vmem>>, vector<16xf32>,
    %get3A_795 = vector.shape_cast %get3A_794 : vector<16xf32> to vector<16xf32>
    %get3A_796 = arith.constant 48 : index
    %get3A_797 = tpu.vector_load %arg20[%get3A_796] {strides = array<i32>} : memref<640xf32, #tpu.memory_space<vmem>>, vector<16xf32>,
    %get3A_798 = vector.shape_cast %get3A_797 : vector<16xf32> to vector<16xf32>
    %add3A_799 = arith.addf %get3A_795, %get3A_798 : vector<16xf32>
    %sub3A_800 = arith.subf %get3A_792, %add3A_799 : vector<16xf32>
    %get3A_801 = arith.constant 48 : index
    %get3A_802 = tpu.vector_load %arg26[%get3A_801] {strides = array<i32>} : memref<640xf32, #tpu.memory_space<vmem>>, vector<16xf32>,
    %get3A_803 = vector.shape_cast %get3A_802 : vector<16xf32> to vector<16xf32>
    %get3A_804 = arith.constant 48 : index
    %get3A_805 = tpu.vector_load %arg18[%get3A_804] {strides = array<i32>} : memref<640xf32, #tpu.memory_space<vmem>>, vector<16xf32>,
    %get3A_806 = vector.shape_cast %get3A_805 : vector<16xf32> to vector<16xf32>
    %get3A_807 = arith.constant 48 : index
    %get3A_808 = tpu.vector_load %arg21[%get3A_807] {strides = array<i32>} : memref<640xf32, #tpu.memory_space<vmem>>, vector<16xf32>,
    %get3A_809 = vector.shape_cast %get3A_808 : vector<16xf32> to vector<16xf32>
    %add3A_810 = arith.addf %get3A_806, %get3A_809 : vector<16xf32>
    %sub3A_811 = arith.subf %get3A_803, %add3A_810 : vector<16xf32>
    %mul3A_812 = arith.mulf %sub3A_789, %sub3A_789 : vector<16xf32>
    %mul3A_813 = arith.mulf %sub3A_800, %sub3A_800 : vector<16xf32>
    %add3A_814 = arith.addf %mul3A_812, %mul3A_813 : vector<16xf32>
    %mul3A_815 = arith.mulf %sub3A_811, %sub3A_811 : vector<16xf32>
    %add3A_816 = arith.addf %add3A_814, %mul3A_815 : vector<16xf32>
    %swap3A_817 = arith.constant 48 : index
    %swap3A_818 = tpu.vector_load %arg27[%swap3A_817] {strides = array<i32>} : memref<640xf32, #tpu.memory_space<vmem>>, vector<16xf32>,
    %swap3A_819 = vector.shape_cast %swap3A_818 : vector<16xf32> to vector<16xf32>
    %swap3A_820 = vector.shape_cast %add3A_816 : vector<16xf32> to vector<16xf32>
    tpu.vector_store %arg27[%swap3A_817], %swap3A_820 {strides = array<i32>} : memref<640xf32, #tpu.memory_space<vmem>>, vector<16xf32>,
    %get3A_821 = arith.constant 64 : index
    %get3A_822 = tpu.vector_load %arg24[%get3A_821] {strides = array<i32>} : memref<640xf32, #tpu.memory_space<vmem>>, vector<16xf32>,
    %get3A_823 = vector.shape_cast %get3A_822 : vector<16xf32> to vector<16xf32>
    %get3A_824 = arith.constant 64 : index
    %get3A_825 = tpu.vector_load %arg16[%get3A_824] {strides = array<i32>} : memref<640xf32, #tpu.memory_space<vmem>>, vector<16xf32>,
    %get3A_826 = vector.shape_cast %get3A_825 : vector<16xf32> to vector<16xf32>
    %get3A_827 = arith.constant 64 : index
    %get3A_828 = tpu.vector_load %arg19[%get3A_827] {strides = array<i32>} : memref<640xf32, #tpu.memory_space<vmem>>, vector<16xf32>,
    %get3A_829 = vector.shape_cast %get3A_828 : vector<16xf32> to vector<16xf32>
    %add3A_830 = arith.addf %get3A_826, %get3A_829 : vector<16xf32>
    %sub3A_831 = arith.subf %get3A_823, %add3A_830 : vector<16xf32>
    %get3A_832 = arith.constant 64 : index
    %get3A_833 = tpu.vector_load %arg25[%get3A_832] {strides = array<i32>} : memref<640xf32, #tpu.memory_space<vmem>>, vector<16xf32>,
    %get3A_834 = vector.shape_cast %get3A_833 : vector<16xf32> to vector<16xf32>
    %get3A_835 = arith.constant 64 : index
    %get3A_836 = tpu.vector_load %arg17[%get3A_835] {strides = array<i32>} : memref<640xf32, #tpu.memory_space<vmem>>, vector<16xf32>,
    %get3A_837 = vector.shape_cast %get3A_836 : vector<16xf32> to vector<16xf32>
    %get3A_838 = arith.constant 64 : index
    %get3A_839 = tpu.vector_load %arg20[%get3A_838] {strides = array<i32>} : memref<640xf32, #tpu.memory_space<vmem>>, vector<16xf32>,
    %get3A_840 = vector.shape_cast %get3A_839 : vector<16xf32> to vector<16xf32>
    %add3A_841 = arith.addf %get3A_837, %get3A_840 : vector<16xf32>
    %sub3A_842 = arith.subf %get3A_834, %add3A_841 : vector<16xf32>
    %get3A_843 = arith.constant 64 : index
    %get3A_844 = tpu.vector_load %arg26[%get3A_843] {strides = array<i32>} : memref<640xf32, #tpu.memory_space<vmem>>, vector<16xf32>,
    %get3A_845 = vector.shape_cast %get3A_844 : vector<16xf32> to vector<16xf32>
    %get3A_846 = arith.constant 64 : index
    %get3A_847 = tpu.vector_load %arg18[%get3A_846] {strides = array<i32>} : memref<640xf32, #tpu.memory_space<vmem>>, vector<16xf32>,
    %get3A_848 = vector.shape_cast %get3A_847 : vector<16xf32> to vector<16xf32>
    %get3A_849 = arith.constant 64 : index
    %get3A_850 = tpu.vector_load %arg21[%get3A_849] {strides = array<i32>} : memref<640xf32, #tpu.memory_space<vmem>>, vector<16xf32>,
    %get3A_851 = vector.shape_cast %get3A_850 : vector<16xf32> to vector<16xf32>
    %add3A_852 = arith.addf %get3A_848, %get3A_851 : vector<16xf32>
    %sub3A_853 = arith.subf %get3A_845, %add3A_852 : vector<16xf32>
    %mul3A_854 = arith.mulf %sub3A_831, %sub3A_831 : vector<16xf32>
    %mul3A_855 = arith.mulf %sub3A_842, %sub3A_842 : vector<16xf32>
    %add3A_856 = arith.addf %mul3A_854, %mul3A_855 : vector<16xf32>
    %mul3A_857 = arith.mulf %sub3A_853, %sub3A_853 : vector<16xf32>
    %add3A_858 = arith.addf %add3A_856, %mul3A_857 : vector<16xf32>
    %swap3A_859 = arith.constant 64 : index
    %swap3A_860 = tpu.vector_load %arg27[%swap3A_859] {strides = array<i32>} : memref<640xf32, #tpu.memory_space<vmem>>, vector<16xf32>,
    %swap3A_861 = vector.shape_cast %swap3A_860 : vector<16xf32> to vector<16xf32>
    %swap3A_862 = vector.shape_cast %add3A_858 : vector<16xf32> to vector<16xf32>
    tpu.vector_store %arg27[%swap3A_859], %swap3A_862 {strides = array<i32>} : memref<640xf32, #tpu.memory_space<vmem>>, vector<16xf32>,
    %get3A_863 = arith.constant 80 : index
    %get3A_864 = tpu.vector_load %arg24[%get3A_863] {strides = array<i32>} : memref<640xf32, #tpu.memory_space<vmem>>, vector<16xf32>,
    %get3A_865 = vector.shape_cast %get3A_864 : vector<16xf32> to vector<16xf32>
    %get3A_866 = arith.constant 80 : index
    %get3A_867 = tpu.vector_load %arg16[%get3A_866] {strides = array<i32>} : memref<640xf32, #tpu.memory_space<vmem>>, vector<16xf32>,
    %get3A_868 = vector.shape_cast %get3A_867 : vector<16xf32> to vector<16xf32>
    %get3A_869 = arith.constant 80 : index
    %get3A_870 = tpu.vector_load %arg19[%get3A_869] {strides = array<i32>} : memref<640xf32, #tpu.memory_space<vmem>>, vector<16xf32>,
    %get3A_871 = vector.shape_cast %get3A_870 : vector<16xf32> to vector<16xf32>
    %add3A_872 = arith.addf %get3A_868, %get3A_871 : vector<16xf32>
    %sub3A_873 = arith.subf %get3A_865, %add3A_872 : vector<16xf32>
    %get3A_874 = arith.constant 80 : index
    %get3A_875 = tpu.vector_load %arg25[%get3A_874] {strides = array<i32>} : memref<640xf32, #tpu.memory_space<vmem>>, vector<16xf32>,
    %get3A_876 = vector.shape_cast %get3A_875 : vector<16xf32> to vector<16xf32>
    %get3A_877 = arith.constant 80 : index
    %get3A_878 = tpu.vector_load %arg17[%get3A_877] {strides = array<i32>} : memref<640xf32, #tpu.memory_space<vmem>>, vector<16xf32>,
    %get3A_879 = vector.shape_cast %get3A_878 : vector<16xf32> to vector<16xf32>
    %get3A_880 = arith.constant 80 : index
    %get3A_881 = tpu.vector_load %arg20[%get3A_880] {strides = array<i32>} : memref<640xf32, #tpu.memory_space<vmem>>, vector<16xf32>,
    %get3A_882 = vector.shape_cast %get3A_881 : vector<16xf32> to vector<16xf32>
    %add3A_883 = arith.addf %get3A_879, %get3A_882 : vector<16xf32>
    %sub3A_884 = arith.subf %get3A_876, %add3A_883 : vector<16xf32>
    %get3A_885 = arith.constant 80 : index
    %get3A_886 = tpu.vector_load %arg26[%get3A_885] {strides = array<i32>} : memref<640xf32, #tpu.memory_space<vmem>>, vector<16xf32>,
    %get3A_887 = vector.shape_cast %get3A_886 : vector<16xf32> to vector<16xf32>
    %get3A_888 = arith.constant 80 : index
    %get3A_889 = tpu.vector_load %arg18[%get3A_888] {strides = array<i32>} : memref<640xf32, #tpu.memory_space<vmem>>, vector<16xf32>,
    %get3A_890 = vector.shape_cast %get3A_889 : vector<16xf32> to vector<16xf32>
    %get3A_891 = arith.constant 80 : index
    %get3A_892 = tpu.vector_load %arg21[%get3A_891] {strides = array<i32>} : memref<640xf32, #tpu.memory_space<vmem>>, vector<16xf32>,
    %get3A_893 = vector.shape_cast %get3A_892 : vector<16xf32> to vector<16xf32>
    %add3A_894 = arith.addf %get3A_890, %get3A_893 : vector<16xf32>
    %sub3A_895 = arith.subf %get3A_887, %add3A_894 : vector<16xf32>
    %mul3A_896 = arith.mulf %sub3A_873, %sub3A_873 : vector<16xf32>
    %mul3A_897 = arith.mulf %sub3A_884, %sub3A_884 : vector<16xf32>
    %add3A_898 = arith.addf %mul3A_896, %mul3A_897 : vector<16xf32>
    %mul3A_899 = arith.mulf %sub3A_895, %sub3A_895 : vector<16xf32>
    %add3A_900 = arith.addf %add3A_898, %mul3A_899 : vector<16xf32>
    %swap3A_901 = arith.constant 80 : index
    %swap3A_902 = tpu.vector_load %arg27[%swap3A_901] {strides = array<i32>} : memref<640xf32, #tpu.memory_space<vmem>>, vector<16xf32>,
    %swap3A_903 = vector.shape_cast %swap3A_902 : vector<16xf32> to vector<16xf32>
    %swap3A_904 = vector.shape_cast %add3A_900 : vector<16xf32> to vector<16xf32>
    tpu.vector_store %arg27[%swap3A_901], %swap3A_904 {strides = array<i32>} : memref<640xf32, #tpu.memory_space<vmem>>, vector<16xf32>,
    %get3A_905 = arith.constant 96 : index
    %get3A_906 = tpu.vector_load %arg24[%get3A_905] {strides = array<i32>} : memref<640xf32, #tpu.memory_space<vmem>>, vector<16xf32>,
    %get3A_907 = vector.shape_cast %get3A_906 : vector<16xf32> to vector<16xf32>
    %get3A_908 = arith.constant 96 : index
    %get3A_909 = tpu.vector_load %arg16[%get3A_908] {strides = array<i32>} : memref<640xf32, #tpu.memory_space<vmem>>, vector<16xf32>,
    %get3A_910 = vector.shape_cast %get3A_909 : vector<16xf32> to vector<16xf32>
    %get3A_911 = arith.constant 96 : index
    %get3A_912 = tpu.vector_load %arg19[%get3A_911] {strides = array<i32>} : memref<640xf32, #tpu.memory_space<vmem>>, vector<16xf32>,
    %get3A_913 = vector.shape_cast %get3A_912 : vector<16xf32> to vector<16xf32>
    %add3A_914 = arith.addf %get3A_910, %get3A_913 : vector<16xf32>
    %sub3A_915 = arith.subf %get3A_907, %add3A_914 : vector<16xf32>
    %get3A_916 = arith.constant 96 : index
    %get3A_917 = tpu.vector_load %arg25[%get3A_916] {strides = array<i32>} : memref<640xf32, #tpu.memory_space<vmem>>, vector<16xf32>,
    %get3A_918 = vector.shape_cast %get3A_917 : vector<16xf32> to vector<16xf32>
    %get3A_919 = arith.constant 96 : index
    %get3A_920 = tpu.vector_load %arg17[%get3A_919] {strides = array<i32>} : memref<640xf32, #tpu.memory_space<vmem>>, vector<16xf32>,
    %get3A_921 = vector.shape_cast %get3A_920 : vector<16xf32> to vector<16xf32>
    %get3A_922 = arith.constant 96 : index
    %get3A_923 = tpu.vector_load %arg20[%get3A_922] {strides = array<i32>} : memref<640xf32, #tpu.memory_space<vmem>>, vector<16xf32>,
    %get3A_924 = vector.shape_cast %get3A_923 : vector<16xf32> to vector<16xf32>
    %add3A_925 = arith.addf %get3A_921, %get3A_924 : vector<16xf32>
    %sub3A_926 = arith.subf %get3A_918, %add3A_925 : vector<16xf32>
    %get3A_927 = arith.constant 96 : index
    %get3A_928 = tpu.vector_load %arg26[%get3A_927] {strides = array<i32>} : memref<640xf32, #tpu.memory_space<vmem>>, vector<16xf32>,
    %get3A_929 = vector.shape_cast %get3A_928 : vector<16xf32> to vector<16xf32>
    %get3A_930 = arith.constant 96 : index
    %get3A_931 = tpu.vector_load %arg18[%get3A_930] {strides = array<i32>} : memref<640xf32, #tpu.memory_space<vmem>>, vector<16xf32>,
    %get3A_932 = vector.shape_cast %get3A_931 : vector<16xf32> to vector<16xf32>
    %get3A_933 = arith.constant 96 : index
    %get3A_934 = tpu.vector_load %arg21[%get3A_933] {strides = array<i32>} : memref<640xf32, #tpu.memory_space<vmem>>, vector<16xf32>,
    %get3A_935 = vector.shape_cast %get3A_934 : vector<16xf32> to vector<16xf32>
    %add3A_936 = arith.addf %get3A_932, %get3A_935 : vector<16xf32>
    %sub3A_937 = arith.subf %get3A_929, %add3A_936 : vector<16xf32>
    %mul3A_938 = arith.mulf %sub3A_915, %sub3A_915 : vector<16xf32>
    %mul3A_939 = arith.mulf %sub3A_926, %sub3A_926 : vector<16xf32>
    %add3A_940 = arith.addf %mul3A_938, %mul3A_939 : vector<16xf32>
    %mul3A_941 = arith.mulf %sub3A_937, %sub3A_937 : vector<16xf32>
    %add3A_942 = arith.addf %add3A_940, %mul3A_941 : vector<16xf32>
    %swap3A_943 = arith.constant 96 : index
    %swap3A_944 = tpu.vector_load %arg27[%swap3A_943] {strides = array<i32>} : memref<640xf32, #tpu.memory_space<vmem>>, vector<16xf32>,
    %swap3A_945 = vector.shape_cast %swap3A_944 : vector<16xf32> to vector<16xf32>
    %swap3A_946 = vector.shape_cast %add3A_942 : vector<16xf32> to vector<16xf32>
    tpu.vector_store %arg27[%swap3A_943], %swap3A_946 {strides = array<i32>} : memref<640xf32, #tpu.memory_space<vmem>>, vector<16xf32>,
    %get3A_947 = arith.constant 112 : index
    %get3A_948 = tpu.vector_load %arg24[%get3A_947] {strides = array<i32>} : memref<640xf32, #tpu.memory_space<vmem>>, vector<16xf32>,
    %get3A_949 = vector.shape_cast %get3A_948 : vector<16xf32> to vector<16xf32>
    %get3A_950 = arith.constant 112 : index
    %get3A_951 = tpu.vector_load %arg16[%get3A_950] {strides = array<i32>} : memref<640xf32, #tpu.memory_space<vmem>>, vector<16xf32>,
    %get3A_952 = vector.shape_cast %get3A_951 : vector<16xf32> to vector<16xf32>
    %get3A_953 = arith.constant 112 : index
    %get3A_954 = tpu.vector_load %arg19[%get3A_953] {strides = array<i32>} : memref<640xf32, #tpu.memory_space<vmem>>, vector<16xf32>,
    %get3A_955 = vector.shape_cast %get3A_954 : vector<16xf32> to vector<16xf32>
    %add3A_956 = arith.addf %get3A_952, %get3A_955 : vector<16xf32>
    %sub3A_957 = arith.subf %get3A_949, %add3A_956 : vector<16xf32>
    %get3A_958 = arith.constant 112 : index
    %get3A_959 = tpu.vector_load %arg25[%get3A_958] {strides = array<i32>} : memref<640xf32, #tpu.memory_space<vmem>>, vector<16xf32>,
    %get3A_960 = vector.shape_cast %get3A_959 : vector<16xf32> to vector<16xf32>
    %get3A_961 = arith.constant 112 : index
    %get3A_962 = tpu.vector_load %arg17[%get3A_961] {strides = array<i32>} : memref<640xf32, #tpu.memory_space<vmem>>, vector<16xf32>,
    %get3A_963 = vector.shape_cast %get3A_962 : vector<16xf32> to vector<16xf32>
    %get3A_964 = arith.constant 112 : index
    %get3A_965 = tpu.vector_load %arg20[%get3A_964] {strides = array<i32>} : memref<640xf32, #tpu.memory_space<vmem>>, vector<16xf32>,
    %get3A_966 = vector.shape_cast %get3A_965 : vector<16xf32> to vector<16xf32>
    %add3A_967 = arith.addf %get3A_963, %get3A_966 : vector<16xf32>
    %sub3A_968 = arith.subf %get3A_960, %add3A_967 : vector<16xf32>
    %get3A_969 = arith.constant 112 : index
    %get3A_970 = tpu.vector_load %arg26[%get3A_969] {strides = array<i32>} : memref<640xf32, #tpu.memory_space<vmem>>, vector<16xf32>,
    %get3A_971 = vector.shape_cast %get3A_970 : vector<16xf32> to vector<16xf32>
    %get3A_972 = arith.constant 112 : index
    %get3A_973 = tpu.vector_load %arg18[%get3A_972] {strides = array<i32>} : memref<640xf32, #tpu.memory_space<vmem>>, vector<16xf32>,
    %get3A_974 = vector.shape_cast %get3A_973 : vector<16xf32> to vector<16xf32>
    %get3A_975 = arith.constant 112 : index
    %get3A_976 = tpu.vector_load %arg21[%get3A_975] {strides = array<i32>} : memref<640xf32, #tpu.memory_space<vmem>>, vector<16xf32>,
    %get3A_977 = vector.shape_cast %get3A_976 : vector<16xf32> to vector<16xf32>
    %add3A_978 = arith.addf %get3A_974, %get3A_977 : vector<16xf32>
    %sub3A_979 = arith.subf %get3A_971, %add3A_978 : vector<16xf32>
    %mul3A_980 = arith.mulf %sub3A_957, %sub3A_957 : vector<16xf32>
    %mul3A_981 = arith.mulf %sub3A_968, %sub3A_968 : vector<16xf32>
    %add3A_982 = arith.addf %mul3A_980, %mul3A_981 : vector<16xf32>
    %mul3A_983 = arith.mulf %sub3A_979, %sub3A_979 : vector<16xf32>
    %add3A_984 = arith.addf %add3A_982, %mul3A_983 : vector<16xf32>
    %swap3A_985 = arith.constant 112 : index
    %swap3A_986 = tpu.vector_load %arg27[%swap3A_985] {strides = array<i32>} : memref<640xf32, #tpu.memory_space<vmem>>, vector<16xf32>,
    %swap3A_987 = vector.shape_cast %swap3A_986 : vector<16xf32> to vector<16xf32>
    %swap3A_988 = vector.shape_cast %add3A_984 : vector<16xf32> to vector<16xf32>
    tpu.vector_store %arg27[%swap3A_985], %swap3A_988 {strides = array<i32>} : memref<640xf32, #tpu.memory_space<vmem>>, vector<16xf32>,
    %get3A_989 = arith.constant 128 : index
    %get3A_990 = tpu.vector_load %arg24[%get3A_989] {strides = array<i32>} : memref<640xf32, #tpu.memory_space<vmem>>, vector<16xf32>,
    %get3A_991 = vector.shape_cast %get3A_990 : vector<16xf32> to vector<16xf32>
    %get3A_992 = arith.constant 128 : index
    %get3A_993 = tpu.vector_load %arg16[%get3A_992] {strides = array<i32>} : memref<640xf32, #tpu.memory_space<vmem>>, vector<16xf32>,
    %get3A_994 = vector.shape_cast %get3A_993 : vector<16xf32> to vector<16xf32>
    %get3A_995 = arith.constant 128 : index
    %get3A_996 = tpu.vector_load %arg19[%get3A_995] {strides = array<i32>} : memref<640xf32, #tpu.memory_space<vmem>>, vector<16xf32>,
    %get3A_997 = vector.shape_cast %get3A_996 : vector<16xf32> to vector<16xf32>
    %add3A_998 = arith.addf %get3A_994, %get3A_997 : vector<16xf32>
    %sub3A_999 = arith.subf %get3A_991, %add3A_998 : vector<16xf32>
    %get3A_1000 = arith.constant 128 : index
    %get3A_1001 = tpu.vector_load %arg25[%get3A_1000] {strides = array<i32>} : memref<640xf32, #tpu.memory_space<vmem>>, vector<16xf32>,
    %get3A_1002 = vector.shape_cast %get3A_1001 : vector<16xf32> to vector<16xf32>
    %get3A_1003 = arith.constant 128 : index
    %get3A_1004 = tpu.vector_load %arg17[%get3A_1003] {strides = array<i32>} : memref<640xf32, #tpu.memory_space<vmem>>, vector<16xf32>,
    %get3A_1005 = vector.shape_cast %get3A_1004 : vector<16xf32> to vector<16xf32>
    %get3A_1006 = arith.constant 128 : index
    %get3A_1007 = tpu.vector_load %arg20[%get3A_1006] {strides = array<i32>} : memref<640xf32, #tpu.memory_space<vmem>>, vector<16xf32>,
    %get3A_1008 = vector.shape_cast %get3A_1007 : vector<16xf32> to vector<16xf32>
    %add3A_1009 = arith.addf %get3A_1005, %get3A_1008 : vector<16xf32>
    %sub3A_1010 = arith.subf %get3A_1002, %add3A_1009 : vector<16xf32>
    %get3A_1011 = arith.constant 128 : index
    %get3A_1012 = tpu.vector_load %arg26[%get3A_1011] {strides = array<i32>} : memref<640xf32, #tpu.memory_space<vmem>>, vector<16xf32>,
    %get3A_1013 = vector.shape_cast %get3A_1012 : vector<16xf32> to vector<16xf32>
    %get3A_1014 = arith.constant 128 : index
    %get3A_1015 = tpu.vector_load %arg18[%get3A_1014] {strides = array<i32>} : memref<640xf32, #tpu.memory_space<vmem>>, vector<16xf32>,
    %get3A_1016 = vector.shape_cast %get3A_1015 : vector<16xf32> to vector<16xf32>
    %get3A_1017 = arith.constant 128 : index
    %get3A_1018 = tpu.vector_load %arg21[%get3A_1017] {strides = array<i32>} : memref<640xf32, #tpu.memory_space<vmem>>, vector<16xf32>,
    %get3A_1019 = vector.shape_cast %get3A_1018 : vector<16xf32> to vector<16xf32>
    %add3A_1020 = arith.addf %get3A_1016, %get3A_1019 : vector<16xf32>
    %sub3A_1021 = arith.subf %get3A_1013, %add3A_1020 : vector<16xf32>
    %mul3A_1022 = arith.mulf %sub3A_999, %sub3A_999 : vector<16xf32>
    %mul3A_1023 = arith.mulf %sub3A_1010, %sub3A_1010 : vector<16xf32>
    %add3A_1024 = arith.addf %mul3A_1022, %mul3A_1023 : vector<16xf32>
    %mul3A_1025 = arith.mulf %sub3A_1021, %sub3A_1021 : vector<16xf32>
    %add3A_1026 = arith.addf %add3A_1024, %mul3A_1025 : vector<16xf32>
    %swap3A_1027 = arith.constant 128 : index
    %swap3A_1028 = tpu.vector_load %arg27[%swap3A_1027] {strides = array<i32>} : memref<640xf32, #tpu.memory_space<vmem>>, vector<16xf32>,
    %swap3A_1029 = vector.shape_cast %swap3A_1028 : vector<16xf32> to vector<16xf32>
    %swap3A_1030 = vector.shape_cast %add3A_1026 : vector<16xf32> to vector<16xf32>
    tpu.vector_store %arg27[%swap3A_1027], %swap3A_1030 {strides = array<i32>} : memref<640xf32, #tpu.memory_space<vmem>>, vector<16xf32>,
    %get3A_1031 = arith.constant 144 : index
    %get3A_1032 = tpu.vector_load %arg24[%get3A_1031] {strides = array<i32>} : memref<640xf32, #tpu.memory_space<vmem>>, vector<16xf32>,
    %get3A_1033 = vector.shape_cast %get3A_1032 : vector<16xf32> to vector<16xf32>
    %get3A_1034 = arith.constant 144 : index
    %get3A_1035 = tpu.vector_load %arg16[%get3A_1034] {strides = array<i32>} : memref<640xf32, #tpu.memory_space<vmem>>, vector<16xf32>,
    %get3A_1036 = vector.shape_cast %get3A_1035 : vector<16xf32> to vector<16xf32>
    %get3A_1037 = arith.constant 144 : index
    %get3A_1038 = tpu.vector_load %arg19[%get3A_1037] {strides = array<i32>} : memref<640xf32, #tpu.memory_space<vmem>>, vector<16xf32>,
    %get3A_1039 = vector.shape_cast %get3A_1038 : vector<16xf32> to vector<16xf32>
    %add3A_1040 = arith.addf %get3A_1036, %get3A_1039 : vector<16xf32>
    %sub3A_1041 = arith.subf %get3A_1033, %add3A_1040 : vector<16xf32>
    %get3A_1042 = arith.constant 144 : index
    %get3A_1043 = tpu.vector_load %arg25[%get3A_1042] {strides = array<i32>} : memref<640xf32, #tpu.memory_space<vmem>>, vector<16xf32>,
    %get3A_1044 = vector.shape_cast %get3A_1043 : vector<16xf32> to vector<16xf32>
    %get3A_1045 = arith.constant 144 : index
    %get3A_1046 = tpu.vector_load %arg17[%get3A_1045] {strides = array<i32>} : memref<640xf32, #tpu.memory_space<vmem>>, vector<16xf32>,
    %get3A_1047 = vector.shape_cast %get3A_1046 : vector<16xf32> to vector<16xf32>
    %get3A_1048 = arith.constant 144 : index
    %get3A_1049 = tpu.vector_load %arg20[%get3A_1048] {strides = array<i32>} : memref<640xf32, #tpu.memory_space<vmem>>, vector<16xf32>,
    %get3A_1050 = vector.shape_cast %get3A_1049 : vector<16xf32> to vector<16xf32>
    %add3A_1051 = arith.addf %get3A_1047, %get3A_1050 : vector<16xf32>
    %sub3A_1052 = arith.subf %get3A_1044, %add3A_1051 : vector<16xf32>
    %get3A_1053 = arith.constant 144 : index
    %get3A_1054 = tpu.vector_load %arg26[%get3A_1053] {strides = array<i32>} : memref<640xf32, #tpu.memory_space<vmem>>, vector<16xf32>,
    %get3A_1055 = vector.shape_cast %get3A_1054 : vector<16xf32> to vector<16xf32>
    %get3A_1056 = arith.constant 144 : index
    %get3A_1057 = tpu.vector_load %arg18[%get3A_1056] {strides = array<i32>} : memref<640xf32, #tpu.memory_space<vmem>>, vector<16xf32>,
    %get3A_1058 = vector.shape_cast %get3A_1057 : vector<16xf32> to vector<16xf32>
    %get3A_1059 = arith.constant 144 : index
    %get3A_1060 = tpu.vector_load %arg21[%get3A_1059] {strides = array<i32>} : memref<640xf32, #tpu.memory_space<vmem>>, vector<16xf32>,
    %get3A_1061 = vector.shape_cast %get3A_1060 : vector<16xf32> to vector<16xf32>
    %add3A_1062 = arith.addf %get3A_1058, %get3A_1061 : vector<16xf32>
    %sub3A_1063 = arith.subf %get3A_1055, %add3A_1062 : vector<16xf32>
    %mul3A_1064 = arith.mulf %sub3A_1041, %sub3A_1041 : vector<16xf32>
    %mul3A_1065 = arith.mulf %sub3A_1052, %sub3A_1052 : vector<16xf32>
    %add3A_1066 = arith.addf %mul3A_1064, %mul3A_1065 : vector<16xf32>
    %mul3A_1067 = arith.mulf %sub3A_1063, %sub3A_1063 : vector<16xf32>
    %add3A_1068 = arith.addf %add3A_1066, %mul3A_1067 : vector<16xf32>
    %swap3A_1069 = arith.constant 144 : index
    %swap3A_1070 = tpu.vector_load %arg27[%swap3A_1069] {strides = array<i32>} : memref<640xf32, #tpu.memory_space<vmem>>, vector<16xf32>,
    %swap3A_1071 = vector.shape_cast %swap3A_1070 : vector<16xf32> to vector<16xf32>
    %swap3A_1072 = vector.shape_cast %add3A_1068 : vector<16xf32> to vector<16xf32>
    tpu.vector_store %arg27[%swap3A_1069], %swap3A_1072 {strides = array<i32>} : memref<640xf32, #tpu.memory_space<vmem>>, vector<16xf32>,
    %get3A_1073 = arith.constant 160 : index
    %get3A_1074 = tpu.vector_load %arg24[%get3A_1073] {strides = array<i32>} : memref<640xf32, #tpu.memory_space<vmem>>, vector<16xf32>,
    %get3A_1075 = vector.shape_cast %get3A_1074 : vector<16xf32> to vector<16xf32>
    %get3A_1076 = arith.constant 160 : index
    %get3A_1077 = tpu.vector_load %arg16[%get3A_1076] {strides = array<i32>} : memref<640xf32, #tpu.memory_space<vmem>>, vector<16xf32>,
    %get3A_1078 = vector.shape_cast %get3A_1077 : vector<16xf32> to vector<16xf32>
    %get3A_1079 = arith.constant 160 : index
    %get3A_1080 = tpu.vector_load %arg19[%get3A_1079] {strides = array<i32>} : memref<640xf32, #tpu.memory_space<vmem>>, vector<16xf32>,
    %get3A_1081 = vector.shape_cast %get3A_1080 : vector<16xf32> to vector<16xf32>
    %add3A_1082 = arith.addf %get3A_1078, %get3A_1081 : vector<16xf32>
    %sub3A_1083 = arith.subf %get3A_1075, %add3A_1082 : vector<16xf32>
    %get3A_1084 = arith.constant 160 : index
    %get3A_1085 = tpu.vector_load %arg25[%get3A_1084] {strides = array<i32>} : memref<640xf32, #tpu.memory_space<vmem>>, vector<16xf32>,
    %get3A_1086 = vector.shape_cast %get3A_1085 : vector<16xf32> to vector<16xf32>
    %get3A_1087 = arith.constant 160 : index
    %get3A_1088 = tpu.vector_load %arg17[%get3A_1087] {strides = array<i32>} : memref<640xf32, #tpu.memory_space<vmem>>, vector<16xf32>,
    %get3A_1089 = vector.shape_cast %get3A_1088 : vector<16xf32> to vector<16xf32>
    %get3A_1090 = arith.constant 160 : index
    %get3A_1091 = tpu.vector_load %arg20[%get3A_1090] {strides = array<i32>} : memref<640xf32, #tpu.memory_space<vmem>>, vector<16xf32>,
    %get3A_1092 = vector.shape_cast %get3A_1091 : vector<16xf32> to vector<16xf32>
    %add3A_1093 = arith.addf %get3A_1089, %get3A_1092 : vector<16xf32>
    %sub3A_1094 = arith.subf %get3A_1086, %add3A_1093 : vector<16xf32>
    %get3A_1095 = arith.constant 160 : index
    %get3A_1096 = tpu.vector_load %arg26[%get3A_1095] {strides = array<i32>} : memref<640xf32, #tpu.memory_space<vmem>>, vector<16xf32>,
    %get3A_1097 = vector.shape_cast %get3A_1096 : vector<16xf32> to vector<16xf32>
    %get3A_1098 = arith.constant 160 : index
    %get3A_1099 = tpu.vector_load %arg18[%get3A_1098] {strides = array<i32>} : memref<640xf32, #tpu.memory_space<vmem>>, vector<16xf32>,
    %get3A_1100 = vector.shape_cast %get3A_1099 : vector<16xf32> to vector<16xf32>
    %get3A_1101 = arith.constant 160 : index
    %get3A_1102 = tpu.vector_load %arg21[%get3A_1101] {strides = array<i32>} : memref<640xf32, #tpu.memory_space<vmem>>, vector<16xf32>,
    %get3A_1103 = vector.shape_cast %get3A_1102 : vector<16xf32> to vector<16xf32>
    %add3A_1104 = arith.addf %get3A_1100, %get3A_1103 : vector<16xf32>
    %sub3A_1105 = arith.subf %get3A_1097, %add3A_1104 : vector<16xf32>
    %mul3A_1106 = arith.mulf %sub3A_1083, %sub3A_1083 : vector<16xf32>
    %mul3A_1107 = arith.mulf %sub3A_1094, %sub3A_1094 : vector<16xf32>
    %add3A_1108 = arith.addf %mul3A_1106, %mul3A_1107 : vector<16xf32>
    %mul3A_1109 = arith.mulf %sub3A_1105, %sub3A_1105 : vector<16xf32>
    %add3A_1110 = arith.addf %add3A_1108, %mul3A_1109 : vector<16xf32>
    %swap3A_1111 = arith.constant 160 : index
    %swap3A_1112 = tpu.vector_load %arg27[%swap3A_1111] {strides = array<i32>} : memref<640xf32, #tpu.memory_space<vmem>>, vector<16xf32>,
    %swap3A_1113 = vector.shape_cast %swap3A_1112 : vector<16xf32> to vector<16xf32>
    %swap3A_1114 = vector.shape_cast %add3A_1110 : vector<16xf32> to vector<16xf32>
    tpu.vector_store %arg27[%swap3A_1111], %swap3A_1114 {strides = array<i32>} : memref<640xf32, #tpu.memory_space<vmem>>, vector<16xf32>,
    %get3A_1115 = arith.constant 176 : index
    %get3A_1116 = tpu.vector_load %arg24[%get3A_1115] {strides = array<i32>} : memref<640xf32, #tpu.memory_space<vmem>>, vector<16xf32>,
    %get3A_1117 = vector.shape_cast %get3A_1116 : vector<16xf32> to vector<16xf32>
    %get3A_1118 = arith.constant 176 : index
    %get3A_1119 = tpu.vector_load %arg16[%get3A_1118] {strides = array<i32>} : memref<640xf32, #tpu.memory_space<vmem>>, vector<16xf32>,
    %get3A_1120 = vector.shape_cast %get3A_1119 : vector<16xf32> to vector<16xf32>
    %get3A_1121 = arith.constant 176 : index
    %get3A_1122 = tpu.vector_load %arg19[%get3A_1121] {strides = array<i32>} : memref<640xf32, #tpu.memory_space<vmem>>, vector<16xf32>,
    %get3A_1123 = vector.shape_cast %get3A_1122 : vector<16xf32> to vector<16xf32>
    %add3A_1124 = arith.addf %get3A_1120, %get3A_1123 : vector<16xf32>
    %sub3A_1125 = arith.subf %get3A_1117, %add3A_1124 : vector<16xf32>
    %get3A_1126 = arith.constant 176 : index
    %get3A_1127 = tpu.vector_load %arg25[%get3A_1126] {strides = array<i32>} : memref<640xf32, #tpu.memory_space<vmem>>, vector<16xf32>,
    %get3A_1128 = vector.shape_cast %get3A_1127 : vector<16xf32> to vector<16xf32>
    %get3A_1129 = arith.constant 176 : index
    %get3A_1130 = tpu.vector_load %arg17[%get3A_1129] {strides = array<i32>} : memref<640xf32, #tpu.memory_space<vmem>>, vector<16xf32>,
    %get3A_1131 = vector.shape_cast %get3A_1130 : vector<16xf32> to vector<16xf32>
    %get3A_1132 = arith.constant 176 : index
    %get3A_1133 = tpu.vector_load %arg20[%get3A_1132] {strides = array<i32>} : memref<640xf32, #tpu.memory_space<vmem>>, vector<16xf32>,
    %get3A_1134 = vector.shape_cast %get3A_1133 : vector<16xf32> to vector<16xf32>
    %add3A_1135 = arith.addf %get3A_1131, %get3A_1134 : vector<16xf32>
    %sub3A_1136 = arith.subf %get3A_1128, %add3A_1135 : vector<16xf32>
    %get3A_1137 = arith.constant 176 : index
    %get3A_1138 = tpu.vector_load %arg26[%get3A_1137] {strides = array<i32>} : memref<640xf32, #tpu.memory_space<vmem>>, vector<16xf32>,
    %get3A_1139 = vector.shape_cast %get3A_1138 : vector<16xf32> to vector<16xf32>
    %get3A_1140 = arith.constant 176 : index
    %get3A_1141 = tpu.vector_load %arg18[%get3A_1140] {strides = array<i32>} : memref<640xf32, #tpu.memory_space<vmem>>, vector<16xf32>,
    %get3A_1142 = vector.shape_cast %get3A_1141 : vector<16xf32> to vector<16xf32>
    %get3A_1143 = arith.constant 176 : index
    %get3A_1144 = tpu.vector_load %arg21[%get3A_1143] {strides = array<i32>} : memref<640xf32, #tpu.memory_space<vmem>>, vector<16xf32>,
    %get3A_1145 = vector.shape_cast %get3A_1144 : vector<16xf32> to vector<16xf32>
    %add3A_1146 = arith.addf %get3A_1142, %get3A_1145 : vector<16xf32>
    %sub3A_1147 = arith.subf %get3A_1139, %add3A_1146 : vector<16xf32>
    %mul3A_1148 = arith.mulf %sub3A_1125, %sub3A_1125 : vector<16xf32>
    %mul3A_1149 = arith.mulf %sub3A_1136, %sub3A_1136 : vector<16xf32>
    %add3A_1150 = arith.addf %mul3A_1148, %mul3A_1149 : vector<16xf32>
    %mul3A_1151 = arith.mulf %sub3A_1147, %sub3A_1147 : vector<16xf32>
    %add3A_1152 = arith.addf %add3A_1150, %mul3A_1151 : vector<16xf32>
    %swap3A_1153 = arith.constant 176 : index
    %swap3A_1154 = tpu.vector_load %arg27[%swap3A_1153] {strides = array<i32>} : memref<640xf32, #tpu.memory_space<vmem>>, vector<16xf32>,
    %swap3A_1155 = vector.shape_cast %swap3A_1154 : vector<16xf32> to vector<16xf32>
    %swap3A_1156 = vector.shape_cast %add3A_1152 : vector<16xf32> to vector<16xf32>
    tpu.vector_store %arg27[%swap3A_1153], %swap3A_1156 {strides = array<i32>} : memref<640xf32, #tpu.memory_space<vmem>>, vector<16xf32>,
    %get3A_1157 = arith.constant 192 : index
    %get3A_1158 = tpu.vector_load %arg24[%get3A_1157] {strides = array<i32>} : memref<640xf32, #tpu.memory_space<vmem>>, vector<16xf32>,
    %get3A_1159 = vector.shape_cast %get3A_1158 : vector<16xf32> to vector<16xf32>
    %get3A_1160 = arith.constant 192 : index
    %get3A_1161 = tpu.vector_load %arg16[%get3A_1160] {strides = array<i32>} : memref<640xf32, #tpu.memory_space<vmem>>, vector<16xf32>,
    %get3A_1162 = vector.shape_cast %get3A_1161 : vector<16xf32> to vector<16xf32>
    %get3A_1163 = arith.constant 192 : index
    %get3A_1164 = tpu.vector_load %arg19[%get3A_1163] {strides = array<i32>} : memref<640xf32, #tpu.memory_space<vmem>>, vector<16xf32>,
    %get3A_1165 = vector.shape_cast %get3A_1164 : vector<16xf32> to vector<16xf32>
    %add3A_1166 = arith.addf %get3A_1162, %get3A_1165 : vector<16xf32>
    %sub3A_1167 = arith.subf %get3A_1159, %add3A_1166 : vector<16xf32>
    %get3A_1168 = arith.constant 192 : index
    %get3A_1169 = tpu.vector_load %arg25[%get3A_1168] {strides = array<i32>} : memref<640xf32, #tpu.memory_space<vmem>>, vector<16xf32>,
    %get3A_1170 = vector.shape_cast %get3A_1169 : vector<16xf32> to vector<16xf32>
    %get3A_1171 = arith.constant 192 : index
    %get3A_1172 = tpu.vector_load %arg17[%get3A_1171] {strides = array<i32>} : memref<640xf32, #tpu.memory_space<vmem>>, vector<16xf32>,
    %get3A_1173 = vector.shape_cast %get3A_1172 : vector<16xf32> to vector<16xf32>
    %get3A_1174 = arith.constant 192 : index
    %get3A_1175 = tpu.vector_load %arg20[%get3A_1174] {strides = array<i32>} : memref<640xf32, #tpu.memory_space<vmem>>, vector<16xf32>,
    %get3A_1176 = vector.shape_cast %get3A_1175 : vector<16xf32> to vector<16xf32>
    %add3A_1177 = arith.addf %get3A_1173, %get3A_1176 : vector<16xf32>
    %sub3A_1178 = arith.subf %get3A_1170, %add3A_1177 : vector<16xf32>
    %get3A_1179 = arith.constant 192 : index
    %get3A_1180 = tpu.vector_load %arg26[%get3A_1179] {strides = array<i32>} : memref<640xf32, #tpu.memory_space<vmem>>, vector<16xf32>,
    %get3A_1181 = vector.shape_cast %get3A_1180 : vector<16xf32> to vector<16xf32>
    %get3A_1182 = arith.constant 192 : index
    %get3A_1183 = tpu.vector_load %arg18[%get3A_1182] {strides = array<i32>} : memref<640xf32, #tpu.memory_space<vmem>>, vector<16xf32>,
    %get3A_1184 = vector.shape_cast %get3A_1183 : vector<16xf32> to vector<16xf32>
    %get3A_1185 = arith.constant 192 : index
    %get3A_1186 = tpu.vector_load %arg21[%get3A_1185] {strides = array<i32>} : memref<640xf32, #tpu.memory_space<vmem>>, vector<16xf32>,
    %get3A_1187 = vector.shape_cast %get3A_1186 : vector<16xf32> to vector<16xf32>
    %add3A_1188 = arith.addf %get3A_1184, %get3A_1187 : vector<16xf32>
    %sub3A_1189 = arith.subf %get3A_1181, %add3A_1188 : vector<16xf32>
    %mul3A_1190 = arith.mulf %sub3A_1167, %sub3A_1167 : vector<16xf32>
    %mul3A_1191 = arith.mulf %sub3A_1178, %sub3A_1178 : vector<16xf32>
    %add3A_1192 = arith.addf %mul3A_1190, %mul3A_1191 : vector<16xf32>
    %mul3A_1193 = arith.mulf %sub3A_1189, %sub3A_1189 : vector<16xf32>
    %add3A_1194 = arith.addf %add3A_1192, %mul3A_1193 : vector<16xf32>
    %swap3A_1195 = arith.constant 192 : index
    %swap3A_1196 = tpu.vector_load %arg27[%swap3A_1195] {strides = array<i32>} : memref<640xf32, #tpu.memory_space<vmem>>, vector<16xf32>,
    %swap3A_1197 = vector.shape_cast %swap3A_1196 : vector<16xf32> to vector<16xf32>
    %swap3A_1198 = vector.shape_cast %add3A_1194 : vector<16xf32> to vector<16xf32>
    tpu.vector_store %arg27[%swap3A_1195], %swap3A_1198 {strides = array<i32>} : memref<640xf32, #tpu.memory_space<vmem>>, vector<16xf32>,
    %get3A_1199 = arith.constant 208 : index
    %get3A_1200 = tpu.vector_load %arg24[%get3A_1199] {strides = array<i32>} : memref<640xf32, #tpu.memory_space<vmem>>, vector<16xf32>,
    %get3A_1201 = vector.shape_cast %get3A_1200 : vector<16xf32> to vector<16xf32>
    %get3A_1202 = arith.constant 208 : index
    %get3A_1203 = tpu.vector_load %arg16[%get3A_1202] {strides = array<i32>} : memref<640xf32, #tpu.memory_space<vmem>>, vector<16xf32>,
    %get3A_1204 = vector.shape_cast %get3A_1203 : vector<16xf32> to vector<16xf32>
    %get3A_1205 = arith.constant 208 : index
    %get3A_1206 = tpu.vector_load %arg19[%get3A_1205] {strides = array<i32>} : memref<640xf32, #tpu.memory_space<vmem>>, vector<16xf32>,
    %get3A_1207 = vector.shape_cast %get3A_1206 : vector<16xf32> to vector<16xf32>
    %add3A_1208 = arith.addf %get3A_1204, %get3A_1207 : vector<16xf32>
    %sub3A_1209 = arith.subf %get3A_1201, %add3A_1208 : vector<16xf32>
    %get3A_1210 = arith.constant 208 : index
    %get3A_1211 = tpu.vector_load %arg25[%get3A_1210] {strides = array<i32>} : memref<640xf32, #tpu.memory_space<vmem>>, vector<16xf32>,
    %get3A_1212 = vector.shape_cast %get3A_1211 : vector<16xf32> to vector<16xf32>
    %get3A_1213 = arith.constant 208 : index
    %get3A_1214 = tpu.vector_load %arg17[%get3A_1213] {strides = array<i32>} : memref<640xf32, #tpu.memory_space<vmem>>, vector<16xf32>,
    %get3A_1215 = vector.shape_cast %get3A_1214 : vector<16xf32> to vector<16xf32>
    %get3A_1216 = arith.constant 208 : index
    %get3A_1217 = tpu.vector_load %arg20[%get3A_1216] {strides = array<i32>} : memref<640xf32, #tpu.memory_space<vmem>>, vector<16xf32>,
    %get3A_1218 = vector.shape_cast %get3A_1217 : vector<16xf32> to vector<16xf32>
    %add3A_1219 = arith.addf %get3A_1215, %get3A_1218 : vector<16xf32>
    %sub3A_1220 = arith.subf %get3A_1212, %add3A_1219 : vector<16xf32>
    %get3A_1221 = arith.constant 208 : index
    %get3A_1222 = tpu.vector_load %arg26[%get3A_1221] {strides = array<i32>} : memref<640xf32, #tpu.memory_space<vmem>>, vector<16xf32>,
    %get3A_1223 = vector.shape_cast %get3A_1222 : vector<16xf32> to vector<16xf32>
    %get3A_1224 = arith.constant 208 : index
    %get3A_1225 = tpu.vector_load %arg18[%get3A_1224] {strides = array<i32>} : memref<640xf32, #tpu.memory_space<vmem>>, vector<16xf32>,
    %get3A_1226 = vector.shape_cast %get3A_1225 : vector<16xf32> to vector<16xf32>
    %get3A_1227 = arith.constant 208 : index
    %get3A_1228 = tpu.vector_load %arg21[%get3A_1227] {strides = array<i32>} : memref<640xf32, #tpu.memory_space<vmem>>, vector<16xf32>,
    %get3A_1229 = vector.shape_cast %get3A_1228 : vector<16xf32> to vector<16xf32>
    %add3A_1230 = arith.addf %get3A_1226, %get3A_1229 : vector<16xf32>
    %sub3A_1231 = arith.subf %get3A_1223, %add3A_1230 : vector<16xf32>
    %mul3A_1232 = arith.mulf %sub3A_1209, %sub3A_1209 : vector<16xf32>
    %mul3A_1233 = arith.mulf %sub3A_1220, %sub3A_1220 : vector<16xf32>
    %add3A_1234 = arith.addf %mul3A_1232, %mul3A_1233 : vector<16xf32>
    %mul3A_1235 = arith.mulf %sub3A_1231, %sub3A_1231 : vector<16xf32>
    %add3A_1236 = arith.addf %add3A_1234, %mul3A_1235 : vector<16xf32>
    %swap3A_1237 = arith.constant 208 : index
    %swap3A_1238 = tpu.vector_load %arg27[%swap3A_1237] {strides = array<i32>} : memref<640xf32, #tpu.memory_space<vmem>>, vector<16xf32>,
    %swap3A_1239 = vector.shape_cast %swap3A_1238 : vector<16xf32> to vector<16xf32>
    %swap3A_1240 = vector.shape_cast %add3A_1236 : vector<16xf32> to vector<16xf32>
    tpu.vector_store %arg27[%swap3A_1237], %swap3A_1240 {strides = array<i32>} : memref<640xf32, #tpu.memory_space<vmem>>, vector<16xf32>,
    %get3A_1241 = arith.constant 224 : index
    %get3A_1242 = tpu.vector_load %arg24[%get3A_1241] {strides = array<i32>} : memref<640xf32, #tpu.memory_space<vmem>>, vector<16xf32>,
    %get3A_1243 = vector.shape_cast %get3A_1242 : vector<16xf32> to vector<16xf32>
    %get3A_1244 = arith.constant 224 : index
    %get3A_1245 = tpu.vector_load %arg16[%get3A_1244] {strides = array<i32>} : memref<640xf32, #tpu.memory_space<vmem>>, vector<16xf32>,
    %get3A_1246 = vector.shape_cast %get3A_1245 : vector<16xf32> to vector<16xf32>
    %get3A_1247 = arith.constant 224 : index
    %get3A_1248 = tpu.vector_load %arg19[%get3A_1247] {strides = array<i32>} : memref<640xf32, #tpu.memory_space<vmem>>, vector<16xf32>,
    %get3A_1249 = vector.shape_cast %get3A_1248 : vector<16xf32> to vector<16xf32>
    %add3A_1250 = arith.addf %get3A_1246, %get3A_1249 : vector<16xf32>
    %sub3A_1251 = arith.subf %get3A_1243, %add3A_1250 : vector<16xf32>
    %get3A_1252 = arith.constant 224 : index
    %get3A_1253 = tpu.vector_load %arg25[%get3A_1252] {strides = array<i32>} : memref<640xf32, #tpu.memory_space<vmem>>, vector<16xf32>,
    %get3A_1254 = vector.shape_cast %get3A_1253 : vector<16xf32> to vector<16xf32>
    %get3A_1255 = arith.constant 224 : index
    %get3A_1256 = tpu.vector_load %arg17[%get3A_1255] {strides = array<i32>} : memref<640xf32, #tpu.memory_space<vmem>>, vector<16xf32>,
    %get3A_1257 = vector.shape_cast %get3A_1256 : vector<16xf32> to vector<16xf32>
    %get3A_1258 = arith.constant 224 : index
    %get3A_1259 = tpu.vector_load %arg20[%get3A_1258] {strides = array<i32>} : memref<640xf32, #tpu.memory_space<vmem>>, vector<16xf32>,
    %get3A_1260 = vector.shape_cast %get3A_1259 : vector<16xf32> to vector<16xf32>
    %add3A_1261 = arith.addf %get3A_1257, %get3A_1260 : vector<16xf32>
    %sub3A_1262 = arith.subf %get3A_1254, %add3A_1261 : vector<16xf32>
    %get3A_1263 = arith.constant 224 : index
    %get3A_1264 = tpu.vector_load %arg26[%get3A_1263] {strides = array<i32>} : memref<640xf32, #tpu.memory_space<vmem>>, vector<16xf32>,
    %get3A_1265 = vector.shape_cast %get3A_1264 : vector<16xf32> to vector<16xf32>
    %get3A_1266 = arith.constant 224 : index
    %get3A_1267 = tpu.vector_load %arg18[%get3A_1266] {strides = array<i32>} : memref<640xf32, #tpu.memory_space<vmem>>, vector<16xf32>,
    %get3A_1268 = vector.shape_cast %get3A_1267 : vector<16xf32> to vector<16xf32>
    %get3A_1269 = arith.constant 224 : index
    %get3A_1270 = tpu.vector_load %arg21[%get3A_1269] {strides = array<i32>} : memref<640xf32, #tpu.memory_space<vmem>>, vector<16xf32>,
    %get3A_1271 = vector.shape_cast %get3A_1270 : vector<16xf32> to vector<16xf32>
    %add3A_1272 = arith.addf %get3A_1268, %get3A_1271 : vector<16xf32>
    %sub3A_1273 = arith.subf %get3A_1265, %add3A_1272 : vector<16xf32>
    %mul3A_1274 = arith.mulf %sub3A_1251, %sub3A_1251 : vector<16xf32>
    %mul3A_1275 = arith.mulf %sub3A_1262, %sub3A_1262 : vector<16xf32>
    %add3A_1276 = arith.addf %mul3A_1274, %mul3A_1275 : vector<16xf32>
    %mul3A_1277 = arith.mulf %sub3A_1273, %sub3A_1273 : vector<16xf32>
    %add3A_1278 = arith.addf %add3A_1276, %mul3A_1277 : vector<16xf32>
    %swap3A_1279 = arith.constant 224 : index
    %swap3A_1280 = tpu.vector_load %arg27[%swap3A_1279] {strides = array<i32>} : memref<640xf32, #tpu.memory_space<vmem>>, vector<16xf32>,
    %swap3A_1281 = vector.shape_cast %swap3A_1280 : vector<16xf32> to vector<16xf32>
    %swap3A_1282 = vector.shape_cast %add3A_1278 : vector<16xf32> to vector<16xf32>
    tpu.vector_store %arg27[%swap3A_1279], %swap3A_1282 {strides = array<i32>} : memref<640xf32, #tpu.memory_space<vmem>>, vector<16xf32>,
    %get3A_1283 = arith.constant 240 : index
    %get3A_1284 = tpu.vector_load %arg24[%get3A_1283] {strides = array<i32>} : memref<640xf32, #tpu.memory_space<vmem>>, vector<16xf32>,
    %get3A_1285 = vector.shape_cast %get3A_1284 : vector<16xf32> to vector<16xf32>
    %get3A_1286 = arith.constant 240 : index
    %get3A_1287 = tpu.vector_load %arg16[%get3A_1286] {strides = array<i32>} : memref<640xf32, #tpu.memory_space<vmem>>, vector<16xf32>,
    %get3A_1288 = vector.shape_cast %get3A_1287 : vector<16xf32> to vector<16xf32>
    %get3A_1289 = arith.constant 240 : index
    %get3A_1290 = tpu.vector_load %arg19[%get3A_1289] {strides = array<i32>} : memref<640xf32, #tpu.memory_space<vmem>>, vector<16xf32>,
    %get3A_1291 = vector.shape_cast %get3A_1290 : vector<16xf32> to vector<16xf32>
    %add3A_1292 = arith.addf %get3A_1288, %get3A_1291 : vector<16xf32>
    %sub3A_1293 = arith.subf %get3A_1285, %add3A_1292 : vector<16xf32>
    %get3A_1294 = arith.constant 240 : index
    %get3A_1295 = tpu.vector_load %arg25[%get3A_1294] {strides = array<i32>} : memref<640xf32, #tpu.memory_space<vmem>>, vector<16xf32>,
    %get3A_1296 = vector.shape_cast %get3A_1295 : vector<16xf32> to vector<16xf32>
    %get3A_1297 = arith.constant 240 : index
    %get3A_1298 = tpu.vector_load %arg17[%get3A_1297] {strides = array<i32>} : memref<640xf32, #tpu.memory_space<vmem>>, vector<16xf32>,
    %get3A_1299 = vector.shape_cast %get3A_1298 : vector<16xf32> to vector<16xf32>
    %get3A_1300 = arith.constant 240 : index
    %get3A_1301 = tpu.vector_load %arg20[%get3A_1300] {strides = array<i32>} : memref<640xf32, #tpu.memory_space<vmem>>, vector<16xf32>,
    %get3A_1302 = vector.shape_cast %get3A_1301 : vector<16xf32> to vector<16xf32>
    %add3A_1303 = arith.addf %get3A_1299, %get3A_1302 : vector<16xf32>
    %sub3A_1304 = arith.subf %get3A_1296, %add3A_1303 : vector<16xf32>
    %get3A_1305 = arith.constant 240 : index
    %get3A_1306 = tpu.vector_load %arg26[%get3A_1305] {strides = array<i32>} : memref<640xf32, #tpu.memory_space<vmem>>, vector<16xf32>,
    %get3A_1307 = vector.shape_cast %get3A_1306 : vector<16xf32> to vector<16xf32>
    %get3A_1308 = arith.constant 240 : index
    %get3A_1309 = tpu.vector_load %arg18[%get3A_1308] {strides = array<i32>} : memref<640xf32, #tpu.memory_space<vmem>>, vector<16xf32>,
    %get3A_1310 = vector.shape_cast %get3A_1309 : vector<16xf32> to vector<16xf32>
    %get3A_1311 = arith.constant 240 : index
    %get3A_1312 = tpu.vector_load %arg21[%get3A_1311] {strides = array<i32>} : memref<640xf32, #tpu.memory_space<vmem>>, vector<16xf32>,
    %get3A_1313 = vector.shape_cast %get3A_1312 : vector<16xf32> to vector<16xf32>
    %add3A_1314 = arith.addf %get3A_1310, %get3A_1313 : vector<16xf32>
    %sub3A_1315 = arith.subf %get3A_1307, %add3A_1314 : vector<16xf32>
    %mul3A_1316 = arith.mulf %sub3A_1293, %sub3A_1293 : vector<16xf32>
    %mul3A_1317 = arith.mulf %sub3A_1304, %sub3A_1304 : vector<16xf32>
    %add3A_1318 = arith.addf %mul3A_1316, %mul3A_1317 : vector<16xf32>
    %mul3A_1319 = arith.mulf %sub3A_1315, %sub3A_1315 : vector<16xf32>
    %add3A_1320 = arith.addf %add3A_1318, %mul3A_1319 : vector<16xf32>
    %swap3A_1321 = arith.constant 240 : index
    %swap3A_1322 = tpu.vector_load %arg27[%swap3A_1321] {strides = array<i32>} : memref<640xf32, #tpu.memory_space<vmem>>, vector<16xf32>,
    %swap3A_1323 = vector.shape_cast %swap3A_1322 : vector<16xf32> to vector<16xf32>
    %swap3A_1324 = vector.shape_cast %add3A_1320 : vector<16xf32> to vector<16xf32>
    tpu.vector_store %arg27[%swap3A_1321], %swap3A_1324 {strides = array<i32>} : memref<640xf32, #tpu.memory_space<vmem>>, vector<16xf32>,
    %get3A_1325 = arith.constant 256 : index
    %get3A_1326 = tpu.vector_load %arg24[%get3A_1325] {strides = array<i32>} : memref<640xf32, #tpu.memory_space<vmem>>, vector<16xf32>,
    %get3A_1327 = vector.shape_cast %get3A_1326 : vector<16xf32> to vector<16xf32>
    %get3A_1328 = arith.constant 256 : index
    %get3A_1329 = tpu.vector_load %arg16[%get3A_1328] {strides = array<i32>} : memref<640xf32, #tpu.memory_space<vmem>>, vector<16xf32>,
    %get3A_1330 = vector.shape_cast %get3A_1329 : vector<16xf32> to vector<16xf32>
    %get3A_1331 = arith.constant 256 : index
    %get3A_1332 = tpu.vector_load %arg19[%get3A_1331] {strides = array<i32>} : memref<640xf32, #tpu.memory_space<vmem>>, vector<16xf32>,
    %get3A_1333 = vector.shape_cast %get3A_1332 : vector<16xf32> to vector<16xf32>
    %add3A_1334 = arith.addf %get3A_1330, %get3A_1333 : vector<16xf32>
    %sub3A_1335 = arith.subf %get3A_1327, %add3A_1334 : vector<16xf32>
    %get3A_1336 = arith.constant 256 : index
    %get3A_1337 = tpu.vector_load %arg25[%get3A_1336] {strides = array<i32>} : memref<640xf32, #tpu.memory_space<vmem>>, vector<16xf32>,
    %get3A_1338 = vector.shape_cast %get3A_1337 : vector<16xf32> to vector<16xf32>
    %get3A_1339 = arith.constant 256 : index
    %get3A_1340 = tpu.vector_load %arg17[%get3A_1339] {strides = array<i32>} : memref<640xf32, #tpu.memory_space<vmem>>, vector<16xf32>,
    %get3A_1341 = vector.shape_cast %get3A_1340 : vector<16xf32> to vector<16xf32>
    %get3A_1342 = arith.constant 256 : index
    %get3A_1343 = tpu.vector_load %arg20[%get3A_1342] {strides = array<i32>} : memref<640xf32, #tpu.memory_space<vmem>>, vector<16xf32>,
    %get3A_1344 = vector.shape_cast %get3A_1343 : vector<16xf32> to vector<16xf32>
    %add3A_1345 = arith.addf %get3A_1341, %get3A_1344 : vector<16xf32>
    %sub3A_1346 = arith.subf %get3A_1338, %add3A_1345 : vector<16xf32>
    %get3A_1347 = arith.constant 256 : index
    %get3A_1348 = tpu.vector_load %arg26[%get3A_1347] {strides = array<i32>} : memref<640xf32, #tpu.memory_space<vmem>>, vector<16xf32>,
    %get3A_1349 = vector.shape_cast %get3A_1348 : vector<16xf32> to vector<16xf32>
    %get3A_1350 = arith.constant 256 : index
    %get3A_1351 = tpu.vector_load %arg18[%get3A_1350] {strides = array<i32>} : memref<640xf32, #tpu.memory_space<vmem>>, vector<16xf32>,
    %get3A_1352 = vector.shape_cast %get3A_1351 : vector<16xf32> to vector<16xf32>
    %get3A_1353 = arith.constant 256 : index
    %get3A_1354 = tpu.vector_load %arg21[%get3A_1353] {strides = array<i32>} : memref<640xf32, #tpu.memory_space<vmem>>, vector<16xf32>,
    %get3A_1355 = vector.shape_cast %get3A_1354 : vector<16xf32> to vector<16xf32>
    %add3A_1356 = arith.addf %get3A_1352, %get3A_1355 : vector<16xf32>
    %sub3A_1357 = arith.subf %get3A_1349, %add3A_1356 : vector<16xf32>
    %mul3A_1358 = arith.mulf %sub3A_1335, %sub3A_1335 : vector<16xf32>
    %mul3A_1359 = arith.mulf %sub3A_1346, %sub3A_1346 : vector<16xf32>
    %add3A_1360 = arith.addf %mul3A_1358, %mul3A_1359 : vector<16xf32>
    %mul3A_1361 = arith.mulf %sub3A_1357, %sub3A_1357 : vector<16xf32>
    %add3A_1362 = arith.addf %add3A_1360, %mul3A_1361 : vector<16xf32>
    %swap3A_1363 = arith.constant 256 : index
    %swap3A_1364 = tpu.vector_load %arg27[%swap3A_1363] {strides = array<i32>} : memref<640xf32, #tpu.memory_space<vmem>>, vector<16xf32>,
    %swap3A_1365 = vector.shape_cast %swap3A_1364 : vector<16xf32> to vector<16xf32>
    %swap3A_1366 = vector.shape_cast %add3A_1362 : vector<16xf32> to vector<16xf32>
    tpu.vector_store %arg27[%swap3A_1363], %swap3A_1366 {strides = array<i32>} : memref<640xf32, #tpu.memory_space<vmem>>, vector<16xf32>,
    %get3A_1367 = arith.constant 272 : index
    %get3A_1368 = tpu.vector_load %arg24[%get3A_1367] {strides = array<i32>} : memref<640xf32, #tpu.memory_space<vmem>>, vector<16xf32>,
    %get3A_1369 = vector.shape_cast %get3A_1368 : vector<16xf32> to vector<16xf32>
    %get3A_1370 = arith.constant 272 : index
    %get3A_1371 = tpu.vector_load %arg16[%get3A_1370] {strides = array<i32>} : memref<640xf32, #tpu.memory_space<vmem>>, vector<16xf32>,
    %get3A_1372 = vector.shape_cast %get3A_1371 : vector<16xf32> to vector<16xf32>
    %get3A_1373 = arith.constant 272 : index
    %get3A_1374 = tpu.vector_load %arg19[%get3A_1373] {strides = array<i32>} : memref<640xf32, #tpu.memory_space<vmem>>, vector<16xf32>,
    %get3A_1375 = vector.shape_cast %get3A_1374 : vector<16xf32> to vector<16xf32>
    %add3A_1376 = arith.addf %get3A_1372, %get3A_1375 : vector<16xf32>
    %sub3A_1377 = arith.subf %get3A_1369, %add3A_1376 : vector<16xf32>
    %get3A_1378 = arith.constant 272 : index
    %get3A_1379 = tpu.vector_load %arg25[%get3A_1378] {strides = array<i32>} : memref<640xf32, #tpu.memory_space<vmem>>, vector<16xf32>,
    %get3A_1380 = vector.shape_cast %get3A_1379 : vector<16xf32> to vector<16xf32>
    %get3A_1381 = arith.constant 272 : index
    %get3A_1382 = tpu.vector_load %arg17[%get3A_1381] {strides = array<i32>} : memref<640xf32, #tpu.memory_space<vmem>>, vector<16xf32>,
    %get3A_1383 = vector.shape_cast %get3A_1382 : vector<16xf32> to vector<16xf32>
    %get3A_1384 = arith.constant 272 : index
    %get3A_1385 = tpu.vector_load %arg20[%get3A_1384] {strides = array<i32>} : memref<640xf32, #tpu.memory_space<vmem>>, vector<16xf32>,
    %get3A_1386 = vector.shape_cast %get3A_1385 : vector<16xf32> to vector<16xf32>
    %add3A_1387 = arith.addf %get3A_1383, %get3A_1386 : vector<16xf32>
    %sub3A_1388 = arith.subf %get3A_1380, %add3A_1387 : vector<16xf32>
    %get3A_1389 = arith.constant 272 : index
    %get3A_1390 = tpu.vector_load %arg26[%get3A_1389] {strides = array<i32>} : memref<640xf32, #tpu.memory_space<vmem>>, vector<16xf32>,
    %get3A_1391 = vector.shape_cast %get3A_1390 : vector<16xf32> to vector<16xf32>
    %get3A_1392 = arith.constant 272 : index
    %get3A_1393 = tpu.vector_load %arg18[%get3A_1392] {strides = array<i32>} : memref<640xf32, #tpu.memory_space<vmem>>, vector<16xf32>,
    %get3A_1394 = vector.shape_cast %get3A_1393 : vector<16xf32> to vector<16xf32>
    %get3A_1395 = arith.constant 272 : index
    %get3A_1396 = tpu.vector_load %arg21[%get3A_1395] {strides = array<i32>} : memref<640xf32, #tpu.memory_space<vmem>>, vector<16xf32>,
    %get3A_1397 = vector.shape_cast %get3A_1396 : vector<16xf32> to vector<16xf32>
    %add3A_1398 = arith.addf %get3A_1394, %get3A_1397 : vector<16xf32>
    %sub3A_1399 = arith.subf %get3A_1391, %add3A_1398 : vector<16xf32>
    %mul3A_1400 = arith.mulf %sub3A_1377, %sub3A_1377 : vector<16xf32>
    %mul3A_1401 = arith.mulf %sub3A_1388, %sub3A_1388 : vector<16xf32>
    %add3A_1402 = arith.addf %mul3A_1400, %mul3A_1401 : vector<16xf32>
    %mul3A_1403 = arith.mulf %sub3A_1399, %sub3A_1399 : vector<16xf32>
    %add3A_1404 = arith.addf %add3A_1402, %mul3A_1403 : vector<16xf32>
    %swap3A_1405 = arith.constant 272 : index
    %swap3A_1406 = tpu.vector_load %arg27[%swap3A_1405] {strides = array<i32>} : memref<640xf32, #tpu.memory_space<vmem>>, vector<16xf32>,
    %swap3A_1407 = vector.shape_cast %swap3A_1406 : vector<16xf32> to vector<16xf32>
    %swap3A_1408 = vector.shape_cast %add3A_1404 : vector<16xf32> to vector<16xf32>
    tpu.vector_store %arg27[%swap3A_1405], %swap3A_1408 {strides = array<i32>} : memref<640xf32, #tpu.memory_space<vmem>>, vector<16xf32>,
    %get3A_1409 = arith.constant 288 : index
    %get3A_1410 = tpu.vector_load %arg24[%get3A_1409] {strides = array<i32>} : memref<640xf32, #tpu.memory_space<vmem>>, vector<16xf32>,
    %get3A_1411 = vector.shape_cast %get3A_1410 : vector<16xf32> to vector<16xf32>
    %get3A_1412 = arith.constant 288 : index
    %get3A_1413 = tpu.vector_load %arg16[%get3A_1412] {strides = array<i32>} : memref<640xf32, #tpu.memory_space<vmem>>, vector<16xf32>,
    %get3A_1414 = vector.shape_cast %get3A_1413 : vector<16xf32> to vector<16xf32>
    %get3A_1415 = arith.constant 288 : index
    %get3A_1416 = tpu.vector_load %arg19[%get3A_1415] {strides = array<i32>} : memref<640xf32, #tpu.memory_space<vmem>>, vector<16xf32>,
    %get3A_1417 = vector.shape_cast %get3A_1416 : vector<16xf32> to vector<16xf32>
    %add3A_1418 = arith.addf %get3A_1414, %get3A_1417 : vector<16xf32>
    %sub3A_1419 = arith.subf %get3A_1411, %add3A_1418 : vector<16xf32>
    %get3A_1420 = arith.constant 288 : index
    %get3A_1421 = tpu.vector_load %arg25[%get3A_1420] {strides = array<i32>} : memref<640xf32, #tpu.memory_space<vmem>>, vector<16xf32>,
    %get3A_1422 = vector.shape_cast %get3A_1421 : vector<16xf32> to vector<16xf32>
    %get3A_1423 = arith.constant 288 : index
    %get3A_1424 = tpu.vector_load %arg17[%get3A_1423] {strides = array<i32>} : memref<640xf32, #tpu.memory_space<vmem>>, vector<16xf32>,
    %get3A_1425 = vector.shape_cast %get3A_1424 : vector<16xf32> to vector<16xf32>
    %get3A_1426 = arith.constant 288 : index
    %get3A_1427 = tpu.vector_load %arg20[%get3A_1426] {strides = array<i32>} : memref<640xf32, #tpu.memory_space<vmem>>, vector<16xf32>,
    %get3A_1428 = vector.shape_cast %get3A_1427 : vector<16xf32> to vector<16xf32>
    %add3A_1429 = arith.addf %get3A_1425, %get3A_1428 : vector<16xf32>
    %sub3A_1430 = arith.subf %get3A_1422, %add3A_1429 : vector<16xf32>
    %get3A_1431 = arith.constant 288 : index
    %get3A_1432 = tpu.vector_load %arg26[%get3A_1431] {strides = array<i32>} : memref<640xf32, #tpu.memory_space<vmem>>, vector<16xf32>,
    %get3A_1433 = vector.shape_cast %get3A_1432 : vector<16xf32> to vector<16xf32>
    %get3A_1434 = arith.constant 288 : index
    %get3A_1435 = tpu.vector_load %arg18[%get3A_1434] {strides = array<i32>} : memref<640xf32, #tpu.memory_space<vmem>>, vector<16xf32>,
    %get3A_1436 = vector.shape_cast %get3A_1435 : vector<16xf32> to vector<16xf32>
    %get3A_1437 = arith.constant 288 : index
    %get3A_1438 = tpu.vector_load %arg21[%get3A_1437] {strides = array<i32>} : memref<640xf32, #tpu.memory_space<vmem>>, vector<16xf32>,
    %get3A_1439 = vector.shape_cast %get3A_1438 : vector<16xf32> to vector<16xf32>
    %add3A_1440 = arith.addf %get3A_1436, %get3A_1439 : vector<16xf32>
    %sub3A_1441 = arith.subf %get3A_1433, %add3A_1440 : vector<16xf32>
    %mul3A_1442 = arith.mulf %sub3A_1419, %sub3A_1419 : vector<16xf32>
    %mul3A_1443 = arith.mulf %sub3A_1430, %sub3A_1430 : vector<16xf32>
    %add3A_1444 = arith.addf %mul3A_1442, %mul3A_1443 : vector<16xf32>
    %mul3A_1445 = arith.mulf %sub3A_1441, %sub3A_1441 : vector<16xf32>
    %add3A_1446 = arith.addf %add3A_1444, %mul3A_1445 : vector<16xf32>
    %swap3A_1447 = arith.constant 288 : index
    %swap3A_1448 = tpu.vector_load %arg27[%swap3A_1447] {strides = array<i32>} : memref<640xf32, #tpu.memory_space<vmem>>, vector<16xf32>,
    %swap3A_1449 = vector.shape_cast %swap3A_1448 : vector<16xf32> to vector<16xf32>
    %swap3A_1450 = vector.shape_cast %add3A_1446 : vector<16xf32> to vector<16xf32>
    tpu.vector_store %arg27[%swap3A_1447], %swap3A_1450 {strides = array<i32>} : memref<640xf32, #tpu.memory_space<vmem>>, vector<16xf32>,
    %get3A_1451 = arith.constant 304 : index
    %get3A_1452 = tpu.vector_load %arg24[%get3A_1451] {strides = array<i32>} : memref<640xf32, #tpu.memory_space<vmem>>, vector<16xf32>,
    %get3A_1453 = vector.shape_cast %get3A_1452 : vector<16xf32> to vector<16xf32>
    %get3A_1454 = arith.constant 304 : index
    %get3A_1455 = tpu.vector_load %arg16[%get3A_1454] {strides = array<i32>} : memref<640xf32, #tpu.memory_space<vmem>>, vector<16xf32>,
    %get3A_1456 = vector.shape_cast %get3A_1455 : vector<16xf32> to vector<16xf32>
    %get3A_1457 = arith.constant 304 : index
    %get3A_1458 = tpu.vector_load %arg19[%get3A_1457] {strides = array<i32>} : memref<640xf32, #tpu.memory_space<vmem>>, vector<16xf32>,
    %get3A_1459 = vector.shape_cast %get3A_1458 : vector<16xf32> to vector<16xf32>
    %add3A_1460 = arith.addf %get3A_1456, %get3A_1459 : vector<16xf32>
    %sub3A_1461 = arith.subf %get3A_1453, %add3A_1460 : vector<16xf32>
    %get3A_1462 = arith.constant 304 : index
    %get3A_1463 = tpu.vector_load %arg25[%get3A_1462] {strides = array<i32>} : memref<640xf32, #tpu.memory_space<vmem>>, vector<16xf32>,
    %get3A_1464 = vector.shape_cast %get3A_1463 : vector<16xf32> to vector<16xf32>
    %get3A_1465 = arith.constant 304 : index
    %get3A_1466 = tpu.vector_load %arg17[%get3A_1465] {strides = array<i32>} : memref<640xf32, #tpu.memory_space<vmem>>, vector<16xf32>,
    %get3A_1467 = vector.shape_cast %get3A_1466 : vector<16xf32> to vector<16xf32>
    %get3A_1468 = arith.constant 304 : index
    %get3A_1469 = tpu.vector_load %arg20[%get3A_1468] {strides = array<i32>} : memref<640xf32, #tpu.memory_space<vmem>>, vector<16xf32>,
    %get3A_1470 = vector.shape_cast %get3A_1469 : vector<16xf32> to vector<16xf32>
    %add3A_1471 = arith.addf %get3A_1467, %get3A_1470 : vector<16xf32>
    %sub3A_1472 = arith.subf %get3A_1464, %add3A_1471 : vector<16xf32>
    %get3A_1473 = arith.constant 304 : index
    %get3A_1474 = tpu.vector_load %arg26[%get3A_1473] {strides = array<i32>} : memref<640xf32, #tpu.memory_space<vmem>>, vector<16xf32>,
    %get3A_1475 = vector.shape_cast %get3A_1474 : vector<16xf32> to vector<16xf32>
    %get3A_1476 = arith.constant 304 : index
    %get3A_1477 = tpu.vector_load %arg18[%get3A_1476] {strides = array<i32>} : memref<640xf32, #tpu.memory_space<vmem>>, vector<16xf32>,
    %get3A_1478 = vector.shape_cast %get3A_1477 : vector<16xf32> to vector<16xf32>
    %get3A_1479 = arith.constant 304 : index
    %get3A_1480 = tpu.vector_load %arg21[%get3A_1479] {strides = array<i32>} : memref<640xf32, #tpu.memory_space<vmem>>, vector<16xf32>,
    %get3A_1481 = vector.shape_cast %get3A_1480 : vector<16xf32> to vector<16xf32>
    %add3A_1482 = arith.addf %get3A_1478, %get3A_1481 : vector<16xf32>
    %sub3A_1483 = arith.subf %get3A_1475, %add3A_1482 : vector<16xf32>
    %mul3A_1484 = arith.mulf %sub3A_1461, %sub3A_1461 : vector<16xf32>
    %mul3A_1485 = arith.mulf %sub3A_1472, %sub3A_1472 : vector<16xf32>
    %add3A_1486 = arith.addf %mul3A_1484, %mul3A_1485 : vector<16xf32>
    %mul3A_1487 = arith.mulf %sub3A_1483, %sub3A_1483 : vector<16xf32>
    %add3A_1488 = arith.addf %add3A_1486, %mul3A_1487 : vector<16xf32>
    %swap3A_1489 = arith.constant 304 : index
    %swap3A_1490 = tpu.vector_load %arg27[%swap3A_1489] {strides = array<i32>} : memref<640xf32, #tpu.memory_space<vmem>>, vector<16xf32>,
    %swap3A_1491 = vector.shape_cast %swap3A_1490 : vector<16xf32> to vector<16xf32>
    %swap3A_1492 = vector.shape_cast %add3A_1488 : vector<16xf32> to vector<16xf32>
    tpu.vector_store %arg27[%swap3A_1489], %swap3A_1492 {strides = array<i32>} : memref<640xf32, #tpu.memory_space<vmem>>, vector<16xf32>,
    %get3A_1493 = arith.constant 320 : index
    %get3A_1494 = tpu.vector_load %arg24[%get3A_1493] {strides = array<i32>} : memref<640xf32, #tpu.memory_space<vmem>>, vector<16xf32>,
    %get3A_1495 = vector.shape_cast %get3A_1494 : vector<16xf32> to vector<16xf32>
    %get3A_1496 = arith.constant 320 : index
    %get3A_1497 = tpu.vector_load %arg16[%get3A_1496] {strides = array<i32>} : memref<640xf32, #tpu.memory_space<vmem>>, vector<16xf32>,
    %get3A_1498 = vector.shape_cast %get3A_1497 : vector<16xf32> to vector<16xf32>
    %get3A_1499 = arith.constant 320 : index
    %get3A_1500 = tpu.vector_load %arg19[%get3A_1499] {strides = array<i32>} : memref<640xf32, #tpu.memory_space<vmem>>, vector<16xf32>,
    %get3A_1501 = vector.shape_cast %get3A_1500 : vector<16xf32> to vector<16xf32>
    %add3A_1502 = arith.addf %get3A_1498, %get3A_1501 : vector<16xf32>
    %sub3A_1503 = arith.subf %get3A_1495, %add3A_1502 : vector<16xf32>
    %get3A_1504 = arith.constant 320 : index
    %get3A_1505 = tpu.vector_load %arg25[%get3A_1504] {strides = array<i32>} : memref<640xf32, #tpu.memory_space<vmem>>, vector<16xf32>,
    %get3A_1506 = vector.shape_cast %get3A_1505 : vector<16xf32> to vector<16xf32>
    %get3A_1507 = arith.constant 320 : index
    %get3A_1508 = tpu.vector_load %arg17[%get3A_1507] {strides = array<i32>} : memref<640xf32, #tpu.memory_space<vmem>>, vector<16xf32>,
    %get3A_1509 = vector.shape_cast %get3A_1508 : vector<16xf32> to vector<16xf32>
    %get3A_1510 = arith.constant 320 : index
    %get3A_1511 = tpu.vector_load %arg20[%get3A_1510] {strides = array<i32>} : memref<640xf32, #tpu.memory_space<vmem>>, vector<16xf32>,
    %get3A_1512 = vector.shape_cast %get3A_1511 : vector<16xf32> to vector<16xf32>
    %add3A_1513 = arith.addf %get3A_1509, %get3A_1512 : vector<16xf32>
    %sub3A_1514 = arith.subf %get3A_1506, %add3A_1513 : vector<16xf32>
    %get3A_1515 = arith.constant 320 : index
    %get3A_1516 = tpu.vector_load %arg26[%get3A_1515] {strides = array<i32>} : memref<640xf32, #tpu.memory_space<vmem>>, vector<16xf32>,
    %get3A_1517 = vector.shape_cast %get3A_1516 : vector<16xf32> to vector<16xf32>
    %get3A_1518 = arith.constant 320 : index
    %get3A_1519 = tpu.vector_load %arg18[%get3A_1518] {strides = array<i32>} : memref<640xf32, #tpu.memory_space<vmem>>, vector<16xf32>,
    %get3A_1520 = vector.shape_cast %get3A_1519 : vector<16xf32> to vector<16xf32>
    %get3A_1521 = arith.constant 320 : index
    %get3A_1522 = tpu.vector_load %arg21[%get3A_1521] {strides = array<i32>} : memref<640xf32, #tpu.memory_space<vmem>>, vector<16xf32>,
    %get3A_1523 = vector.shape_cast %get3A_1522 : vector<16xf32> to vector<16xf32>
    %add3A_1524 = arith.addf %get3A_1520, %get3A_1523 : vector<16xf32>
    %sub3A_1525 = arith.subf %get3A_1517, %add3A_1524 : vector<16xf32>
    %mul3A_1526 = arith.mulf %sub3A_1503, %sub3A_1503 : vector<16xf32>
    %mul3A_1527 = arith.mulf %sub3A_1514, %sub3A_1514 : vector<16xf32>
    %add3A_1528 = arith.addf %mul3A_1526, %mul3A_1527 : vector<16xf32>
    %mul3A_1529 = arith.mulf %sub3A_1525, %sub3A_1525 : vector<16xf32>
    %add3A_1530 = arith.addf %add3A_1528, %mul3A_1529 : vector<16xf32>
    %swap3A_1531 = arith.constant 320 : index
    %swap3A_1532 = tpu.vector_load %arg27[%swap3A_1531] {strides = array<i32>} : memref<640xf32, #tpu.memory_space<vmem>>, vector<16xf32>,
    %swap3A_1533 = vector.shape_cast %swap3A_1532 : vector<16xf32> to vector<16xf32>
    %swap3A_1534 = vector.shape_cast %add3A_1530 : vector<16xf32> to vector<16xf32>
    tpu.vector_store %arg27[%swap3A_1531], %swap3A_1534 {strides = array<i32>} : memref<640xf32, #tpu.memory_space<vmem>>, vector<16xf32>,
    %get3A_1535 = arith.constant 336 : index
    %get3A_1536 = tpu.vector_load %arg24[%get3A_1535] {strides = array<i32>} : memref<640xf32, #tpu.memory_space<vmem>>, vector<16xf32>,
    %get3A_1537 = vector.shape_cast %get3A_1536 : vector<16xf32> to vector<16xf32>
    %get3A_1538 = arith.constant 336 : index
    %get3A_1539 = tpu.vector_load %arg16[%get3A_1538] {strides = array<i32>} : memref<640xf32, #tpu.memory_space<vmem>>, vector<16xf32>,
    %get3A_1540 = vector.shape_cast %get3A_1539 : vector<16xf32> to vector<16xf32>
    %get3A_1541 = arith.constant 336 : index
    %get3A_1542 = tpu.vector_load %arg19[%get3A_1541] {strides = array<i32>} : memref<640xf32, #tpu.memory_space<vmem>>, vector<16xf32>,
    %get3A_1543 = vector.shape_cast %get3A_1542 : vector<16xf32> to vector<16xf32>
    %add3A_1544 = arith.addf %get3A_1540, %get3A_1543 : vector<16xf32>
    %sub3A_1545 = arith.subf %get3A_1537, %add3A_1544 : vector<16xf32>
    %get3A_1546 = arith.constant 336 : index
    %get3A_1547 = tpu.vector_load %arg25[%get3A_1546] {strides = array<i32>} : memref<640xf32, #tpu.memory_space<vmem>>, vector<16xf32>,
    %get3A_1548 = vector.shape_cast %get3A_1547 : vector<16xf32> to vector<16xf32>
    %get3A_1549 = arith.constant 336 : index
    %get3A_1550 = tpu.vector_load %arg17[%get3A_1549] {strides = array<i32>} : memref<640xf32, #tpu.memory_space<vmem>>, vector<16xf32>,
    %get3A_1551 = vector.shape_cast %get3A_1550 : vector<16xf32> to vector<16xf32>
    %get3A_1552 = arith.constant 336 : index
    %get3A_1553 = tpu.vector_load %arg20[%get3A_1552] {strides = array<i32>} : memref<640xf32, #tpu.memory_space<vmem>>, vector<16xf32>,
    %get3A_1554 = vector.shape_cast %get3A_1553 : vector<16xf32> to vector<16xf32>
    %add3A_1555 = arith.addf %get3A_1551, %get3A_1554 : vector<16xf32>
    %sub3A_1556 = arith.subf %get3A_1548, %add3A_1555 : vector<16xf32>
    %get3A_1557 = arith.constant 336 : index
    %get3A_1558 = tpu.vector_load %arg26[%get3A_1557] {strides = array<i32>} : memref<640xf32, #tpu.memory_space<vmem>>, vector<16xf32>,
    %get3A_1559 = vector.shape_cast %get3A_1558 : vector<16xf32> to vector<16xf32>
    %get3A_1560 = arith.constant 336 : index
    %get3A_1561 = tpu.vector_load %arg18[%get3A_1560] {strides = array<i32>} : memref<640xf32, #tpu.memory_space<vmem>>, vector<16xf32>,
    %get3A_1562 = vector.shape_cast %get3A_1561 : vector<16xf32> to vector<16xf32>
    %get3A_1563 = arith.constant 336 : index
    %get3A_1564 = tpu.vector_load %arg21[%get3A_1563] {strides = array<i32>} : memref<640xf32, #tpu.memory_space<vmem>>, vector<16xf32>,
    %get3A_1565 = vector.shape_cast %get3A_1564 : vector<16xf32> to vector<16xf32>
    %add3A_1566 = arith.addf %get3A_1562, %get3A_1565 : vector<16xf32>
    %sub3A_1567 = arith.subf %get3A_1559, %add3A_1566 : vector<16xf32>
    %mul3A_1568 = arith.mulf %sub3A_1545, %sub3A_1545 : vector<16xf32>
    %mul3A_1569 = arith.mulf %sub3A_1556, %sub3A_1556 : vector<16xf32>
    %add3A_1570 = arith.addf %mul3A_1568, %mul3A_1569 : vector<16xf32>
    %mul3A_1571 = arith.mulf %sub3A_1567, %sub3A_1567 : vector<16xf32>
    %add3A_1572 = arith.addf %add3A_1570, %mul3A_1571 : vector<16xf32>
    %swap3A_1573 = arith.constant 336 : index
    %swap3A_1574 = tpu.vector_load %arg27[%swap3A_1573] {strides = array<i32>} : memref<640xf32, #tpu.memory_space<vmem>>, vector<16xf32>,
    %swap3A_1575 = vector.shape_cast %swap3A_1574 : vector<16xf32> to vector<16xf32>
    %swap3A_1576 = vector.shape_cast %add3A_1572 : vector<16xf32> to vector<16xf32>
    tpu.vector_store %arg27[%swap3A_1573], %swap3A_1576 {strides = array<i32>} : memref<640xf32, #tpu.memory_space<vmem>>, vector<16xf32>,
    %get3A_1577 = arith.constant 352 : index
    %get3A_1578 = tpu.vector_load %arg24[%get3A_1577] {strides = array<i32>} : memref<640xf32, #tpu.memory_space<vmem>>, vector<16xf32>,
    %get3A_1579 = vector.shape_cast %get3A_1578 : vector<16xf32> to vector<16xf32>
    %get3A_1580 = arith.constant 352 : index
    %get3A_1581 = tpu.vector_load %arg16[%get3A_1580] {strides = array<i32>} : memref<640xf32, #tpu.memory_space<vmem>>, vector<16xf32>,
    %get3A_1582 = vector.shape_cast %get3A_1581 : vector<16xf32> to vector<16xf32>
    %get3A_1583 = arith.constant 352 : index
    %get3A_1584 = tpu.vector_load %arg19[%get3A_1583] {strides = array<i32>} : memref<640xf32, #tpu.memory_space<vmem>>, vector<16xf32>,
    %get3A_1585 = vector.shape_cast %get3A_1584 : vector<16xf32> to vector<16xf32>
    %add3A_1586 = arith.addf %get3A_1582, %get3A_1585 : vector<16xf32>
    %sub3A_1587 = arith.subf %get3A_1579, %add3A_1586 : vector<16xf32>
    %get3A_1588 = arith.constant 352 : index
    %get3A_1589 = tpu.vector_load %arg25[%get3A_1588] {strides = array<i32>} : memref<640xf32, #tpu.memory_space<vmem>>, vector<16xf32>,
    %get3A_1590 = vector.shape_cast %get3A_1589 : vector<16xf32> to vector<16xf32>
    %get3A_1591 = arith.constant 352 : index
    %get3A_1592 = tpu.vector_load %arg17[%get3A_1591] {strides = array<i32>} : memref<640xf32, #tpu.memory_space<vmem>>, vector<16xf32>,
    %get3A_1593 = vector.shape_cast %get3A_1592 : vector<16xf32> to vector<16xf32>
    %get3A_1594 = arith.constant 352 : index
    %get3A_1595 = tpu.vector_load %arg20[%get3A_1594] {strides = array<i32>} : memref<640xf32, #tpu.memory_space<vmem>>, vector<16xf32>,
    %get3A_1596 = vector.shape_cast %get3A_1595 : vector<16xf32> to vector<16xf32>
    %add3A_1597 = arith.addf %get3A_1593, %get3A_1596 : vector<16xf32>
    %sub3A_1598 = arith.subf %get3A_1590, %add3A_1597 : vector<16xf32>
    %get3A_1599 = arith.constant 352 : index
    %get3A_1600 = tpu.vector_load %arg26[%get3A_1599] {strides = array<i32>} : memref<640xf32, #tpu.memory_space<vmem>>, vector<16xf32>,
    %get3A_1601 = vector.shape_cast %get3A_1600 : vector<16xf32> to vector<16xf32>
    %get3A_1602 = arith.constant 352 : index
    %get3A_1603 = tpu.vector_load %arg18[%get3A_1602] {strides = array<i32>} : memref<640xf32, #tpu.memory_space<vmem>>, vector<16xf32>,
    %get3A_1604 = vector.shape_cast %get3A_1603 : vector<16xf32> to vector<16xf32>
    %get3A_1605 = arith.constant 352 : index
    %get3A_1606 = tpu.vector_load %arg21[%get3A_1605] {strides = array<i32>} : memref<640xf32, #tpu.memory_space<vmem>>, vector<16xf32>,
    %get3A_1607 = vector.shape_cast %get3A_1606 : vector<16xf32> to vector<16xf32>
    %add3A_1608 = arith.addf %get3A_1604, %get3A_1607 : vector<16xf32>
    %sub3A_1609 = arith.subf %get3A_1601, %add3A_1608 : vector<16xf32>
    %mul3A_1610 = arith.mulf %sub3A_1587, %sub3A_1587 : vector<16xf32>
    %mul3A_1611 = arith.mulf %sub3A_1598, %sub3A_1598 : vector<16xf32>
    %add3A_1612 = arith.addf %mul3A_1610, %mul3A_1611 : vector<16xf32>
    %mul3A_1613 = arith.mulf %sub3A_1609, %sub3A_1609 : vector<16xf32>
    %add3A_1614 = arith.addf %add3A_1612, %mul3A_1613 : vector<16xf32>
    %swap3A_1615 = arith.constant 352 : index
    %swap3A_1616 = tpu.vector_load %arg27[%swap3A_1615] {strides = array<i32>} : memref<640xf32, #tpu.memory_space<vmem>>, vector<16xf32>,
    %swap3A_1617 = vector.shape_cast %swap3A_1616 : vector<16xf32> to vector<16xf32>
    %swap3A_1618 = vector.shape_cast %add3A_1614 : vector<16xf32> to vector<16xf32>
    tpu.vector_store %arg27[%swap3A_1615], %swap3A_1618 {strides = array<i32>} : memref<640xf32, #tpu.memory_space<vmem>>, vector<16xf32>,
    %get3A_1619 = arith.constant 368 : index
    %get3A_1620 = tpu.vector_load %arg24[%get3A_1619] {strides = array<i32>} : memref<640xf32, #tpu.memory_space<vmem>>, vector<16xf32>,
    %get3A_1621 = vector.shape_cast %get3A_1620 : vector<16xf32> to vector<16xf32>
    %get3A_1622 = arith.constant 368 : index
    %get3A_1623 = tpu.vector_load %arg16[%get3A_1622] {strides = array<i32>} : memref<640xf32, #tpu.memory_space<vmem>>, vector<16xf32>,
    %get3A_1624 = vector.shape_cast %get3A_1623 : vector<16xf32> to vector<16xf32>
    %get3A_1625 = arith.constant 368 : index
    %get3A_1626 = tpu.vector_load %arg19[%get3A_1625] {strides = array<i32>} : memref<640xf32, #tpu.memory_space<vmem>>, vector<16xf32>,
    %get3A_1627 = vector.shape_cast %get3A_1626 : vector<16xf32> to vector<16xf32>
    %add3A_1628 = arith.addf %get3A_1624, %get3A_1627 : vector<16xf32>
    %sub3A_1629 = arith.subf %get3A_1621, %add3A_1628 : vector<16xf32>
    %get3A_1630 = arith.constant 368 : index
    %get3A_1631 = tpu.vector_load %arg25[%get3A_1630] {strides = array<i32>} : memref<640xf32, #tpu.memory_space<vmem>>, vector<16xf32>,
    %get3A_1632 = vector.shape_cast %get3A_1631 : vector<16xf32> to vector<16xf32>
    %get3A_1633 = arith.constant 368 : index
    %get3A_1634 = tpu.vector_load %arg17[%get3A_1633] {strides = array<i32>} : memref<640xf32, #tpu.memory_space<vmem>>, vector<16xf32>,
    %get3A_1635 = vector.shape_cast %get3A_1634 : vector<16xf32> to vector<16xf32>
    %get3A_1636 = arith.constant 368 : index
    %get3A_1637 = tpu.vector_load %arg20[%get3A_1636] {strides = array<i32>} : memref<640xf32, #tpu.memory_space<vmem>>, vector<16xf32>,
    %get3A_1638 = vector.shape_cast %get3A_1637 : vector<16xf32> to vector<16xf32>
    %add3A_1639 = arith.addf %get3A_1635, %get3A_1638 : vector<16xf32>
    %sub3A_1640 = arith.subf %get3A_1632, %add3A_1639 : vector<16xf32>
    %get3A_1641 = arith.constant 368 : index
    %get3A_1642 = tpu.vector_load %arg26[%get3A_1641] {strides = array<i32>} : memref<640xf32, #tpu.memory_space<vmem>>, vector<16xf32>,
    %get3A_1643 = vector.shape_cast %get3A_1642 : vector<16xf32> to vector<16xf32>
    %get3A_1644 = arith.constant 368 : index
    %get3A_1645 = tpu.vector_load %arg18[%get3A_1644] {strides = array<i32>} : memref<640xf32, #tpu.memory_space<vmem>>, vector<16xf32>,
    %get3A_1646 = vector.shape_cast %get3A_1645 : vector<16xf32> to vector<16xf32>
    %get3A_1647 = arith.constant 368 : index
    %get3A_1648 = tpu.vector_load %arg21[%get3A_1647] {strides = array<i32>} : memref<640xf32, #tpu.memory_space<vmem>>, vector<16xf32>,
    %get3A_1649 = vector.shape_cast %get3A_1648 : vector<16xf32> to vector<16xf32>
    %add3A_1650 = arith.addf %get3A_1646, %get3A_1649 : vector<16xf32>
    %sub3A_1651 = arith.subf %get3A_1643, %add3A_1650 : vector<16xf32>
    %mul3A_1652 = arith.mulf %sub3A_1629, %sub3A_1629 : vector<16xf32>
    %mul3A_1653 = arith.mulf %sub3A_1640, %sub3A_1640 : vector<16xf32>
    %add3A_1654 = arith.addf %mul3A_1652, %mul3A_1653 : vector<16xf32>
    %mul3A_1655 = arith.mulf %sub3A_1651, %sub3A_1651 : vector<16xf32>
    %add3A_1656 = arith.addf %add3A_1654, %mul3A_1655 : vector<16xf32>
    %swap3A_1657 = arith.constant 368 : index
    %swap3A_1658 = tpu.vector_load %arg27[%swap3A_1657] {strides = array<i32>} : memref<640xf32, #tpu.memory_space<vmem>>, vector<16xf32>,
    %swap3A_1659 = vector.shape_cast %swap3A_1658 : vector<16xf32> to vector<16xf32>
    %swap3A_1660 = vector.shape_cast %add3A_1656 : vector<16xf32> to vector<16xf32>
    tpu.vector_store %arg27[%swap3A_1657], %swap3A_1660 {strides = array<i32>} : memref<640xf32, #tpu.memory_space<vmem>>, vector<16xf32>,
    %get3A_1661 = arith.constant 384 : index
    %get3A_1662 = tpu.vector_load %arg24[%get3A_1661] {strides = array<i32>} : memref<640xf32, #tpu.memory_space<vmem>>, vector<16xf32>,
    %get3A_1663 = vector.shape_cast %get3A_1662 : vector<16xf32> to vector<16xf32>
    %get3A_1664 = arith.constant 384 : index
    %get3A_1665 = tpu.vector_load %arg16[%get3A_1664] {strides = array<i32>} : memref<640xf32, #tpu.memory_space<vmem>>, vector<16xf32>,
    %get3A_1666 = vector.shape_cast %get3A_1665 : vector<16xf32> to vector<16xf32>
    %get3A_1667 = arith.constant 384 : index
    %get3A_1668 = tpu.vector_load %arg19[%get3A_1667] {strides = array<i32>} : memref<640xf32, #tpu.memory_space<vmem>>, vector<16xf32>,
    %get3A_1669 = vector.shape_cast %get3A_1668 : vector<16xf32> to vector<16xf32>
    %add3A_1670 = arith.addf %get3A_1666, %get3A_1669 : vector<16xf32>
    %sub3A_1671 = arith.subf %get3A_1663, %add3A_1670 : vector<16xf32>
    %get3A_1672 = arith.constant 384 : index
    %get3A_1673 = tpu.vector_load %arg25[%get3A_1672] {strides = array<i32>} : memref<640xf32, #tpu.memory_space<vmem>>, vector<16xf32>,
    %get3A_1674 = vector.shape_cast %get3A_1673 : vector<16xf32> to vector<16xf32>
    %get3A_1675 = arith.constant 384 : index
    %get3A_1676 = tpu.vector_load %arg17[%get3A_1675] {strides = array<i32>} : memref<640xf32, #tpu.memory_space<vmem>>, vector<16xf32>,
    %get3A_1677 = vector.shape_cast %get3A_1676 : vector<16xf32> to vector<16xf32>
    %get3A_1678 = arith.constant 384 : index
    %get3A_1679 = tpu.vector_load %arg20[%get3A_1678] {strides = array<i32>} : memref<640xf32, #tpu.memory_space<vmem>>, vector<16xf32>,
    %get3A_1680 = vector.shape_cast %get3A_1679 : vector<16xf32> to vector<16xf32>
    %add3A_1681 = arith.addf %get3A_1677, %get3A_1680 : vector<16xf32>
    %sub3A_1682 = arith.subf %get3A_1674, %add3A_1681 : vector<16xf32>
    %get3A_1683 = arith.constant 384 : index
    %get3A_1684 = tpu.vector_load %arg26[%get3A_1683] {strides = array<i32>} : memref<640xf32, #tpu.memory_space<vmem>>, vector<16xf32>,
    %get3A_1685 = vector.shape_cast %get3A_1684 : vector<16xf32> to vector<16xf32>
    %get3A_1686 = arith.constant 384 : index
    %get3A_1687 = tpu.vector_load %arg18[%get3A_1686] {strides = array<i32>} : memref<640xf32, #tpu.memory_space<vmem>>, vector<16xf32>,
    %get3A_1688 = vector.shape_cast %get3A_1687 : vector<16xf32> to vector<16xf32>
    %get3A_1689 = arith.constant 384 : index
    %get3A_1690 = tpu.vector_load %arg21[%get3A_1689] {strides = array<i32>} : memref<640xf32, #tpu.memory_space<vmem>>, vector<16xf32>,
    %get3A_1691 = vector.shape_cast %get3A_1690 : vector<16xf32> to vector<16xf32>
    %add3A_1692 = arith.addf %get3A_1688, %get3A_1691 : vector<16xf32>
    %sub3A_1693 = arith.subf %get3A_1685, %add3A_1692 : vector<16xf32>
    %mul3A_1694 = arith.mulf %sub3A_1671, %sub3A_1671 : vector<16xf32>
    %mul3A_1695 = arith.mulf %sub3A_1682, %sub3A_1682 : vector<16xf32>
    %add3A_1696 = arith.addf %mul3A_1694, %mul3A_1695 : vector<16xf32>
    %mul3A_1697 = arith.mulf %sub3A_1693, %sub3A_1693 : vector<16xf32>
    %add3A_1698 = arith.addf %add3A_1696, %mul3A_1697 : vector<16xf32>
    %swap3A_1699 = arith.constant 384 : index
    %swap3A_1700 = tpu.vector_load %arg27[%swap3A_1699] {strides = array<i32>} : memref<640xf32, #tpu.memory_space<vmem>>, vector<16xf32>,
    %swap3A_1701 = vector.shape_cast %swap3A_1700 : vector<16xf32> to vector<16xf32>
    %swap3A_1702 = vector.shape_cast %add3A_1698 : vector<16xf32> to vector<16xf32>
    tpu.vector_store %arg27[%swap3A_1699], %swap3A_1702 {strides = array<i32>} : memref<640xf32, #tpu.memory_space<vmem>>, vector<16xf32>,
    %get3A_1703 = arith.constant 400 : index
    %get3A_1704 = tpu.vector_load %arg24[%get3A_1703] {strides = array<i32>} : memref<640xf32, #tpu.memory_space<vmem>>, vector<16xf32>,
    %get3A_1705 = vector.shape_cast %get3A_1704 : vector<16xf32> to vector<16xf32>
    %get3A_1706 = arith.constant 400 : index
    %get3A_1707 = tpu.vector_load %arg16[%get3A_1706] {strides = array<i32>} : memref<640xf32, #tpu.memory_space<vmem>>, vector<16xf32>,
    %get3A_1708 = vector.shape_cast %get3A_1707 : vector<16xf32> to vector<16xf32>
    %get3A_1709 = arith.constant 400 : index
    %get3A_1710 = tpu.vector_load %arg19[%get3A_1709] {strides = array<i32>} : memref<640xf32, #tpu.memory_space<vmem>>, vector<16xf32>,
    %get3A_1711 = vector.shape_cast %get3A_1710 : vector<16xf32> to vector<16xf32>
    %add3A_1712 = arith.addf %get3A_1708, %get3A_1711 : vector<16xf32>
    %sub3A_1713 = arith.subf %get3A_1705, %add3A_1712 : vector<16xf32>
    %get3A_1714 = arith.constant 400 : index
    %get3A_1715 = tpu.vector_load %arg25[%get3A_1714] {strides = array<i32>} : memref<640xf32, #tpu.memory_space<vmem>>, vector<16xf32>,
    %get3A_1716 = vector.shape_cast %get3A_1715 : vector<16xf32> to vector<16xf32>
    %get3A_1717 = arith.constant 400 : index
    %get3A_1718 = tpu.vector_load %arg17[%get3A_1717] {strides = array<i32>} : memref<640xf32, #tpu.memory_space<vmem>>, vector<16xf32>,
    %get3A_1719 = vector.shape_cast %get3A_1718 : vector<16xf32> to vector<16xf32>
    %get3A_1720 = arith.constant 400 : index
    %get3A_1721 = tpu.vector_load %arg20[%get3A_1720] {strides = array<i32>} : memref<640xf32, #tpu.memory_space<vmem>>, vector<16xf32>,
    %get3A_1722 = vector.shape_cast %get3A_1721 : vector<16xf32> to vector<16xf32>
    %add3A_1723 = arith.addf %get3A_1719, %get3A_1722 : vector<16xf32>
    %sub3A_1724 = arith.subf %get3A_1716, %add3A_1723 : vector<16xf32>
    %get3A_1725 = arith.constant 400 : index
    %get3A_1726 = tpu.vector_load %arg26[%get3A_1725] {strides = array<i32>} : memref<640xf32, #tpu.memory_space<vmem>>, vector<16xf32>,
    %get3A_1727 = vector.shape_cast %get3A_1726 : vector<16xf32> to vector<16xf32>
    %get3A_1728 = arith.constant 400 : index
    %get3A_1729 = tpu.vector_load %arg18[%get3A_1728] {strides = array<i32>} : memref<640xf32, #tpu.memory_space<vmem>>, vector<16xf32>,
    %get3A_1730 = vector.shape_cast %get3A_1729 : vector<16xf32> to vector<16xf32>
    %get3A_1731 = arith.constant 400 : index
    %get3A_1732 = tpu.vector_load %arg21[%get3A_1731] {strides = array<i32>} : memref<640xf32, #tpu.memory_space<vmem>>, vector<16xf32>,
    %get3A_1733 = vector.shape_cast %get3A_1732 : vector<16xf32> to vector<16xf32>
    %add3A_1734 = arith.addf %get3A_1730, %get3A_1733 : vector<16xf32>
    %sub3A_1735 = arith.subf %get3A_1727, %add3A_1734 : vector<16xf32>
    %mul3A_1736 = arith.mulf %sub3A_1713, %sub3A_1713 : vector<16xf32>
    %mul3A_1737 = arith.mulf %sub3A_1724, %sub3A_1724 : vector<16xf32>
    %add3A_1738 = arith.addf %mul3A_1736, %mul3A_1737 : vector<16xf32>
    %mul3A_1739 = arith.mulf %sub3A_1735, %sub3A_1735 : vector<16xf32>
    %add3A_1740 = arith.addf %add3A_1738, %mul3A_1739 : vector<16xf32>
    %swap3A_1741 = arith.constant 400 : index
    %swap3A_1742 = tpu.vector_load %arg27[%swap3A_1741] {strides = array<i32>} : memref<640xf32, #tpu.memory_space<vmem>>, vector<16xf32>,
    %swap3A_1743 = vector.shape_cast %swap3A_1742 : vector<16xf32> to vector<16xf32>
    %swap3A_1744 = vector.shape_cast %add3A_1740 : vector<16xf32> to vector<16xf32>
    tpu.vector_store %arg27[%swap3A_1741], %swap3A_1744 {strides = array<i32>} : memref<640xf32, #tpu.memory_space<vmem>>, vector<16xf32>,
    %get3A_1745 = arith.constant 416 : index
    %get3A_1746 = tpu.vector_load %arg24[%get3A_1745] {strides = array<i32>} : memref<640xf32, #tpu.memory_space<vmem>>, vector<16xf32>,
    %get3A_1747 = vector.shape_cast %get3A_1746 : vector<16xf32> to vector<16xf32>
    %get3A_1748 = arith.constant 416 : index
    %get3A_1749 = tpu.vector_load %arg16[%get3A_1748] {strides = array<i32>} : memref<640xf32, #tpu.memory_space<vmem>>, vector<16xf32>,
    %get3A_1750 = vector.shape_cast %get3A_1749 : vector<16xf32> to vector<16xf32>
    %get3A_1751 = arith.constant 416 : index
    %get3A_1752 = tpu.vector_load %arg19[%get3A_1751] {strides = array<i32>} : memref<640xf32, #tpu.memory_space<vmem>>, vector<16xf32>,
    %get3A_1753 = vector.shape_cast %get3A_1752 : vector<16xf32> to vector<16xf32>
    %add3A_1754 = arith.addf %get3A_1750, %get3A_1753 : vector<16xf32>
    %sub3A_1755 = arith.subf %get3A_1747, %add3A_1754 : vector<16xf32>
    %get3A_1756 = arith.constant 416 : index
    %get3A_1757 = tpu.vector_load %arg25[%get3A_1756] {strides = array<i32>} : memref<640xf32, #tpu.memory_space<vmem>>, vector<16xf32>,
    %get3A_1758 = vector.shape_cast %get3A_1757 : vector<16xf32> to vector<16xf32>
    %get3A_1759 = arith.constant 416 : index
    %get3A_1760 = tpu.vector_load %arg17[%get3A_1759] {strides = array<i32>} : memref<640xf32, #tpu.memory_space<vmem>>, vector<16xf32>,
    %get3A_1761 = vector.shape_cast %get3A_1760 : vector<16xf32> to vector<16xf32>
    %get3A_1762 = arith.constant 416 : index
    %get3A_1763 = tpu.vector_load %arg20[%get3A_1762] {strides = array<i32>} : memref<640xf32, #tpu.memory_space<vmem>>, vector<16xf32>,
    %get3A_1764 = vector.shape_cast %get3A_1763 : vector<16xf32> to vector<16xf32>
    %add3A_1765 = arith.addf %get3A_1761, %get3A_1764 : vector<16xf32>
    %sub3A_1766 = arith.subf %get3A_1758, %add3A_1765 : vector<16xf32>
    %get3A_1767 = arith.constant 416 : index
    %get3A_1768 = tpu.vector_load %arg26[%get3A_1767] {strides = array<i32>} : memref<640xf32, #tpu.memory_space<vmem>>, vector<16xf32>,
    %get3A_1769 = vector.shape_cast %get3A_1768 : vector<16xf32> to vector<16xf32>
    %get3A_1770 = arith.constant 416 : index
    %get3A_1771 = tpu.vector_load %arg18[%get3A_1770] {strides = array<i32>} : memref<640xf32, #tpu.memory_space<vmem>>, vector<16xf32>,
    %get3A_1772 = vector.shape_cast %get3A_1771 : vector<16xf32> to vector<16xf32>
    %get3A_1773 = arith.constant 416 : index
    %get3A_1774 = tpu.vector_load %arg21[%get3A_1773] {strides = array<i32>} : memref<640xf32, #tpu.memory_space<vmem>>, vector<16xf32>,
    %get3A_1775 = vector.shape_cast %get3A_1774 : vector<16xf32> to vector<16xf32>
    %add3A_1776 = arith.addf %get3A_1772, %get3A_1775 : vector<16xf32>
    %sub3A_1777 = arith.subf %get3A_1769, %add3A_1776 : vector<16xf32>
    %mul3A_1778 = arith.mulf %sub3A_1755, %sub3A_1755 : vector<16xf32>
    %mul3A_1779 = arith.mulf %sub3A_1766, %sub3A_1766 : vector<16xf32>
    %add3A_1780 = arith.addf %mul3A_1778, %mul3A_1779 : vector<16xf32>
    %mul3A_1781 = arith.mulf %sub3A_1777, %sub3A_1777 : vector<16xf32>
    %add3A_1782 = arith.addf %add3A_1780, %mul3A_1781 : vector<16xf32>
    %swap3A_1783 = arith.constant 416 : index
    %swap3A_1784 = tpu.vector_load %arg27[%swap3A_1783] {strides = array<i32>} : memref<640xf32, #tpu.memory_space<vmem>>, vector<16xf32>,
    %swap3A_1785 = vector.shape_cast %swap3A_1784 : vector<16xf32> to vector<16xf32>
    %swap3A_1786 = vector.shape_cast %add3A_1782 : vector<16xf32> to vector<16xf32>
    tpu.vector_store %arg27[%swap3A_1783], %swap3A_1786 {strides = array<i32>} : memref<640xf32, #tpu.memory_space<vmem>>, vector<16xf32>,
    %get3A_1787 = arith.constant 432 : index
    %get3A_1788 = tpu.vector_load %arg24[%get3A_1787] {strides = array<i32>} : memref<640xf32, #tpu.memory_space<vmem>>, vector<16xf32>,
    %get3A_1789 = vector.shape_cast %get3A_1788 : vector<16xf32> to vector<16xf32>
    %get3A_1790 = arith.constant 432 : index
    %get3A_1791 = tpu.vector_load %arg16[%get3A_1790] {strides = array<i32>} : memref<640xf32, #tpu.memory_space<vmem>>, vector<16xf32>,
    %get3A_1792 = vector.shape_cast %get3A_1791 : vector<16xf32> to vector<16xf32>
    %get3A_1793 = arith.constant 432 : index
    %get3A_1794 = tpu.vector_load %arg19[%get3A_1793] {strides = array<i32>} : memref<640xf32, #tpu.memory_space<vmem>>, vector<16xf32>,
    %get3A_1795 = vector.shape_cast %get3A_1794 : vector<16xf32> to vector<16xf32>
    %add3A_1796 = arith.addf %get3A_1792, %get3A_1795 : vector<16xf32>
    %sub3A_1797 = arith.subf %get3A_1789, %add3A_1796 : vector<16xf32>
    %get3A_1798 = arith.constant 432 : index
    %get3A_1799 = tpu.vector_load %arg25[%get3A_1798] {strides = array<i32>} : memref<640xf32, #tpu.memory_space<vmem>>, vector<16xf32>,
    %get3A_1800 = vector.shape_cast %get3A_1799 : vector<16xf32> to vector<16xf32>
    %get3A_1801 = arith.constant 432 : index
    %get3A_1802 = tpu.vector_load %arg17[%get3A_1801] {strides = array<i32>} : memref<640xf32, #tpu.memory_space<vmem>>, vector<16xf32>,
    %get3A_1803 = vector.shape_cast %get3A_1802 : vector<16xf32> to vector<16xf32>
    %get3A_1804 = arith.constant 432 : index
    %get3A_1805 = tpu.vector_load %arg20[%get3A_1804] {strides = array<i32>} : memref<640xf32, #tpu.memory_space<vmem>>, vector<16xf32>,
    %get3A_1806 = vector.shape_cast %get3A_1805 : vector<16xf32> to vector<16xf32>
    %add3A_1807 = arith.addf %get3A_1803, %get3A_1806 : vector<16xf32>
    %sub3A_1808 = arith.subf %get3A_1800, %add3A_1807 : vector<16xf32>
    %get3A_1809 = arith.constant 432 : index
    %get3A_1810 = tpu.vector_load %arg26[%get3A_1809] {strides = array<i32>} : memref<640xf32, #tpu.memory_space<vmem>>, vector<16xf32>,
    %get3A_1811 = vector.shape_cast %get3A_1810 : vector<16xf32> to vector<16xf32>
    %get3A_1812 = arith.constant 432 : index
    %get3A_1813 = tpu.vector_load %arg18[%get3A_1812] {strides = array<i32>} : memref<640xf32, #tpu.memory_space<vmem>>, vector<16xf32>,
    %get3A_1814 = vector.shape_cast %get3A_1813 : vector<16xf32> to vector<16xf32>
    %get3A_1815 = arith.constant 432 : index
    %get3A_1816 = tpu.vector_load %arg21[%get3A_1815] {strides = array<i32>} : memref<640xf32, #tpu.memory_space<vmem>>, vector<16xf32>,
    %get3A_1817 = vector.shape_cast %get3A_1816 : vector<16xf32> to vector<16xf32>
    %add3A_1818 = arith.addf %get3A_1814, %get3A_1817 : vector<16xf32>
    %sub3A_1819 = arith.subf %get3A_1811, %add3A_1818 : vector<16xf32>
    %mul3A_1820 = arith.mulf %sub3A_1797, %sub3A_1797 : vector<16xf32>
    %mul3A_1821 = arith.mulf %sub3A_1808, %sub3A_1808 : vector<16xf32>
    %add3A_1822 = arith.addf %mul3A_1820, %mul3A_1821 : vector<16xf32>
    %mul3A_1823 = arith.mulf %sub3A_1819, %sub3A_1819 : vector<16xf32>
    %add3A_1824 = arith.addf %add3A_1822, %mul3A_1823 : vector<16xf32>
    %swap3A_1825 = arith.constant 432 : index
    %swap3A_1826 = tpu.vector_load %arg27[%swap3A_1825] {strides = array<i32>} : memref<640xf32, #tpu.memory_space<vmem>>, vector<16xf32>,
    %swap3A_1827 = vector.shape_cast %swap3A_1826 : vector<16xf32> to vector<16xf32>
    %swap3A_1828 = vector.shape_cast %add3A_1824 : vector<16xf32> to vector<16xf32>
    tpu.vector_store %arg27[%swap3A_1825], %swap3A_1828 {strides = array<i32>} : memref<640xf32, #tpu.memory_space<vmem>>, vector<16xf32>,
    %get3A_1829 = arith.constant 448 : index
    %get3A_1830 = tpu.vector_load %arg24[%get3A_1829] {strides = array<i32>} : memref<640xf32, #tpu.memory_space<vmem>>, vector<16xf32>,
    %get3A_1831 = vector.shape_cast %get3A_1830 : vector<16xf32> to vector<16xf32>
    %get3A_1832 = arith.constant 448 : index
    %get3A_1833 = tpu.vector_load %arg16[%get3A_1832] {strides = array<i32>} : memref<640xf32, #tpu.memory_space<vmem>>, vector<16xf32>,
    %get3A_1834 = vector.shape_cast %get3A_1833 : vector<16xf32> to vector<16xf32>
    %get3A_1835 = arith.constant 448 : index
    %get3A_1836 = tpu.vector_load %arg19[%get3A_1835] {strides = array<i32>} : memref<640xf32, #tpu.memory_space<vmem>>, vector<16xf32>,
    %get3A_1837 = vector.shape_cast %get3A_1836 : vector<16xf32> to vector<16xf32>
    %add3A_1838 = arith.addf %get3A_1834, %get3A_1837 : vector<16xf32>
    %sub3A_1839 = arith.subf %get3A_1831, %add3A_1838 : vector<16xf32>
    %get3A_1840 = arith.constant 448 : index
    %get3A_1841 = tpu.vector_load %arg25[%get3A_1840] {strides = array<i32>} : memref<640xf32, #tpu.memory_space<vmem>>, vector<16xf32>,
    %get3A_1842 = vector.shape_cast %get3A_1841 : vector<16xf32> to vector<16xf32>
    %get3A_1843 = arith.constant 448 : index
    %get3A_1844 = tpu.vector_load %arg17[%get3A_1843] {strides = array<i32>} : memref<640xf32, #tpu.memory_space<vmem>>, vector<16xf32>,
    %get3A_1845 = vector.shape_cast %get3A_1844 : vector<16xf32> to vector<16xf32>
    %get3A_1846 = arith.constant 448 : index
    %get3A_1847 = tpu.vector_load %arg20[%get3A_1846] {strides = array<i32>} : memref<640xf32, #tpu.memory_space<vmem>>, vector<16xf32>,
    %get3A_1848 = vector.shape_cast %get3A_1847 : vector<16xf32> to vector<16xf32>
    %add3A_1849 = arith.addf %get3A_1845, %get3A_1848 : vector<16xf32>
    %sub3A_1850 = arith.subf %get3A_1842, %add3A_1849 : vector<16xf32>
    %get3A_1851 = arith.constant 448 : index
    %get3A_1852 = tpu.vector_load %arg26[%get3A_1851] {strides = array<i32>} : memref<640xf32, #tpu.memory_space<vmem>>, vector<16xf32>,
    %get3A_1853 = vector.shape_cast %get3A_1852 : vector<16xf32> to vector<16xf32>
    %get3A_1854 = arith.constant 448 : index
    %get3A_1855 = tpu.vector_load %arg18[%get3A_1854] {strides = array<i32>} : memref<640xf32, #tpu.memory_space<vmem>>, vector<16xf32>,
    %get3A_1856 = vector.shape_cast %get3A_1855 : vector<16xf32> to vector<16xf32>
    %get3A_1857 = arith.constant 448 : index
    %get3A_1858 = tpu.vector_load %arg21[%get3A_1857] {strides = array<i32>} : memref<640xf32, #tpu.memory_space<vmem>>, vector<16xf32>,
    %get3A_1859 = vector.shape_cast %get3A_1858 : vector<16xf32> to vector<16xf32>
    %add3A_1860 = arith.addf %get3A_1856, %get3A_1859 : vector<16xf32>
    %sub3A_1861 = arith.subf %get3A_1853, %add3A_1860 : vector<16xf32>
    %mul3A_1862 = arith.mulf %sub3A_1839, %sub3A_1839 : vector<16xf32>
    %mul3A_1863 = arith.mulf %sub3A_1850, %sub3A_1850 : vector<16xf32>
    %add3A_1864 = arith.addf %mul3A_1862, %mul3A_1863 : vector<16xf32>
    %mul3A_1865 = arith.mulf %sub3A_1861, %sub3A_1861 : vector<16xf32>
    %add3A_1866 = arith.addf %add3A_1864, %mul3A_1865 : vector<16xf32>
    %swap3A_1867 = arith.constant 448 : index
    %swap3A_1868 = tpu.vector_load %arg27[%swap3A_1867] {strides = array<i32>} : memref<640xf32, #tpu.memory_space<vmem>>, vector<16xf32>,
    %swap3A_1869 = vector.shape_cast %swap3A_1868 : vector<16xf32> to vector<16xf32>
    %swap3A_1870 = vector.shape_cast %add3A_1866 : vector<16xf32> to vector<16xf32>
    tpu.vector_store %arg27[%swap3A_1867], %swap3A_1870 {strides = array<i32>} : memref<640xf32, #tpu.memory_space<vmem>>, vector<16xf32>,
    %get3A_1871 = arith.constant 464 : index
    %get3A_1872 = tpu.vector_load %arg24[%get3A_1871] {strides = array<i32>} : memref<640xf32, #tpu.memory_space<vmem>>, vector<16xf32>,
    %get3A_1873 = vector.shape_cast %get3A_1872 : vector<16xf32> to vector<16xf32>
    %get3A_1874 = arith.constant 464 : index
    %get3A_1875 = tpu.vector_load %arg16[%get3A_1874] {strides = array<i32>} : memref<640xf32, #tpu.memory_space<vmem>>, vector<16xf32>,
    %get3A_1876 = vector.shape_cast %get3A_1875 : vector<16xf32> to vector<16xf32>
    %get3A_1877 = arith.constant 464 : index
    %get3A_1878 = tpu.vector_load %arg19[%get3A_1877] {strides = array<i32>} : memref<640xf32, #tpu.memory_space<vmem>>, vector<16xf32>,
    %get3A_1879 = vector.shape_cast %get3A_1878 : vector<16xf32> to vector<16xf32>
    %add3A_1880 = arith.addf %get3A_1876, %get3A_1879 : vector<16xf32>
    %sub3A_1881 = arith.subf %get3A_1873, %add3A_1880 : vector<16xf32>
    %get3A_1882 = arith.constant 464 : index
    %get3A_1883 = tpu.vector_load %arg25[%get3A_1882] {strides = array<i32>} : memref<640xf32, #tpu.memory_space<vmem>>, vector<16xf32>,
    %get3A_1884 = vector.shape_cast %get3A_1883 : vector<16xf32> to vector<16xf32>
    %get3A_1885 = arith.constant 464 : index
    %get3A_1886 = tpu.vector_load %arg17[%get3A_1885] {strides = array<i32>} : memref<640xf32, #tpu.memory_space<vmem>>, vector<16xf32>,
    %get3A_1887 = vector.shape_cast %get3A_1886 : vector<16xf32> to vector<16xf32>
    %get3A_1888 = arith.constant 464 : index
    %get3A_1889 = tpu.vector_load %arg20[%get3A_1888] {strides = array<i32>} : memref<640xf32, #tpu.memory_space<vmem>>, vector<16xf32>,
    %get3A_1890 = vector.shape_cast %get3A_1889 : vector<16xf32> to vector<16xf32>
    %add3A_1891 = arith.addf %get3A_1887, %get3A_1890 : vector<16xf32>
    %sub3A_1892 = arith.subf %get3A_1884, %add3A_1891 : vector<16xf32>
    %get3A_1893 = arith.constant 464 : index
    %get3A_1894 = tpu.vector_load %arg26[%get3A_1893] {strides = array<i32>} : memref<640xf32, #tpu.memory_space<vmem>>, vector<16xf32>,
    %get3A_1895 = vector.shape_cast %get3A_1894 : vector<16xf32> to vector<16xf32>
    %get3A_1896 = arith.constant 464 : index
    %get3A_1897 = tpu.vector_load %arg18[%get3A_1896] {strides = array<i32>} : memref<640xf32, #tpu.memory_space<vmem>>, vector<16xf32>,
    %get3A_1898 = vector.shape_cast %get3A_1897 : vector<16xf32> to vector<16xf32>
    %get3A_1899 = arith.constant 464 : index
    %get3A_1900 = tpu.vector_load %arg21[%get3A_1899] {strides = array<i32>} : memref<640xf32, #tpu.memory_space<vmem>>, vector<16xf32>,
    %get3A_1901 = vector.shape_cast %get3A_1900 : vector<16xf32> to vector<16xf32>
    %add3A_1902 = arith.addf %get3A_1898, %get3A_1901 : vector<16xf32>
    %sub3A_1903 = arith.subf %get3A_1895, %add3A_1902 : vector<16xf32>
    %mul3A_1904 = arith.mulf %sub3A_1881, %sub3A_1881 : vector<16xf32>
    %mul3A_1905 = arith.mulf %sub3A_1892, %sub3A_1892 : vector<16xf32>
    %add3A_1906 = arith.addf %mul3A_1904, %mul3A_1905 : vector<16xf32>
    %mul3A_1907 = arith.mulf %sub3A_1903, %sub3A_1903 : vector<16xf32>
    %add3A_1908 = arith.addf %add3A_1906, %mul3A_1907 : vector<16xf32>
    %swap3A_1909 = arith.constant 464 : index
    %swap3A_1910 = tpu.vector_load %arg27[%swap3A_1909] {strides = array<i32>} : memref<640xf32, #tpu.memory_space<vmem>>, vector<16xf32>,
    %swap3A_1911 = vector.shape_cast %swap3A_1910 : vector<16xf32> to vector<16xf32>
    %swap3A_1912 = vector.shape_cast %add3A_1908 : vector<16xf32> to vector<16xf32>
    tpu.vector_store %arg27[%swap3A_1909], %swap3A_1912 {strides = array<i32>} : memref<640xf32, #tpu.memory_space<vmem>>, vector<16xf32>,
    %get3A_1913 = arith.constant 480 : index
    %get3A_1914 = tpu.vector_load %arg24[%get3A_1913] {strides = array<i32>} : memref<640xf32, #tpu.memory_space<vmem>>, vector<16xf32>,
    %get3A_1915 = vector.shape_cast %get3A_1914 : vector<16xf32> to vector<16xf32>
    %get3A_1916 = arith.constant 480 : index
    %get3A_1917 = tpu.vector_load %arg16[%get3A_1916] {strides = array<i32>} : memref<640xf32, #tpu.memory_space<vmem>>, vector<16xf32>,
    %get3A_1918 = vector.shape_cast %get3A_1917 : vector<16xf32> to vector<16xf32>
    %get3A_1919 = arith.constant 480 : index
    %get3A_1920 = tpu.vector_load %arg19[%get3A_1919] {strides = array<i32>} : memref<640xf32, #tpu.memory_space<vmem>>, vector<16xf32>,
    %get3A_1921 = vector.shape_cast %get3A_1920 : vector<16xf32> to vector<16xf32>
    %add3A_1922 = arith.addf %get3A_1918, %get3A_1921 : vector<16xf32>
    %sub3A_1923 = arith.subf %get3A_1915, %add3A_1922 : vector<16xf32>
    %get3A_1924 = arith.constant 480 : index
    %get3A_1925 = tpu.vector_load %arg25[%get3A_1924] {strides = array<i32>} : memref<640xf32, #tpu.memory_space<vmem>>, vector<16xf32>,
    %get3A_1926 = vector.shape_cast %get3A_1925 : vector<16xf32> to vector<16xf32>
    %get3A_1927 = arith.constant 480 : index
    %get3A_1928 = tpu.vector_load %arg17[%get3A_1927] {strides = array<i32>} : memref<640xf32, #tpu.memory_space<vmem>>, vector<16xf32>,
    %get3A_1929 = vector.shape_cast %get3A_1928 : vector<16xf32> to vector<16xf32>
    %get3A_1930 = arith.constant 480 : index
    %get3A_1931 = tpu.vector_load %arg20[%get3A_1930] {strides = array<i32>} : memref<640xf32, #tpu.memory_space<vmem>>, vector<16xf32>,
    %get3A_1932 = vector.shape_cast %get3A_1931 : vector<16xf32> to vector<16xf32>
    %add3A_1933 = arith.addf %get3A_1929, %get3A_1932 : vector<16xf32>
    %sub3A_1934 = arith.subf %get3A_1926, %add3A_1933 : vector<16xf32>
    %get3A_1935 = arith.constant 480 : index
    %get3A_1936 = tpu.vector_load %arg26[%get3A_1935] {strides = array<i32>} : memref<640xf32, #tpu.memory_space<vmem>>, vector<16xf32>,
    %get3A_1937 = vector.shape_cast %get3A_1936 : vector<16xf32> to vector<16xf32>
    %get3A_1938 = arith.constant 480 : index
    %get3A_1939 = tpu.vector_load %arg18[%get3A_1938] {strides = array<i32>} : memref<640xf32, #tpu.memory_space<vmem>>, vector<16xf32>,
    %get3A_1940 = vector.shape_cast %get3A_1939 : vector<16xf32> to vector<16xf32>
    %get3A_1941 = arith.constant 480 : index
    %get3A_1942 = tpu.vector_load %arg21[%get3A_1941] {strides = array<i32>} : memref<640xf32, #tpu.memory_space<vmem>>, vector<16xf32>,
    %get3A_1943 = vector.shape_cast %get3A_1942 : vector<16xf32> to vector<16xf32>
    %add3A_1944 = arith.addf %get3A_1940, %get3A_1943 : vector<16xf32>
    %sub3A_1945 = arith.subf %get3A_1937, %add3A_1944 : vector<16xf32>
    %mul3A_1946 = arith.mulf %sub3A_1923, %sub3A_1923 : vector<16xf32>
    %mul3A_1947 = arith.mulf %sub3A_1934, %sub3A_1934 : vector<16xf32>
    %add3A_1948 = arith.addf %mul3A_1946, %mul3A_1947 : vector<16xf32>
    %mul3A_1949 = arith.mulf %sub3A_1945, %sub3A_1945 : vector<16xf32>
    %add3A_1950 = arith.addf %add3A_1948, %mul3A_1949 : vector<16xf32>
    %swap3A_1951 = arith.constant 480 : index
    %swap3A_1952 = tpu.vector_load %arg27[%swap3A_1951] {strides = array<i32>} : memref<640xf32, #tpu.memory_space<vmem>>, vector<16xf32>,
    %swap3A_1953 = vector.shape_cast %swap3A_1952 : vector<16xf32> to vector<16xf32>
    %swap3A_1954 = vector.shape_cast %add3A_1950 : vector<16xf32> to vector<16xf32>
    tpu.vector_store %arg27[%swap3A_1951], %swap3A_1954 {strides = array<i32>} : memref<640xf32, #tpu.memory_space<vmem>>, vector<16xf32>,
    %get3A_1955 = arith.constant 496 : index
    %get3A_1956 = tpu.vector_load %arg24[%get3A_1955] {strides = array<i32>} : memref<640xf32, #tpu.memory_space<vmem>>, vector<16xf32>,
    %get3A_1957 = vector.shape_cast %get3A_1956 : vector<16xf32> to vector<16xf32>
    %get3A_1958 = arith.constant 496 : index
    %get3A_1959 = tpu.vector_load %arg16[%get3A_1958] {strides = array<i32>} : memref<640xf32, #tpu.memory_space<vmem>>, vector<16xf32>,
    %get3A_1960 = vector.shape_cast %get3A_1959 : vector<16xf32> to vector<16xf32>
    %get3A_1961 = arith.constant 496 : index
    %get3A_1962 = tpu.vector_load %arg19[%get3A_1961] {strides = array<i32>} : memref<640xf32, #tpu.memory_space<vmem>>, vector<16xf32>,
    %get3A_1963 = vector.shape_cast %get3A_1962 : vector<16xf32> to vector<16xf32>
    %add3A_1964 = arith.addf %get3A_1960, %get3A_1963 : vector<16xf32>
    %sub3A_1965 = arith.subf %get3A_1957, %add3A_1964 : vector<16xf32>
    %get3A_1966 = arith.constant 496 : index
    %get3A_1967 = tpu.vector_load %arg25[%get3A_1966] {strides = array<i32>} : memref<640xf32, #tpu.memory_space<vmem>>, vector<16xf32>,
    %get3A_1968 = vector.shape_cast %get3A_1967 : vector<16xf32> to vector<16xf32>
    %get3A_1969 = arith.constant 496 : index
    %get3A_1970 = tpu.vector_load %arg17[%get3A_1969] {strides = array<i32>} : memref<640xf32, #tpu.memory_space<vmem>>, vector<16xf32>,
    %get3A_1971 = vector.shape_cast %get3A_1970 : vector<16xf32> to vector<16xf32>
    %get3A_1972 = arith.constant 496 : index
    %get3A_1973 = tpu.vector_load %arg20[%get3A_1972] {strides = array<i32>} : memref<640xf32, #tpu.memory_space<vmem>>, vector<16xf32>,
    %get3A_1974 = vector.shape_cast %get3A_1973 : vector<16xf32> to vector<16xf32>
    %add3A_1975 = arith.addf %get3A_1971, %get3A_1974 : vector<16xf32>
    %sub3A_1976 = arith.subf %get3A_1968, %add3A_1975 : vector<16xf32>
    %get3A_1977 = arith.constant 496 : index
    %get3A_1978 = tpu.vector_load %arg26[%get3A_1977] {strides = array<i32>} : memref<640xf32, #tpu.memory_space<vmem>>, vector<16xf32>,
    %get3A_1979 = vector.shape_cast %get3A_1978 : vector<16xf32> to vector<16xf32>
    %get3A_1980 = arith.constant 496 : index
    %get3A_1981 = tpu.vector_load %arg18[%get3A_1980] {strides = array<i32>} : memref<640xf32, #tpu.memory_space<vmem>>, vector<16xf32>,
    %get3A_1982 = vector.shape_cast %get3A_1981 : vector<16xf32> to vector<16xf32>
    %get3A_1983 = arith.constant 496 : index
    %get3A_1984 = tpu.vector_load %arg21[%get3A_1983] {strides = array<i32>} : memref<640xf32, #tpu.memory_space<vmem>>, vector<16xf32>,
    %get3A_1985 = vector.shape_cast %get3A_1984 : vector<16xf32> to vector<16xf32>
    %add3A_1986 = arith.addf %get3A_1982, %get3A_1985 : vector<16xf32>
    %sub3A_1987 = arith.subf %get3A_1979, %add3A_1986 : vector<16xf32>
    %mul3A_1988 = arith.mulf %sub3A_1965, %sub3A_1965 : vector<16xf32>
    %mul3A_1989 = arith.mulf %sub3A_1976, %sub3A_1976 : vector<16xf32>
    %add3A_1990 = arith.addf %mul3A_1988, %mul3A_1989 : vector<16xf32>
    %mul3A_1991 = arith.mulf %sub3A_1987, %sub3A_1987 : vector<16xf32>
    %add3A_1992 = arith.addf %add3A_1990, %mul3A_1991 : vector<16xf32>
    %swap3A_1993 = arith.constant 496 : index
    %swap3A_1994 = tpu.vector_load %arg27[%swap3A_1993] {strides = array<i32>} : memref<640xf32, #tpu.memory_space<vmem>>, vector<16xf32>,
    %swap3A_1995 = vector.shape_cast %swap3A_1994 : vector<16xf32> to vector<16xf32>
    %swap3A_1996 = vector.shape_cast %add3A_1992 : vector<16xf32> to vector<16xf32>
    tpu.vector_store %arg27[%swap3A_1993], %swap3A_1996 {strides = array<i32>} : memref<640xf32, #tpu.memory_space<vmem>>, vector<16xf32>,
    %get3A_1997 = arith.constant 512 : index
    %get3A_1998 = tpu.vector_load %arg24[%get3A_1997] {strides = array<i32>} : memref<640xf32, #tpu.memory_space<vmem>>, vector<16xf32>,
    %get3A_1999 = vector.shape_cast %get3A_1998 : vector<16xf32> to vector<16xf32>
    %get3A_2000 = arith.constant 512 : index
    %get3A_2001 = tpu.vector_load %arg16[%get3A_2000] {strides = array<i32>} : memref<640xf32, #tpu.memory_space<vmem>>, vector<16xf32>,
    %get3A_2002 = vector.shape_cast %get3A_2001 : vector<16xf32> to vector<16xf32>
    %get3A_2003 = arith.constant 512 : index
    %get3A_2004 = tpu.vector_load %arg19[%get3A_2003] {strides = array<i32>} : memref<640xf32, #tpu.memory_space<vmem>>, vector<16xf32>,
    %get3A_2005 = vector.shape_cast %get3A_2004 : vector<16xf32> to vector<16xf32>
    %add3A_2006 = arith.addf %get3A_2002, %get3A_2005 : vector<16xf32>
    %sub3A_2007 = arith.subf %get3A_1999, %add3A_2006 : vector<16xf32>
    %get3A_2008 = arith.constant 512 : index
    %get3A_2009 = tpu.vector_load %arg25[%get3A_2008] {strides = array<i32>} : memref<640xf32, #tpu.memory_space<vmem>>, vector<16xf32>,
    %get3A_2010 = vector.shape_cast %get3A_2009 : vector<16xf32> to vector<16xf32>
    %get3A_2011 = arith.constant 512 : index
    %get3A_2012 = tpu.vector_load %arg17[%get3A_2011] {strides = array<i32>} : memref<640xf32, #tpu.memory_space<vmem>>, vector<16xf32>,
    %get3A_2013 = vector.shape_cast %get3A_2012 : vector<16xf32> to vector<16xf32>
    %get3A_2014 = arith.constant 512 : index
    %get3A_2015 = tpu.vector_load %arg20[%get3A_2014] {strides = array<i32>} : memref<640xf32, #tpu.memory_space<vmem>>, vector<16xf32>,
    %get3A_2016 = vector.shape_cast %get3A_2015 : vector<16xf32> to vector<16xf32>
    %add3A_2017 = arith.addf %get3A_2013, %get3A_2016 : vector<16xf32>
    %sub3A_2018 = arith.subf %get3A_2010, %add3A_2017 : vector<16xf32>
    %get3A_2019 = arith.constant 512 : index
    %get3A_2020 = tpu.vector_load %arg26[%get3A_2019] {strides = array<i32>} : memref<640xf32, #tpu.memory_space<vmem>>, vector<16xf32>,
    %get3A_2021 = vector.shape_cast %get3A_2020 : vector<16xf32> to vector<16xf32>
    %get3A_2022 = arith.constant 512 : index
    %get3A_2023 = tpu.vector_load %arg18[%get3A_2022] {strides = array<i32>} : memref<640xf32, #tpu.memory_space<vmem>>, vector<16xf32>,
    %get3A_2024 = vector.shape_cast %get3A_2023 : vector<16xf32> to vector<16xf32>
    %get3A_2025 = arith.constant 512 : index
    %get3A_2026 = tpu.vector_load %arg21[%get3A_2025] {strides = array<i32>} : memref<640xf32, #tpu.memory_space<vmem>>, vector<16xf32>,
    %get3A_2027 = vector.shape_cast %get3A_2026 : vector<16xf32> to vector<16xf32>
    %add3A_2028 = arith.addf %get3A_2024, %get3A_2027 : vector<16xf32>
    %sub3A_2029 = arith.subf %get3A_2021, %add3A_2028 : vector<16xf32>
    %mul3A_2030 = arith.mulf %sub3A_2007, %sub3A_2007 : vector<16xf32>
    %mul3A_2031 = arith.mulf %sub3A_2018, %sub3A_2018 : vector<16xf32>
    %add3A_2032 = arith.addf %mul3A_2030, %mul3A_2031 : vector<16xf32>
    %mul3A_2033 = arith.mulf %sub3A_2029, %sub3A_2029 : vector<16xf32>
    %add3A_2034 = arith.addf %add3A_2032, %mul3A_2033 : vector<16xf32>
    %swap3A_2035 = arith.constant 512 : index
    %swap3A_2036 = tpu.vector_load %arg27[%swap3A_2035] {strides = array<i32>} : memref<640xf32, #tpu.memory_space<vmem>>, vector<16xf32>,
    %swap3A_2037 = vector.shape_cast %swap3A_2036 : vector<16xf32> to vector<16xf32>
    %swap3A_2038 = vector.shape_cast %add3A_2034 : vector<16xf32> to vector<16xf32>
    tpu.vector_store %arg27[%swap3A_2035], %swap3A_2038 {strides = array<i32>} : memref<640xf32, #tpu.memory_space<vmem>>, vector<16xf32>,
    %get3A_2039 = arith.constant 528 : index
    %get3A_2040 = tpu.vector_load %arg24[%get3A_2039] {strides = array<i32>} : memref<640xf32, #tpu.memory_space<vmem>>, vector<16xf32>,
    %get3A_2041 = vector.shape_cast %get3A_2040 : vector<16xf32> to vector<16xf32>
    %get3A_2042 = arith.constant 528 : index
    %get3A_2043 = tpu.vector_load %arg16[%get3A_2042] {strides = array<i32>} : memref<640xf32, #tpu.memory_space<vmem>>, vector<16xf32>,
    %get3A_2044 = vector.shape_cast %get3A_2043 : vector<16xf32> to vector<16xf32>
    %get3A_2045 = arith.constant 528 : index
    %get3A_2046 = tpu.vector_load %arg19[%get3A_2045] {strides = array<i32>} : memref<640xf32, #tpu.memory_space<vmem>>, vector<16xf32>,
    %get3A_2047 = vector.shape_cast %get3A_2046 : vector<16xf32> to vector<16xf32>
    %add3A_2048 = arith.addf %get3A_2044, %get3A_2047 : vector<16xf32>
    %sub3A_2049 = arith.subf %get3A_2041, %add3A_2048 : vector<16xf32>
    %get3A_2050 = arith.constant 528 : index
    %get3A_2051 = tpu.vector_load %arg25[%get3A_2050] {strides = array<i32>} : memref<640xf32, #tpu.memory_space<vmem>>, vector<16xf32>,
    %get3A_2052 = vector.shape_cast %get3A_2051 : vector<16xf32> to vector<16xf32>
    %get3A_2053 = arith.constant 528 : index
    %get3A_2054 = tpu.vector_load %arg17[%get3A_2053] {strides = array<i32>} : memref<640xf32, #tpu.memory_space<vmem>>, vector<16xf32>,
    %get3A_2055 = vector.shape_cast %get3A_2054 : vector<16xf32> to vector<16xf32>
    %get3A_2056 = arith.constant 528 : index
    %get3A_2057 = tpu.vector_load %arg20[%get3A_2056] {strides = array<i32>} : memref<640xf32, #tpu.memory_space<vmem>>, vector<16xf32>,
    %get3A_2058 = vector.shape_cast %get3A_2057 : vector<16xf32> to vector<16xf32>
    %add3A_2059 = arith.addf %get3A_2055, %get3A_2058 : vector<16xf32>
    %sub3A_2060 = arith.subf %get3A_2052, %add3A_2059 : vector<16xf32>
    %get3A_2061 = arith.constant 528 : index
    %get3A_2062 = tpu.vector_load %arg26[%get3A_2061] {strides = array<i32>} : memref<640xf32, #tpu.memory_space<vmem>>, vector<16xf32>,
    %get3A_2063 = vector.shape_cast %get3A_2062 : vector<16xf32> to vector<16xf32>
    %get3A_2064 = arith.constant 528 : index
    %get3A_2065 = tpu.vector_load %arg18[%get3A_2064] {strides = array<i32>} : memref<640xf32, #tpu.memory_space<vmem>>, vector<16xf32>,
    %get3A_2066 = vector.shape_cast %get3A_2065 : vector<16xf32> to vector<16xf32>
    %get3A_2067 = arith.constant 528 : index
    %get3A_2068 = tpu.vector_load %arg21[%get3A_2067] {strides = array<i32>} : memref<640xf32, #tpu.memory_space<vmem>>, vector<16xf32>,
    %get3A_2069 = vector.shape_cast %get3A_2068 : vector<16xf32> to vector<16xf32>
    %add3A_2070 = arith.addf %get3A_2066, %get3A_2069 : vector<16xf32>
    %sub3A_2071 = arith.subf %get3A_2063, %add3A_2070 : vector<16xf32>
    %mul3A_2072 = arith.mulf %sub3A_2049, %sub3A_2049 : vector<16xf32>
    %mul3A_2073 = arith.mulf %sub3A_2060, %sub3A_2060 : vector<16xf32>
    %add3A_2074 = arith.addf %mul3A_2072, %mul3A_2073 : vector<16xf32>
    %mul3A_2075 = arith.mulf %sub3A_2071, %sub3A_2071 : vector<16xf32>
    %add3A_2076 = arith.addf %add3A_2074, %mul3A_2075 : vector<16xf32>
    %swap3A_2077 = arith.constant 528 : index
    %swap3A_2078 = tpu.vector_load %arg27[%swap3A_2077] {strides = array<i32>} : memref<640xf32, #tpu.memory_space<vmem>>, vector<16xf32>,
    %swap3A_2079 = vector.shape_cast %swap3A_2078 : vector<16xf32> to vector<16xf32>
    %swap3A_2080 = vector.shape_cast %add3A_2076 : vector<16xf32> to vector<16xf32>
    tpu.vector_store %arg27[%swap3A_2077], %swap3A_2080 {strides = array<i32>} : memref<640xf32, #tpu.memory_space<vmem>>, vector<16xf32>,
    %get3A_2081 = arith.constant 544 : index
    %get3A_2082 = tpu.vector_load %arg24[%get3A_2081] {strides = array<i32>} : memref<640xf32, #tpu.memory_space<vmem>>, vector<16xf32>,
    %get3A_2083 = vector.shape_cast %get3A_2082 : vector<16xf32> to vector<16xf32>
    %get3A_2084 = arith.constant 544 : index
    %get3A_2085 = tpu.vector_load %arg16[%get3A_2084] {strides = array<i32>} : memref<640xf32, #tpu.memory_space<vmem>>, vector<16xf32>,
    %get3A_2086 = vector.shape_cast %get3A_2085 : vector<16xf32> to vector<16xf32>
    %get3A_2087 = arith.constant 544 : index
    %get3A_2088 = tpu.vector_load %arg19[%get3A_2087] {strides = array<i32>} : memref<640xf32, #tpu.memory_space<vmem>>, vector<16xf32>,
    %get3A_2089 = vector.shape_cast %get3A_2088 : vector<16xf32> to vector<16xf32>
    %add3A_2090 = arith.addf %get3A_2086, %get3A_2089 : vector<16xf32>
    %sub3A_2091 = arith.subf %get3A_2083, %add3A_2090 : vector<16xf32>
    %get3A_2092 = arith.constant 544 : index
    %get3A_2093 = tpu.vector_load %arg25[%get3A_2092] {strides = array<i32>} : memref<640xf32, #tpu.memory_space<vmem>>, vector<16xf32>,
    %get3A_2094 = vector.shape_cast %get3A_2093 : vector<16xf32> to vector<16xf32>
    %get3A_2095 = arith.constant 544 : index
    %get3A_2096 = tpu.vector_load %arg17[%get3A_2095] {strides = array<i32>} : memref<640xf32, #tpu.memory_space<vmem>>, vector<16xf32>,
    %get3A_2097 = vector.shape_cast %get3A_2096 : vector<16xf32> to vector<16xf32>
    %get3A_2098 = arith.constant 544 : index
    %get3A_2099 = tpu.vector_load %arg20[%get3A_2098] {strides = array<i32>} : memref<640xf32, #tpu.memory_space<vmem>>, vector<16xf32>,
    %get3A_2100 = vector.shape_cast %get3A_2099 : vector<16xf32> to vector<16xf32>
    %add3A_2101 = arith.addf %get3A_2097, %get3A_2100 : vector<16xf32>
    %sub3A_2102 = arith.subf %get3A_2094, %add3A_2101 : vector<16xf32>
    %get3A_2103 = arith.constant 544 : index
    %get3A_2104 = tpu.vector_load %arg26[%get3A_2103] {strides = array<i32>} : memref<640xf32, #tpu.memory_space<vmem>>, vector<16xf32>,
    %get3A_2105 = vector.shape_cast %get3A_2104 : vector<16xf32> to vector<16xf32>
    %get3A_2106 = arith.constant 544 : index
    %get3A_2107 = tpu.vector_load %arg18[%get3A_2106] {strides = array<i32>} : memref<640xf32, #tpu.memory_space<vmem>>, vector<16xf32>,
    %get3A_2108 = vector.shape_cast %get3A_2107 : vector<16xf32> to vector<16xf32>
    %get3A_2109 = arith.constant 544 : index
    %get3A_2110 = tpu.vector_load %arg21[%get3A_2109] {strides = array<i32>} : memref<640xf32, #tpu.memory_space<vmem>>, vector<16xf32>,
    %get3A_2111 = vector.shape_cast %get3A_2110 : vector<16xf32> to vector<16xf32>
    %add3A_2112 = arith.addf %get3A_2108, %get3A_2111 : vector<16xf32>
    %sub3A_2113 = arith.subf %get3A_2105, %add3A_2112 : vector<16xf32>
    %mul3A_2114 = arith.mulf %sub3A_2091, %sub3A_2091 : vector<16xf32>
    %mul3A_2115 = arith.mulf %sub3A_2102, %sub3A_2102 : vector<16xf32>
    %add3A_2116 = arith.addf %mul3A_2114, %mul3A_2115 : vector<16xf32>
    %mul3A_2117 = arith.mulf %sub3A_2113, %sub3A_2113 : vector<16xf32>
    %add3A_2118 = arith.addf %add3A_2116, %mul3A_2117 : vector<16xf32>
    %swap3A_2119 = arith.constant 544 : index
    %swap3A_2120 = tpu.vector_load %arg27[%swap3A_2119] {strides = array<i32>} : memref<640xf32, #tpu.memory_space<vmem>>, vector<16xf32>,
    %swap3A_2121 = vector.shape_cast %swap3A_2120 : vector<16xf32> to vector<16xf32>
    %swap3A_2122 = vector.shape_cast %add3A_2118 : vector<16xf32> to vector<16xf32>
    tpu.vector_store %arg27[%swap3A_2119], %swap3A_2122 {strides = array<i32>} : memref<640xf32, #tpu.memory_space<vmem>>, vector<16xf32>,
    %get3A_2123 = arith.constant 560 : index
    %get3A_2124 = tpu.vector_load %arg24[%get3A_2123] {strides = array<i32>} : memref<640xf32, #tpu.memory_space<vmem>>, vector<16xf32>,
    %get3A_2125 = vector.shape_cast %get3A_2124 : vector<16xf32> to vector<16xf32>
    %get3A_2126 = arith.constant 560 : index
    %get3A_2127 = tpu.vector_load %arg16[%get3A_2126] {strides = array<i32>} : memref<640xf32, #tpu.memory_space<vmem>>, vector<16xf32>,
    %get3A_2128 = vector.shape_cast %get3A_2127 : vector<16xf32> to vector<16xf32>
    %get3A_2129 = arith.constant 560 : index
    %get3A_2130 = tpu.vector_load %arg19[%get3A_2129] {strides = array<i32>} : memref<640xf32, #tpu.memory_space<vmem>>, vector<16xf32>,
    %get3A_2131 = vector.shape_cast %get3A_2130 : vector<16xf32> to vector<16xf32>
    %add3A_2132 = arith.addf %get3A_2128, %get3A_2131 : vector<16xf32>
    %sub3A_2133 = arith.subf %get3A_2125, %add3A_2132 : vector<16xf32>
    %get3A_2134 = arith.constant 560 : index
    %get3A_2135 = tpu.vector_load %arg25[%get3A_2134] {strides = array<i32>} : memref<640xf32, #tpu.memory_space<vmem>>, vector<16xf32>,
    %get3A_2136 = vector.shape_cast %get3A_2135 : vector<16xf32> to vector<16xf32>
    %get3A_2137 = arith.constant 560 : index
    %get3A_2138 = tpu.vector_load %arg17[%get3A_2137] {strides = array<i32>} : memref<640xf32, #tpu.memory_space<vmem>>, vector<16xf32>,
    %get3A_2139 = vector.shape_cast %get3A_2138 : vector<16xf32> to vector<16xf32>
    %get3A_2140 = arith.constant 560 : index
    %get3A_2141 = tpu.vector_load %arg20[%get3A_2140] {strides = array<i32>} : memref<640xf32, #tpu.memory_space<vmem>>, vector<16xf32>,
    %get3A_2142 = vector.shape_cast %get3A_2141 : vector<16xf32> to vector<16xf32>
    %add3A_2143 = arith.addf %get3A_2139, %get3A_2142 : vector<16xf32>
    %sub3A_2144 = arith.subf %get3A_2136, %add3A_2143 : vector<16xf32>
    %get3A_2145 = arith.constant 560 : index
    %get3A_2146 = tpu.vector_load %arg26[%get3A_2145] {strides = array<i32>} : memref<640xf32, #tpu.memory_space<vmem>>, vector<16xf32>,
    %get3A_2147 = vector.shape_cast %get3A_2146 : vector<16xf32> to vector<16xf32>
    %get3A_2148 = arith.constant 560 : index
    %get3A_2149 = tpu.vector_load %arg18[%get3A_2148] {strides = array<i32>} : memref<640xf32, #tpu.memory_space<vmem>>, vector<16xf32>,
    %get3A_2150 = vector.shape_cast %get3A_2149 : vector<16xf32> to vector<16xf32>
    %get3A_2151 = arith.constant 560 : index
    %get3A_2152 = tpu.vector_load %arg21[%get3A_2151] {strides = array<i32>} : memref<640xf32, #tpu.memory_space<vmem>>, vector<16xf32>,
    %get3A_2153 = vector.shape_cast %get3A_2152 : vector<16xf32> to vector<16xf32>
    %add3A_2154 = arith.addf %get3A_2150, %get3A_2153 : vector<16xf32>
    %sub3A_2155 = arith.subf %get3A_2147, %add3A_2154 : vector<16xf32>
    %mul3A_2156 = arith.mulf %sub3A_2133, %sub3A_2133 : vector<16xf32>
    %mul3A_2157 = arith.mulf %sub3A_2144, %sub3A_2144 : vector<16xf32>
    %add3A_2158 = arith.addf %mul3A_2156, %mul3A_2157 : vector<16xf32>
    %mul3A_2159 = arith.mulf %sub3A_2155, %sub3A_2155 : vector<16xf32>
    %add3A_2160 = arith.addf %add3A_2158, %mul3A_2159 : vector<16xf32>
    %swap3A_2161 = arith.constant 560 : index
    %swap3A_2162 = tpu.vector_load %arg27[%swap3A_2161] {strides = array<i32>} : memref<640xf32, #tpu.memory_space<vmem>>, vector<16xf32>,
    %swap3A_2163 = vector.shape_cast %swap3A_2162 : vector<16xf32> to vector<16xf32>
    %swap3A_2164 = vector.shape_cast %add3A_2160 : vector<16xf32> to vector<16xf32>
    tpu.vector_store %arg27[%swap3A_2161], %swap3A_2164 {strides = array<i32>} : memref<640xf32, #tpu.memory_space<vmem>>, vector<16xf32>,
    %get3A_2165 = arith.constant 576 : index
    %get3A_2166 = tpu.vector_load %arg24[%get3A_2165] {strides = array<i32>} : memref<640xf32, #tpu.memory_space<vmem>>, vector<16xf32>,
    %get3A_2167 = vector.shape_cast %get3A_2166 : vector<16xf32> to vector<16xf32>
    %get3A_2168 = arith.constant 576 : index
    %get3A_2169 = tpu.vector_load %arg16[%get3A_2168] {strides = array<i32>} : memref<640xf32, #tpu.memory_space<vmem>>, vector<16xf32>,
    %get3A_2170 = vector.shape_cast %get3A_2169 : vector<16xf32> to vector<16xf32>
    %get3A_2171 = arith.constant 576 : index
    %get3A_2172 = tpu.vector_load %arg19[%get3A_2171] {strides = array<i32>} : memref<640xf32, #tpu.memory_space<vmem>>, vector<16xf32>,
    %get3A_2173 = vector.shape_cast %get3A_2172 : vector<16xf32> to vector<16xf32>
    %add3A_2174 = arith.addf %get3A_2170, %get3A_2173 : vector<16xf32>
    %sub3A_2175 = arith.subf %get3A_2167, %add3A_2174 : vector<16xf32>
    %get3A_2176 = arith.constant 576 : index
    %get3A_2177 = tpu.vector_load %arg25[%get3A_2176] {strides = array<i32>} : memref<640xf32, #tpu.memory_space<vmem>>, vector<16xf32>,
    %get3A_2178 = vector.shape_cast %get3A_2177 : vector<16xf32> to vector<16xf32>
    %get3A_2179 = arith.constant 576 : index
    %get3A_2180 = tpu.vector_load %arg17[%get3A_2179] {strides = array<i32>} : memref<640xf32, #tpu.memory_space<vmem>>, vector<16xf32>,
    %get3A_2181 = vector.shape_cast %get3A_2180 : vector<16xf32> to vector<16xf32>
    %get3A_2182 = arith.constant 576 : index
    %get3A_2183 = tpu.vector_load %arg20[%get3A_2182] {strides = array<i32>} : memref<640xf32, #tpu.memory_space<vmem>>, vector<16xf32>,
    %get3A_2184 = vector.shape_cast %get3A_2183 : vector<16xf32> to vector<16xf32>
    %add3A_2185 = arith.addf %get3A_2181, %get3A_2184 : vector<16xf32>
    %sub3A_2186 = arith.subf %get3A_2178, %add3A_2185 : vector<16xf32>
    %get3A_2187 = arith.constant 576 : index
    %get3A_2188 = tpu.vector_load %arg26[%get3A_2187] {strides = array<i32>} : memref<640xf32, #tpu.memory_space<vmem>>, vector<16xf32>,
    %get3A_2189 = vector.shape_cast %get3A_2188 : vector<16xf32> to vector<16xf32>
    %get3A_2190 = arith.constant 576 : index
    %get3A_2191 = tpu.vector_load %arg18[%get3A_2190] {strides = array<i32>} : memref<640xf32, #tpu.memory_space<vmem>>, vector<16xf32>,
    %get3A_2192 = vector.shape_cast %get3A_2191 : vector<16xf32> to vector<16xf32>
    %get3A_2193 = arith.constant 576 : index
    %get3A_2194 = tpu.vector_load %arg21[%get3A_2193] {strides = array<i32>} : memref<640xf32, #tpu.memory_space<vmem>>, vector<16xf32>,
    %get3A_2195 = vector.shape_cast %get3A_2194 : vector<16xf32> to vector<16xf32>
    %add3A_2196 = arith.addf %get3A_2192, %get3A_2195 : vector<16xf32>
    %sub3A_2197 = arith.subf %get3A_2189, %add3A_2196 : vector<16xf32>
    %mul3A_2198 = arith.mulf %sub3A_2175, %sub3A_2175 : vector<16xf32>
    %mul3A_2199 = arith.mulf %sub3A_2186, %sub3A_2186 : vector<16xf32>
    %add3A_2200 = arith.addf %mul3A_2198, %mul3A_2199 : vector<16xf32>
    %mul3A_2201 = arith.mulf %sub3A_2197, %sub3A_2197 : vector<16xf32>
    %add3A_2202 = arith.addf %add3A_2200, %mul3A_2201 : vector<16xf32>
    %swap3A_2203 = arith.constant 576 : index
    %swap3A_2204 = tpu.vector_load %arg27[%swap3A_2203] {strides = array<i32>} : memref<640xf32, #tpu.memory_space<vmem>>, vector<16xf32>,
    %swap3A_2205 = vector.shape_cast %swap3A_2204 : vector<16xf32> to vector<16xf32>
    %swap3A_2206 = vector.shape_cast %add3A_2202 : vector<16xf32> to vector<16xf32>
    tpu.vector_store %arg27[%swap3A_2203], %swap3A_2206 {strides = array<i32>} : memref<640xf32, #tpu.memory_space<vmem>>, vector<16xf32>,
    %get3A_2207 = arith.constant 592 : index
    %get3A_2208 = tpu.vector_load %arg24[%get3A_2207] {strides = array<i32>} : memref<640xf32, #tpu.memory_space<vmem>>, vector<16xf32>,
    %get3A_2209 = vector.shape_cast %get3A_2208 : vector<16xf32> to vector<16xf32>
    %get3A_2210 = arith.constant 592 : index
    %get3A_2211 = tpu.vector_load %arg16[%get3A_2210] {strides = array<i32>} : memref<640xf32, #tpu.memory_space<vmem>>, vector<16xf32>,
    %get3A_2212 = vector.shape_cast %get3A_2211 : vector<16xf32> to vector<16xf32>
    %get3A_2213 = arith.constant 592 : index
    %get3A_2214 = tpu.vector_load %arg19[%get3A_2213] {strides = array<i32>} : memref<640xf32, #tpu.memory_space<vmem>>, vector<16xf32>,
    %get3A_2215 = vector.shape_cast %get3A_2214 : vector<16xf32> to vector<16xf32>
    %add3A_2216 = arith.addf %get3A_2212, %get3A_2215 : vector<16xf32>
    %sub3A_2217 = arith.subf %get3A_2209, %add3A_2216 : vector<16xf32>
    %get3A_2218 = arith.constant 592 : index
    %get3A_2219 = tpu.vector_load %arg25[%get3A_2218] {strides = array<i32>} : memref<640xf32, #tpu.memory_space<vmem>>, vector<16xf32>,
    %get3A_2220 = vector.shape_cast %get3A_2219 : vector<16xf32> to vector<16xf32>
    %get3A_2221 = arith.constant 592 : index
    %get3A_2222 = tpu.vector_load %arg17[%get3A_2221] {strides = array<i32>} : memref<640xf32, #tpu.memory_space<vmem>>, vector<16xf32>,
    %get3A_2223 = vector.shape_cast %get3A_2222 : vector<16xf32> to vector<16xf32>
    %get3A_2224 = arith.constant 592 : index
    %get3A_2225 = tpu.vector_load %arg20[%get3A_2224] {strides = array<i32>} : memref<640xf32, #tpu.memory_space<vmem>>, vector<16xf32>,
    %get3A_2226 = vector.shape_cast %get3A_2225 : vector<16xf32> to vector<16xf32>
    %add3A_2227 = arith.addf %get3A_2223, %get3A_2226 : vector<16xf32>
    %sub3A_2228 = arith.subf %get3A_2220, %add3A_2227 : vector<16xf32>
    %get3A_2229 = arith.constant 592 : index
    %get3A_2230 = tpu.vector_load %arg26[%get3A_2229] {strides = array<i32>} : memref<640xf32, #tpu.memory_space<vmem>>, vector<16xf32>,
    %get3A_2231 = vector.shape_cast %get3A_2230 : vector<16xf32> to vector<16xf32>
    %get3A_2232 = arith.constant 592 : index
    %get3A_2233 = tpu.vector_load %arg18[%get3A_2232] {strides = array<i32>} : memref<640xf32, #tpu.memory_space<vmem>>, vector<16xf32>,
    %get3A_2234 = vector.shape_cast %get3A_2233 : vector<16xf32> to vector<16xf32>
    %get3A_2235 = arith.constant 592 : index
    %get3A_2236 = tpu.vector_load %arg21[%get3A_2235] {strides = array<i32>} : memref<640xf32, #tpu.memory_space<vmem>>, vector<16xf32>,
    %get3A_2237 = vector.shape_cast %get3A_2236 : vector<16xf32> to vector<16xf32>
    %add3A_2238 = arith.addf %get3A_2234, %get3A_2237 : vector<16xf32>
    %sub3A_2239 = arith.subf %get3A_2231, %add3A_2238 : vector<16xf32>
    %mul3A_2240 = arith.mulf %sub3A_2217, %sub3A_2217 : vector<16xf32>
    %mul3A_2241 = arith.mulf %sub3A_2228, %sub3A_2228 : vector<16xf32>
    %add3A_2242 = arith.addf %mul3A_2240, %mul3A_2241 : vector<16xf32>
    %mul3A_2243 = arith.mulf %sub3A_2239, %sub3A_2239 : vector<16xf32>
    %add3A_2244 = arith.addf %add3A_2242, %mul3A_2243 : vector<16xf32>
    %swap3A_2245 = arith.constant 592 : index
    %swap3A_2246 = tpu.vector_load %arg27[%swap3A_2245] {strides = array<i32>} : memref<640xf32, #tpu.memory_space<vmem>>, vector<16xf32>,
    %swap3A_2247 = vector.shape_cast %swap3A_2246 : vector<16xf32> to vector<16xf32>
    %swap3A_2248 = vector.shape_cast %add3A_2244 : vector<16xf32> to vector<16xf32>
    tpu.vector_store %arg27[%swap3A_2245], %swap3A_2248 {strides = array<i32>} : memref<640xf32, #tpu.memory_space<vmem>>, vector<16xf32>,
    %get3A_2249 = arith.constant 608 : index
    %get3A_2250 = tpu.vector_load %arg24[%get3A_2249] {strides = array<i32>} : memref<640xf32, #tpu.memory_space<vmem>>, vector<16xf32>,
    %get3A_2251 = vector.shape_cast %get3A_2250 : vector<16xf32> to vector<16xf32>
    %get3A_2252 = arith.constant 608 : index
    %get3A_2253 = tpu.vector_load %arg16[%get3A_2252] {strides = array<i32>} : memref<640xf32, #tpu.memory_space<vmem>>, vector<16xf32>,
    %get3A_2254 = vector.shape_cast %get3A_2253 : vector<16xf32> to vector<16xf32>
    %get3A_2255 = arith.constant 608 : index
    %get3A_2256 = tpu.vector_load %arg19[%get3A_2255] {strides = array<i32>} : memref<640xf32, #tpu.memory_space<vmem>>, vector<16xf32>,
    %get3A_2257 = vector.shape_cast %get3A_2256 : vector<16xf32> to vector<16xf32>
    %add3A_2258 = arith.addf %get3A_2254, %get3A_2257 : vector<16xf32>
    %sub3A_2259 = arith.subf %get3A_2251, %add3A_2258 : vector<16xf32>
    %get3A_2260 = arith.constant 608 : index
    %get3A_2261 = tpu.vector_load %arg25[%get3A_2260] {strides = array<i32>} : memref<640xf32, #tpu.memory_space<vmem>>, vector<16xf32>,
    %get3A_2262 = vector.shape_cast %get3A_2261 : vector<16xf32> to vector<16xf32>
    %get3A_2263 = arith.constant 608 : index
    %get3A_2264 = tpu.vector_load %arg17[%get3A_2263] {strides = array<i32>} : memref<640xf32, #tpu.memory_space<vmem>>, vector<16xf32>,
    %get3A_2265 = vector.shape_cast %get3A_2264 : vector<16xf32> to vector<16xf32>
    %get3A_2266 = arith.constant 608 : index
    %get3A_2267 = tpu.vector_load %arg20[%get3A_2266] {strides = array<i32>} : memref<640xf32, #tpu.memory_space<vmem>>, vector<16xf32>,
    %get3A_2268 = vector.shape_cast %get3A_2267 : vector<16xf32> to vector<16xf32>
    %add3A_2269 = arith.addf %get3A_2265, %get3A_2268 : vector<16xf32>
    %sub3A_2270 = arith.subf %get3A_2262, %add3A_2269 : vector<16xf32>
    %get3A_2271 = arith.constant 608 : index
    %get3A_2272 = tpu.vector_load %arg26[%get3A_2271] {strides = array<i32>} : memref<640xf32, #tpu.memory_space<vmem>>, vector<16xf32>,
    %get3A_2273 = vector.shape_cast %get3A_2272 : vector<16xf32> to vector<16xf32>
    %get3A_2274 = arith.constant 608 : index
    %get3A_2275 = tpu.vector_load %arg18[%get3A_2274] {strides = array<i32>} : memref<640xf32, #tpu.memory_space<vmem>>, vector<16xf32>,
    %get3A_2276 = vector.shape_cast %get3A_2275 : vector<16xf32> to vector<16xf32>
    %get3A_2277 = arith.constant 608 : index
    %get3A_2278 = tpu.vector_load %arg21[%get3A_2277] {strides = array<i32>} : memref<640xf32, #tpu.memory_space<vmem>>, vector<16xf32>,
    %get3A_2279 = vector.shape_cast %get3A_2278 : vector<16xf32> to vector<16xf32>
    %add3A_2280 = arith.addf %get3A_2276, %get3A_2279 : vector<16xf32>
    %sub3A_2281 = arith.subf %get3A_2273, %add3A_2280 : vector<16xf32>
    %mul3A_2282 = arith.mulf %sub3A_2259, %sub3A_2259 : vector<16xf32>
    %mul3A_2283 = arith.mulf %sub3A_2270, %sub3A_2270 : vector<16xf32>
    %add3A_2284 = arith.addf %mul3A_2282, %mul3A_2283 : vector<16xf32>
    %mul3A_2285 = arith.mulf %sub3A_2281, %sub3A_2281 : vector<16xf32>
    %add3A_2286 = arith.addf %add3A_2284, %mul3A_2285 : vector<16xf32>
    %swap3A_2287 = arith.constant 608 : index
    %swap3A_2288 = tpu.vector_load %arg27[%swap3A_2287] {strides = array<i32>} : memref<640xf32, #tpu.memory_space<vmem>>, vector<16xf32>,
    %swap3A_2289 = vector.shape_cast %swap3A_2288 : vector<16xf32> to vector<16xf32>
    %swap3A_2290 = vector.shape_cast %add3A_2286 : vector<16xf32> to vector<16xf32>
    tpu.vector_store %arg27[%swap3A_2287], %swap3A_2290 {strides = array<i32>} : memref<640xf32, #tpu.memory_space<vmem>>, vector<16xf32>,
    %get3A_2291 = arith.constant 624 : index
    %get3A_2292 = tpu.vector_load %arg24[%get3A_2291] {strides = array<i32>} : memref<640xf32, #tpu.memory_space<vmem>>, vector<16xf32>,
    %get3A_2293 = vector.shape_cast %get3A_2292 : vector<16xf32> to vector<16xf32>
    %get3A_2294 = arith.constant 624 : index
    %get3A_2295 = tpu.vector_load %arg16[%get3A_2294] {strides = array<i32>} : memref<640xf32, #tpu.memory_space<vmem>>, vector<16xf32>,
    %get3A_2296 = vector.shape_cast %get3A_2295 : vector<16xf32> to vector<16xf32>
    %get3A_2297 = arith.constant 624 : index
    %get3A_2298 = tpu.vector_load %arg19[%get3A_2297] {strides = array<i32>} : memref<640xf32, #tpu.memory_space<vmem>>, vector<16xf32>,
    %get3A_2299 = vector.shape_cast %get3A_2298 : vector<16xf32> to vector<16xf32>
    %add3A_2300 = arith.addf %get3A_2296, %get3A_2299 : vector<16xf32>
    %sub3A_2301 = arith.subf %get3A_2293, %add3A_2300 : vector<16xf32>
    %get3A_2302 = arith.constant 624 : index
    %get3A_2303 = tpu.vector_load %arg25[%get3A_2302] {strides = array<i32>} : memref<640xf32, #tpu.memory_space<vmem>>, vector<16xf32>,
    %get3A_2304 = vector.shape_cast %get3A_2303 : vector<16xf32> to vector<16xf32>
    %get3A_2305 = arith.constant 624 : index
    %get3A_2306 = tpu.vector_load %arg17[%get3A_2305] {strides = array<i32>} : memref<640xf32, #tpu.memory_space<vmem>>, vector<16xf32>,
    %get3A_2307 = vector.shape_cast %get3A_2306 : vector<16xf32> to vector<16xf32>
    %get3A_2308 = arith.constant 624 : index
    %get3A_2309 = tpu.vector_load %arg20[%get3A_2308] {strides = array<i32>} : memref<640xf32, #tpu.memory_space<vmem>>, vector<16xf32>,
    %get3A_2310 = vector.shape_cast %get3A_2309 : vector<16xf32> to vector<16xf32>
    %add3A_2311 = arith.addf %get3A_2307, %get3A_2310 : vector<16xf32>
    %sub3A_2312 = arith.subf %get3A_2304, %add3A_2311 : vector<16xf32>
    %get3A_2313 = arith.constant 624 : index
    %get3A_2314 = tpu.vector_load %arg26[%get3A_2313] {strides = array<i32>} : memref<640xf32, #tpu.memory_space<vmem>>, vector<16xf32>,
    %get3A_2315 = vector.shape_cast %get3A_2314 : vector<16xf32> to vector<16xf32>
    %get3A_2316 = arith.constant 624 : index
    %get3A_2317 = tpu.vector_load %arg18[%get3A_2316] {strides = array<i32>} : memref<640xf32, #tpu.memory_space<vmem>>, vector<16xf32>,
    %get3A_2318 = vector.shape_cast %get3A_2317 : vector<16xf32> to vector<16xf32>
    %get3A_2319 = arith.constant 624 : index
    %get3A_2320 = tpu.vector_load %arg21[%get3A_2319] {strides = array<i32>} : memref<640xf32, #tpu.memory_space<vmem>>, vector<16xf32>,
    %get3A_2321 = vector.shape_cast %get3A_2320 : vector<16xf32> to vector<16xf32>
    %add3A_2322 = arith.addf %get3A_2318, %get3A_2321 : vector<16xf32>
    %sub3A_2323 = arith.subf %get3A_2315, %add3A_2322 : vector<16xf32>
    %mul3A_2324 = arith.mulf %sub3A_2301, %sub3A_2301 : vector<16xf32>
    %mul3A_2325 = arith.mulf %sub3A_2312, %sub3A_2312 : vector<16xf32>
    %add3A_2326 = arith.addf %mul3A_2324, %mul3A_2325 : vector<16xf32>
    %mul3A_2327 = arith.mulf %sub3A_2323, %sub3A_2323 : vector<16xf32>
    %add3A_2328 = arith.addf %add3A_2326, %mul3A_2327 : vector<16xf32>
    %swap3A_2329 = arith.constant 624 : index
    %swap3A_2330 = tpu.vector_load %arg27[%swap3A_2329] {strides = array<i32>} : memref<640xf32, #tpu.memory_space<vmem>>, vector<16xf32>,
    %swap3A_2331 = vector.shape_cast %swap3A_2330 : vector<16xf32> to vector<16xf32>
    %swap3A_2332 = vector.shape_cast %add3A_2328 : vector<16xf32> to vector<16xf32>
    tpu.vector_store %arg27[%swap3A_2329], %swap3A_2332 {strides = array<i32>} : memref<640xf32, #tpu.memory_space<vmem>>, vector<16xf32>,
    "tpu.region"() ({
      %run_scoped3A = tpu.sem_alloc : memref<!tpu.dma_semaphore, #tpu.memory_space<semaphore_mem>>
      %dma_start3A_2333 = tpu.memref_slice %arg13[%mul3A_2] : memref<20480xf32, #tpu.memory_space<hbm>> -> memref<640xf32, #tpu.memory_space<hbm>>
      %dma_start3A_2334 = tpu.memref_slice %arg13[%mul3A_2] : memref<20480xf32, #tpu.memory_space<hbm>> -> memref<640xf32, #tpu.memory_space<hbm>>
      tpu.enqueue_dma source(%arg27 : memref<640xf32, #tpu.memory_space<vmem>>) target(%dma_start3A_2334 : memref<640xf32, #tpu.memory_space<hbm>>) target_semaphore(%run_scoped3A : memref<!tpu.dma_semaphore, #tpu.memory_space<semaphore_mem>>)
      %dma_wait3A_2335 = tpu.memref_slice %arg13[%mul3A_2] : memref<20480xf32, #tpu.memory_space<hbm>> -> memref<640xf32, #tpu.memory_space<hbm>>
      %dma_wait3A_2336 = tpu.memref_slice %arg13[%mul3A_2] : memref<20480xf32, #tpu.memory_space<hbm>> -> memref<640xf32, #tpu.memory_space<hbm>>
      tpu.wait_dma2 semaphore(%run_scoped3A : memref<!tpu.dma_semaphore, #tpu.memory_space<semaphore_mem>>) src(%arg27 : memref<640xf32, #tpu.memory_space<vmem>>) dst(%dma_wait3A_2336 : memref<640xf32, #tpu.memory_space<hbm>>)
      tpu.yield
    }) : () -> ()
    "tpu.region"() ({
      %run_scoped3A = tpu.sem_alloc : memref<!tpu.dma_semaphore, #tpu.memory_space<semaphore_mem>>
      %dma_start3A_2333 = tpu.memref_slice %arg14[%mul3A_2] : memref<20480xi32, #tpu.memory_space<hbm>> -> memref<640xi32, #tpu.memory_space<hbm>>
      %dma_start3A_2334 = tpu.memref_slice %arg14[%mul3A_2] : memref<20480xi32, #tpu.memory_space<hbm>> -> memref<640xi32, #tpu.memory_space<hbm>>
      tpu.enqueue_dma source(%arg28 : memref<640xi32, #tpu.memory_space<vmem>>) target(%dma_start3A_2334 : memref<640xi32, #tpu.memory_space<hbm>>) target_semaphore(%run_scoped3A : memref<!tpu.dma_semaphore, #tpu.memory_space<semaphore_mem>>)
      %dma_wait3A_2335 = tpu.memref_slice %arg14[%mul3A_2] : memref<20480xi32, #tpu.memory_space<hbm>> -> memref<640xi32, #tpu.memory_space<hbm>>
      %dma_wait3A_2336 = tpu.memref_slice %arg14[%mul3A_2] : memref<20480xi32, #tpu.memory_space<hbm>> -> memref<640xi32, #tpu.memory_space<hbm>>
      tpu.wait_dma2 semaphore(%run_scoped3A : memref<!tpu.dma_semaphore, #tpu.memory_space<semaphore_mem>>) src(%arg28 : memref<640xi32, #tpu.memory_space<vmem>>) dst(%dma_wait3A_2336 : memref<640xi32, #tpu.memory_space<hbm>>)
      tpu.yield
    }) : () -> ()
    return
  }
}

module attributes {stable_mosaic.version = 14 : i64} {
  func.func @_nn_a_body(%arg0: i32, %arg1: i32, %arg2: memref<256x8xbf16, #tpu.memory_space<vmem>>, %arg3: memref<8x2048xbf16, #tpu.memory_space<vmem>>, %arg4: memref<256x1xf32, #tpu.memory_space<vmem>>, %arg5: memref<256x128xi32, #tpu.memory_space<vmem>>, %arg6: memref<256x128xi32, #tpu.memory_space<vmem>>) attributes {dimension_semantics = [#tpu.dimension_semantics<arbitrary>, #tpu.dimension_semantics<arbitrary>], iteration_bounds = array<i64: 80, 10>, scalar_prefetch = 0 : i64, scratch_operands = 2 : i64, tpu.core_type = #tpu.core_type<tc>, window_params = [{transform_indices = @transform_0, window_bounds = array<i64: 256, 8>}, {transform_indices = @transform_1, window_bounds = array<i64: 8, 2048>}, {transform_indices = @transform_2, window_bounds = array<i64: 256, 1>}]} {
    %eq3A = arith.constant 0 : i32
    %eq3A_0 = arith.cmpi eq, %arg1, %eq3A : i32
    %convert_element_type3A = arith.extui %eq3A_0 : i1 to i32
    %cond3A = arith.constant 0 : i32
    %cond3A_1 = arith.cmpi ne, %convert_element_type3A, %cond3A : i32
    scf.if %cond3A_1 {
      %broadcast_in_dim3A = arith.constant 2147483647 : i32
      %broadcast_in_dim3A_175 = vector.broadcast %broadcast_in_dim3A : i32 to vector<256x128xi32>
      %swap3A_176 = arith.constant 0 : index
      %swap3A_177 = arith.constant 0 : index
      %swap3A_178 = vector.load %arg5[%swap3A_176, %swap3A_177] : memref<256x128xi32, #tpu.memory_space<vmem>>, vector<256x128xi32>
      tpu.vector_store %arg5[%swap3A_176, %swap3A_177], %broadcast_in_dim3A_175 {strides = array<i32>} : memref<256x128xi32, #tpu.memory_space<vmem>>, vector<256x128xi32>,
      %broadcast_in_dim3A_179 = arith.constant 0 : i32
      %broadcast_in_dim3A_180 = vector.broadcast %broadcast_in_dim3A_179 : i32 to vector<256x128xi32>
      %swap3A_181 = arith.constant 0 : index
      %swap3A_182 = arith.constant 0 : index
      %swap3A_183 = vector.load %arg6[%swap3A_181, %swap3A_182] : memref<256x128xi32, #tpu.memory_space<vmem>>, vector<256x128xi32>
      tpu.vector_store %arg6[%swap3A_181, %swap3A_182], %broadcast_in_dim3A_180 {strides = array<i32>} : memref<256x128xi32, #tpu.memory_space<vmem>>, vector<256x128xi32>,
    } else {
    }
    %get3A = arith.constant 0 : index
    %get3A_2 = arith.constant 0 : index
    %get3A_3 = vector.load %arg2[%get3A, %get3A_2] : memref<256x8xbf16, #tpu.memory_space<vmem>>, vector<256x8xbf16>
    %get3A_4 = arith.constant 0 : index
    %get3A_5 = arith.constant 0 : index
    %get3A_6 = vector.load %arg3[%get3A_4, %get3A_5] : memref<8x2048xbf16, #tpu.memory_space<vmem>>, vector<8x2048xbf16>
    %dot_general3A = arith.constant dense<0.000000e+00> : vector<256x2048xf32>
    %dot_general3A_7 = tpu.matmul %get3A_3, %get3A_6, %dot_general3A {dimension_numbers = #tpu.dot_dimension_numbers<[1], [0], [0], [1], [0, 0, 1, 1], [], []>, transpose_lhs_hint = false} : vector<256x8xbf16>, vector<8x2048xbf16>, vector<256x2048xf32> -> vector<256x2048xf32>
    %slice3A = vector.extract_strided_slice %dot_general3A_7 {offsets = [0, 0], sizes = [256, 128], strides = [1, 1]} : vector<256x2048xf32> to vector<256x128xf32>
    %convert_element_type3A_8 = arith.fptosi %slice3A : vector<256x128xf32> to vector<256x128xi32>
    %mul3A = arith.constant 128 : i32
    %mul3A_9 = vector.broadcast %mul3A : i32 to vector<256x128xi32>
    %mul3A_10 = arith.muli %convert_element_type3A_8, %mul3A_9 : vector<256x128xi32>
    %add3A = arith.constant 134217728 : i32
    %add3A_11 = vector.broadcast %add3A : i32 to vector<256x128xi32>
    %add3A_12 = arith.addi %mul3A_10, %add3A_11 : vector<256x128xi32>
    %slice3A_13 = vector.extract_strided_slice %dot_general3A_7 {offsets = [0, 128], sizes = [256, 128], strides = [1, 1]} : vector<256x2048xf32> to vector<256x128xf32>
    %convert_element_type3A_14 = arith.fptosi %slice3A_13 : vector<256x128xf32> to vector<256x128xi32>
    %mul3A_15 = arith.constant 128 : i32
    %mul3A_16 = vector.broadcast %mul3A_15 : i32 to vector<256x128xi32>
    %mul3A_17 = arith.muli %convert_element_type3A_14, %mul3A_16 : vector<256x128xi32>
    %add3A_18 = arith.constant 134217729 : i32
    %add3A_19 = vector.broadcast %add3A_18 : i32 to vector<256x128xi32>
    %add3A_20 = arith.addi %mul3A_17, %add3A_19 : vector<256x128xi32>
    %min3A = arith.minsi %add3A_12, %add3A_20 : vector<256x128xi32>
    %slice3A_21 = vector.extract_strided_slice %dot_general3A_7 {offsets = [0, 256], sizes = [256, 128], strides = [1, 1]} : vector<256x2048xf32> to vector<256x128xf32>
    %convert_element_type3A_22 = arith.fptosi %slice3A_21 : vector<256x128xf32> to vector<256x128xi32>
    %mul3A_23 = arith.constant 128 : i32
    %mul3A_24 = vector.broadcast %mul3A_23 : i32 to vector<256x128xi32>
    %mul3A_25 = arith.muli %convert_element_type3A_22, %mul3A_24 : vector<256x128xi32>
    %add3A_26 = arith.constant 134217730 : i32
    %add3A_27 = vector.broadcast %add3A_26 : i32 to vector<256x128xi32>
    %add3A_28 = arith.addi %mul3A_25, %add3A_27 : vector<256x128xi32>
    %min3A_29 = arith.minsi %min3A, %add3A_28 : vector<256x128xi32>
    %slice3A_30 = vector.extract_strided_slice %dot_general3A_7 {offsets = [0, 384], sizes = [256, 128], strides = [1, 1]} : vector<256x2048xf32> to vector<256x128xf32>
    %convert_element_type3A_31 = arith.fptosi %slice3A_30 : vector<256x128xf32> to vector<256x128xi32>
    %mul3A_32 = arith.constant 128 : i32
    %mul3A_33 = vector.broadcast %mul3A_32 : i32 to vector<256x128xi32>
    %mul3A_34 = arith.muli %convert_element_type3A_31, %mul3A_33 : vector<256x128xi32>
    %add3A_35 = arith.constant 134217731 : i32
    %add3A_36 = vector.broadcast %add3A_35 : i32 to vector<256x128xi32>
    %add3A_37 = arith.addi %mul3A_34, %add3A_36 : vector<256x128xi32>
    %min3A_38 = arith.minsi %min3A_29, %add3A_37 : vector<256x128xi32>
    %slice3A_39 = vector.extract_strided_slice %dot_general3A_7 {offsets = [0, 512], sizes = [256, 128], strides = [1, 1]} : vector<256x2048xf32> to vector<256x128xf32>
    %convert_element_type3A_40 = arith.fptosi %slice3A_39 : vector<256x128xf32> to vector<256x128xi32>
    %mul3A_41 = arith.constant 128 : i32
    %mul3A_42 = vector.broadcast %mul3A_41 : i32 to vector<256x128xi32>
    %mul3A_43 = arith.muli %convert_element_type3A_40, %mul3A_42 : vector<256x128xi32>
    %add3A_44 = arith.constant 134217732 : i32
    %add3A_45 = vector.broadcast %add3A_44 : i32 to vector<256x128xi32>
    %add3A_46 = arith.addi %mul3A_43, %add3A_45 : vector<256x128xi32>
    %min3A_47 = arith.minsi %min3A_38, %add3A_46 : vector<256x128xi32>
    %slice3A_48 = vector.extract_strided_slice %dot_general3A_7 {offsets = [0, 640], sizes = [256, 128], strides = [1, 1]} : vector<256x2048xf32> to vector<256x128xf32>
    %convert_element_type3A_49 = arith.fptosi %slice3A_48 : vector<256x128xf32> to vector<256x128xi32>
    %mul3A_50 = arith.constant 128 : i32
    %mul3A_51 = vector.broadcast %mul3A_50 : i32 to vector<256x128xi32>
    %mul3A_52 = arith.muli %convert_element_type3A_49, %mul3A_51 : vector<256x128xi32>
    %add3A_53 = arith.constant 134217733 : i32
    %add3A_54 = vector.broadcast %add3A_53 : i32 to vector<256x128xi32>
    %add3A_55 = arith.addi %mul3A_52, %add3A_54 : vector<256x128xi32>
    %min3A_56 = arith.minsi %min3A_47, %add3A_55 : vector<256x128xi32>
    %slice3A_57 = vector.extract_strided_slice %dot_general3A_7 {offsets = [0, 768], sizes = [256, 128], strides = [1, 1]} : vector<256x2048xf32> to vector<256x128xf32>
    %convert_element_type3A_58 = arith.fptosi %slice3A_57 : vector<256x128xf32> to vector<256x128xi32>
    %mul3A_59 = arith.constant 128 : i32
    %mul3A_60 = vector.broadcast %mul3A_59 : i32 to vector<256x128xi32>
    %mul3A_61 = arith.muli %convert_element_type3A_58, %mul3A_60 : vector<256x128xi32>
    %add3A_62 = arith.constant 134217734 : i32
    %add3A_63 = vector.broadcast %add3A_62 : i32 to vector<256x128xi32>
    %add3A_64 = arith.addi %mul3A_61, %add3A_63 : vector<256x128xi32>
    %min3A_65 = arith.minsi %min3A_56, %add3A_64 : vector<256x128xi32>
    %slice3A_66 = vector.extract_strided_slice %dot_general3A_7 {offsets = [0, 896], sizes = [256, 128], strides = [1, 1]} : vector<256x2048xf32> to vector<256x128xf32>
    %convert_element_type3A_67 = arith.fptosi %slice3A_66 : vector<256x128xf32> to vector<256x128xi32>
    %mul3A_68 = arith.constant 128 : i32
    %mul3A_69 = vector.broadcast %mul3A_68 : i32 to vector<256x128xi32>
    %mul3A_70 = arith.muli %convert_element_type3A_67, %mul3A_69 : vector<256x128xi32>
    %add3A_71 = arith.constant 134217735 : i32
    %add3A_72 = vector.broadcast %add3A_71 : i32 to vector<256x128xi32>
    %add3A_73 = arith.addi %mul3A_70, %add3A_72 : vector<256x128xi32>
    %min3A_74 = arith.minsi %min3A_65, %add3A_73 : vector<256x128xi32>
    %slice3A_75 = vector.extract_strided_slice %dot_general3A_7 {offsets = [0, 1024], sizes = [256, 128], strides = [1, 1]} : vector<256x2048xf32> to vector<256x128xf32>
    %convert_element_type3A_76 = arith.fptosi %slice3A_75 : vector<256x128xf32> to vector<256x128xi32>
    %mul3A_77 = arith.constant 128 : i32
    %mul3A_78 = vector.broadcast %mul3A_77 : i32 to vector<256x128xi32>
    %mul3A_79 = arith.muli %convert_element_type3A_76, %mul3A_78 : vector<256x128xi32>
    %add3A_80 = arith.constant 134217736 : i32
    %add3A_81 = vector.broadcast %add3A_80 : i32 to vector<256x128xi32>
    %add3A_82 = arith.addi %mul3A_79, %add3A_81 : vector<256x128xi32>
    %min3A_83 = arith.minsi %min3A_74, %add3A_82 : vector<256x128xi32>
    %slice3A_84 = vector.extract_strided_slice %dot_general3A_7 {offsets = [0, 1152], sizes = [256, 128], strides = [1, 1]} : vector<256x2048xf32> to vector<256x128xf32>
    %convert_element_type3A_85 = arith.fptosi %slice3A_84 : vector<256x128xf32> to vector<256x128xi32>
    %mul3A_86 = arith.constant 128 : i32
    %mul3A_87 = vector.broadcast %mul3A_86 : i32 to vector<256x128xi32>
    %mul3A_88 = arith.muli %convert_element_type3A_85, %mul3A_87 : vector<256x128xi32>
    %add3A_89 = arith.constant 134217737 : i32
    %add3A_90 = vector.broadcast %add3A_89 : i32 to vector<256x128xi32>
    %add3A_91 = arith.addi %mul3A_88, %add3A_90 : vector<256x128xi32>
    %min3A_92 = arith.minsi %min3A_83, %add3A_91 : vector<256x128xi32>
    %slice3A_93 = vector.extract_strided_slice %dot_general3A_7 {offsets = [0, 1280], sizes = [256, 128], strides = [1, 1]} : vector<256x2048xf32> to vector<256x128xf32>
    %convert_element_type3A_94 = arith.fptosi %slice3A_93 : vector<256x128xf32> to vector<256x128xi32>
    %mul3A_95 = arith.constant 128 : i32
    %mul3A_96 = vector.broadcast %mul3A_95 : i32 to vector<256x128xi32>
    %mul3A_97 = arith.muli %convert_element_type3A_94, %mul3A_96 : vector<256x128xi32>
    %add3A_98 = arith.constant 134217738 : i32
    %add3A_99 = vector.broadcast %add3A_98 : i32 to vector<256x128xi32>
    %add3A_100 = arith.addi %mul3A_97, %add3A_99 : vector<256x128xi32>
    %min3A_101 = arith.minsi %min3A_92, %add3A_100 : vector<256x128xi32>
    %slice3A_102 = vector.extract_strided_slice %dot_general3A_7 {offsets = [0, 1408], sizes = [256, 128], strides = [1, 1]} : vector<256x2048xf32> to vector<256x128xf32>
    %convert_element_type3A_103 = arith.fptosi %slice3A_102 : vector<256x128xf32> to vector<256x128xi32>
    %mul3A_104 = arith.constant 128 : i32
    %mul3A_105 = vector.broadcast %mul3A_104 : i32 to vector<256x128xi32>
    %mul3A_106 = arith.muli %convert_element_type3A_103, %mul3A_105 : vector<256x128xi32>
    %add3A_107 = arith.constant 134217739 : i32
    %add3A_108 = vector.broadcast %add3A_107 : i32 to vector<256x128xi32>
    %add3A_109 = arith.addi %mul3A_106, %add3A_108 : vector<256x128xi32>
    %min3A_110 = arith.minsi %min3A_101, %add3A_109 : vector<256x128xi32>
    %slice3A_111 = vector.extract_strided_slice %dot_general3A_7 {offsets = [0, 1536], sizes = [256, 128], strides = [1, 1]} : vector<256x2048xf32> to vector<256x128xf32>
    %convert_element_type3A_112 = arith.fptosi %slice3A_111 : vector<256x128xf32> to vector<256x128xi32>
    %mul3A_113 = arith.constant 128 : i32
    %mul3A_114 = vector.broadcast %mul3A_113 : i32 to vector<256x128xi32>
    %mul3A_115 = arith.muli %convert_element_type3A_112, %mul3A_114 : vector<256x128xi32>
    %add3A_116 = arith.constant 134217740 : i32
    %add3A_117 = vector.broadcast %add3A_116 : i32 to vector<256x128xi32>
    %add3A_118 = arith.addi %mul3A_115, %add3A_117 : vector<256x128xi32>
    %min3A_119 = arith.minsi %min3A_110, %add3A_118 : vector<256x128xi32>
    %slice3A_120 = vector.extract_strided_slice %dot_general3A_7 {offsets = [0, 1664], sizes = [256, 128], strides = [1, 1]} : vector<256x2048xf32> to vector<256x128xf32>
    %convert_element_type3A_121 = arith.fptosi %slice3A_120 : vector<256x128xf32> to vector<256x128xi32>
    %mul3A_122 = arith.constant 128 : i32
    %mul3A_123 = vector.broadcast %mul3A_122 : i32 to vector<256x128xi32>
    %mul3A_124 = arith.muli %convert_element_type3A_121, %mul3A_123 : vector<256x128xi32>
    %add3A_125 = arith.constant 134217741 : i32
    %add3A_126 = vector.broadcast %add3A_125 : i32 to vector<256x128xi32>
    %add3A_127 = arith.addi %mul3A_124, %add3A_126 : vector<256x128xi32>
    %min3A_128 = arith.minsi %min3A_119, %add3A_127 : vector<256x128xi32>
    %slice3A_129 = vector.extract_strided_slice %dot_general3A_7 {offsets = [0, 1792], sizes = [256, 128], strides = [1, 1]} : vector<256x2048xf32> to vector<256x128xf32>
    %convert_element_type3A_130 = arith.fptosi %slice3A_129 : vector<256x128xf32> to vector<256x128xi32>
    %mul3A_131 = arith.constant 128 : i32
    %mul3A_132 = vector.broadcast %mul3A_131 : i32 to vector<256x128xi32>
    %mul3A_133 = arith.muli %convert_element_type3A_130, %mul3A_132 : vector<256x128xi32>
    %add3A_134 = arith.constant 134217742 : i32
    %add3A_135 = vector.broadcast %add3A_134 : i32 to vector<256x128xi32>
    %add3A_136 = arith.addi %mul3A_133, %add3A_135 : vector<256x128xi32>
    %min3A_137 = arith.minsi %min3A_128, %add3A_136 : vector<256x128xi32>
    %slice3A_138 = vector.extract_strided_slice %dot_general3A_7 {offsets = [0, 1920], sizes = [256, 128], strides = [1, 1]} : vector<256x2048xf32> to vector<256x128xf32>
    %convert_element_type3A_139 = arith.fptosi %slice3A_138 : vector<256x128xf32> to vector<256x128xi32>
    %mul3A_140 = arith.constant 128 : i32
    %mul3A_141 = vector.broadcast %mul3A_140 : i32 to vector<256x128xi32>
    %mul3A_142 = arith.muli %convert_element_type3A_139, %mul3A_141 : vector<256x128xi32>
    %add3A_143 = arith.constant 134217743 : i32
    %add3A_144 = vector.broadcast %add3A_143 : i32 to vector<256x128xi32>
    %add3A_145 = arith.addi %mul3A_142, %add3A_144 : vector<256x128xi32>
    %min3A_146 = arith.minsi %min3A_137, %add3A_145 : vector<256x128xi32>
    %shift_right_arithmetic3A = arith.constant 7 : i32
    %shift_right_arithmetic3A_147 = vector.broadcast %shift_right_arithmetic3A : i32 to vector<256x128xi32>
    %shift_right_arithmetic3A_148 = arith.shrsi %min3A_146, %shift_right_arithmetic3A_147 : vector<256x128xi32>
    %and3A = arith.constant 127 : i32
    %and3A_149 = vector.broadcast %and3A : i32 to vector<256x128xi32>
    %and3A_150 = arith.andi %min3A_146, %and3A_149 : vector<256x128xi32>
    %get3A_151 = arith.constant 0 : index
    %get3A_152 = arith.constant 0 : index
    %get3A_153 = vector.load %arg5[%get3A_151, %get3A_152] : memref<256x128xi32, #tpu.memory_space<vmem>>, vector<256x128xi32>
    %lt3A = arith.cmpi slt, %shift_right_arithmetic3A_148, %get3A_153 : vector<256x128xi32>
    %get3A_154 = arith.constant 0 : index
    %get3A_155 = arith.constant 0 : index
    %get3A_156 = vector.load %arg5[%get3A_154, %get3A_155] : memref<256x128xi32, #tpu.memory_space<vmem>>, vector<256x128xi32>
    %min3A_157 = arith.minsi %shift_right_arithmetic3A_148, %get3A_156 : vector<256x128xi32>
    %swap3A = arith.constant 0 : index
    %swap3A_158 = arith.constant 0 : index
    %swap3A_159 = vector.load %arg5[%swap3A, %swap3A_158] : memref<256x128xi32, #tpu.memory_space<vmem>>, vector<256x128xi32>
    tpu.vector_store %arg5[%swap3A, %swap3A_158], %min3A_157 {strides = array<i32>} : memref<256x128xi32, #tpu.memory_space<vmem>>, vector<256x128xi32>,
    %mul3A_160 = arith.constant 16 : i32
    %mul3A_161 = arith.muli %arg1, %mul3A_160 : i32
    %add3A_162 = vector.broadcast %mul3A_161 : i32 to vector<256x128xi32>
    %add3A_163 = arith.addi %add3A_162, %and3A_150 : vector<256x128xi32>
    %get3A_164 = arith.constant 0 : index
    %get3A_165 = arith.constant 0 : index
    %get3A_166 = vector.load %arg6[%get3A_164, %get3A_165] : memref<256x128xi32, #tpu.memory_space<vmem>>, vector<256x128xi32>
    %select_n3A = arith.select %lt3A, %add3A_163, %get3A_166 : vector<256x128xi1>, vector<256x128xi32>
    %swap3A_167 = arith.constant 0 : index
    %swap3A_168 = arith.constant 0 : index
    %swap3A_169 = vector.load %arg6[%swap3A_167, %swap3A_168] : memref<256x128xi32, #tpu.memory_space<vmem>>, vector<256x128xi32>
    tpu.vector_store %arg6[%swap3A_167, %swap3A_168], %select_n3A {strides = array<i32>} : memref<256x128xi32, #tpu.memory_space<vmem>>, vector<256x128xi32>,
    %eq3A_170 = arith.constant 9 : i32
    %eq3A_171 = arith.cmpi eq, %arg1, %eq3A_170 : i32
    %convert_element_type3A_172 = arith.extui %eq3A_171 : i1 to i32
    %cond3A_173 = arith.constant 0 : i32
    %cond3A_174 = arith.cmpi ne, %convert_element_type3A_172, %cond3A_173 : i32
    scf.if %cond3A_174 {
      %get3A_175 = arith.constant 0 : index
      %get3A_176 = arith.constant 0 : index
      %get3A_177 = vector.load %arg5[%get3A_175, %get3A_176] : memref<256x128xi32, #tpu.memory_space<vmem>>, vector<256x128xi32>
      %iota3A = tpu.iota {dimensions = array<i32: 1>} : vector<256x128xi32>
      %get3A_178 = arith.constant 0 : index
      %get3A_179 = arith.constant 0 : index
      %get3A_180 = vector.load %arg6[%get3A_178, %get3A_179] : memref<256x128xi32, #tpu.memory_space<vmem>>, vector<256x128xi32>
      %mul3A_181 = arith.constant 128 : i32
      %mul3A_182 = vector.broadcast %mul3A_181 : i32 to vector<256x128xi32>
      %mul3A_183 = arith.muli %get3A_180, %mul3A_182 : vector<256x128xi32>
      %add3A_184 = arith.addi %mul3A_183, %iota3A : vector<256x128xi32>
      %reduce_min3A = arith.constant dense<2147483647> : vector<256xi32>
      %reduce_min3A_185 = vector.multi_reduction <minsi>, %get3A_177, %reduce_min3A [1] : vector<256x128xi32> to vector<256xi32>
      %broadcast_in_dim3A = vector.shape_cast %reduce_min3A_185 : vector<256xi32> to vector<256x1xi32>
      %eq3A_186 = vector.broadcast %broadcast_in_dim3A : vector<256x1xi32> to vector<256x128xi32>
      %eq3A_187 = arith.cmpi eq, %get3A_177, %eq3A_186 : vector<256x128xi32>
      %jit3A = arith.constant 2147483647 : i32
      %broadcast_in_dim3A_188 = vector.broadcast %jit3A : i32 to vector<256x128xi32>
      %select_n3A_189 = arith.select %eq3A_187, %add3A_184, %broadcast_in_dim3A_188 : vector<256x128xi1>, vector<256x128xi32>
      %reduce_min3A_190 = arith.constant dense<2147483647> : vector<256xi32>
      %reduce_min3A_191 = vector.multi_reduction <minsi>, %select_n3A_189, %reduce_min3A_190 [1] : vector<256x128xi32> to vector<256xi32>
      %broadcast_in_dim3A_192 = vector.shape_cast %reduce_min3A_191 : vector<256xi32> to vector<256x1xi32>
      %convert_element_type3A_193 = arith.sitofp %broadcast_in_dim3A_192 : vector<256x1xi32> to vector<256x1xf32>
      %swap3A_194 = arith.constant 0 : index
      %swap3A_195 = arith.constant 0 : index
      %swap3A_196 = vector.load %arg4[%swap3A_194, %swap3A_195] : memref<256x1xf32, #tpu.memory_space<vmem>>, vector<256x1xf32>
      tpu.vector_store %arg4[%swap3A_194, %swap3A_195], %convert_element_type3A_193 {strides = array<i32>} : memref<256x1xf32, #tpu.memory_space<vmem>>, vector<256x1xf32>,
    } else {
    }
    return
  }
  func.func @transform_0(%arg0: i32, %arg1: i32) -> (i32, i32) {
    %c0_i32 = arith.constant 0 : i32
    %c0_i32_0 = arith.constant 0 : i32
    return %arg0, %c0_i32 : i32, i32
  }
  func.func @transform_1(%arg0: i32, %arg1: i32) -> (i32, i32) {
    %c0_i32 = arith.constant 0 : i32
    %c0_i32_0 = arith.constant 0 : i32
    return %c0_i32, %arg1 : i32, i32
  }
  func.func @transform_2(%arg0: i32, %arg1: i32) -> (i32, i32) {
    %c0_i32 = arith.constant 0 : i32
    %c0_i32_0 = arith.constant 0 : i32
    return %arg0, %c0_i32 : i32, i32
  }
}

module attributes {stable_mosaic.version = 14 : i64} {
  func.func @_nn_b_body(%arg0: i32, %arg1: i32, %arg2: memref<256x8xbf16, #tpu.memory_space<vmem>>, %arg3: memref<8x2048xbf16, #tpu.memory_space<vmem>>, %arg4: memref<256x1xf32, #tpu.memory_space<vmem>>, %arg5: memref<256x1xf32, #tpu.memory_space<vmem>>, %arg6: memref<256x128xi32, #tpu.memory_space<vmem>>, %arg7: memref<256x128xi32, #tpu.memory_space<vmem>>) attributes {dimension_semantics = [#tpu.dimension_semantics<arbitrary>, #tpu.dimension_semantics<arbitrary>], iteration_bounds = array<i64: 80, 10>, scalar_prefetch = 0 : i64, scratch_operands = 2 : i64, tpu.core_type = #tpu.core_type<tc>, window_params = [{transform_indices = @transform_0, window_bounds = array<i64: 256, 8>}, {transform_indices = @transform_1, window_bounds = array<i64: 8, 2048>}, {transform_indices = @transform_2, window_bounds = array<i64: 256, 1>}, {transform_indices = @transform_3, window_bounds = array<i64: 256, 1>}]} {
    %eq3A = arith.constant 0 : i32
    %eq3A_0 = arith.cmpi eq, %arg1, %eq3A : i32
    %convert_element_type3A = arith.extui %eq3A_0 : i1 to i32
    %cond3A = arith.constant 0 : i32
    %cond3A_1 = arith.cmpi ne, %convert_element_type3A, %cond3A : i32
    scf.if %cond3A_1 {
      %broadcast_in_dim3A_170 = arith.constant -1 : i32
      %broadcast_in_dim3A_171 = vector.broadcast %broadcast_in_dim3A_170 : i32 to vector<256x128xi32>
      %swap3A_172 = arith.constant 0 : index
      %swap3A_173 = arith.constant 0 : index
      %swap3A_174 = vector.load %arg6[%swap3A_172, %swap3A_173] : memref<256x128xi32, #tpu.memory_space<vmem>>, vector<256x128xi32>
      tpu.vector_store %arg6[%swap3A_172, %swap3A_173], %broadcast_in_dim3A_171 {strides = array<i32>} : memref<256x128xi32, #tpu.memory_space<vmem>>, vector<256x128xi32>,
      %broadcast_in_dim3A_175 = arith.constant 0 : i32
      %broadcast_in_dim3A_176 = vector.broadcast %broadcast_in_dim3A_175 : i32 to vector<256x128xi32>
      %swap3A_177 = arith.constant 0 : index
      %swap3A_178 = arith.constant 0 : index
      %swap3A_179 = vector.load %arg7[%swap3A_177, %swap3A_178] : memref<256x128xi32, #tpu.memory_space<vmem>>, vector<256x128xi32>
      tpu.vector_store %arg7[%swap3A_177, %swap3A_178], %broadcast_in_dim3A_176 {strides = array<i32>} : memref<256x128xi32, #tpu.memory_space<vmem>>, vector<256x128xi32>,
    } else {
    }
    %get3A = arith.constant 0 : index
    %get3A_2 = arith.constant 0 : index
    %get3A_3 = vector.load %arg2[%get3A, %get3A_2] : memref<256x8xbf16, #tpu.memory_space<vmem>>, vector<256x8xbf16>
    %get3A_4 = arith.constant 0 : index
    %get3A_5 = arith.constant 0 : index
    %get3A_6 = vector.load %arg3[%get3A_4, %get3A_5] : memref<8x2048xbf16, #tpu.memory_space<vmem>>, vector<8x2048xbf16>
    %dot_general3A = arith.constant dense<0.000000e+00> : vector<256x2048xf32>
    %dot_general3A_7 = tpu.matmul %get3A_3, %get3A_6, %dot_general3A {dimension_numbers = #tpu.dot_dimension_numbers<[1], [0], [0], [1], [0, 0, 1, 1], [], []>, transpose_lhs_hint = false} : vector<256x8xbf16>, vector<8x2048xbf16>, vector<256x2048xf32> -> vector<256x2048xf32>
    %get3A_8 = arith.constant 0 : index
    %get3A_9 = arith.constant 0 : index
    %get3A_10 = vector.load %arg4[%get3A_8, %get3A_9] : memref<256x1xf32, #tpu.memory_space<vmem>>, vector<256x1xf32>
    %slice3A = vector.extract_strided_slice %dot_general3A_7 {offsets = [0, 0], sizes = [256, 128], strides = [1, 1]} : vector<256x2048xf32> to vector<256x128xf32>
    %eq3A_11 = vector.broadcast %get3A_10 : vector<256x1xf32> to vector<256x128xf32>
    %eq3A_12 = arith.cmpf oeq, %slice3A, %eq3A_11 : vector<256x128xf32>
    %jit3A = arith.constant 0 : i32
    %jit3A_13 = arith.constant -1 : i32
    %broadcast_in_dim3A = vector.broadcast %jit3A : i32 to vector<256x128xi32>
    %broadcast_in_dim3A_14 = vector.broadcast %jit3A_13 : i32 to vector<256x128xi32>
    %select_n3A = arith.select %eq3A_12, %broadcast_in_dim3A, %broadcast_in_dim3A_14 : vector<256x128xi1>, vector<256x128xi32>
    %slice3A_15 = vector.extract_strided_slice %dot_general3A_7 {offsets = [0, 128], sizes = [256, 128], strides = [1, 1]} : vector<256x2048xf32> to vector<256x128xf32>
    %eq3A_16 = vector.broadcast %get3A_10 : vector<256x1xf32> to vector<256x128xf32>
    %eq3A_17 = arith.cmpf oeq, %slice3A_15, %eq3A_16 : vector<256x128xf32>
    %jit3A_18 = arith.constant 1 : i32
    %jit3A_19 = arith.constant -1 : i32
    %broadcast_in_dim3A_20 = vector.broadcast %jit3A_18 : i32 to vector<256x128xi32>
    %broadcast_in_dim3A_21 = vector.broadcast %jit3A_19 : i32 to vector<256x128xi32>
    %select_n3A_22 = arith.select %eq3A_17, %broadcast_in_dim3A_20, %broadcast_in_dim3A_21 : vector<256x128xi1>, vector<256x128xi32>
    %max3A = arith.maxsi %select_n3A, %select_n3A_22 : vector<256x128xi32>
    %slice3A_23 = vector.extract_strided_slice %dot_general3A_7 {offsets = [0, 256], sizes = [256, 128], strides = [1, 1]} : vector<256x2048xf32> to vector<256x128xf32>
    %eq3A_24 = vector.broadcast %get3A_10 : vector<256x1xf32> to vector<256x128xf32>
    %eq3A_25 = arith.cmpf oeq, %slice3A_23, %eq3A_24 : vector<256x128xf32>
    %jit3A_26 = arith.constant 2 : i32
    %jit3A_27 = arith.constant -1 : i32
    %broadcast_in_dim3A_28 = vector.broadcast %jit3A_26 : i32 to vector<256x128xi32>
    %broadcast_in_dim3A_29 = vector.broadcast %jit3A_27 : i32 to vector<256x128xi32>
    %select_n3A_30 = arith.select %eq3A_25, %broadcast_in_dim3A_28, %broadcast_in_dim3A_29 : vector<256x128xi1>, vector<256x128xi32>
    %max3A_31 = arith.maxsi %max3A, %select_n3A_30 : vector<256x128xi32>
    %slice3A_32 = vector.extract_strided_slice %dot_general3A_7 {offsets = [0, 384], sizes = [256, 128], strides = [1, 1]} : vector<256x2048xf32> to vector<256x128xf32>
    %eq3A_33 = vector.broadcast %get3A_10 : vector<256x1xf32> to vector<256x128xf32>
    %eq3A_34 = arith.cmpf oeq, %slice3A_32, %eq3A_33 : vector<256x128xf32>
    %jit3A_35 = arith.constant 3 : i32
    %jit3A_36 = arith.constant -1 : i32
    %broadcast_in_dim3A_37 = vector.broadcast %jit3A_35 : i32 to vector<256x128xi32>
    %broadcast_in_dim3A_38 = vector.broadcast %jit3A_36 : i32 to vector<256x128xi32>
    %select_n3A_39 = arith.select %eq3A_34, %broadcast_in_dim3A_37, %broadcast_in_dim3A_38 : vector<256x128xi1>, vector<256x128xi32>
    %max3A_40 = arith.maxsi %max3A_31, %select_n3A_39 : vector<256x128xi32>
    %slice3A_41 = vector.extract_strided_slice %dot_general3A_7 {offsets = [0, 512], sizes = [256, 128], strides = [1, 1]} : vector<256x2048xf32> to vector<256x128xf32>
    %eq3A_42 = vector.broadcast %get3A_10 : vector<256x1xf32> to vector<256x128xf32>
    %eq3A_43 = arith.cmpf oeq, %slice3A_41, %eq3A_42 : vector<256x128xf32>
    %jit3A_44 = arith.constant 4 : i32
    %jit3A_45 = arith.constant -1 : i32
    %broadcast_in_dim3A_46 = vector.broadcast %jit3A_44 : i32 to vector<256x128xi32>
    %broadcast_in_dim3A_47 = vector.broadcast %jit3A_45 : i32 to vector<256x128xi32>
    %select_n3A_48 = arith.select %eq3A_43, %broadcast_in_dim3A_46, %broadcast_in_dim3A_47 : vector<256x128xi1>, vector<256x128xi32>
    %max3A_49 = arith.maxsi %max3A_40, %select_n3A_48 : vector<256x128xi32>
    %slice3A_50 = vector.extract_strided_slice %dot_general3A_7 {offsets = [0, 640], sizes = [256, 128], strides = [1, 1]} : vector<256x2048xf32> to vector<256x128xf32>
    %eq3A_51 = vector.broadcast %get3A_10 : vector<256x1xf32> to vector<256x128xf32>
    %eq3A_52 = arith.cmpf oeq, %slice3A_50, %eq3A_51 : vector<256x128xf32>
    %jit3A_53 = arith.constant 5 : i32
    %jit3A_54 = arith.constant -1 : i32
    %broadcast_in_dim3A_55 = vector.broadcast %jit3A_53 : i32 to vector<256x128xi32>
    %broadcast_in_dim3A_56 = vector.broadcast %jit3A_54 : i32 to vector<256x128xi32>
    %select_n3A_57 = arith.select %eq3A_52, %broadcast_in_dim3A_55, %broadcast_in_dim3A_56 : vector<256x128xi1>, vector<256x128xi32>
    %max3A_58 = arith.maxsi %max3A_49, %select_n3A_57 : vector<256x128xi32>
    %slice3A_59 = vector.extract_strided_slice %dot_general3A_7 {offsets = [0, 768], sizes = [256, 128], strides = [1, 1]} : vector<256x2048xf32> to vector<256x128xf32>
    %eq3A_60 = vector.broadcast %get3A_10 : vector<256x1xf32> to vector<256x128xf32>
    %eq3A_61 = arith.cmpf oeq, %slice3A_59, %eq3A_60 : vector<256x128xf32>
    %jit3A_62 = arith.constant 6 : i32
    %jit3A_63 = arith.constant -1 : i32
    %broadcast_in_dim3A_64 = vector.broadcast %jit3A_62 : i32 to vector<256x128xi32>
    %broadcast_in_dim3A_65 = vector.broadcast %jit3A_63 : i32 to vector<256x128xi32>
    %select_n3A_66 = arith.select %eq3A_61, %broadcast_in_dim3A_64, %broadcast_in_dim3A_65 : vector<256x128xi1>, vector<256x128xi32>
    %max3A_67 = arith.maxsi %max3A_58, %select_n3A_66 : vector<256x128xi32>
    %slice3A_68 = vector.extract_strided_slice %dot_general3A_7 {offsets = [0, 896], sizes = [256, 128], strides = [1, 1]} : vector<256x2048xf32> to vector<256x128xf32>
    %eq3A_69 = vector.broadcast %get3A_10 : vector<256x1xf32> to vector<256x128xf32>
    %eq3A_70 = arith.cmpf oeq, %slice3A_68, %eq3A_69 : vector<256x128xf32>
    %jit3A_71 = arith.constant 7 : i32
    %jit3A_72 = arith.constant -1 : i32
    %broadcast_in_dim3A_73 = vector.broadcast %jit3A_71 : i32 to vector<256x128xi32>
    %broadcast_in_dim3A_74 = vector.broadcast %jit3A_72 : i32 to vector<256x128xi32>
    %select_n3A_75 = arith.select %eq3A_70, %broadcast_in_dim3A_73, %broadcast_in_dim3A_74 : vector<256x128xi1>, vector<256x128xi32>
    %max3A_76 = arith.maxsi %max3A_67, %select_n3A_75 : vector<256x128xi32>
    %slice3A_77 = vector.extract_strided_slice %dot_general3A_7 {offsets = [0, 1024], sizes = [256, 128], strides = [1, 1]} : vector<256x2048xf32> to vector<256x128xf32>
    %eq3A_78 = vector.broadcast %get3A_10 : vector<256x1xf32> to vector<256x128xf32>
    %eq3A_79 = arith.cmpf oeq, %slice3A_77, %eq3A_78 : vector<256x128xf32>
    %jit3A_80 = arith.constant 8 : i32
    %jit3A_81 = arith.constant -1 : i32
    %broadcast_in_dim3A_82 = vector.broadcast %jit3A_80 : i32 to vector<256x128xi32>
    %broadcast_in_dim3A_83 = vector.broadcast %jit3A_81 : i32 to vector<256x128xi32>
    %select_n3A_84 = arith.select %eq3A_79, %broadcast_in_dim3A_82, %broadcast_in_dim3A_83 : vector<256x128xi1>, vector<256x128xi32>
    %max3A_85 = arith.maxsi %max3A_76, %select_n3A_84 : vector<256x128xi32>
    %slice3A_86 = vector.extract_strided_slice %dot_general3A_7 {offsets = [0, 1152], sizes = [256, 128], strides = [1, 1]} : vector<256x2048xf32> to vector<256x128xf32>
    %eq3A_87 = vector.broadcast %get3A_10 : vector<256x1xf32> to vector<256x128xf32>
    %eq3A_88 = arith.cmpf oeq, %slice3A_86, %eq3A_87 : vector<256x128xf32>
    %jit3A_89 = arith.constant 9 : i32
    %jit3A_90 = arith.constant -1 : i32
    %broadcast_in_dim3A_91 = vector.broadcast %jit3A_89 : i32 to vector<256x128xi32>
    %broadcast_in_dim3A_92 = vector.broadcast %jit3A_90 : i32 to vector<256x128xi32>
    %select_n3A_93 = arith.select %eq3A_88, %broadcast_in_dim3A_91, %broadcast_in_dim3A_92 : vector<256x128xi1>, vector<256x128xi32>
    %max3A_94 = arith.maxsi %max3A_85, %select_n3A_93 : vector<256x128xi32>
    %slice3A_95 = vector.extract_strided_slice %dot_general3A_7 {offsets = [0, 1280], sizes = [256, 128], strides = [1, 1]} : vector<256x2048xf32> to vector<256x128xf32>
    %eq3A_96 = vector.broadcast %get3A_10 : vector<256x1xf32> to vector<256x128xf32>
    %eq3A_97 = arith.cmpf oeq, %slice3A_95, %eq3A_96 : vector<256x128xf32>
    %jit3A_98 = arith.constant 10 : i32
    %jit3A_99 = arith.constant -1 : i32
    %broadcast_in_dim3A_100 = vector.broadcast %jit3A_98 : i32 to vector<256x128xi32>
    %broadcast_in_dim3A_101 = vector.broadcast %jit3A_99 : i32 to vector<256x128xi32>
    %select_n3A_102 = arith.select %eq3A_97, %broadcast_in_dim3A_100, %broadcast_in_dim3A_101 : vector<256x128xi1>, vector<256x128xi32>
    %max3A_103 = arith.maxsi %max3A_94, %select_n3A_102 : vector<256x128xi32>
    %slice3A_104 = vector.extract_strided_slice %dot_general3A_7 {offsets = [0, 1408], sizes = [256, 128], strides = [1, 1]} : vector<256x2048xf32> to vector<256x128xf32>
    %eq3A_105 = vector.broadcast %get3A_10 : vector<256x1xf32> to vector<256x128xf32>
    %eq3A_106 = arith.cmpf oeq, %slice3A_104, %eq3A_105 : vector<256x128xf32>
    %jit3A_107 = arith.constant 11 : i32
    %jit3A_108 = arith.constant -1 : i32
    %broadcast_in_dim3A_109 = vector.broadcast %jit3A_107 : i32 to vector<256x128xi32>
    %broadcast_in_dim3A_110 = vector.broadcast %jit3A_108 : i32 to vector<256x128xi32>
    %select_n3A_111 = arith.select %eq3A_106, %broadcast_in_dim3A_109, %broadcast_in_dim3A_110 : vector<256x128xi1>, vector<256x128xi32>
    %max3A_112 = arith.maxsi %max3A_103, %select_n3A_111 : vector<256x128xi32>
    %slice3A_113 = vector.extract_strided_slice %dot_general3A_7 {offsets = [0, 1536], sizes = [256, 128], strides = [1, 1]} : vector<256x2048xf32> to vector<256x128xf32>
    %eq3A_114 = vector.broadcast %get3A_10 : vector<256x1xf32> to vector<256x128xf32>
    %eq3A_115 = arith.cmpf oeq, %slice3A_113, %eq3A_114 : vector<256x128xf32>
    %jit3A_116 = arith.constant 12 : i32
    %jit3A_117 = arith.constant -1 : i32
    %broadcast_in_dim3A_118 = vector.broadcast %jit3A_116 : i32 to vector<256x128xi32>
    %broadcast_in_dim3A_119 = vector.broadcast %jit3A_117 : i32 to vector<256x128xi32>
    %select_n3A_120 = arith.select %eq3A_115, %broadcast_in_dim3A_118, %broadcast_in_dim3A_119 : vector<256x128xi1>, vector<256x128xi32>
    %max3A_121 = arith.maxsi %max3A_112, %select_n3A_120 : vector<256x128xi32>
    %slice3A_122 = vector.extract_strided_slice %dot_general3A_7 {offsets = [0, 1664], sizes = [256, 128], strides = [1, 1]} : vector<256x2048xf32> to vector<256x128xf32>
    %eq3A_123 = vector.broadcast %get3A_10 : vector<256x1xf32> to vector<256x128xf32>
    %eq3A_124 = arith.cmpf oeq, %slice3A_122, %eq3A_123 : vector<256x128xf32>
    %jit3A_125 = arith.constant 13 : i32
    %jit3A_126 = arith.constant -1 : i32
    %broadcast_in_dim3A_127 = vector.broadcast %jit3A_125 : i32 to vector<256x128xi32>
    %broadcast_in_dim3A_128 = vector.broadcast %jit3A_126 : i32 to vector<256x128xi32>
    %select_n3A_129 = arith.select %eq3A_124, %broadcast_in_dim3A_127, %broadcast_in_dim3A_128 : vector<256x128xi1>, vector<256x128xi32>
    %max3A_130 = arith.maxsi %max3A_121, %select_n3A_129 : vector<256x128xi32>
    %slice3A_131 = vector.extract_strided_slice %dot_general3A_7 {offsets = [0, 1792], sizes = [256, 128], strides = [1, 1]} : vector<256x2048xf32> to vector<256x128xf32>
    %eq3A_132 = vector.broadcast %get3A_10 : vector<256x1xf32> to vector<256x128xf32>
    %eq3A_133 = arith.cmpf oeq, %slice3A_131, %eq3A_132 : vector<256x128xf32>
    %jit3A_134 = arith.constant 14 : i32
    %jit3A_135 = arith.constant -1 : i32
    %broadcast_in_dim3A_136 = vector.broadcast %jit3A_134 : i32 to vector<256x128xi32>
    %broadcast_in_dim3A_137 = vector.broadcast %jit3A_135 : i32 to vector<256x128xi32>
    %select_n3A_138 = arith.select %eq3A_133, %broadcast_in_dim3A_136, %broadcast_in_dim3A_137 : vector<256x128xi1>, vector<256x128xi32>
    %max3A_139 = arith.maxsi %max3A_130, %select_n3A_138 : vector<256x128xi32>
    %slice3A_140 = vector.extract_strided_slice %dot_general3A_7 {offsets = [0, 1920], sizes = [256, 128], strides = [1, 1]} : vector<256x2048xf32> to vector<256x128xf32>
    %eq3A_141 = vector.broadcast %get3A_10 : vector<256x1xf32> to vector<256x128xf32>
    %eq3A_142 = arith.cmpf oeq, %slice3A_140, %eq3A_141 : vector<256x128xf32>
    %jit3A_143 = arith.constant 15 : i32
    %jit3A_144 = arith.constant -1 : i32
    %broadcast_in_dim3A_145 = vector.broadcast %jit3A_143 : i32 to vector<256x128xi32>
    %broadcast_in_dim3A_146 = vector.broadcast %jit3A_144 : i32 to vector<256x128xi32>
    %select_n3A_147 = arith.select %eq3A_142, %broadcast_in_dim3A_145, %broadcast_in_dim3A_146 : vector<256x128xi1>, vector<256x128xi32>
    %max3A_148 = arith.maxsi %max3A_139, %select_n3A_147 : vector<256x128xi32>
    %ge3A = arith.constant 0 : i32
    %ge3A_149 = vector.broadcast %ge3A : i32 to vector<256x128xi32>
    %ge3A_150 = arith.cmpi sge, %max3A_148, %ge3A_149 : vector<256x128xi32>
    %get3A_151 = arith.constant 0 : index
    %get3A_152 = arith.constant 0 : index
    %get3A_153 = vector.load %arg6[%get3A_151, %get3A_152] : memref<256x128xi32, #tpu.memory_space<vmem>>, vector<256x128xi32>
    %select_n3A_154 = arith.select %ge3A_150, %max3A_148, %get3A_153 : vector<256x128xi1>, vector<256x128xi32>
    %swap3A = arith.constant 0 : index
    %swap3A_155 = arith.constant 0 : index
    %swap3A_156 = vector.load %arg6[%swap3A, %swap3A_155] : memref<256x128xi32, #tpu.memory_space<vmem>>, vector<256x128xi32>
    tpu.vector_store %arg6[%swap3A, %swap3A_155], %select_n3A_154 {strides = array<i32>} : memref<256x128xi32, #tpu.memory_space<vmem>>, vector<256x128xi32>,
    %get3A_157 = arith.constant 0 : index
    %get3A_158 = arith.constant 0 : index
    %get3A_159 = vector.load %arg7[%get3A_157, %get3A_158] : memref<256x128xi32, #tpu.memory_space<vmem>>, vector<256x128xi32>
    %broadcast_in_dim3A_160 = vector.broadcast %arg1 : i32 to vector<256x128xi32>
    %select_n3A_161 = arith.select %ge3A_150, %broadcast_in_dim3A_160, %get3A_159 : vector<256x128xi1>, vector<256x128xi32>
    %swap3A_162 = arith.constant 0 : index
    %swap3A_163 = arith.constant 0 : index
    %swap3A_164 = vector.load %arg7[%swap3A_162, %swap3A_163] : memref<256x128xi32, #tpu.memory_space<vmem>>, vector<256x128xi32>
    tpu.vector_store %arg7[%swap3A_162, %swap3A_163], %select_n3A_161 {strides = array<i32>} : memref<256x128xi32, #tpu.memory_space<vmem>>, vector<256x128xi32>,
    %eq3A_165 = arith.constant 9 : i32
    %eq3A_166 = arith.cmpi eq, %arg1, %eq3A_165 : i32
    %convert_element_type3A_167 = arith.extui %eq3A_166 : i1 to i32
    %cond3A_168 = arith.constant 0 : i32
    %cond3A_169 = arith.cmpi ne, %convert_element_type3A_167, %cond3A_168 : i32
    scf.if %cond3A_169 {
      %iota3A = tpu.iota {dimensions = array<i32: 1>} : vector<256x128xi32>
      %get3A_170 = arith.constant 0 : index
      %get3A_171 = arith.constant 0 : index
      %get3A_172 = vector.load %arg6[%get3A_170, %get3A_171] : memref<256x128xi32, #tpu.memory_space<vmem>>, vector<256x128xi32>
      %get3A_173 = arith.constant 0 : index
      %get3A_174 = arith.constant 0 : index
      %get3A_175 = vector.load %arg7[%get3A_173, %get3A_174] : memref<256x128xi32, #tpu.memory_space<vmem>>, vector<256x128xi32>
      %mul3A = arith.constant 2048 : i32
      %mul3A_176 = vector.broadcast %mul3A : i32 to vector<256x128xi32>
      %mul3A_177 = arith.muli %get3A_175, %mul3A_176 : vector<256x128xi32>
      %mul3A_178 = arith.constant 128 : i32
      %mul3A_179 = vector.broadcast %mul3A_178 : i32 to vector<256x128xi32>
      %mul3A_180 = arith.muli %get3A_172, %mul3A_179 : vector<256x128xi32>
      %add3A = arith.addi %mul3A_177, %mul3A_180 : vector<256x128xi32>
      %add3A_181 = arith.addi %add3A, %iota3A : vector<256x128xi32>
      %ge3A_182 = arith.constant 0 : i32
      %ge3A_183 = vector.broadcast %ge3A_182 : i32 to vector<256x128xi32>
      %ge3A_184 = arith.cmpi sge, %get3A_172, %ge3A_183 : vector<256x128xi32>
      %jit3A_185 = arith.constant -1 : i32
      %broadcast_in_dim3A_186 = vector.broadcast %jit3A_185 : i32 to vector<256x128xi32>
      %select_n3A_187 = arith.select %ge3A_184, %add3A_181, %broadcast_in_dim3A_186 : vector<256x128xi1>, vector<256x128xi32>
      %reduce_max3A = arith.constant dense<-2147483648> : vector<256xi32>
      %reduce_max3A_188 = vector.multi_reduction <maxsi>, %select_n3A_187, %reduce_max3A [1] : vector<256x128xi32> to vector<256xi32>
      %broadcast_in_dim3A_189 = vector.shape_cast %reduce_max3A_188 : vector<256xi32> to vector<256x1xi32>
      %convert_element_type3A_190 = arith.sitofp %broadcast_in_dim3A_189 : vector<256x1xi32> to vector<256x1xf32>
      %swap3A_191 = arith.constant 0 : index
      %swap3A_192 = arith.constant 0 : index
      %swap3A_193 = vector.load %arg5[%swap3A_191, %swap3A_192] : memref<256x1xf32, #tpu.memory_space<vmem>>, vector<256x1xf32>
      tpu.vector_store %arg5[%swap3A_191, %swap3A_192], %convert_element_type3A_190 {strides = array<i32>} : memref<256x1xf32, #tpu.memory_space<vmem>>, vector<256x1xf32>,
    } else {
    }
    return
  }
  func.func @transform_0(%arg0: i32, %arg1: i32) -> (i32, i32) {
    %c0_i32 = arith.constant 0 : i32
    %c0_i32_0 = arith.constant 0 : i32
    return %arg0, %c0_i32 : i32, i32
  }
  func.func @transform_1(%arg0: i32, %arg1: i32) -> (i32, i32) {
    %c0_i32 = arith.constant 0 : i32
    %c0_i32_0 = arith.constant 0 : i32
    return %c0_i32, %arg1 : i32, i32
  }
  func.func @transform_2(%arg0: i32, %arg1: i32) -> (i32, i32) {
    %c0_i32 = arith.constant 0 : i32
    %c0_i32_0 = arith.constant 0 : i32
    return %arg0, %c0_i32 : i32, i32
  }
  func.func @transform_3(%arg0: i32, %arg1: i32) -> (i32, i32) {
    %c0_i32 = arith.constant 0 : i32
    %c0_i32_0 = arith.constant 0 : i32
    return %arg0, %c0_i32 : i32, i32
  }
}

</mosaic_0001>

<sc_bundles>
// kernel: kernel.5.cloned.1.call-start
scs
__scs_entry_jumppad:
0x0: {  	(pc) =	sbr.rel $0x88, $3  }
0x1: {  	(tag) =	ssettag $0x0;
	lr =	simm.s32 $0x1  }
0x2: {  	[smem:$0x3F9E] =	sst lr;
	_ =	strace $0xD0000000  }
0x3: {  	_ = 	snop  }
0x4: {  	_ = 	snop  }
0x5: {  	_ = 	snop  }
0x6: {  	_ = 	snop  }
0x7: {  	_ = 	snop  }
__scs_overlays_trampoline_lowered:
0x8: {  	[smem:$0x3FAD] =	sst s0  }
0x9: {  	[smem:$0x3FAE] =	sst s1  }
0xa: {  	[smem:$0x3FAF] =	sst s2  }
0xb: {  	[smem:$0x3FB0] =	sst s3  }
0xc: {  	[smem:$0x3FB1] =	sst s4  }
0xd: {  	[smem:$0x3FB2] =	sst s5  }
0xe: {  	[smem:$0x3FB3] =	sst s6  }
0xf: {  	[smem:$0x3FB4] =	sst s7  }
0x10: {  	[smem:$0x3FB5] =	sst s8  }
0x11: {  	[smem:$0x3FB6] =	sst s9;
	s0 =	simm.s32 @!p0 $0x0  }
0x12: {  	s1 =	sld [smem:$0x3F9C];
	s0 =	simm.s32 @p0 $0x1  }
0x13: {  	[smem:$0x3FB7] =	sst s0;
	s0 =	simm.s32 @!p1 $0x0  }
0x14: {  	s2 =	sld [smem:$0x3F9B];
	s0 =	simm.s32 @p1 $0x1  }
0x15: {  	[smem:$0x3FB8] =	sst s0;
	s0 =	simm.s32 @!p2 $0x0  }
0x16: {  	s3 =	sld [smem:$0x3FDB];
	s0 =	simm.s32 @p2 $0x1  }
0x17: {  	s4 =	simm.s32 $0x1BF5;
	[smem:$0x3FBA] =	sst s0  }
0x18: {  	s0 =	sld [smem:$0x3F9D];
	_ =	swait.ge [sflag:s4], $0x0  }
0x19: {  	s7 =	sld [smem:$0x3F9E]  }
0x1a: {  	s8 =	sadd.s32 $0xFFFFE003, lr  }
0x1b: {  	s9 =	sadd.s32 $0xFFFFFEF7, lr;
	s5 =	simm.s32 $0xFFFFFFFF;
	p2 =	slt.u32 s8, $0xFFFFF086  }
0x1c: {  	p1 =	slt.u32 s9, $0xF7A;
	s5 =	simm.s32 @!p2 $0x0  }
0x1d: {  	s5 =	simm.s32 @p1 $0x1;
	p0 =	seq.s32 s7, s2  }
0x1e: {  	s7 =	smul.u32 @!p0 $0xF7A, s2;
	p2 =	seq.s32 @!p0 s5, $0x0  }
0x1f: {  	s9 =	smul.u32 $0xF7A, s1;
	s8 =	simm.s32 @!p0 $0x1BF5;
	p2 =	por !p2, p0  }
0x20: {  	[sflag:s8] =	ssyncset.s32 @!p0 $0xFFFFF086;
	s6 =	sadd.s32 @!p0 s3, s7;
	s7 =	simm.s32 @!p0 $0x108  }
0x21: {  	s3 =	sadd.s32 s3, s9;
	s6 =	sadd.s32 @!p0 $0x88, s6;
	s7 =	simm.s32 @p2 $0x1082  }
0x22: {  	[simem:s7], [sflag:s8] =	dma.local @!p0 [hbm:s6], $0xF7A  }
0x23: {  	s9 =	sor.u32 $0xD0000000, s2;
	s6 =	simm.s32 $0x108;
	_ =	swait.ge @!p0 [sflag:s8], $0x0  }
0x24: {  	s3 =	sadd.s32 $0x88, s3;
	s6 =	simm.s32 @!p1 $0x1082;
	[sflag:s4] =	ssyncset.s32 $0xFFFFF086  }
0x25: {  	[simem:s6], [sflag:s4] =	dma.local [hbm:s3], $0xF7A  }
0x26: {  	[smem:$0x3F9E] =	sst s1;
	(tag) =	ssettag s2;
	_ =	strace s9  }
0x27: {  	s1 =	sld [smem:$0x3FAE]  }
0x28: {  	s2 =	sld [smem:$0x3FAF]  }
0x29: {  	s4 =	sld [smem:$0x3FB1]  }
0x2a: {  	p0 =	seq.s32 s5, $0x0;
	s5 =	sld [smem:$0x3FB2]  }
0x2b: {  	s6 =	sld [smem:$0x3FB3]  }
0x2c: {  	s7 =	sld [smem:$0x3FB4]  }
0x2d: {  	s3 =	simm.s32 $0x108;
	s8 =	sld [smem:$0x3FB5]  }
0x2e: {  	s3 =	simm.s32 @!p0 $0x1082;
	s9 =	sld [smem:$0x3FB6]  }
0x2f: {  	lr =	sadd.s32 s0, s3;
	s0 =	sld [smem:$0x3FAD]  }
0x30: {  	s3 =	sld [smem:$0x3FB0]  }
0x31: {  	[smem:$0x3FB9] =	sst s10  }
0x32: {  	s10 =	sld [smem:$0x3FB7];
	_ =	sdelay $0x3  }
0x33: {  	p0 =	seq.s32 s10, $0x1;
	s10 =	sld [smem:$0x3FB9];
	_ =	sdelay $0x3  }
0x34: {  	[smem:$0x3FB9] =	sst s10  }
0x35: {  	s10 =	sld [smem:$0x3FB8];
	_ =	sdelay $0x3  }
0x36: {  	p1 =	seq.s32 s10, $0x1;
	s10 =	sld [smem:$0x3FB9];
	_ =	sdelay $0x3  }
0x37: {  	[smem:$0x3FB9] =	sst s10  }
0x38: {  	s10 =	sld [smem:$0x3FBA]  }
0x39: {  	_ = 	snop;
	(pc) =	sbr.ind lr, $3  }
0x3a: {  	_ = 	snop  }
0x3b: {  	_ = 	snop  }
0x3c: {  	p2 =	seq.s32 s10, $0x1;
	s10 =	sld [smem:$0x3FB9]  }
0x3d: {  	_ =	shalt  }
0x3e: {  	_ =	shalt  }
0x3f: {  	_ =	shalt  }
0x40: {  	_ =	shalt  }
0x41: {  	_ =	shalt  }
0x42: {  	_ =	shalt  }
0x43: {  	_ =	shalt  }
0x44: {  	_ =	shalt  }
0x45: {  	_ =	shalt  }
0x46: {  	_ =	shalt  }
0x47: {  	_ =	shalt  }
0x48: {  	_ =	shalt  }
0x49: {  	_ =	shalt  }
0x4a: {  	_ =	shalt  }
0x4b: {  	_ =	shalt  }
0x4c: {  	_ =	shalt  }
0x4d: {  	_ =	shalt  }
0x4e: {  	_ =	shalt  }
0x4f: {  	_ =	shalt  }
0x50: {  	_ =	shalt  }
0x51: {  	_ =	shalt  }
0x52: {  	_ =	shalt  }
0x53: {  	_ =	shalt  }
0x54: {  	_ =	shalt  }
0x55: {  	_ =	shalt  }
0x56: {  	_ =	shalt  }
0x57: {  	_ =	shalt  }
0x58: {  	_ =	shalt  }
0x59: {  	_ =	shalt  }
0x5a: {  	_ =	shalt  }
0x5b: {  	_ =	shalt  }
0x5c: {  	_ =	shalt  }
0x5d: {  	_ =	shalt  }
0x5e: {  	_ =	shalt  }
0x5f: {  	_ =	shalt  }
0x60: {  	_ =	shalt  }
0x61: {  	_ =	shalt  }
0x62: {  	_ =	shalt  }
0x63: {  	_ =	shalt  }
0x64: {  	_ =	shalt  }
0x65: {  	_ =	shalt  }
0x66: {  	_ =	shalt  }
0x67: {  	_ =	shalt  }
0x68: {  	_ =	shalt  }
0x69: {  	_ =	shalt  }
0x6a: {  	_ =	shalt  }
0x6b: {  	_ =	shalt  }
0x6c: {  	_ =	shalt  }
0x6d: {  	_ =	shalt  }
0x6e: {  	_ =	shalt  }
0x6f: {  	_ =	shalt  }
0x70: {  	_ =	shalt  }
0x71: {  	_ =	shalt  }
0x72: {  	_ =	shalt  }
0x73: {  	_ =	shalt  }
0x74: {  	_ =	shalt  }
0x75: {  	_ =	shalt  }
0x76: {  	_ =	shalt  }
0x77: {  	_ =	shalt  }
0x78: {  	_ =	shalt  }
0x79: {  	_ =	shalt  }
0x7a: {  	_ =	shalt  }
0x7b: {  	_ =	shalt  }
0x7c: {  	_ =	shalt  }
0x7d: {  	_ =	shalt  }
0x7e: {  	_ =	shalt  }
0x7f: {  	_ =	shalt  }
0x80: {  	_ =	shalt  }
0x81: {  	_ =	shalt  }
0x82: {  	_ =	shalt  }
0x83: {  	_ =	shalt  }
0x84: {  	_ =	shalt  }
0x85: {  	_ =	shalt  }
0x86: {  	_ =	shalt  }
0x87: {  	_ =	shalt  }
.Lfunc_end0:
.L_simem_size_0:
called_computation_lowered:
.L_overlay_start_0:
0x88: {  	s2 =	sld [smem:$0x3FD9]  }
0x89: {  	s3 =	sld [smem:$0x3FFE];
	_ =	sdelay $0x1  }
0x8a: {  	s1 =	srdreg.scid  }
0x8b: {  	s0 =	sand.u32 $0x1, s1  }
0x8c: {  	s14 =	sshll.u32 s0, $0xA;
	s2 =	sadd.s32 s3, s2  }
0x8d: {  	s2 =	sadd.s32 s2, s14  }
0x8e: {  	[smem:$0x3FC5] =	sst s2  }
0x8f: {  	_ = 	snop  }
0x90: {  	s2 =	sld [smem:$0x3FD0];
	_ =	sdelay $0x2  }
0x91: {  	s15 =	simm.s32 $0xA;
	s4 =	simm.s32 $0x10  }
0x92: {  	[smem:s4], [sflag:s15] =	dma.local [hbm:s2], $0x1  }
0x93: {  	_ =	swait.eq [sflag:s15], $0x1  }
0x94: {  	[sflag:s15] =	ssyncset.done $0x0  }
0x95: {  	[sflag:s15] =	ssyncadd.s32 $0xFFFFFFFF  }
0x96: {  	s16 =	sld [smem:$0x11];
	(tm) =	ssettm $0x1  }
0x97: {  	s17 =	sld [smem:$0x3FFB];
	_ =	sdelay $0x3  }
0x98: {  	_ =	strace s17  }
0x99: {  	s3 =	sld [smem:$0x3FFC];
	_ =	sdelay $0x3  }
0x9a: {  	_ =	strace s3  }
0x9b: {  	s3 =	sld [smem:$0x3FFD];
	_ =	sdelay $0x3  }
0x9c: {  	_ =	strace s3  }
0x9d: {  	_ =	strace $0x8FFFFFFF  }
0x9e: {  	s18 =	sld [smem:$0x3FDB];
	_ =	sdelay $0x1  }
0x9f: {  	s19 =	simm.s32 $_scs_section_size  }
0xa0: {  	s5 =	simm.s32 $_size__tile_overlayer_lowered;
	s6 =	simm.s32 $_tile_overlayer_lowered  }
0xa1: {  	s22 =	simm.s32 $0x1BFF;
	s21 =	sshll.u32 s6, $0x1;
	s3 =	sadd.s32 s19, s18  }
0xa2: {  	s7 =	simm.s32 $0x0;
	s20 =	sshll.u32 s5, $0x1;
	s5 =	sadd.s32 s21, s3  }
0xa3: {  	[timem:s7], [sflag:s22] =	dma.local [hbm:s5], s20  }
0xa4: {  	_ =	swait.ge [sflag:s22], s20  }
0xa5: {  	s4 =	ssub.s32 $0x0, s20;
	[sflag:s22] =	ssyncset.done $0x0  }
0xa6: {  	[sflag:s22] =	ssyncadd.s32 s4;
	_ =	sdelay $0x1  }
0xa7: {  	s23 =	simm.s32 $0x1B8B  }
0xa8: {  	_ =	swait.ge [sflag:s23], $0x1  }
0xa9: {  	[sflag:s23] =	ssyncset.done $0x0  }
0xaa: {  	s25 =	simm.s32 $0x1B8E;
	s24 =	sld [smem:$0x3FFE];
	[sflag:s23] =	ssyncadd.s32 $0xFFFFFFFF  }
0xab: {  	s26 =	simm.s32 $execute0_lowered;
	[smem:$0x3FD2] =	sst s25  }
0xac: {  	s5 =	sshll.u32 s26, $0x1;
	_ =	strace $0x80000046;
	[dreg:$0x1] =	wrdreg $0xFFFFFFFF  }
0xad: {  	s28 =	simm.s32 $_size_execute0_lowered;
	s3 =	sadd.s32 s3, s5;
	[dreg:$0x0] =	wrdreg $0x0  }
0xae: {  	s5 =	sshll.u32 s28, $0x1;
	[dreg:$0x2] =	wrdreg s3  }
0xaf: {  	[dreg:$0x3] =	wrdreg s5  }
0xb0: {  	[dreg:$0x4] =	wrdreg $0xC0  }
0xb1: {  	_ =	task [dreg:s7], $0x5FFFF  }
0xb2: {  	[dreg:$0x1] =	wrdreg $0xFFFFFFFF  }
0xb3: {  	[dreg:$0x0] =	wrdreg $0x60  }
0xb4: {  	[dreg:$0x2] =	wrdreg s24  }
0xb5: {  	[dreg:$0x3] =	wrdreg s16  }
0xb6: {  	[dreg:$0x4] =	wrdreg $0x9  }
0xb7: {  	_ =	task.clear_ibuf [dreg:s7], $0x5FFFF;
	_ =	strace $0x90000046  }
0xb8: {  	s29 =	simm.s32 $0x9;
	_ =	strace $0x80000048  }
0xb9: {  	_ =	swait.ge [sflag:s29], $0x1  }
0xba: {  	[sflag:s29] =	ssyncadd.s32 $0xFFFFFFFF  }
0xbb: {  	_ =	strace $0x90000048  }
0xbc: {  	_ =	sfence  }
0xbd: {  	s30 =	sld [smem:$0x0];
	_ =	sdelay $0x2  }
0xbe: {  	s31 =	sshll.u32 s1, $0xD;
	s1 =	sshrl.u32 s1, $0x2  }
0xbf: {  	s3 =	sand.u32 $0x4000, s31;
	s1 =	sadd.s32 s1, s30  }
0xc0: {  	s0 =	sor.u32 s3, s0;
	s1 =	sshll.u32 s1, $0x11  }
0xc1: {  	s0 =	sor.u32 s1, s0  }
0xc2: {  	s0 =	sadd.s32 $0x8F2B, s0  }
0xc3: {  	[sflag:s0] =	ssyncadd.remote.s32 $0x1  }
0xc4: {  	_ =	sfence.sel $0xFFFF  }
0xc5: {  	[dreg:$0x0] =	wrdreg $0xFFFFFFFF;
	(pc) =	sbr.abs _section_cstart, $3  }
0xc6: {  	[dreg:$0x1] =	wrdreg $0xFFFFFFFF  }
0xc7: {  	_ =	task.clear_ibuf [dreg:s7], $0x2FFFF;
	_ =	strace $0x9FFFFFFF  }
0xc8: {  	(tm) =	ssettm $0x7FFFFFFF  }
0xc9: {  	_ =	shalt  }
tec
execute0_lowered:
.L_overlay_start_1:
0x0: {  	(tag) =	ssettag $0x1  }
0x1: {  	s6 =	rddreg [dreg:$0x0]  }
0x2: {  	s14 =	rddreg [dreg:$0x1]  }
0x3: {  	s2 =	simm.s32 $0x0;
	s3 =	srdreg.scid;
	s1 =	stileid.u32  }
0x4: {  	s17 =	simm.s32 $0x280;
	s18 =	simm.s32 $0x500;
	s19 =	simm.s32 $0x780  }
0x5: {  	s20 =	simm.s32 $0xA00;
	s21 =	simm.s32 $0xC80;
	s22 =	simm.s32 $0xF00  }
0x6: {  	s23 =	simm.s32 $0x1180;
	s24 =	simm.s32 $0x1400;
	s25 =	simm.s32 $0x1  }
0x7: {  	s26 =	simm.s32 $0x2080;
	s28 =	simm.s32 $0x1680;
	s29 =	simm.s32 $0x1900  }
0x8: {  	s30 =	simm.s32 $0x1B80;
	s31 =	simm.s32 $0x1E00;
	[smem:$0x7FF] =	sst s2  }
0x9: {  	s3 =	sand.u32 $0x1, s3;
	s4 =	sshll.u32 s1, $0x1;
	s5 =	sadd.s32 $0xA00, s6  }
0xa: {  	_ =	strace $0x80000047;
	s4 =	sor.u32 s3, s4;
	[dreg:$0x3] =	wrdreg s5  }
0xb: {  	s7 =	ssub.s32 $0x2, s3;
	s3 =	sadd.s32 $0x4800, s6;
	s15 =	smul.u32 $0x50, s4  }
0xc: {  	s5 =	sadd.s32 $0x1400, s6;
	s4 =	sadd.s32 $0x3E00, s6;
	s8 =	sshrl.u32 s7, $0x1  }
0xd: {  	s16 =	ssub.s32 s7, s8;
	s6 =	sadd.s32 s6, s15;
	s14 =	sadd.s32 s14, s15  }
0xe: {  	s15 =	smax.u32 s16, $0x1;
	s16 =	simm.s32 $0x2;
	s7 =	sadd.s32 $0x3400, s6  }
0xf: {  	s8 =	sadd.s32 $0x2A00, s6;
	s9 =	sadd.s32 $0x2000, s6;
	s10 =	sadd.s32 $0x5200, s6  }
0x10: {  	s11 =	sadd.s32 $0x5C00, s6;
	s12 =	sadd.s32 $0x6600, s6;
	s13 =	sadd.s32 $0x7000, s6  }
.LBB2_1:
0x11: {  	[tilespmem:s2], [sflag:$0x2] =	stream.linear.gather [hbm4b:s6+s2], $0x280, $0x38;
	[tilespmem:$0x2300] =	vst v63  }
0x12: {  	_ =	swait.ge [sflag:s16], $0x280  }
0x13: {  	[sflag:s16] =	ssyncset.done $0x0  }
0x14: {  	[sflag:s16] =	ssyncadd.s32 $0xFFFFFD80  }
0x15: {  	[tilespmem:s17], [sflag:$0x2] =	stream.linear.gather [hbm4b:s7+s2], $0x280, $0x38;
	[tilespmem:$0x2300] =	vst v63  }
0x16: {  	_ =	swait.ge [sflag:s16], $0x280  }
0x17: {  	[sflag:s16] =	ssyncset.done $0x0  }
0x18: {  	[sflag:s16] =	ssyncadd.s32 $0xFFFFFD80  }
0x19: {  	[tilespmem:s18], [sflag:$0x2] =	stream.linear.gather [hbm4b:s8+s2], $0x280, $0x38;
	[tilespmem:$0x2300] =	vst v63  }
0x1a: {  	_ =	swait.ge [sflag:s16], $0x280  }
0x1b: {  	[sflag:s16] =	ssyncset.done $0x0  }
0x1c: {  	[sflag:s16] =	ssyncadd.s32 $0xFFFFFD80  }
0x1d: {  	[tilespmem:s19], [sflag:$0x2] =	stream.linear.gather [hbm4b:s9+s2], $0x280, $0x38;
	[tilespmem:$0x2300] =	vst v63  }
0x1e: {  	_ =	swait.ge [sflag:s16], $0x280  }
0x1f: {  	[sflag:s16] =	ssyncset.done $0x0  }
0x20: {  	[sflag:s16] =	ssyncadd.s32 $0xFFFFFD80  }
0x21: {  	[tilespmem:s20], [sflag:$0x2] =	stream.linear.gather [hbm4b:s10+s2], $0x280, $0x38;
	[tilespmem:$0x2300] =	vst v63  }
0x22: {  	_ =	swait.ge [sflag:s16], $0x280  }
0x23: {  	[sflag:s16] =	ssyncset.done $0x0  }
0x24: {  	[sflag:s16] =	ssyncadd.s32 $0xFFFFFD80  }
0x25: {  	[tilespmem:s21], [sflag:$0x2] =	stream.linear.gather [hbm4b:s11+s2], $0x280, $0x38;
	[tilespmem:$0x2300] =	vst v63  }
0x26: {  	_ =	swait.ge [sflag:s16], $0x280  }
0x27: {  	[sflag:s16] =	ssyncset.done $0x0  }
0x28: {  	[sflag:s16] =	ssyncadd.s32 $0xFFFFFD80  }
0x29: {  	[tilespmem:s22], [sflag:$0x2] =	stream.linear.gather [hbm4b:s12+s2], $0x280, $0x38;
	[tilespmem:$0x2300] =	vst v63  }
0x2a: {  	_ =	swait.ge [sflag:s16], $0x280  }
0x2b: {  	[sflag:s16] =	ssyncset.done $0x0  }
0x2c: {  	[sflag:s16] =	ssyncadd.s32 $0xFFFFFD80  }
0x2d: {  	v0 =	vld [tilespmem:$0x0]  }
0x2e: {  	v1 =	vld [tilespmem:$0x10]  }
0x2f: {  	v2 =	vld [tilespmem:$0x20]  }
0x30: {  	v3 =	vld [tilespmem:$0x30]  }
0x31: {  	v4 =	vld [tilespmem:$0x40]  }
0x32: {  	v5 =	vld [tilespmem:$0x50];
	v0 =	vtrunc.f32 v0  }
0x33: {  	v6 =	vld [tilespmem:$0x60];
	v1 =	vtrunc.f32 v1;
	v0 =	vcvt.f32.s32 v0  }
0x34: {  	v7 =	vld [tilespmem:$0x70];
	v2 =	vtrunc.f32 v2;
	v1 =	vcvt.f32.s32 v1  }
0x35: {  	v25 =	vld [tilespmem:$0x80];
	v24 =	vtrunc.f32 v3;
	v23 =	vcvt.f32.s32 v2;
	[tilespmem:$0x1180] =	vst v0  }
0x36: {  	v28 =	vld [tilespmem:$0x90];
	v27 =	vtrunc.f32 v4;
	v26 =	vcvt.f32.s32 v24;
	[tilespmem:$0x1190] =	vst v1  }
0x37: {  	v31 =	vld [tilespmem:$0xA0];
	v30 =	vtrunc.f32 v5;
	v29 =	vcvt.f32.s32 v27;
	[tilespmem:$0x11A0] =	vst v23  }
0x38: {  	v34 =	vld [tilespmem:$0xB0];
	v33 =	vtrunc.f32 v6;
	v32 =	vcvt.f32.s32 v30;
	[tilespmem:$0x11B0] =	vst v26  }
0x39: {  	v37 =	vld [tilespmem:$0xC0];
	v36 =	vtrunc.f32 v7;
	v35 =	vcvt.f32.s32 v33;
	[tilespmem:$0x11C0] =	vst v29  }
0x3a: {  	v40 =	vld [tilespmem:$0xD0];
	v39 =	vtrunc.f32 v25;
	v38 =	vcvt.f32.s32 v36;
	[tilespmem:$0x11D0] =	vst v32  }
0x3b: {  	v43 =	vld [tilespmem:$0xE0];
	v42 =	vtrunc.f32 v28;
	v41 =	vcvt.f32.s32 v39;
	[tilespmem:$0x11E0] =	vst v35  }
0x3c: {  	v46 =	vld [tilespmem:$0xF0];
	v45 =	vtrunc.f32 v31;
	v44 =	vcvt.f32.s32 v42;
	[tilespmem:$0x11F0] =	vst v38  }
0x3d: {  	v49 =	vld [tilespmem:$0x100];
	v48 =	vtrunc.f32 v34;
	v47 =	vcvt.f32.s32 v45;
	[tilespmem:$0x1200] =	vst v41  }
0x3e: {  	v52 =	vld [tilespmem:$0x110];
	v51 =	vtrunc.f32 v37;
	v50 =	vcvt.f32.s32 v48;
	[tilespmem:$0x1210] =	vst v44  }
0x3f: {  	v55 =	vld [tilespmem:$0x120];
	v54 =	vtrunc.f32 v40;
	v53 =	vcvt.f32.s32 v51;
	[tilespmem:$0x1220] =	vst v47  }
0x40: {  	v58 =	vld [tilespmem:$0x130];
	v57 =	vtrunc.f32 v43;
	v56 =	vcvt.f32.s32 v54;
	[tilespmem:$0x1230] =	vst v50  }
0x41: {  	v61 =	vld [tilespmem:$0x140];
	v60 =	vtrunc.f32 v46;
	v59 =	vcvt.f32.s32 v57;
	[tilespmem:$0x1240] =	vst v53  }
0x42: {  	v9 =	vld [tilespmem:$0x150];
	v63 =	vtrunc.f32 v49;
	v62 =	vcvt.f32.s32 v60;
	[tilespmem:$0x1250] =	vst v56  }
0x43: {  	v12 =	vld [tilespmem:$0x160];
	v11 =	vtrunc.f32 v52;
	v10 =	vcvt.f32.s32 v63;
	[tilespmem:$0x1260] =	vst v59  }
0x44: {  	v15 =	vld [tilespmem:$0x170];
	v14 =	vtrunc.f32 v55;
	v13 =	vcvt.f32.s32 v11;
	[tilespmem:$0x1270] =	vst v62  }
0x45: {  	v18 =	vld [tilespmem:$0x180];
	v17 =	vtrunc.f32 v58;
	v16 =	vcvt.f32.s32 v14;
	[tilespmem:$0x1280] =	vst v10  }
0x46: {  	v21 =	vld [tilespmem:$0x190];
	v20 =	vtrunc.f32 v61;
	v19 =	vcvt.f32.s32 v17;
	[tilespmem:$0x1290] =	vst v13  }
0x47: {  	v22 =	vcvt.f32.s32 v20;
	v24 =	vld [tilespmem:$0x1A0];
	[tilespmem:$0x12A0] =	vst v16;
	v23 =	vtrunc.f32 v9  }
0x48: {  	v27 =	vld [tilespmem:$0x1B0];
	[tilespmem:$0x12B0] =	vst v19;
	v26 =	vtrunc.f32 v12;
	v25 =	vcvt.f32.s32 v23  }
0x49: {  	v30 =	vld [tilespmem:$0x1C0];
	[tilespmem:$0x12C0] =	vst v22;
	v29 =	vtrunc.f32 v15;
	v28 =	vcvt.f32.s32 v26  }
0x4a: {  	v33 =	vld [tilespmem:$0x1D0];
	v32 =	vtrunc.f32 v18;
	v31 =	vcvt.f32.s32 v29;
	[tilespmem:$0x12D0] =	vst v25  }
0x4b: {  	v36 =	vld [tilespmem:$0x1E0];
	v35 =	vtrunc.f32 v21;
	v34 =	vcvt.f32.s32 v32;
	[tilespmem:$0x12E0] =	vst v28  }
0x4c: {  	v39 =	vld [tilespmem:$0x1F0];
	v37 =	vcvt.f32.s32 v35;
	[tilespmem:$0x12F0] =	vst v31;
	v38 =	vtrunc.f32 v24  }
0x4d: {  	v42 =	vld [tilespmem:$0x200];
	[tilespmem:$0x1300] =	vst v34;
	v41 =	vtrunc.f32 v27;
	v40 =	vcvt.f32.s32 v38  }
0x4e: {  	v45 =	vld [tilespmem:$0x210];
	[tilespmem:$0x1310] =	vst v37;
	v44 =	vtrunc.f32 v30;
	v43 =	vcvt.f32.s32 v41  }
0x4f: {  	v48 =	vld [tilespmem:$0x220];
	v47 =	vtrunc.f32 v33;
	v46 =	vcvt.f32.s32 v44;
	[tilespmem:$0x1320] =	vst v40  }
0x50: {  	v51 =	vld [tilespmem:$0x230];
	v50 =	vtrunc.f32 v36;
	v49 =	vcvt.f32.s32 v47;
	[tilespmem:$0x1330] =	vst v43  }
0x51: {  	v54 =	vld [tilespmem:$0x240];
	v53 =	vtrunc.f32 v39;
	v52 =	vcvt.f32.s32 v50;
	[tilespmem:$0x1340] =	vst v46  }
0x52: {  	v57 =	vld [tilespmem:$0x250];
	v56 =	vtrunc.f32 v42;
	v55 =	vcvt.f32.s32 v53;
	[tilespmem:$0x1350] =	vst v49  }
0x53: {  	v60 =	vld [tilespmem:$0x260];
	v59 =	vtrunc.f32 v45;
	v58 =	vcvt.f32.s32 v56;
	[tilespmem:$0x1360] =	vst v52  }
0x54: {  	v63 =	vld [tilespmem:$0x270];
	v62 =	vtrunc.f32 v48;
	v61 =	vcvt.f32.s32 v59;
	[tilespmem:$0x1370] =	vst v55  }
0x55: {  	v9 =	vtrunc.f32 v51;
	v8 =	vcvt.f32.s32 v62;
	[tilespmem:$0x1380] =	vst v58  }
0x56: {  	v11 =	vtrunc.f32 v54;
	v10 =	vcvt.f32.s32 v9;
	[tilespmem:$0x1390] =	vst v61  }
0x57: {  	v13 =	vtrunc.f32 v57;
	v12 =	vcvt.f32.s32 v11;
	[tilespmem:$0x13A0] =	vst v8  }
0x58: {  	v15 =	vtrunc.f32 v60;
	v14 =	vcvt.f32.s32 v13;
	[tilespmem:$0x13B0] =	vst v10  }
0x59: {  	v17 =	vtrunc.f32 v63;
	v16 =	vcvt.f32.s32 v15;
	[tilespmem:$0x13C0] =	vst v12  }
0x5a: {  	v18 =	vcvt.f32.s32 v17;
	[tilespmem:$0x13D0] =	vst v14  }
0x5b: {  	[tilespmem:$0x13E0] =	vst v16  }
0x5c: {  	s0 =	rddreg [dreg:$0x3];
	[tilespmem:$0x13F0] =	vst v18  }
0x5d: {  	[tilespmem:s24], [sflag:$0x1] =	stream.indirect.gather [hbm4b:s0+s17], $0x1, s23, s17, $0xb8;
	[tilespmem:$0x2300] =	vst v63  }
0x5e: {  	_ =	swait.ge [sflag:s25], $0x280  }
0x5f: {  	[sflag:s25] =	ssyncset.done $0x0  }
0x60: {  	[sflag:s25] =	ssyncadd.s32 $0xFFFFFD80  }
0x61: {  	v19 =	vld [tilespmem:$0x1400]  }
0x62: {  	v20 =	vld [tilespmem:$0x1410]  }
0x63: {  	v21 =	vld [tilespmem:$0x1420]  }
0x64: {  	v22 =	vld [tilespmem:$0x1430]  }
0x65: {  	v23 =	vld [tilespmem:$0x1440]  }
0x66: {  	v24 =	vld [tilespmem:$0x1450];
	v0 =	vtrunc.f32 v19  }
0x67: {  	v25 =	vld [tilespmem:$0x1460];
	v1 =	vtrunc.f32 v20;
	v0 =	vcvt.f32.s32 v0  }
0x68: {  	v26 =	vld [tilespmem:$0x1470];
	v2 =	vtrunc.f32 v21;
	v1 =	vcvt.f32.s32 v1  }
0x69: {  	v29 =	vld [tilespmem:$0x1480];
	v28 =	vtrunc.f32 v22;
	v27 =	vcvt.f32.s32 v2;
	[tilespmem:$0x2080] =	vst v0  }
0x6a: {  	v32 =	vld [tilespmem:$0x1490];
	v31 =	vtrunc.f32 v23;
	v30 =	vcvt.f32.s32 v28;
	[tilespmem:$0x2090] =	vst v1  }
0x6b: {  	v35 =	vld [tilespmem:$0x14A0];
	v34 =	vtrunc.f32 v24;
	v33 =	vcvt.f32.s32 v31;
	[tilespmem:$0x20A0] =	vst v27  }
0x6c: {  	v38 =	vld [tilespmem:$0x14B0];
	v37 =	vtrunc.f32 v25;
	v36 =	vcvt.f32.s32 v34;
	[tilespmem:$0x20B0] =	vst v30  }
0x6d: {  	v41 =	vld [tilespmem:$0x14C0];
	v40 =	vtrunc.f32 v26;
	v39 =	vcvt.f32.s32 v37;
	[tilespmem:$0x20C0] =	vst v33  }
0x6e: {  	v44 =	vld [tilespmem:$0x14D0];
	v43 =	vtrunc.f32 v29;
	v42 =	vcvt.f32.s32 v40;
	[tilespmem:$0x20D0] =	vst v36  }
0x6f: {  	v47 =	vld [tilespmem:$0x14E0];
	v46 =	vtrunc.f32 v32;
	v45 =	vcvt.f32.s32 v43;
	[tilespmem:$0x20E0] =	vst v39  }
0x70: {  	v50 =	vld [tilespmem:$0x14F0];
	v49 =	vtrunc.f32 v35;
	v48 =	vcvt.f32.s32 v46;
	[tilespmem:$0x20F0] =	vst v42  }
0x71: {  	v53 =	vld [tilespmem:$0x1500];
	v52 =	vtrunc.f32 v38;
	v51 =	vcvt.f32.s32 v49;
	[tilespmem:$0x2100] =	vst v45  }
0x72: {  	v56 =	vld [tilespmem:$0x1510];
	v55 =	vtrunc.f32 v41;
	v54 =	vcvt.f32.s32 v52;
	[tilespmem:$0x2110] =	vst v48  }
0x73: {  	v59 =	vld [tilespmem:$0x1520];
	v58 =	vtrunc.f32 v44;
	v57 =	vcvt.f32.s32 v55;
	[tilespmem:$0x2120] =	vst v51  }
0x74: {  	v62 =	vld [tilespmem:$0x1530];
	v61 =	vtrunc.f32 v47;
	v60 =	vcvt.f32.s32 v58;
	[tilespmem:$0x2130] =	vst v54  }
0x75: {  	v9 =	vld [tilespmem:$0x1540];
	v8 =	vtrunc.f32 v50;
	v63 =	vcvt.f32.s32 v61;
	[tilespmem:$0x2140] =	vst v57  }
0x76: {  	v12 =	vld [tilespmem:$0x1550];
	v11 =	vtrunc.f32 v53;
	v10 =	vcvt.f32.s32 v8;
	[tilespmem:$0x2150] =	vst v60  }
0x77: {  	v15 =	vld [tilespmem:$0x1560];
	v14 =	vtrunc.f32 v56;
	v13 =	vcvt.f32.s32 v11;
	[tilespmem:$0x2160] =	vst v63  }
0x78: {  	v18 =	vld [tilespmem:$0x1570];
	v17 =	vtrunc.f32 v59;
	v16 =	vcvt.f32.s32 v14;
	[tilespmem:$0x2170] =	vst v10  }
0x79: {  	v20 =	vtrunc.f32 v62;
	v21 =	vld [tilespmem:$0x1580];
	v19 =	vcvt.f32.s32 v17;
	[tilespmem:$0x2180] =	vst v13  }
0x7a: {  	v23 =	vtrunc.f32 v9;
	v24 =	vld [tilespmem:$0x1590];
	v22 =	vcvt.f32.s32 v20;
	[tilespmem:$0x2190] =	vst v16  }
0x7b: {  	v26 =	vtrunc.f32 v12;
	v25 =	vcvt.f32.s32 v23;
	[tilespmem:$0x21A0] =	vst v19;
	v27 =	vld [tilespmem:$0x15A0]  }
0x7c: {  	v29 =	vtrunc.f32 v15;
	v28 =	vcvt.f32.s32 v26;
	[tilespmem:$0x21B0] =	vst v22;
	v30 =	vld [tilespmem:$0x15B0]  }
0x7d: {  	v32 =	vtrunc.f32 v18;
	v31 =	vcvt.f32.s32 v29;
	[tilespmem:$0x21C0] =	vst v25;
	v33 =	vld [tilespmem:$0x15C0]  }
0x7e: {  	v34 =	vcvt.f32.s32 v32;
	[tilespmem:$0x21D0] =	vst v28;
	v36 =	vld [tilespmem:$0x15D0];
	v35 =	vtrunc.f32 v21  }
0x7f: {  	[tilespmem:$0x21E0] =	vst v31;
	v39 =	vld [tilespmem:$0x15E0];
	v38 =	vtrunc.f32 v24;
	v37 =	vcvt.f32.s32 v35  }
0x80: {  	[tilespmem:$0x21F0] =	vst v34;
	v42 =	vld [tilespmem:$0x15F0];
	v40 =	vcvt.f32.s32 v38;
	v41 =	vtrunc.f32 v27  }
0x81: {  	v45 =	vld [tilespmem:$0x1600];
	[tilespmem:$0x2200] =	vst v37;
	v44 =	vtrunc.f32 v30;
	v43 =	vcvt.f32.s32 v41  }
0x82: {  	v48 =	vld [tilespmem:$0x1610];
	[tilespmem:$0x2210] =	vst v40;
	v47 =	vtrunc.f32 v33;
	v46 =	vcvt.f32.s32 v44  }
0x83: {  	v51 =	vld [tilespmem:$0x1620];
	v50 =	vtrunc.f32 v36;
	v49 =	vcvt.f32.s32 v47;
	[tilespmem:$0x2220] =	vst v43  }
0x84: {  	v54 =	vld [tilespmem:$0x1630];
	v53 =	vtrunc.f32 v39;
	v52 =	vcvt.f32.s32 v50;
	[tilespmem:$0x2230] =	vst v46  }
0x85: {  	v57 =	vld [tilespmem:$0x1640];
	v56 =	vtrunc.f32 v42;
	v55 =	vcvt.f32.s32 v53;
	[tilespmem:$0x2240] =	vst v49  }
0x86: {  	v60 =	vld [tilespmem:$0x1650];
	v59 =	vtrunc.f32 v45;
	v58 =	vcvt.f32.s32 v56;
	[tilespmem:$0x2250] =	vst v52  }
0x87: {  	v63 =	vld [tilespmem:$0x1660];
	v62 =	vtrunc.f32 v48;
	v61 =	vcvt.f32.s32 v59;
	[tilespmem:$0x2260] =	vst v55  }
0x88: {  	v10 =	vld [tilespmem:$0x1670];
	v9 =	vtrunc.f32 v51;
	v8 =	vcvt.f32.s32 v62;
	[tilespmem:$0x2270] =	vst v58  }
0x89: {  	v12 =	vtrunc.f32 v54;
	v11 =	vcvt.f32.s32 v9;
	[tilespmem:$0x2280] =	vst v61  }
0x8a: {  	v14 =	vtrunc.f32 v57;
	v13 =	vcvt.f32.s32 v12;
	[tilespmem:$0x2290] =	vst v8  }
0x8b: {  	v16 =	vtrunc.f32 v60;
	v15 =	vcvt.f32.s32 v14;
	[tilespmem:$0x22A0] =	vst v11  }
0x8c: {  	v18 =	vtrunc.f32 v63;
	v17 =	vcvt.f32.s32 v16;
	[tilespmem:$0x22B0] =	vst v13  }
0x8d: {  	v20 =	vtrunc.f32 v10;
	v19 =	vcvt.f32.s32 v18;
	[tilespmem:$0x22C0] =	vst v15  }
0x8e: {  	v21 =	vcvt.f32.s32 v20;
	[tilespmem:$0x22D0] =	vst v17  }
0x8f: {  	[tilespmem:$0x22E0] =	vst v19  }
0x90: {  	[tilespmem:$0x22F0] =	vst v21  }
0x91: {  	[tilespmem:s28], [sflag:$0x1] =	stream.indirect.gather [hbm4b:s3+s17], $0x1, s26, s17, $0xb8;
	[tilespmem:$0x2300] =	vst v63  }
0x92: {  	_ = 	snop  }
0x93: {  	[tilespmem:s29], [sflag:$0x1] =	stream.indirect.gather [hbm4b:s4+s17], $0x1, s26, s17, $0xb8;
	[tilespmem:$0x2300] =	vst v63  }
0x94: {  	_ = 	snop  }
0x95: {  	[tilespmem:s30], [sflag:$0x1] =	stream.indirect.gather [hbm4b:s5+s17], $0x1, s26, s17, $0xb8;
	[tilespmem:$0x2300] =	vst v63  }
0x96: {  	_ =	swait.ge [sflag:s25], $0x280  }
0x97: {  	[sflag:s25] =	ssyncset.done $0x0  }
0x98: {  	[sflag:s25] =	ssyncadd.s32 $0xFFFFFD80  }
0x99: {  	_ =	swait.ge [sflag:s25], $0x280  }
0x9a: {  	[sflag:s25] =	ssyncset.done $0x0  }
0x9b: {  	[sflag:s25] =	ssyncadd.s32 $0xFFFFFD80  }
0x9c: {  	_ =	swait.ge [sflag:s25], $0x280  }
0x9d: {  	[sflag:s25] =	ssyncset.done $0x0  }
0x9e: {  	[sflag:s25] =	ssyncadd.s32 $0xFFFFFD80  }
0x9f: {  	v61 =	vld [tilespmem:$0x16F0];
	_ =	sdelay $0x4  }
0xa0: {  	[tilespmem:$0x1F4A0] =	vst v61;
	v61 =	vld [tilespmem:$0x2F0];
	_ =	sdelay $0x4  }
0xa1: {  	[tilespmem:$0x1F460] =	vst v61;
	v61 =	vld [tilespmem:$0xA70];
	_ =	sdelay $0x4  }
0xa2: {  	[tilespmem:$0x1F470] =	vst v61;
	v61 =	vld [tilespmem:$0x1970];
	_ =	sdelay $0x4  }
0xa3: {  	[tilespmem:$0x1F4D0] =	vst v61;
	v61 =	vld [tilespmem:$0x570];
	_ =	sdelay $0x4  }
0xa4: {  	[tilespmem:$0x1F480] =	vst v61;
	v61 =	vld [tilespmem:$0xCF0];
	_ =	sdelay $0x4  }
0xa5: {  	[tilespmem:$0x1F490] =	vst v61;
	v61 =	vld [tilespmem:$0x1BF0];
	_ =	sdelay $0x4  }
0xa6: {  	[tilespmem:$0x1F530] =	vst v61;
	v61 =	vld [tilespmem:$0x7F0];
	_ =	sdelay $0x4  }
0xa7: {  	[tilespmem:$0x1F4F0] =	vst v61;
	v61 =	vld [tilespmem:$0xF70];
	_ =	sdelay $0x4  }
0xa8: {  	[tilespmem:$0x1F500] =	vst v61;
	v61 =	vld [tilespmem:$0x1700];
	_ =	sdelay $0x4  }
0xa9: {  	[tilespmem:$0x1F510] =	vst v61;
	v61 =	vld [tilespmem:$0x300];
	_ =	sdelay $0x4  }
0xaa: {  	[tilespmem:$0x1F4B0] =	vst v61;
	v61 =	vld [tilespmem:$0xA80];
	_ =	sdelay $0x4  }
0xab: {  	[tilespmem:$0x1F4C0] =	vst v61;
	v61 =	vld [tilespmem:$0x1980];
	_ =	sdelay $0x4  }
0xac: {  	[tilespmem:$0x1F520] =	vst v61;
	v61 =	vld [tilespmem:$0x580];
	_ =	sdelay $0x4  }
0xad: {  	[tilespmem:$0x1F4E0] =	vst v61;
	v61 =	vld [tilespmem:$0x1C00];
	_ =	sdelay $0x4  }
0xae: {  	[tilespmem:$0x1F560] =	vst v61;
	v61 =	vld [tilespmem:$0x800];
	_ =	sdelay $0x4  }
0xaf: {  	[tilespmem:$0x1F540] =	vst v61;
	v61 =	vld [tilespmem:$0xF80];
	_ =	sdelay $0x4  }
0xb0: {  	[tilespmem:$0x1F550] =	vst v61;
	v61 =	vld [tilespmem:$0x1710];
	_ =	sdelay $0x4  }
0xb1: {  	[tilespmem:$0x1F5B0] =	vst v61;
	v61 =	vld [tilespmem:$0x310];
	_ =	sdelay $0x4  }
0xb2: {  	[tilespmem:$0x1F570] =	vst v61;
	v61 =	vld [tilespmem:$0xA90];
	_ =	sdelay $0x4  }
0xb3: {  	[tilespmem:$0x1F580] =	vst v61;
	v61 =	vld [tilespmem:$0x1990];
	_ =	sdelay $0x4  }
0xb4: {  	[tilespmem:$0x1F5E0] =	vst v61;
	v61 =	vld [tilespmem:$0x590];
	_ =	sdelay $0x4  }
0xb5: {  	[tilespmem:$0x1F590] =	vst v61;
	v61 =	vld [tilespmem:$0xD10];
	_ =	sdelay $0x4  }
0xb6: {  	[tilespmem:$0x1F5A0] =	vst v61;
	v61 =	vld [tilespmem:$0x1C10];
	_ =	sdelay $0x4  }
0xb7: {  	[tilespmem:$0x1F670] =	vst v61;
	v61 =	vld [tilespmem:$0x810];
	_ =	sdelay $0x4  }
0xb8: {  	[tilespmem:$0x1F610] =	vst v61;
	v61 =	vld [tilespmem:$0xF90];
	_ =	sdelay $0x4  }
0xb9: {  	[tilespmem:$0x1F620] =	vst v61;
	v61 =	vld [tilespmem:$0x1720];
	_ =	sdelay $0x4  }
0xba: {  	[tilespmem:$0x1F630] =	vst v61;
	v61 =	vld [tilespmem:$0x320];
	_ =	sdelay $0x4  }
0xbb: {  	[tilespmem:$0x1F5C0] =	vst v61;
	v61 =	vld [tilespmem:$0xAA0];
	_ =	sdelay $0x4  }
0xbc: {  	[tilespmem:$0x1F5D0] =	vst v61;
	v61 =	vld [tilespmem:$0x19A0];
	_ =	sdelay $0x4  }
0xbd: {  	[tilespmem:$0x1F640] =	vst v61;
	v61 =	vld [tilespmem:$0x5A0];
	_ =	sdelay $0x4  }
0xbe: {  	[tilespmem:$0x1F5F0] =	vst v61;
	v61 =	vld [tilespmem:$0xD20];
	_ =	sdelay $0x4  }
0xbf: {  	[tilespmem:$0x1F600] =	vst v61;
	v61 =	vld [tilespmem:$0x1C20];
	_ =	sdelay $0x4  }
0xc0: {  	[tilespmem:$0x1F680] =	vst v61;
	v61 =	vld [tilespmem:$0x820];
	_ =	sdelay $0x4  }
0xc1: {  	[tilespmem:$0x1F650] =	vst v61;
	v61 =	vld [tilespmem:$0xFA0];
	_ =	sdelay $0x4  }
0xc2: {  	[tilespmem:$0x1F660] =	vst v61;
	v61 =	vld [tilespmem:$0x1730];
	_ =	sdelay $0x4  }
0xc3: {  	[tilespmem:$0x1F6F0] =	vst v61;
	v61 =	vld [tilespmem:$0x330];
	_ =	sdelay $0x4  }
0xc4: {  	[tilespmem:$0x1F690] =	vst v61;
	v61 =	vld [tilespmem:$0xAB0];
	_ =	sdelay $0x4  }
0xc5: {  	[tilespmem:$0x1F6A0] =	vst v61;
	v61 =	vld [tilespmem:$0x19B0];
	_ =	sdelay $0x4  }
0xc6: {  	[tilespmem:$0x1F720] =	vst v61;
	v61 =	vld [tilespmem:$0x5B0];
	_ =	sdelay $0x4  }
0xc7: {  	[tilespmem:$0x1F6B0] =	vst v61;
	v61 =	vld [tilespmem:$0xD30];
	_ =	sdelay $0x4  }
0xc8: {  	[tilespmem:$0x1F6C0] =	vst v61;
	v61 =	vld [tilespmem:$0x1C30];
	_ =	sdelay $0x4  }
0xc9: {  	[tilespmem:$0x1F730] =	vst v61;
	v61 =	vld [tilespmem:$0x830];
	_ =	sdelay $0x4  }
0xca: {  	[tilespmem:$0x1F6D0] =	vst v61;
	v61 =	vld [tilespmem:$0xFB0];
	_ =	sdelay $0x4  }
0xcb: {  	[tilespmem:$0x1F6E0] =	vst v61;
	v61 =	vld [tilespmem:$0x1740];
	_ =	sdelay $0x4  }
0xcc: {  	[tilespmem:$0x1F740] =	vst v61;
	v61 =	vld [tilespmem:$0x340];
	_ =	sdelay $0x4  }
0xcd: {  	[tilespmem:$0x1F700] =	vst v61;
	v61 =	vld [tilespmem:$0xAC0];
	_ =	sdelay $0x4  }
0xce: {  	[tilespmem:$0x1F710] =	vst v61;
	v61 =	vld [tilespmem:$0x19C0];
	_ =	sdelay $0x4  }
0xcf: {  	[tilespmem:$0x1F7B0] =	vst v61;
	v61 =	vld [tilespmem:$0x5C0];
	_ =	sdelay $0x4  }
0xd0: {  	[tilespmem:$0x1F750] =	vst v61;
	v61 =	vld [tilespmem:$0xD40];
	_ =	sdelay $0x4  }
0xd1: {  	[tilespmem:$0x1F760] =	vst v61;
	v61 =	vld [tilespmem:$0x1C40];
	_ =	sdelay $0x4  }
0xd2: {  	[tilespmem:$0x1F820] =	vst v61;
	v61 =	vld [tilespmem:$0x840];
	_ =	sdelay $0x4  }
0xd3: {  	[tilespmem:$0x1F7C0] =	vst v61;
	v61 =	vld [tilespmem:$0xFC0];
	_ =	sdelay $0x4  }
0xd4: {  	[tilespmem:$0x1F7D0] =	vst v61;
	v61 =	vld [tilespmem:$0x1750];
	_ =	sdelay $0x4  }
0xd5: {  	[tilespmem:$0x1F7E0] =	vst v61;
	v61 =	vld [tilespmem:$0x350];
	_ =	sdelay $0x4  }
0xd6: {  	[tilespmem:$0x1F770] =	vst v61;
	v61 =	vld [tilespmem:$0xAD0];
	_ =	sdelay $0x4  }
0xd7: {  	[tilespmem:$0x1F780] =	vst v61;
	v61 =	vld [tilespmem:$0x19D0];
	_ =	sdelay $0x4  }
0xd8: {  	[tilespmem:$0x1F7F0] =	vst v61;
	v61 =	vld [tilespmem:$0x5D0];
	_ =	sdelay $0x4  }
0xd9: {  	[tilespmem:$0x1F790] =	vst v61;
	v61 =	vld [tilespmem:$0xD50];
	_ =	sdelay $0x4  }
0xda: {  	[tilespmem:$0x1F7A0] =	vst v61;
	v61 =	vld [tilespmem:$0x1C50];
	_ =	sdelay $0x4  }
0xdb: {  	[tilespmem:$0x1F830] =	vst v61;
	v61 =	vld [tilespmem:$0x850];
	_ =	sdelay $0x4  }
0xdc: {  	[tilespmem:$0x1F800] =	vst v61;
	v61 =	vld [tilespmem:$0xFD0];
	_ =	sdelay $0x4  }
0xdd: {  	[tilespmem:$0x1F810] =	vst v61;
	v61 =	vld [tilespmem:$0x1760];
	_ =	sdelay $0x4  }
0xde: {  	[tilespmem:$0x1F860] =	vst v61;
	v61 =	vld [tilespmem:$0x360];
	_ =	sdelay $0x4  }
0xdf: {  	[tilespmem:$0x1F840] =	vst v61;
	v61 =	vld [tilespmem:$0xAE0];
	_ =	sdelay $0x4  }
0xe0: {  	[tilespmem:$0x1F850] =	vst v61;
	v61 =	vld [tilespmem:$0x19E0];
	_ =	sdelay $0x4  }
0xe1: {  	[tilespmem:$0x1F8D0] =	vst v61;
	v61 =	vld [tilespmem:$0x5E0];
	_ =	sdelay $0x4  }
0xe2: {  	[tilespmem:$0x1F870] =	vst v61;
	v61 =	vld [tilespmem:$0xD60];
	_ =	sdelay $0x4  }
0xe3: {  	[tilespmem:$0x1F880] =	vst v61;
	v61 =	vld [tilespmem:$0x1C60];
	_ =	sdelay $0x4  }
0xe4: {  	[tilespmem:$0x1F920] =	vst v61;
	v61 =	vld [tilespmem:$0x860];
	_ =	sdelay $0x4  }
0xe5: {  	[tilespmem:$0x1F8E0] =	vst v61;
	v61 =	vld [tilespmem:$0xFE0];
	_ =	sdelay $0x4  }
0xe6: {  	[tilespmem:$0x1F8F0] =	vst v61;
	v61 =	vld [tilespmem:$0x1770];
	_ =	sdelay $0x4  }
0xe7: {  	[tilespmem:$0x1F900] =	vst v61;
	v61 =	vld [tilespmem:$0x370];
	_ =	sdelay $0x4  }
0xe8: {  	[tilespmem:$0x1F890] =	vst v61;
	v61 =	vld [tilespmem:$0xAF0];
	_ =	sdelay $0x4  }
0xe9: {  	[tilespmem:$0x1F8A0] =	vst v61;
	v61 =	vld [tilespmem:$0x19F0];
	_ =	sdelay $0x4  }
0xea: {  	[tilespmem:$0x1F910] =	vst v61;
	v61 =	vld [tilespmem:$0x5F0];
	_ =	sdelay $0x4  }
0xeb: {  	[tilespmem:$0x1F8B0] =	vst v61;
	v61 =	vld [tilespmem:$0xD70];
	_ =	sdelay $0x4  }
0xec: {  	[tilespmem:$0x1F8C0] =	vst v61;
	v61 =	vld [tilespmem:$0x1C70];
	_ =	sdelay $0x4  }
0xed: {  	[tilespmem:$0x1F970] =	vst v61;
	v61 =	vld [tilespmem:$0x870];
	_ =	sdelay $0x4  }
0xee: {  	[tilespmem:$0x1F930] =	vst v61;
	v61 =	vld [tilespmem:$0xFF0];
	_ =	sdelay $0x4  }
0xef: {  	[tilespmem:$0x1F940] =	vst v61;
	v61 =	vld [tilespmem:$0x1780];
	_ =	sdelay $0x4  }
0xf0: {  	[tilespmem:$0x1F980] =	vst v61;
	v61 =	vld [tilespmem:$0x380];
	_ =	sdelay $0x4  }
0xf1: {  	[tilespmem:$0x1F950] =	vst v61;
	v61 =	vld [tilespmem:$0xB00];
	_ =	sdelay $0x4  }
0xf2: {  	[tilespmem:$0x1F960] =	vst v61;
	v61 =	vld [tilespmem:$0x1A00];
	_ =	sdelay $0x4  }
0xf3: {  	[tilespmem:$0x1F9F0] =	vst v61;
	v61 =	vld [tilespmem:$0x600];
	_ =	sdelay $0x4  }
0xf4: {  	[tilespmem:$0x1F990] =	vst v61;
	v61 =	vld [tilespmem:$0xD80];
	_ =	sdelay $0x4  }
0xf5: {  	[tilespmem:$0x1F9A0] =	vst v61;
	v61 =	vld [tilespmem:$0x1C80];
	_ =	sdelay $0x4  }
0xf6: {  	[tilespmem:$0x1FA60] =	vst v61;
	v61 =	vld [tilespmem:$0x880];
	_ =	sdelay $0x4  }
0xf7: {  	[tilespmem:$0x1FA00] =	vst v61;
	v61 =	vld [tilespmem:$0x1000];
	_ =	sdelay $0x4  }
0xf8: {  	[tilespmem:$0x1FA10] =	vst v61;
	v61 =	vld [tilespmem:$0x1790];
	_ =	sdelay $0x4  }
0xf9: {  	[tilespmem:$0x1FA20] =	vst v61;
	v61 =	vld [tilespmem:$0x390];
	_ =	sdelay $0x4  }
0xfa: {  	[tilespmem:$0x1F9B0] =	vst v61;
	v61 =	vld [tilespmem:$0xB10];
	_ =	sdelay $0x4  }
0xfb: {  	[tilespmem:$0x1F9C0] =	vst v61;
	v61 =	vld [tilespmem:$0x1A10];
	_ =	sdelay $0x1  }
0xfc: {  	v24 =	vld [tilespmem:$0x1680]  }
0xfd: {  	v14 =	vld [tilespmem:$0x280]  }
0xfe: {  	v12 =	vld [tilespmem:$0xA00]  }
0xff: {  	[tilespmem:$0x1FA30] =	vst v61;
	v61 =	vld [tilespmem:$0x610]  }
0x100: {  	v22 =	vld [tilespmem:$0x1900]  }
0x101: {  	v13 =	vld [tilespmem:$0x500]  }
0x102: {  	v8 =	vld [tilespmem:$0xC80]  }
0x103: {  	v21 =	vld [tilespmem:$0x1B80]  }
0x104: {  	[tilespmem:$0x1F9D0] =	vst v61;
	v61 =	vld [tilespmem:$0xD90]  }
0x105: {  	v6 =	vld [tilespmem:$0x780]  }
0x106: {  	v3 =	vld [tilespmem:$0xF00]  }
0x107: {  	v18 =	vld [tilespmem:$0x1690]  }
0x108: {  	v7 =	vld [tilespmem:$0x290]  }
0x109: {  	[tilespmem:$0x1F9E0] =	vst v61;
	v61 =	vld [tilespmem:$0x1C90]  }
0x10a: {  	v4 =	vld [tilespmem:$0xA10]  }
0x10b: {  	v23 =	vld [tilespmem:$0x1910]  }
0x10c: {  	v15 =	vld [tilespmem:$0x510]  }
0x10d: {  	v10 =	vld [tilespmem:$0xC90]  }
0x10e: {  	[tilespmem:$0x1FA70] =	vst v61;
	v61 =	vld [tilespmem:$0x890]  }
0x10f: {  	v26 =	vld [tilespmem:$0x1B90]  }
0x110: {  	v19 =	vld [tilespmem:$0x790]  }
0x111: {  	v17 =	vld [tilespmem:$0xF10]  }
0x112: {  	v20 =	vld [tilespmem:$0x16A0]  }
0x113: {  	[tilespmem:$0x1FA40] =	vst v61;
	v61 =	vld [tilespmem:$0x1010]  }
0x114: {  	v5 =	vld [tilespmem:$0x2A0]  }
0x115: {  	v2 =	vld [tilespmem:$0xA20]  }
0x116: {  	v16 =	vld [tilespmem:$0x1920]  }
0x117: {  	v1 =	vld [tilespmem:$0x520]  }
0x118: {  	[tilespmem:$0x1FA50] =	vst v61;
	v61 =	vld [tilespmem:$0x17A0]  }
0x119: {  	v0 =	vld [tilespmem:$0xCA0]  }
0x11a: {  	v25 =	vld [tilespmem:$0x1BA0]  }
0x11b: {  	v11 =	vld [tilespmem:$0x7A0]  }
0x11c: {  	v9 =	vld [tilespmem:$0xF20]  }
0x11d: {  	[tilespmem:$0x1FAC0] =	vst v61;
	v61 =	vld [tilespmem:$0x3A0]  }
0x11e: {  	v40 =	vld [tilespmem:$0x16B0]  }
0x11f: {  	v32 =	vld [tilespmem:$0x2B0]  }
0x120: {  	v30 =	vld [tilespmem:$0xA30]  }
0x121: {  	v48 =	vld [tilespmem:$0x1930]  }
0x122: {  	[tilespmem:$0x1FA80] =	vst v61;
	v61 =	vld [tilespmem:$0xB20]  }
0x123: {  	v34 =	vld [tilespmem:$0x530]  }
0x124: {  	v33 =	vld [tilespmem:$0xCB0]  }
0x125: {  	v54 =	vld [tilespmem:$0x1BB0]  }
0x126: {  	v41 =	vld [tilespmem:$0x7B0]  }
0x127: {  	[tilespmem:$0x1FA90] =	vst v61;
	v61 =	vld [tilespmem:$0x1A20]  }
0x128: {  	v39 =	vld [tilespmem:$0xF30]  }
0x129: {  	v42 =	vld [tilespmem:$0x16C0]  }
0x12a: {  	v31 =	vld [tilespmem:$0x2C0]  }
0x12b: {  	v29 =	vld [tilespmem:$0xA40]  }
0x12c: {  	[tilespmem:$0x1FAF0] =	vst v61;
	v61 =	vld [tilespmem:$0x620]  }
0x12d: {  	v36 =	vld [tilespmem:$0x1940]  }
0x12e: {  	v28 =	vld [tilespmem:$0x540]  }
0x12f: {  	v27 =	vld [tilespmem:$0xCC0]  }
0x130: {  	v56 =	vld [tilespmem:$0x1BC0]  }
0x131: {  	[tilespmem:$0x1FAA0] =	vst v61;
	v61 =	vld [tilespmem:$0xDA0]  }
0x132: {  	v43 =	vld [tilespmem:$0x7C0]  }
0x133: {  	v37 =	vld [tilespmem:$0xF40]  }
0x134: {  	v57 =	vld [tilespmem:$0x16D0]  }
0x135: {  	v47 =	vld [tilespmem:$0x2D0]  }
0x136: {  	[tilespmem:$0x1FAB0] =	vst v61;
	v61 =	vld [tilespmem:$0x1CA0]  }
0x137: {  	v46 =	vld [tilespmem:$0xA50]  }
0x138: {  	v63 =	vld [tilespmem:$0x1950]  }
0x139: {  	v52 =	vld [tilespmem:$0x550]  }
0x13a: {  	v50 =	vld [tilespmem:$0xCD0]  }
0x13b: {  	[tilespmem:$0x1FB60] =	vst v61;
	v61 =	vld [tilespmem:$0x8A0]  }
0x13c: {  	v35 =	vld [tilespmem:$0x1BD0]  }
0x13d: {  	v58 =	vld [tilespmem:$0x7D0]  }
0x13e: {  	v55 =	vld [tilespmem:$0xF50]  }
0x13f: {  	v59 =	vld [tilespmem:$0x16E0]  }
0x140: {  	[tilespmem:$0x1FB20] =	vst v61;
	v61 =	vld [tilespmem:$0x1020]  }
0x141: {  	v45 =	vld [tilespmem:$0x2E0]  }
0x142: {  	v44 =	vld [tilespmem:$0xA60]  }
0x143: {  	v53 =	vld [tilespmem:$0x1960]  }
0x144: {  	v38 =	vld [tilespmem:$0x560]  }
0x145: {  	[tilespmem:$0x1FB30] =	vst v61;
	v61 =	vld [tilespmem:$0x17B0]  }
0x146: {  	v60 =	vld [tilespmem:$0x1BE0]  }
0x147: {  	v51 =	vld [tilespmem:$0x7E0]  }
0x148: {  	v49 =	vld [tilespmem:$0xF60]  }
0x149: {  	v62 =	vld [tilespmem:$0xD00];
	[tilespmem:$0x1F450] =	vst v35  }
0x14a: {  	v35 =	vld [tilespmem:$0xCE0];
	[tilespmem:$0x1FB40] =	vst v61  }
0x14b: {  	v61 =	vld [tilespmem:$0x3B0];
	_ =	sdelay $0x4  }
0x14c: {  	[tilespmem:$0x1FAD0] =	vst v61;
	v61 =	vld [tilespmem:$0xB30];
	_ =	sdelay $0x4  }
0x14d: {  	[tilespmem:$0x1FAE0] =	vst v61;
	v61 =	vld [tilespmem:$0x1A30]  }
0x14e: {  	v12 =	vadd.f32 v12, v14;
	v14 =	vld [tilespmem:$0xB40]  }
0x14f: {  	v8 =	vadd.f32 v8, v13;
	v3 =	vadd.f32 v3, v6;
	v13 =	vld [tilespmem:$0x1A40]  }
0x150: {  	v6 =	vsub.f32 v24, v12;
	v24 =	vld [tilespmem:$0x640]  }
0x151: {  	v3 =	vsub.f32 v21, v3;
	v21 =	vld [tilespmem:$0xDC0]  }
0x152: {  	[tilespmem:$0x1FB50] =	vst v61;
	v61 =	vld [tilespmem:$0x630]  }
0x153: {  	v4 =	vadd.f32 v4, v7;
	v0 =	vadd.f32 v0, v1;
	v12 =	vld [tilespmem:$0x1CC0]  }
0x154: {  	v7 =	vsub.f32 v22, v8;
	v22 =	vadd.f32 v10, v15;
	v15 =	vld [tilespmem:$0x8C0]  }
0x155: {  	v2 =	vadd.f32 v2, v5;
	v5 =	vadd.f32 v17, v19;
	v17 =	vld [tilespmem:$0x1040]  }
0x156: {  	v0 =	vsub.f32 v16, v0;
	v16 =	vld [tilespmem:$0x17D0]  }
0x157: {  	v4 =	vsub.f32 v18, v4;
	[tilespmem:$0x1FB00] =	vst v61;
	v61 =	vld [tilespmem:$0xDB0]  }
0x158: {  	v2 =	vsub.f32 v20, v2;
	v1 =	vsub.f32 v23, v22;
	v20 =	vld [tilespmem:$0x3D0]  }
0x159: {  	v5 =	vsub.f32 v26, v5;
	v26 =	vld [tilespmem:$0xB50]  }
0x15a: {  	v4 =	vmul.f32 v4, v4;
	v1 =	vmul.f32 v1, v1;
	v22 =	vld [tilespmem:$0x1A50]  }
0x15b: {  	v23 =	vld [tilespmem:$0xDD0]  }
0x15c: {  	v18 =	vmul.f32 v5, v5;
	v1 =	vadd.f32 v1, v4;
	[tilespmem:$0x1FB10] =	vst v61;
	v61 =	vld [tilespmem:$0x1CB0]  }
0x15d: {  	v30 =	vadd.f32 v30, v32;
	v32 =	vld [tilespmem:$0x8D0]  }
0x15e: {  	v1 =	vadd.f32 v18, v1;
	v18 =	vld [tilespmem:$0x1A60]  }
0x15f: {  	v37 =	vadd.f32 v37, v43;
	v43 =	vadd.f32 v50, v52;
	v50 =	vld [tilespmem:$0x1060]  }
0x160: {  	v52 =	vadd.f32 v55, v58;
	v55 =	vld [tilespmem:$0x3F0]  }
0x161: {  	[tilespmem:$0x1FB90] =	vst v61;
	v61 =	vld [tilespmem:$0x8B0]  }
0x162: {  	v58 =	vld [tilespmem:$0x1F450]  }
0x163: {  	v5 =	vsub.f32 v56, v37;
	v37 =	vld [tilespmem:$0x1F4A0]  }
0x164: {  	v56 =	vadd.f32 v49, v51;
	v49 =	vld [tilespmem:$0x1A80]  }
0x165: {  	v51 =	vld [tilespmem:$0x1F540]  }
0x166: {  	[tilespmem:$0x1FB70] =	vst v61;
	v61 =	vld [tilespmem:$0x1030]  }
0x167: {  	[tilespmem:$0x1FBC0] =	vst v23;
	v23 =	vld [tilespmem:$0x1CD0]  }
0x168: {  	[tilespmem:$0x1FBD0] =	vst v32;
	v32 =	vadd.f32 v29, v31;
	v29 =	vld [tilespmem:$0xB60]  }
0x169: {  	v31 =	vld [tilespmem:$0x1F470]  }
0x16a: {  	[tilespmem:$0x1FC20] =	vst v50;
	v50 =	vld [tilespmem:$0x1F530]  }
0x16b: {  	[tilespmem:$0x1FB80] =	vst v61;
	v61 =	vld [tilespmem:$0x17C0]  }
0x16c: {  	v2 =	vmul.f32 v2, v2;
	v0 =	vmul.f32 v0, v0;
	[tilespmem:$0x1FC30] =	vst v55;
	v55 =	vld [tilespmem:$0x1F560]  }
0x16d: {  	[tilespmem:$0x1FCF0] =	vst v49;
	v49 =	vld [tilespmem:$0x1D10]  }
0x16e: {  	v0 =	vadd.f32 v0, v2;
	v2 =	vsub.f32 v42, v32;
	v42 =	vld [tilespmem:$0x1CE0]  }
0x16f: {  	v32 =	vld [tilespmem:$0x8F0]  }
0x170: {  	[tilespmem:$0x1FBB0] =	vst v61;
	v61 =	vld [tilespmem:$0x3C0]  }
0x171: {  	v21 =	vadd.f32 v21, v24;
	v24 =	vld [tilespmem:$0x470]  }
0x172: {  	[tilespmem:$0x1FDE0] =	vst v49;
	v49 =	vld [tilespmem:$0x1F820]  }
0x173: {  	[tilespmem:$0x1FC50] =	vst v42;
	v42 =	vld [tilespmem:$0x1F4E0]  }
0x174: {  	[tilespmem:$0x1FCC0] =	vst v32;
	v32 =	vld [tilespmem:$0x1F610]  }
0x175: {  	[tilespmem:$0x1FBA0] =	vst v61;
	v61 =	vadd.f32 v9, v11;
	v11 =	vld [tilespmem:$0x17E0]  }
0x176: {  	v9 =	vsub.f32 v60, v56;
	v60 =	vld [tilespmem:$0x670]  }
0x177: {  	v56 =	vld [tilespmem:$0x1F570]  }
0x178: {  	v8 =	vsub.f32 v25, v61;
	v25 =	vld [tilespmem:$0x650]  }
0x179: {  	v6 =	vmul.f32 v6, v6;
	v7 =	vmul.f32 v7, v7;
	v61 =	vsub.f32 v40, v30;
	v30 =	vld [tilespmem:$0x1050]  }
0x17a: {  	v40 =	vadd.f32 v46, v47;
	v46 =	vld [tilespmem:$0x8E0]  }
0x17b: {  	v3 =	vmul.f32 v3, v3;
	v6 =	vadd.f32 v7, v6;
	v47 =	vadd.f32 v44, v45;
	v44 =	vld [tilespmem:$0x1F4F0]  }
0x17c: {  	v45 =	vld [tilespmem:$0x1F500]  }
0x17d: {  	v3 =	vadd.f32 v3, v6;
	v6 =	vsub.f32 v59, v47;
	v59 =	vld [tilespmem:$0x1A70]  }
0x17e: {  	v47 =	vld [tilespmem:$0xB80]  }
0x17f: {  	v19 =	vmul.f32 v8, v8;
	v8 =	vsub.f32 v58, v52;
	v52 =	vld [tilespmem:$0x1F550]  }
0x180: {  	v58 =	vld [tilespmem:$0x1D00]  }
0x181: {  	[tilespmem:$0x1FC70] =	vst v60;
	v60 =	vld [tilespmem:$0x1F590];
	v0 =	vadd.f32 v19, v0  }
0x182: {  	v19 =	vadd.f32 v33, v34;
	v34 =	vadd.f32 v39, v41;
	v39 =	vld [tilespmem:$0x660]  }
0x183: {  	v41 =	vld [tilespmem:$0xDE0]  }
0x184: {  	v33 =	vadd.f32 v27, v28;
	v28 =	vld [tilespmem:$0x1CF0]  }
0x185: {  	v27 =	vmul.f32 v9, v9;
	v9 =	vld [tilespmem:$0x1F5D0]  }
0x186: {  	[tilespmem:$0x1FBE0] =	vst v30;
	v30 =	vld [tilespmem:$0x1F460]  }
0x187: {  	[tilespmem:$0x1FC10] =	vst v46;
	v46 =	vld [tilespmem:$0x1F510]  }
0x188: {  	[tilespmem:$0x1FE90] =	vst v1;
	v1 =	vsub.f32 v48, v19;
	v19 =	vld [tilespmem:$0x3E0]  }
0x189: {  	v4 =	vsub.f32 v54, v34;
	v54 =	vld [tilespmem:$0x17F0]  }
0x18a: {  	v34 =	vld [tilespmem:$0x1F480]  }
0x18b: {  	v48 =	vadd.f32 v35, v38;
	v35 =	vld [tilespmem:$0x1F490]  }
0x18c: {  	[tilespmem:$0x1FE80] =	vst v3;
	v3 =	vsub.f32 v36, v33;
	v36 =	vld [tilespmem:$0x1070]  }
0x18d: {  	v38 =	vld [tilespmem:$0x1F4B0]  }
0x18e: {  	[tilespmem:$0x1FCB0] =	vst v59;
	v59 =	vld [tilespmem:$0x680]  }
0x18f: {  	[tilespmem:$0x1FD10] =	vst v58;
	v58 =	vld [tilespmem:$0x1F6D0]  }
0x190: {  	[tilespmem:$0x1FEA0] =	vst v0;
	v7 =	vsub.f32 v53, v48;
	v48 =	vld [tilespmem:$0x1F520]  }
0x191: {  	[tilespmem:$0x1FBF0] =	vst v39;
	v39 =	vld [tilespmem:$0x1F4C0]  }
0x192: {  	v0 =	vmul.f32 v61, v61;
	v1 =	vmul.f32 v1, v1;
	[tilespmem:$0x1FC00] =	vst v41;
	v41 =	vld [tilespmem:$0x1F4D0]  }
0x193: {  	v2 =	vmul.f32 v2, v2;
	v3 =	vmul.f32 v3, v3;
	[tilespmem:$0x1FD00] =	vst v28;
	v28 =	vld [tilespmem:$0x1F600]  }
0x194: {  	v0 =	vadd.f32 v1, v0;
	v1 =	vsub.f32 v57, v40;
	v57 =	vld [tilespmem:$0xB70]  }
0x195: {  	v2 =	vadd.f32 v3, v2;
	v3 =	vsub.f32 v63, v43;
	v63 =	vmul.f32 v8, v8;
	v8 =	vld [tilespmem:$0xDF0]  }
0x196: {  	v40 =	vld [tilespmem:$0x1800]  }
0x197: {  	v5 =	vmul.f32 v5, v5;
	v6 =	vmul.f32 v6, v6;
	v43 =	vld [tilespmem:$0x400]  }
0x198: {  	v4 =	vmul.f32 v4, v4;
	v7 =	vmul.f32 v7, v7;
	[tilespmem:$0x1FCD0] =	vst v36;
	v36 =	vld [tilespmem:$0x410]  }
0x199: {  	v1 =	vmul.f32 v1, v1;
	v2 =	vadd.f32 v5, v2;
	v5 =	vadd.f32 v52, v51;
	v52 =	vld [tilespmem:$0x900]  }
0x19a: {  	v3 =	vmul.f32 v3, v3;
	v0 =	vadd.f32 v4, v0;
	v4 =	vadd.f32 v45, v44;
	v44 =	vld [tilespmem:$0x690]  }
0x19b: {  	v10 =	vadd.f32 v7, v6;
	v51 =	vld [tilespmem:$0x910]  }
0x19c: {  	v61 =	vadd.f32 v3, v1;
	v3 =	vadd.f32 v62, v42;
	v62 =	vld [tilespmem:$0x1F5B0]  }
0x19d: {  	v33 =	vadd.f32 v27, v10;
	v10 =	vld [tilespmem:$0x1F5E0]  }
0x19e: {  	v27 =	vld [tilespmem:$0x1F5F0]  }
0x19f: {  	v1 =	vadd.f32 v35, v34;
	v34 =	vld [tilespmem:$0x1F620]  }
0x1a0: {  	v35 =	vld [tilespmem:$0x1F630]  }
0x1a1: {  	[tilespmem:$0x1FEC0] =	vst v2;
	v2 =	vadd.f32 v39, v38;
	v38 =	vld [tilespmem:$0x1F650]  }
0x1a2: {  	v39 =	vld [tilespmem:$0x1F660]  }
0x1a3: {  	v42 =	vld [tilespmem:$0x1A90]  }
0x1a4: {  	[tilespmem:$0x1FC40] =	vst v57;
	v57 =	vld [tilespmem:$0x1F580]  }
0x1a5: {  	[tilespmem:$0x1FCE0] =	vst v40;
	v40 =	vld [tilespmem:$0xB90]  }
0x1a6: {  	[tilespmem:$0x1FC90] =	vst v43;
	v43 =	vld [tilespmem:$0x1F680]  }
0x1a7: {  	[tilespmem:$0x1FEE0] =	vst v33;
	v33 =	vld [tilespmem:$0xE00]  }
0x1a8: {  	[tilespmem:$0x1FEB0] =	vst v0;
	v0 =	vadd.f32 v63, v61;
	v61 =	vld [tilespmem:$0x1F5A0]  }
0x1a9: {  	v63 =	vld [tilespmem:$0x1F5C0]  }
0x1aa: {  	v1 =	vsub.f32 v41, v1;
	v41 =	vld [tilespmem:$0x1F670]  }
0x1ab: {  	v2 =	vsub.f32 v46, v2;
	v46 =	vld [tilespmem:$0xE10]  }
0x1ac: {  	[tilespmem:$0x1FD20] =	vst v36;
	v36 =	vld [tilespmem:$0x1F770]  }
0x1ad: {  	[tilespmem:$0x1FD50] =	vst v44;
	v44 =	vld [tilespmem:$0x1F7F0]  }
0x1ae: {  	[tilespmem:$0x1FDA0] =	vst v51;
	v51 =	vld [tilespmem:$0x1F830]  }
0x1af: {  	v3 =	vsub.f32 v48, v3;
	[tilespmem:$0x1FED0] =	vst v0;
	v0 =	vadd.f32 v31, v30;
	v31 =	vld [tilespmem:$0x1080]  }
0x1b0: {  	v30 =	vld [tilespmem:$0x1810]  }
0x1b1: {  	[tilespmem:$0x1FC60] =	vst v54;
	v54 =	vmul.f32 v3, v3;
	v3 =	vsub.f32 v55, v5;
	v55 =	vld [tilespmem:$0x1090]  }
0x1b2: {  	v7 =	vadd.f32 v28, v27;
	v27 =	vld [tilespmem:$0x1F730]  }
0x1b3: {  	v28 =	vld [tilespmem:$0xBA0]  }
0x1b4: {  	[tilespmem:$0x1FC80] =	vst v8;
	v8 =	vadd.f32 v34, v32;
	v32 =	vld [tilespmem:$0x1F750]  }
0x1b5: {  	v34 =	vld [tilespmem:$0x1F760]  }
0x1b6: {  	[tilespmem:$0x1FD90] =	vst v42;
	v42 =	vld [tilespmem:$0x1F7D0]  }
0x1b7: {  	v0 =	vsub.f32 v37, v0;
	v37 =	vld [tilespmem:$0x1F640]  }
0x1b8: {  	v5 =	vadd.f32 v57, v56;
	v56 =	vld [tilespmem:$0x1F6B0]  }
0x1b9: {  	v57 =	vld [tilespmem:$0x1F6C0]  }
0x1ba: {  	[tilespmem:$0x1FD30] =	vst v40;
	v40 =	vld [tilespmem:$0x1F7B0]  }
0x1bb: {  	v53 =	vmul.f32 v2, v2;
	v2 =	vadd.f32 v61, v60;
	v60 =	vld [tilespmem:$0x1F6E0]  }
0x1bc: {  	v61 =	vld [tilespmem:$0x1820]  }
0x1bd: {  	v6 =	vadd.f32 v9, v63;
	v63 =	vld [tilespmem:$0x1F700]  }
0x1be: {  	v9 =	vadd.f32 v39, v38;
	v38 =	vld [tilespmem:$0x1F790]  }
0x1bf: {  	v39 =	vld [tilespmem:$0x1F7A0]  }
0x1c0: {  	v8 =	vsub.f32 v41, v8;
	v41 =	vld [tilespmem:$0x1F7C0]  }
0x1c1: {  	[tilespmem:$0x1FD60] =	vst v46;
	v46 =	vld [tilespmem:$0x1F800]  }
0x1c2: {  	v33 =	vadd.f32 v33, v59;
	v59 =	vld [tilespmem:$0x480]  }
0x1c3: {  	v5 =	vsub.f32 v62, v5;
	v62 =	vld [tilespmem:$0x1F6F0]  }
0x1c4: {  	v45 =	vmul.f32 v8, v8;
	v8 =	vld [tilespmem:$0x1F710]  }
0x1c5: {  	v2 =	vsub.f32 v10, v2;
	v10 =	vld [tilespmem:$0x1F720]  }
0x1c6: {  	[tilespmem:$0x1FD40] =	vst v30;
	v30 =	vld [tilespmem:$0x1F740]  }
0x1c7: {  	v6 =	vsub.f32 v35, v6;
	v35 =	vld [tilespmem:$0x1AA0]  }
0x1c8: {  	v9 =	vsub.f32 v43, v9;
	v43 =	vld [tilespmem:$0x1F7E0]  }
0x1c9: {  	v1 =	vmul.f32 v1, v1;
	v0 =	vmul.f32 v0, v0;
	[tilespmem:$0x1FDB0] =	vst v55;
	v55 =	vld [tilespmem:$0x430]  }
0x1ca: {  	v31 =	vadd.f32 v31, v52;
	v52 =	vld [tilespmem:$0x700]  }
0x1cb: {  	v0 =	vadd.f32 v1, v0;
	v1 =	vadd.f32 v54, v53;
	v53 =	vld [tilespmem:$0x1F690]  }
0x1cc: {  	v54 =	vld [tilespmem:$0x1F6A0]  }
0x1cd: {  	v4 =	vsub.f32 v50, v4;
	[tilespmem:$0x1FD80] =	vst v28;
	v28 =	vld [tilespmem:$0x6A0]  }
0x1ce: {  	v48 =	vmul.f32 v9, v9;
	v9 =	vld [tilespmem:$0x420]  }
0x1cf: {  	v4 =	vmul.f32 v4, v4;
	v7 =	vsub.f32 v37, v7;
	v37 =	vld [tilespmem:$0x1F780]  }
0x1d0: {  	[tilespmem:$0x1FDC0] =	vst v61;
	v61 =	vld [tilespmem:$0x1F840]  }
0x1d1: {  	v3 =	vmul.f32 v3, v3;
	v0 =	vadd.f32 v4, v0;
	v4 =	vadd.f32 v34, v32;
	v32 =	vld [tilespmem:$0x1F8A0]  }
0x1d2: {  	v34 =	vld [tilespmem:$0x1F8B0]  }
0x1d3: {  	v1 =	vadd.f32 v3, v1;
	v3 =	vadd.f32 v8, v63;
	v63 =	vld [tilespmem:$0xBB0]  }
0x1d4: {  	v5 =	vmul.f32 v5, v5;
	v2 =	vmul.f32 v2, v2;
	[tilespmem:$0x1FDD0] =	vst v35;
	v35 =	vld [tilespmem:$0x1F8C0]  }
0x1d5: {  	v6 =	vmul.f32 v6, v6;
	v7 =	vmul.f32 v7, v7;
	v4 =	vsub.f32 v40, v4;
	v40 =	vld [tilespmem:$0x1F8F0]  }
0x1d6: {  	v2 =	vadd.f32 v2, v5;
	[tilespmem:$0x1FE10] =	vst v55;
	v55 =	vld [tilespmem:$0xBC0]  }
0x1d7: {  	[tilespmem:$0x1FCA0] =	vst v47;
	v47 =	vadd.f32 v7, v6;
	v6 =	vadd.f32 v39, v38;
	v38 =	vld [tilespmem:$0xE20]  }
0x1d8: {  	v50 =	vadd.f32 v45, v2;
	v45 =	vld [tilespmem:$0x1D20]  }
0x1d9: {  	v39 =	vld [tilespmem:$0x1F8E0]  }
0x1da: {  	v7 =	vadd.f32 v42, v41;
	v41 =	vld [tilespmem:$0x930]  }
0x1db: {  	v42 =	vld [tilespmem:$0x1F900]  }
0x1dc: {  	[tilespmem:$0x1FF00] =	vst v1;
	v1 =	vadd.f32 v57, v56;
	v2 =	vadd.f32 v60, v58;
	v60 =	vld [tilespmem:$0x1F9C0]  }
0x1dd: {  	[tilespmem:$0x1FD70] =	vst v9;
	v9 =	vld [tilespmem:$0x1F860]  }
0x1de: {  	v1 =	vsub.f32 v10, v1;
	v10 =	vld [tilespmem:$0x1F870]  }
0x1df: {  	v3 =	vsub.f32 v30, v3;
	v30 =	vld [tilespmem:$0x1F890]  }
0x1e0: {  	v5 =	vadd.f32 v37, v36;
	v36 =	vld [tilespmem:$0x1D30]  }
0x1e1: {  	v37 =	vld [tilespmem:$0x1F8D0]  }
0x1e2: {  	[tilespmem:$0x1FEF0] =	vst v0;
	v0 =	vadd.f32 v48, v47;
	v47 =	vld [tilespmem:$0x1F810]  }
0x1e3: {  	v48 =	vld [tilespmem:$0x920]  }
0x1e4: {  	[tilespmem:$0x1FF10] =	vst v50;
	v50 =	vld [tilespmem:$0x10A0]  }
0x1e5: {  	v2 =	vsub.f32 v27, v2;
	v27 =	vld [tilespmem:$0x1F880]  }
0x1e6: {  	v6 =	vsub.f32 v44, v6;
	v44 =	vld [tilespmem:$0xE30]  }
0x1e7: {  	v7 =	vsub.f32 v49, v7;
	v49 =	vld [tilespmem:$0x1F960]  }
0x1e8: {  	v5 =	vsub.f32 v43, v5;
	v43 =	vld [tilespmem:$0x1F910]  }
0x1e9: {  	v4 =	vmul.f32 v4, v4;
	v3 =	vmul.f32 v3, v3;
	[tilespmem:$0x1FF20] =	vst v0;
	v0 =	vadd.f32 v54, v53;
	v53 =	vld [tilespmem:$0x1830]  }
0x1ea: {  	[tilespmem:$0x1FE20] =	vst v45;
	v45 =	vld [tilespmem:$0x1F920]  }
0x1eb: {  	v54 =	vadd.f32 v4, v3;
	v3 =	vadd.f32 v35, v34;
	v34 =	vld [tilespmem:$0x1FA20]  }
0x1ec: {  	v35 =	vld [tilespmem:$0x1FA30]  }
0x1ed: {  	[tilespmem:$0x1FE60] =	vst v41;
	v41 =	vld [tilespmem:$0x10C0]  }
0x1ee: {  	v4 =	vadd.f32 v40, v39;
	v39 =	vld [tilespmem:$0x1FA60]  }
0x1ef: {  	v40 =	vld [tilespmem:$0x1FA70]  }
0x1f0: {  	v6 =	vmul.f32 v6, v6;
	v5 =	vmul.f32 v5, v5;
	v0 =	vsub.f32 v62, v0;
	v62 =	vld [tilespmem:$0x1F850]  }
0x1f1: {  	[tilespmem:$0x1FE70] =	vst v36;
	v36 =	vld [tilespmem:$0x1FA40]  }
0x1f2: {  	v56 =	vadd.f32 v6, v5;
	v6 =	vld [tilespmem:$0x1AB0]  }
0x1f3: {  	[tilespmem:$0x1FE00] =	vst v50;
	v50 =	vld [tilespmem:$0x10B0]  }
0x1f4: {  	v8 =	vadd.f32 v47, v46;
	v46 =	vld [tilespmem:$0x1F930]  }
0x1f5: {  	v47 =	vld [tilespmem:$0x1F940]  }
0x1f6: {  	[tilespmem:$0x1FDF0] =	vst v48;
	v48 =	vld [tilespmem:$0x1F950]  }
0x1f7: {  	v1 =	vmul.f32 v1, v1;
	v8 =	vsub.f32 v51, v8;
	v51 =	vld [tilespmem:$0x440]  }
0x1f8: {  	v57 =	vmul.f32 v7, v7;
	v0 =	vmul.f32 v0, v0;
	[tilespmem:$0x1FE30] =	vst v53;
	v53 =	vld [tilespmem:$0x1F970]  }
0x1f9: {  	v4 =	vsub.f32 v45, v4;
	v45 =	vld [tilespmem:$0x1840]  }
0x1fa: {  	v0 =	vadd.f32 v1, v0;
	v1 =	vadd.f32 v57, v54;
	v54 =	vld [tilespmem:$0x1F980]  }
0x1fb: {  	v57 =	vld [tilespmem:$0x1F9A0]  }
0x1fc: {  	v2 =	vmul.f32 v2, v2;
	v58 =	vmul.f32 v8, v8;
	v8 =	vld [tilespmem:$0x6B0]  }
0x1fd: {  	[tilespmem:$0x1FF40] =	vst v1;
	v1 =	vadd.f32 v27, v10;
	v27 =	vld [tilespmem:$0x1F9F0]  }
0x1fe: {  	v0 =	vadd.f32 v2, v0;
	v2 =	vadd.f32 v32, v30;
	v30 =	vld [tilespmem:$0x1FA00]  }
0x1ff: {  	v32 =	vld [tilespmem:$0x1FA10]  }
0x200: {  	v5 =	vadd.f32 v47, v46;
	v47 =	vld [tilespmem:$0x1D40]  }
0x201: {  	v46 =	vld [tilespmem:$0x1850]  }
0x202: {  	v10 =	vld [tilespmem:$0x1FAC0]  }
0x203: {  	v7 =	vadd.f32 v58, v56;
	v56 =	vld [tilespmem:$0x1F990]  }
0x204: {  	v58 =	vld [tilespmem:$0x1F9B0]  }
0x205: {  	[tilespmem:$0x1FF30] =	vst v0;
	v0 =	vadd.f32 v62, v61;
	v61 =	vld [tilespmem:$0x1F9D0]  }
0x206: {  	v3 =	vsub.f32 v43, v3;
	v62 =	vld [tilespmem:$0x1F9E0]  }
0x207: {  	v1 =	vsub.f32 v37, v1;
	v37 =	vld [tilespmem:$0x1FA50];
	v51 =	vadd.f32 v55, v51  }
0x208: {  	v2 =	vsub.f32 v42, v2;
	v5 =	vsub.f32 v53, v5;
	v53 =	vld [tilespmem:$0x450]  }
0x209: {  	v45 =	vsub.f32 v45, v51;
	v51 =	vld [tilespmem:$0x720]  }
0x20a: {  	v3 =	vmul.f32 v3, v3;
	[tilespmem:$0x1FE40] =	vst v8;
	v2 =	vmul.f32 v2, v2;
	v8 =	vadd.f32 v32, v30;
	v30 =	vld [tilespmem:$0x1FAE0]  }
0x20b: {  	v32 =	vld [tilespmem:$0x1FAF0]  }
0x20c: {  	v2 =	vadd.f32 v3, v2;
	v3 =	vadd.f32 v57, v56;
	v57 =	vld [tilespmem:$0x6C0]  }
0x20d: {  	[tilespmem:$0x1FE50] =	vst v6;
	v6 =	vadd.f32 v60, v58;
	v60 =	vld [tilespmem:$0x940]  }
0x20e: {  	v56 =	vld [tilespmem:$0xBD0]  }
0x20f: {  	v58 =	vld [tilespmem:$0x6D0]  }
0x210: {  	[tilespmem:$0x1FF50] =	vst v7;
	v0 =	vsub.f32 v9, v0;
	v7 =	vadd.f32 v62, v61;
	v62 =	vld [tilespmem:$0xE40]  }
0x211: {  	v9 =	vadd.f32 v37, v36;
	v36 =	vld [tilespmem:$0x1FB20]  }
0x212: {  	v1 =	vmul.f32 v1, v1;
	v0 =	vmul.f32 v0, v0;
	v37 =	vld [tilespmem:$0x1FB30]  }
0x213: {  	v5 =	vmul.f32 v5, v5;
	v8 =	vsub.f32 v39, v8;
	v39 =	vld [tilespmem:$0x1FB40]  }
0x214: {  	v0 =	vadd.f32 v1, v0;
	v1 =	vadd.f32 v49, v48;
	v48 =	vld [tilespmem:$0x1AC0]  }
0x215: {  	v2 =	vadd.f32 v5, v2;
	v5 =	vld [tilespmem:$0x1FA80]  }
0x216: {  	v3 =	vsub.f32 v27, v3;
	v27 =	vld [tilespmem:$0x1FAD0]  }
0x217: {  	v6 =	vsub.f32 v34, v6;
	v34 =	vld [tilespmem:$0x1FB00]  }
0x218: {  	v43 =	vmul.f32 v8, v8;
	v8 =	vld [tilespmem:$0x1FAA0]  }
0x219: {  	v7 =	vsub.f32 v35, v7;
	v35 =	vld [tilespmem:$0x1FB10]  }
0x21a: {  	v9 =	vsub.f32 v40, v9;
	v40 =	vld [tilespmem:$0x1FB50]  }
0x21b: {  	v1 =	vsub.f32 v54, v1;
	v54 =	vld [tilespmem:$0x1AD0]  }
0x21c: {  	v4 =	vmul.f32 v4, v4;
	v61 =	vmul.f32 v9, v9;
	v9 =	vld [tilespmem:$0x1FAB0]  }
0x21d: {  	v41 =	vadd.f32 v41, v60;
	v60 =	vld [tilespmem:$0x1FE70]  }
0x21e: {  	v0 =	vadd.f32 v4, v0;
	v4 =	vadd.f32 v37, v36;
	v36 =	vld [tilespmem:$0x460]  }
0x21f: {  	v37 =	vld [tilespmem:$0x1AE0]  }
0x220: {  	v6 =	vmul.f32 v6, v6;
	v7 =	vmul.f32 v7, v7;
	v55 =	vadd.f32 v62, v57;
	v57 =	vld [tilespmem:$0xC20]  }
0x221: {  	v3 =	vmul.f32 v3, v3;
	v1 =	vmul.f32 v1, v1;
	v62 =	vld [tilespmem:$0x1FE50]  }
0x222: {  	v49 =	vadd.f32 v7, v6;
	v6 =	vld [tilespmem:$0x1FA90]  }
0x223: {  	v42 =	vadd.f32 v3, v1;
	v3 =	vadd.f32 v35, v34;
	v34 =	vld [tilespmem:$0xBE0]  }
0x224: {  	v35 =	vadd.f32 v26, v20;
	v26 =	vld [tilespmem:$0x10E0]  }
0x225: {  	v20 =	vld [tilespmem:$0x970]  }
0x226: {  	v48 =	vsub.f32 v48, v55;
	v55 =	vld [tilespmem:$0xEA0]  }
0x227: {  	[tilespmem:$0x1FF70] =	vst v2;
	v2 =	vadd.f32 v30, v27;
	v7 =	vadd.f32 v61, v49;
	v49 =	vld [tilespmem:$0x1D50]  }
0x228: {  	v61 =	vld [tilespmem:$0x950]  }
0x229: {  	v2 =	vsub.f32 v39, v2;
	v39 =	vld [tilespmem:$0x1D60]  }
0x22a: {  	[tilespmem:$0x1FF60] =	vst v0;
	v0 =	vadd.f32 v43, v42;
	v43 =	vld [tilespmem:$0xE50]  }
0x22b: {  	v42 =	vld [tilespmem:$0x10D0]  }
0x22c: {  	v3 =	vsub.f32 v40, v3;
	v40 =	vld [tilespmem:$0x1860]  }
0x22d: {  	v1 =	vadd.f32 v9, v8;
	v8 =	vld [tilespmem:$0x1FB60]  }
0x22e: {  	v9 =	vld [tilespmem:$0x1FB70]  }
0x22f: {  	v41 =	vsub.f32 v47, v41;
	v47 =	vmul.f32 v48, v48;
	v48 =	vld [tilespmem:$0x9A0]  }
0x230: {  	v27 =	vmul.f32 v2, v2;
	v2 =	vsub.f32 v13, v21;
	v21 =	vld [tilespmem:$0x1FCE0]  }
0x231: {  	[tilespmem:$0x1FF80] =	vst v0;
	v0 =	vadd.f32 v6, v5;
	v1 =	vsub.f32 v32, v1;
	v32 =	vld [tilespmem:$0x1FBB0]  }
0x232: {  	v6 =	vsub.f32 v16, v35;
	v16 =	vld [tilespmem:$0x1FBE0]  }
0x233: {  	v0 =	vsub.f32 v10, v0;
	v10 =	vld [tilespmem:$0x1FB80]  }
0x234: {  	v35 =	vld [tilespmem:$0x1870]  }
0x235: {  	v34 =	vadd.f32 v34, v36;
	v36 =	vld [tilespmem:$0x1B30];
	v42 =	vadd.f32 v42, v61  }
0x236: {  	v4 =	vsub.f32 v8, v4;
	v8 =	vld [tilespmem:$0x1FB90]  }
0x237: {  	v42 =	vsub.f32 v49, v42;
	v49 =	vld [tilespmem:$0x1FEB0]  }
0x238: {  	v5 =	vadd.f32 v10, v9;
	v9 =	vld [tilespmem:$0x1FBA0]  }
0x239: {  	v53 =	vadd.f32 v56, v53;
	v56 =	vadd.f32 v43, v58;
	v43 =	vld [tilespmem:$0xC30]  }
0x23a: {  	v34 =	vsub.f32 v40, v34;
	v40 =	vld [tilespmem:$0xEB0]  }
0x23b: {  	v30 =	vmul.f32 v3, v3;
	v3 =	vsub.f32 v8, v5;
	v8 =	vld [tilespmem:$0x1FBC0]  }
0x23c: {  	[tilespmem:$0x1E30] =	vst v49;
	v49 =	vld [tilespmem:$0x4E0]  }
0x23d: {  	v14 =	vadd.f32 v14, v9;
	v9 =	vadd.f32 v30, v27;
	v30 =	vld [tilespmem:$0x6E0]  }
0x23e: {  	v27 =	vld [tilespmem:$0xE60]  }
0x23f: {  	v5 =	vsub.f32 v32, v14;
	v32 =	vld [tilespmem:$0x960]  }
0x240: {  	v14 =	vadd.f32 v17, v15;
	v15 =	vld [tilespmem:$0x1FBD0]  }
0x241: {  	v3 =	vmul.f32 v3, v3;
	v13 =	vadd.f32 v8, v25;
	v25 =	vld [tilespmem:$0x1AF0]  }
0x242: {  	v17 =	vmul.f32 v6, v6;
	v6 =	vld [tilespmem:$0x1FC40]  }
0x243: {  	v3 =	vadd.f32 v3, v9;
	v9 =	vld [tilespmem:$0x1FC70]  }
0x244: {  	[tilespmem:$0x1FF90] =	vst v7;
	v7 =	vsub.f32 v22, v13;
	v22 =	vld [tilespmem:$0x6F0]  }
0x245: {  	v8 =	vsub.f32 v12, v14;
	v12 =	vadd.f32 v29, v19;
	v19 =	vld [tilespmem:$0xE70]  }
0x246: {  	v13 =	vld [tilespmem:$0x1FBF0]  }
0x247: {  	v1 =	vmul.f32 v1, v1;
	v0 =	vmul.f32 v0, v0;
	v14 =	vld [tilespmem:$0x1FC00]  }
0x248: {  	v2 =	vmul.f32 v2, v2;
	v5 =	vmul.f32 v5, v5;
	v29 =	vld [tilespmem:$0x1D70]  }
0x249: {  	v4 =	vmul.f32 v4, v4;
	v10 =	vadd.f32 v1, v0;
	v27 =	vadd.f32 v27, v30;
	v30 =	vld [tilespmem:$0x730]  }
0x24a: {  	v2 =	vadd.f32 v2, v5;
	v5 =	vld [tilespmem:$0x1FC30]  }
0x24b: {  	v4 =	vadd.f32 v4, v10;
	v10 =	vsub.f32 v11, v12;
	v11 =	vld [tilespmem:$0x1FC80]  }
0x24c: {  	v12 =	vld [tilespmem:$0x1FC90]  }
0x24d: {  	v0 =	vadd.f32 v16, v15;
	v15 =	vld [tilespmem:$0x1FC10]  }
0x24e: {  	v8 =	vmul.f32 v8, v8;
	v16 =	vld [tilespmem:$0x1FC20]  }
0x24f: {  	v26 =	vadd.f32 v26, v32;
	v32 =	vld [tilespmem:$0x9B0]  }
0x250: {  	v7 =	vmul.f32 v7, v7;
	v2 =	vadd.f32 v8, v2;
	v8 =	vld [tilespmem:$0x1FC60]  }
0x251: {  	v27 =	vsub.f32 v37, v27;
	v1 =	vsub.f32 v23, v0;
	v23 =	vld [tilespmem:$0xBF0]  }
0x252: {  	v0 =	vadd.f32 v7, v17;
	v7 =	vld [tilespmem:$0x1FC50]  }
0x253: {  	v34 =	vmul.f32 v34, v34;
	v27 =	vmul.f32 v27, v27;
	v19 =	vadd.f32 v19, v22;
	v22 =	vld [tilespmem:$0x4C0]  }
0x254: {  	v26 =	vsub.f32 v39, v26;
	v39 =	vld [tilespmem:$0x1FE90]  }
0x255: {  	v27 =	vadd.f32 v27, v34;
	v34 =	vld [tilespmem:$0xC40]  }
0x256: {  	v19 =	vsub.f32 v25, v19;
	v25 =	vld [tilespmem:$0x1B40]  }
0x257: {  	v1 =	vmul.f32 v1, v1;
	v17 =	vadd.f32 v16, v15;
	v15 =	vld [tilespmem:$0x1FCC0]  }
0x258: {  	v16 =	vld [tilespmem:$0x1FCD0]  }
0x259: {  	v0 =	vadd.f32 v1, v0;
	v1 =	vadd.f32 v14, v13;
	v13 =	vld [tilespmem:$0x1FCA0]  }
0x25a: {  	v14 =	vld [tilespmem:$0x1FCB0]  }
0x25b: {  	v23 =	vadd.f32 v23, v24;
	v24 =	vld [tilespmem:$0x18C0]  }
0x25c: {  	[tilespmem:$0x1E10] =	vst v39;
	v39 =	vld [tilespmem:$0x1B60]  }
0x25d: {  	[tilespmem:$0x1FFB0] =	vst v3;
	v3 =	vsub.f32 v18, v1;
	v18 =	vld [tilespmem:$0x10F0]  }
0x25e: {  	[tilespmem:$0x1FFD0] =	vst v0;
	v0 =	vadd.f32 v6, v5;
	v6 =	vsub.f32 v7, v17;
	v17 =	vld [tilespmem:$0x1880]  }
0x25f: {  	v7 =	vld [tilespmem:$0xE80]  }
0x260: {  	v23 =	vsub.f32 v35, v23;
	v35 =	vld [tilespmem:$0x1FE80]  }
0x261: {  	[tilespmem:$0x1FFA0] =	vst v4;
	v4 =	vsub.f32 v8, v0;
	v0 =	vadd.f32 v11, v9;
	v11 =	vld [tilespmem:$0xC00]  }
0x262: {  	v8 =	vld [tilespmem:$0x1FCF0]  }
0x263: {  	v9 =	vld [tilespmem:$0x1FD00]  }
0x264: {  	v1 =	vadd.f32 v13, v12;
	v12 =	vld [tilespmem:$0x1FD10]  }
0x265: {  	v10 =	vmul.f32 v10, v10;
	v13 =	vmul.f32 v6, v6;
	v6 =	vld [tilespmem:$0x1FD70]  }
0x266: {  	v3 =	vmul.f32 v3, v3;
	v61 =	vmul.f32 v23, v23;
	v23 =	vld [tilespmem:$0x1DC0]  }
0x267: {  	[tilespmem:$0x1FFC0] =	vst v2;
	v2 =	vsub.f32 v14, v0;
	v0 =	vadd.f32 v16, v15;
	v15 =	vld [tilespmem:$0x1B00]  }
0x268: {  	v3 =	vadd.f32 v3, v10;
	v10 =	vld [tilespmem:$0x980]  }
0x269: {  	v19 =	vmul.f32 v19, v19;
	v1 =	vsub.f32 v21, v1;
	v21 =	vld [tilespmem:$0x1890]  }
0x26a: {  	v7 =	vadd.f32 v7, v52;
	v52 =	vld [tilespmem:$0x1FEC0]  }
0x26b: {  	v19 =	vadd.f32 v19, v61;
	v61 =	vld [tilespmem:$0x1FF10]  }
0x26c: {  	[tilespmem:$0x1E00] =	vst v35;
	v35 =	vld [tilespmem:$0x1150]  }
0x26d: {  	v5 =	vsub.f32 v9, v0;
	v9 =	vld [tilespmem:$0x1FD20]  }
0x26e: {  	v33 =	vsub.f32 v8, v33;
	v8 =	vld [tilespmem:$0x1FD80]  }
0x26f: {  	v11 =	vadd.f32 v11, v59;
	v59 =	vld [tilespmem:$0x1FF00]  }
0x270: {  	v1 =	vmul.f32 v1, v1;
	v31 =	vsub.f32 v12, v31;
	v12 =	vld [tilespmem:$0x1D80];
	v33 =	vmul.f32 v33, v33  }
0x271: {  	v16 =	vmul.f32 v5, v5;
	v5 =	vld [tilespmem:$0x1100]  }
0x272: {  	v31 =	vmul.f32 v31, v31;
	v14 =	vadd.f32 v33, v1;
	v33 =	vadd.f32 v13, v3;
	v13 =	vld [tilespmem:$0x1FD30]  }
0x273: {  	v11 =	vsub.f32 v17, v11;
	v17 =	vld [tilespmem:$0x740]  }
0x274: {  	v4 =	vmul.f32 v4, v4;
	v2 =	vmul.f32 v2, v2;
	v0 =	vadd.f32 v31, v14;
	v14 =	vld [tilespmem:$0x1FD40]  }
0x275: {  	v7 =	vsub.f32 v15, v7;
	v15 =	vld [tilespmem:$0xEC0]  }
0x276: {  	v2 =	vadd.f32 v2, v4;
	[tilespmem:$0x1E40] =	vst v52;
	v52 =	vld [tilespmem:$0x1FF60]  }
0x277: {  	v18 =	vadd.f32 v18, v20;
	[tilespmem:$0x1E90] =	vst v61;
	v61 =	vld [tilespmem:$0x1FFA0];
	v4 =	vadd.f32 v13, v9  }
0x278: {  	v1 =	vadd.f32 v16, v2;
	v16 =	vld [tilespmem:$0x1FD50]  }
0x279: {  	v18 =	vsub.f32 v29, v18;
	[tilespmem:$0x1FFF0] =	vst v0;
	v0 =	vsub.f32 v14, v4;
	v4 =	vld [tilespmem:$0x1FD60]  }
0x27a: {  	v9 =	vadd.f32 v8, v6;
	v8 =	vld [tilespmem:$0x1FDC0]  }
0x27b: {  	v18 =	vmul.f32 v18, v18;
	v13 =	vld [tilespmem:$0x1FD90]  }
0x27c: {  	v3 =	vld [tilespmem:$0x1FE20]  }
0x27d: {  	v18 =	vadd.f32 v18, v19;
	v19 =	vld [tilespmem:$0x4D0]  }
0x27e: {  	[tilespmem:$0x1FFE0] =	vst v1;
	v1 =	vld [tilespmem:$0x1FDF0];
	v2 =	vadd.f32 v4, v16  }
0x27f: {  	v11 =	vmul.f32 v11, v11;
	v4 =	vsub.f32 v8, v9;
	v8 =	vld [tilespmem:$0x1FE00]  }
0x280: {  	v7 =	vmul.f32 v7, v7;
	[tilespmem:$0x1E80] =	vst v59;
	v59 =	vadd.f32 v34, v22;
	v34 =	vld [tilespmem:$0x1FFC0];
	v2 =	vsub.f32 v13, v2  }
0x281: {  	v31 =	vld [tilespmem:$0x490]  }
0x282: {  	v7 =	vadd.f32 v7, v11;
	v11 =	vld [tilespmem:$0x18D0];
	v0 =	vmul.f32 v0, v0;
	v2 =	vmul.f32 v2, v2  }
0x283: {  	[tilespmem:$0x1EE0] =	vst v52;
	v52 =	vld [tilespmem:$0x1170]  }
0x284: {  	v1 =	vadd.f32 v8, v1;
	v0 =	vadd.f32 v2, v0;
	v2 =	vld [tilespmem:$0x1FE10]  }
0x285: {  	v6 =	vadd.f32 v38, v28;
	v38 =	vld [tilespmem:$0x1FDB0]  }
0x286: {  	v1 =	vsub.f32 v3, v1;
	v3 =	vld [tilespmem:$0x1FE30]  }
0x287: {  	v14 =	vld [tilespmem:$0x1FDA0]  }
0x288: {  	v5 =	vadd.f32 v5, v10;
	v28 =	vld [tilespmem:$0x1B10]  }
0x289: {  	v9 =	vld [tilespmem:$0x1FDD0];
	v2 =	vadd.f32 v63, v2  }
0x28a: {  	v5 =	vsub.f32 v12, v5;
	v12 =	vld [tilespmem:$0x9C0]  }
0x28b: {  	v2 =	vsub.f32 v3, v2;
	v3 =	vld [tilespmem:$0x1FE40]  }
0x28c: {  	v38 =	vadd.f32 v38, v14;
	v14 =	vld [tilespmem:$0x1FDE0]  }
0x28d: {  	v13 =	vld [tilespmem:$0x710]  }
0x28e: {  	v6 =	vsub.f32 v9, v6;
	v9 =	vld [tilespmem:$0xE90]  }
0x28f: {  	v8 =	vld [tilespmem:$0x990]  }
0x290: {  	v63 =	vld [tilespmem:$0x1110];
	v44 =	vadd.f32 v44, v3  }
0x291: {  	v38 =	vsub.f32 v14, v38;
	v14 =	vld [tilespmem:$0x1D90]  }
0x292: {  	v44 =	vsub.f32 v62, v44;
	v62 =	vld [tilespmem:$0x1FE60]  }
0x293: {  	v4 =	vmul.f32 v4, v4;
	v6 =	vmul.f32 v6, v6;
	v3 =	vld [tilespmem:$0x4A0]  }
0x294: {  	v16 =	vld [tilespmem:$0xC10]  }
0x295: {  	v4 =	vadd.f32 v6, v4;
	v6 =	vld [tilespmem:$0x18A0];
	v8 =	vadd.f32 v63, v8  }
0x296: {  	v9 =	vadd.f32 v9, v13;
	v13 =	vld [tilespmem:$0x1B50]  }
0x297: {  	v8 =	vsub.f32 v14, v8;
	v14 =	vld [tilespmem:$0xED0];
	v50 =	vadd.f32 v50, v62  }
0x298: {  	v38 =	vmul.f32 v38, v38;
	v3 =	vadd.f32 v57, v3;
	v57 =	vld [tilespmem:$0xEE0]  }
0x299: {  	v44 =	vmul.f32 v44, v44;
	v62 =	vld [tilespmem:$0x1B20];
	v50 =	vsub.f32 v60, v50;
	v60 =	vmul.f32 v2, v2  }
0x29a: {  	v45 =	vmul.f32 v45, v45;
	v1 =	vmul.f32 v1, v1;
	v2 =	vld [tilespmem:$0x1DA0]  }
0x29b: {  	v38 =	vadd.f32 v38, v0;
	v0 =	vadd.f32 v44, v60;
	v44 =	vmul.f32 v50, v50;
	v50 =	vld [tilespmem:$0x1120]  }
0x29c: {  	v41 =	vmul.f32 v41, v41;
	v60 =	vadd.f32 v47, v45;
	v45 =	vld [tilespmem:$0x18B0]  }
0x29d: {  	v4 =	vadd.f32 v1, v4;
	v47 =	vld [tilespmem:$0x4B0]  }
0x29e: {  	v1 =	vadd.f32 v41, v60;
	v60 =	vmul.f32 v42, v42;
	v42 =	vmul.f32 v26, v26;
	v26 =	vld [tilespmem:$0x1140]  }
0x29f: {  	v0 =	vadd.f32 v44, v0;
	v44 =	vsub.f32 v46, v53;
	v46 =	vld [tilespmem:$0x1FEA0]  }
0x2a0: {  	v53 =	vadd.f32 v16, v31;
	v16 =	vld [tilespmem:$0xC50]  }
0x2a1: {  	v41 =	vsub.f32 v54, v56;
	v54 =	vld [tilespmem:$0x1FED0]  }
0x2a2: {  	v5 =	vmul.f32 v5, v5;
	v56 =	vld [tilespmem:$0x1FEE0]  }
0x2a3: {  	v58 =	vmul.f32 v44, v44;
	v44 =	vld [tilespmem:$0x1DB0]  }
0x2a4: {  	v5 =	vadd.f32 v5, v7;
	v7 =	vsub.f32 v21, v53;
	v21 =	vld [tilespmem:$0x750]  }
0x2a5: {  	v20 =	vadd.f32 v42, v27;
	v27 =	vld [tilespmem:$0x1DD0]  }
0x2a6: {  	v42 =	vadd.f32 v40, v30;
	v30 =	vld [tilespmem:$0x9D0]  }
0x2a7: {  	v53 =	vld [tilespmem:$0x1FF70]  }
0x2a8: {  	v40 =	vld [tilespmem:$0x4F0]  }
0x2a9: {  	v41 =	vmul.f32 v41, v41;
	v63 =	vadd.f32 v43, v47;
	v43 =	vld [tilespmem:$0x1FF20]  }
0x2aa: {  	v47 =	vld [tilespmem:$0x1FF30]  }
0x2ab: {  	v37 =	vadd.f32 v41, v58;
	v41 =	vld [tilespmem:$0x1130]  }
0x2ac: {  	[tilespmem:$0x1F60] =	vst v33;
	v58 =	vld [tilespmem:$0x1FEF0]  }
0x2ad: {  	[tilespmem:$0x1FF0] =	vst v18;
	v29 =	vsub.f32 v36, v42;
	v36 =	vld [tilespmem:$0x18E0]  }
0x2ae: {  	[tilespmem:$0x1F20] =	vst v61;
	v42 =	vld [tilespmem:$0xC70]  }
0x2af: {  	[tilespmem:$0x1E20] =	vst v46;
	v46 =	vadd.f32 v50, v48;
	v48 =	vld [tilespmem:$0x1FF40]  }
0x2b0: {  	v15 =	vadd.f32 v15, v17;
	[tilespmem:$0x1F40] =	vst v34;
	v50 =	vld [tilespmem:$0x1FF50]  }
0x2b1: {  	v9 =	vsub.f32 v28, v9;
	[tilespmem:$0x1E50] =	vst v54;
	v54 =	vld [tilespmem:$0x1FF80]  }
0x2b2: {  	v15 =	vsub.f32 v25, v15;
	[tilespmem:$0x2000] =	vst v5;
	v28 =	vsub.f32 v45, v63;
	v63 =	vld [tilespmem:$0x1FFB0]  }
0x2b3: {  	[tilespmem:$0x1F90] =	vst v38;
	v9 =	vmul.f32 v9, v9;
	v3 =	vsub.f32 v6, v3;
	v16 =	vadd.f32 v16, v19;
	v45 =	vld [tilespmem:$0xEF0]  }
0x2b4: {  	[tilespmem:$0x1FA0] =	vst v4;
	v7 =	vmul.f32 v7, v7;
	v10 =	vadd.f32 v60, v37;
	v60 =	vadd.f32 v55, v51;
	v51 =	vld [tilespmem:$0xC60]  }
0x2b5: {  	v15 =	vmul.f32 v15, v15;
	[tilespmem:$0x1FB0] =	vst v0;
	v12 =	vadd.f32 v26, v12;
	v2 =	vsub.f32 v2, v46;
	v46 =	vld [tilespmem:$0x1FFF0]  }
0x2b6: {  	v8 =	vmul.f32 v8, v8;
	[tilespmem:$0x1FC0] =	vst v1;
	v7 =	vadd.f32 v9, v7;
	v6 =	vsub.f32 v62, v60;
	v60 =	vld [tilespmem:$0x9E0]  }
0x2b7: {  	v3 =	vmul.f32 v3, v3;
	v14 =	vadd.f32 v14, v21;
	v11 =	vsub.f32 v11, v16;
	[tilespmem:$0x1EA0] =	vst v43;
	v62 =	vld [tilespmem:$0x1160]  }
0x2b8: {  	v29 =	vmul.f32 v29, v29;
	v12 =	vsub.f32 v23, v12;
	[tilespmem:$0x1EB0] =	vst v47;
	v7 =	vadd.f32 v8, v7;
	v43 =	vld [tilespmem:$0x770]  }
0x2b9: {  	v28 =	vmul.f32 v28, v28;
	v8 =	vsub.f32 v24, v59;
	v47 =	vadd.f32 v35, v30;
	[tilespmem:$0x1E70] =	vst v58;
	v58 =	vld [tilespmem:$0x1FF90]  }
0x2ba: {  	[tilespmem:$0x1FE0] =	vst v20;
	v32 =	vadd.f32 v41, v32;
	v41 =	vld [tilespmem:$0x1FFD0];
	v13 =	vsub.f32 v13, v14;
	v11 =	vmul.f32 v11, v11  }
0x2bb: {  	v55 =	vadd.f32 v29, v28;
	[tilespmem:$0x1EC0] =	vst v48;
	v6 =	vmul.f32 v6, v6;
	v8 =	vmul.f32 v8, v8;
	v48 =	vld [tilespmem:$0x1B70]  }
0x2bc: {  	[tilespmem:$0x1ED0] =	vst v50;
	v50 =	vld [tilespmem:$0x9F0];
	v32 =	vsub.f32 v44, v32;
	v13 =	vmul.f32 v13, v13;
	v49 =	vadd.f32 v51, v49  }
0x2bd: {  	[tilespmem:$0x1E60] =	vst v56;
	v2 =	vmul.f32 v2, v2;
	v51 =	vsub.f32 v27, v47;
	v3 =	vadd.f32 v6, v3;
	v6 =	vld [tilespmem:$0x760]  }
0x2be: {  	[tilespmem:$0x1EF0] =	vst v53;
	v8 =	vadd.f32 v15, v8;
	v56 =	vmul.f32 v32, v32;
	v32 =	vld [tilespmem:$0x18F0];
	v11 =	vadd.f32 v13, v11  }
0x2bf: {  	[tilespmem:$0x1F00] =	vst v54;
	v54 =	vld [tilespmem:$0x1DE0];
	v53 =	vsub.f32 v36, v49;
	v14 =	vadd.f32 v45, v43  }
0x2c0: {  	[tilespmem:$0x1FD0] =	vst v10;
	v2 =	vadd.f32 v2, v3;
	v3 =	vadd.f32 v56, v55;
	v56 =	vld [tilespmem:$0x1DF0]  }
0x2c1: {  	[tilespmem:$0x1F30] =	vst v63;
	v44 =	vld [tilespmem:$0x1FFE0];
	v9 =	vadd.f32 v62, v60;
	v55 =	vadd.f32 v42, v40  }
0x2c2: {  	v12 =	vmul.f32 v12, v12;
	[tilespmem:$0x2010] =	vst v7;
	v13 =	vadd.f32 v52, v50;
	v6 =	vadd.f32 v57, v6  }
0x2c3: {  	[tilespmem:$0x1F80] =	vst v46;
	v57 =	vsub.f32 v48, v14;
	v1 =	vsub.f32 v32, v55  }
0x2c4: {  	v4 =	vmul.f32 v51, v51;
	[tilespmem:$0x1F10] =	vst v58;
	v61 =	vadd.f32 v12, v8;
	v6 =	vsub.f32 v39, v6  }
0x2c5: {  	[tilespmem:$0x1F50] =	vst v41;
	v60 =	vmul.f32 v57, v57;
	v59 =	vsub.f32 v56, v13;
	v1 =	vmul.f32 v1, v1  }
0x2c6: {  	v58 =	vsub.f32 v54, v9;
	v0 =	vmul.f32 v53, v53;
	[tilespmem:$0x1F70] =	vst v44;
	v6 =	vmul.f32 v6, v6  }
0x2c7: {  	[tilespmem:$0x2020] =	vst v2;
	v1 =	vadd.f32 v60, v1;
	v63 =	vmul.f32 v59, v59  }
0x2c8: {  	v62 =	vadd.f32 v4, v11;
	[tilespmem:$0x2040] =	vst v61;
	v5 =	vmul.f32 v58, v58;
	v0 =	vadd.f32 v6, v0  }
0x2c9: {  	[tilespmem:$0x2030] =	vst v3;
	v1 =	vadd.f32 v63, v1  }
0x2ca: {  	[tilespmem:$0x2050] =	vst v62;
	v0 =	vadd.f32 v5, v0  }
0x2cb: {  	[tilespmem:$0x2070] =	vst v1  }
0x2cc: {  	[tilespmem:$0x2060] =	vst v0  }
0x2cd: {  	[hbm4b:s13+s2] =	stream.linear.scatter [tilespmem:s31], [sflag:$0x2], $0x280, $0x38;
	[tilespmem:$0x2300] =	vst v63  }
0x2ce: {  	_ =	swait.ge [sflag:s16], $0x280  }
0x2cf: {  	p0 =	sne.s32 s15, $0x1;
	[sflag:s16] =	ssyncset.done $0x0  }
.Ltmp0:
0x2d0: {  	[sflag:s16] =	ssyncadd.s32 $0xFFFFFD80;
	(pc) =	sbr.rel @p0 .LBB2_1-.Ltmp0, $4  }
0x2d1: {  	[hbm4b:s14+s2] =	stream.linear.scatter [tilespmem:s26], [sflag:$0x2], $0x280, $0x38;
	[tilespmem:$0x2300] =	vst v63  }
0x2d2: {  	_ =	swait.ge [sflag:s16], $0x280  }
0x2d3: {  	[sflag:s16] =	ssyncset.done $0x0  }
0x2d4: {  	s15 =	sadd.s32 $0xFFFFFFFF, s15;
	[sflag:s16] =	ssyncadd.s32 $0xFFFFFD80  }
0x2d5: {  	_ =	sfence.sel $0x180000  }
0x2d6: {  	[bflag:$0x0] =	sbarrier.arrive $0xFFFF  }
0x2d7: {  	_ =	strace $0x90000047  }
0x2d8: {  	[bflag:$0x2] =	sbarrier.arrive $0xFFFF  }
0x2d9: {  	p0 =	sne.s32 s1, $0x0;
	s0 =	rddreg [dreg:$0x2]  }
0x2da: {  	s0 =	sadd.s32 @!p0 $0x100000, s0  }
0x2db: {  	[sflag:s0] =	ssyncadd.tile.s32 @!p0 $0x1;
	_ =	shalt  }
.Lfunc_end2:
_tile_overlayer_lowered:
.L_overlay_start_2:
0x2dc: {  	(tag) =	ssettag $0x2  }
0x2dd: {  	s0 =	rddreg [dreg:$0x0];
	s2 =	stileid.u32  }
0x2de: {  	s1 =	rddreg [dreg:$0x1];
	p0 =	sne.s32 s2, $0x0  }
0x2df: {  	s3 =	rddreg [dreg:$0x2];
	[bflag:$0x3] =	sbarrier.arrive $0xFFFF;
	s2 =	simm.s32 @!p0 $0x1C02  }
0x2e0: {  	[timem:s3], [sflag:s2] =	dma.local @!p0 [hbm:s0], s1  }
0x2e1: {  	s0 =	simm.s32 @!p0 $0x2  }
0x2e2: {  	_ =	swait.ge @!p0 [sflag:s0], s1  }
0x2e3: {  	s1 =	ssub.s32 @!p0 $0x0, s1;
	[sflag:s0] =	ssyncset.done @!p0 $0x0  }
0x2e4: {  	[sflag:s0] =	ssyncadd.s32 @!p0 s1  }
0x2e5: {  	[bflag:$0x3] =	sbarrier.arrive $0xFFFF  }
0x2e6: {  	_ =	shalt  }

</sc_bundles>
